<compile_context>
chip_gen: v7x
topology: tpu7x:2x2x1
jax: 0.10.2.dev20260603
libtpu: 0.0.44.dev20260713+nightly
codegen_flags: <defaults>
</compile_context>

<pallas_src>
import functools

import jax
import jax.numpy as jnp
from jax import lax
from jax.experimental import pallas as pl
from jax.experimental.pallas import tpu as pltpu
from jax.experimental.pallas import tpu_sc as plsc

BATCH = 1024
EMBED = 768
PARTITION = 96
CENTROIDS = 256
DSUB = EMBED // PARTITION
PGROUP = 16
NGRP = PARTITION // PGROUP

_CONTRACT_T = (((1,), (1,)), ((), ()))

NCORES = 2
NSUB = 16
NW = NCORES * NSUB
ROWS = BATCH * PARTITION
CHUNK = 128
NCHUNK = ROWS // (NW * CHUNK)
BPW = BATCH // NW


def _idx_body(v_ref, cb_ref, idx_ref, cbd_ref):
    step = pl.program_id(0)

    @pl.when(step == 0)
    def _zero():
        cbd_ref[...] = jnp.zeros_like(cbd_ref)

    for g in range(PGROUP):
        rows = slice(g * CENTROIDS, (g + 1) * CENTROIDS)
        cols = slice(g * DSUB, (g + 1) * DSUB)
        cbd_ref[rows, cols] = cb_ref[g]

    s = jax.lax.dot_general(
        v_ref[...], cbd_ref[...], _CONTRACT_T,
        precision=jax.lax.Precision.HIGHEST,
        preferred_element_type=jnp.float32)

    iota = lax.broadcasted_iota(jnp.int32, (BATCH, CENTROIDS), 1)
    base0 = (step * PGROUP) * CENTROIDS
    cols = []
    for g in range(PGROUP):
        c_p = cb_ref[g]
        csq = 0.5 * jnp.sum(c_p * c_p, axis=-1)
        sg = s[:, g * CENTROIDS:(g + 1) * CENTROIDS] - csq[None, :]
        m = jnp.max(sg, axis=1, keepdims=True)
        idx = jnp.min(jnp.where(sg == m, iota, CENTROIDS), axis=1,
                      keepdims=True)
        cols.append(idx + (base0 + g * CENTROIDS))
    idx_ref[0] = jnp.concatenate(cols, axis=1)


def _tc_indices(vecs, codebook):
    return pl.pallas_call(
        _idx_body,
        grid=(NGRP,),
        in_specs=[
            pl.BlockSpec((BATCH, PGROUP * DSUB), lambda i: (0, i)),
            pl.BlockSpec((PGROUP, CENTROIDS, DSUB), lambda i: (i, 0, 0)),
        ],
        out_specs=pl.BlockSpec((1, BATCH, PGROUP), lambda i: (i, 0, 0)),
        out_shape=jax.ShapeDtypeStruct((NGRP, BATCH, PGROUP), jnp.int32),
        scratch_shapes=[
            pltpu.VMEM((PGROUP * CENTROIDS, PGROUP * DSUB), jnp.float32),
        ],
    )(vecs, codebook)


@functools.partial(
    pl.kernel,
    mesh=plsc.VectorSubcoreMesh(core_axis_name="c", subcore_axis_name="s"),
    compiler_params=pltpu.CompilerParams(use_tc_tiling_on_sc=False),
    out_type=jax.ShapeDtypeStruct((NW * NCHUNK, CHUNK, DSUB), jnp.float32),
    scratch_types=[
        pltpu.VMEM((NGRP, BPW, PGROUP), jnp.int32),
        pltpu.VMEM((NCHUNK, CHUNK), jnp.int32),
        pltpu.VMEM((NCHUNK, CHUNK, DSUB), jnp.float32),
        pltpu.SemaphoreType.DMA,
    ],
)
def _sc_gather(idx_hbm, table_hbm, out_hbm, raw_v, idx_v, rows_v, sem):
    wid = lax.axis_index("s") * NCORES + lax.axis_index("c")
    b0 = wid * BPW
    pltpu.sync_copy(idx_hbm.at[:, pl.ds(b0, BPW), :], raw_v)
    for b in range(BPW):
        for st in range(NGRP):
            t = b * PARTITION + st * PGROUP
            idx_v[t // CHUNK, t % CHUNK:t % CHUNK + PGROUP] = raw_v[st, b, :]
    copies = [
        pltpu.async_copy(table_hbm.at[idx_v.at[j]], rows_v.at[j], sem)
        for j in range(NCHUNK)
    ]
    for c in copies:
        c.wait()
    pltpu.sync_copy(rows_v, out_hbm.at[pl.ds(wid * NCHUNK, NCHUNK)])


@jax.jit
def kernel(vecs, codebook):
    idx = _tc_indices(vecs, codebook)
    table = codebook.reshape(PARTITION * CENTROIDS, DSUB)
    out = _sc_gather(idx, table)
    return out.reshape(BATCH, EMBED)

# --- scband reference (transcript-rebuilt; emitter-appended) ---
"""Pipeline reference for scband-contras-pq-23029614641839 (READ-ONLY COPY).

The authoritative reference and input builder live on the scoring server;
editing this copy changes nothing except your own understanding.
"""

import jax, jax.numpy as jnp
import numpy as np

BATCH = 1024
EMBED = 768
PARTITION = 96
CENTROIDS = 256
DSUB = EMBED // PARTITION


def setup_inputs(seed: int = 0) -> dict:
    key = jax.random.key(seed)
    k1, k2 = jax.random.split(key)
    vecs = jax.random.normal(k1, (BATCH, EMBED), dtype=jnp.float32)
    # codebook initialized uniform(-1, 1) as in the torch module
    codebook = jax.random.uniform(k2, (PARTITION, CENTROIDS, DSUB), dtype=jnp.float32, minval=-1.0, maxval=1.0)
    return {"vecs": vecs, "codebook": codebook}


def _quant(vecs, codebook):
    B = vecs.shape[0]
    # rotate is None (init_index_path=None), so rotate_vec is identity
    v = vecs.reshape(B, PARTITION, DSUB)
    # code_selection: negative squared L2 distance to each centroid
    diff = v[:, :, None, :] - codebook[None, :, :, :]          # [B, P, K, d]
    proba = -jnp.sum(diff * diff, axis=-1)                      # [B, P, K]
    proba = jax.nn.softmax(proba, axis=-1)
    # STEstimator: hard one-hot with straight-through gradient
    idx = jnp.argmax(proba, axis=-1)                            # [B, P]
    proba_hard = jax.nn.one_hot(idx, CENTROIDS, dtype=proba.dtype)
    proba_ste = jax.lax.stop_gradient(proba_hard) - jax.lax.stop_gradient(proba) + proba
    # hard_vecs: matmul of one-hot probs with codebook (a gather in the forward pass)
    hard = jnp.einsum('bpk,pkd->bpd', proba_ste, codebook)      # [B, P, d]
    return hard.reshape(B, -1)                                  # [B, EMBED]


def reference(vecs, codebook):
    return _quant(vecs, codebook)

if __name__ == "__main__":
    import jax
    _d = setup_inputs()
    print(jax.jit(kernel)(*tuple(_d.values())))

</pallas_src>

<mosaic_0001>
#map = affine_map<(d0, d1) -> (0, 0, 0)>
#map1 = affine_map<(d0, d1) -> (0, 0)>
module attributes {stable_mosaic.version = 14 : i64} {
  func.func @_sc_gather(%arg0: i32, %arg1: i32, %arg2: memref<6x1024x16xi32, #tpu.memory_space<hbm>>, %arg3: memref<24576x8xf32, #tpu.memory_space<hbm>>, %arg4: memref<768x128x8xf32, #tpu.memory_space<hbm>>, %arg5: memref<6x32x16xi32, #tpu.memory_space<vmem>>, %arg6: memref<24x128xi32, #tpu.memory_space<vmem>>, %arg7: memref<24x128x8xf32, #tpu.memory_space<vmem>>, %arg8: memref<!tpu.dma_semaphore, #tpu.memory_space<semaphore_mem>>) attributes {dimension_semantics = [#tpu.dimension_semantics<core_parallel>, #tpu.dimension_semantics<subcore_parallel>], iteration_bounds = array<i64: 2, 16>, scalar_prefetch = 0 : i64, scratch_operands = 4 : i64, tpu.core_type = #tpu.core_type<sc_vector_subcore>, window_params = [{transform_indices = #map}, {transform_indices = #map1}, {transform_indices = #map}]} {
    %mul3A = arith.constant 2 : i32
    %mul3A_0 = arith.muli %arg1, %mul3A : i32
    %add3A = arith.addi %mul3A_0, %arg0 : i32
    %mul3A_1 = arith.constant 32 : i32
    %mul3A_2 = arith.muli %add3A, %mul3A_1 : i32
    "tpu.region"() ({
      %run_scoped3A = tpu.sem_alloc : memref<!tpu.dma_semaphore, #tpu.memory_space<semaphore_mem>>
      %dma_start3A_3073 = arith.constant 0 : i32
      %dma_start3A_3074 = arith.constant 0 : i32
      %dma_start3A_3075 = tpu.memref_slice %arg2[%dma_start3A_3073, %mul3A_2, %dma_start3A_3074] : memref<6x1024x16xi32, #tpu.memory_space<hbm>> -> memref<6x32x16xi32, #tpu.memory_space<hbm>>
      %dma_start3A_3076 = arith.constant 0 : i32
      %dma_start3A_3077 = arith.constant 0 : i32
      %dma_start3A_3078 = tpu.memref_slice %arg2[%dma_start3A_3076, %mul3A_2, %dma_start3A_3077] : memref<6x1024x16xi32, #tpu.memory_space<hbm>> -> memref<6x32x16xi32, #tpu.memory_space<hbm>>
      tpu.enqueue_dma source(%dma_start3A_3078 : memref<6x32x16xi32, #tpu.memory_space<hbm>>) target(%arg5 : memref<6x32x16xi32, #tpu.memory_space<vmem>>) target_semaphore(%run_scoped3A : memref<!tpu.dma_semaphore, #tpu.memory_space<semaphore_mem>>)
      %dma_wait3A_3079 = arith.constant 0 : i32
      %dma_wait3A_3080 = arith.constant 0 : i32
      %dma_wait3A_3081 = tpu.memref_slice %arg2[%dma_wait3A_3079, %mul3A_2, %dma_wait3A_3080] : memref<6x1024x16xi32, #tpu.memory_space<hbm>> -> memref<6x32x16xi32, #tpu.memory_space<hbm>>
      %dma_wait3A_3082 = arith.constant 0 : i32
      %dma_wait3A_3083 = arith.constant 0 : i32
      %dma_wait3A_3084 = tpu.memref_slice %arg2[%dma_wait3A_3082, %mul3A_2, %dma_wait3A_3083] : memref<6x1024x16xi32, #tpu.memory_space<hbm>> -> memref<6x32x16xi32, #tpu.memory_space<hbm>>
      tpu.wait_dma2 semaphore(%run_scoped3A : memref<!tpu.dma_semaphore, #tpu.memory_space<semaphore_mem>>) src(%dma_wait3A_3084 : memref<6x32x16xi32, #tpu.memory_space<hbm>>) dst(%arg5 : memref<6x32x16xi32, #tpu.memory_space<vmem>>)
      tpu.yield
    }) : () -> ()
    %get3A = arith.constant 0 : i32
    %get3A_3 = arith.constant 0 : i32
    %get3A_4 = arith.index_cast %get3A : i32 to index
    %get3A_5 = arith.index_cast %get3A_3 : i32 to index
    %get3A_6 = arith.constant 0 : index
    %get3A_7 = tpu.vector_load %arg5[%get3A_4, %get3A_5, %get3A_6] {strides = array<i32>} : memref<6x32x16xi32, #tpu.memory_space<vmem>>, vector<1x1x16xi32>,
    %get3A_8 = vector.shape_cast %get3A_7 : vector<1x1x16xi32> to vector<16xi32>
    %swap3A = arith.constant 0 : i32
    %swap3A_9 = arith.index_cast %swap3A : i32 to index
    %swap3A_10 = arith.constant 0 : index
    %swap3A_11 = tpu.vector_load %arg6[%swap3A_9, %swap3A_10] {strides = array<i32>} : memref<24x128xi32, #tpu.memory_space<vmem>>, vector<1x16xi32>,
    %swap3A_12 = vector.shape_cast %swap3A_11 : vector<1x16xi32> to vector<16xi32>
    %swap3A_13 = vector.shape_cast %get3A_8 : vector<16xi32> to vector<1x16xi32>
    tpu.vector_store %arg6[%swap3A_9, %swap3A_10], %swap3A_13 {strides = array<i32>} : memref<24x128xi32, #tpu.memory_space<vmem>>, vector<1x16xi32>,
    %get3A_14 = arith.constant 1 : i32
    %get3A_15 = arith.constant 0 : i32
    %get3A_16 = arith.index_cast %get3A_14 : i32 to index
    %get3A_17 = arith.index_cast %get3A_15 : i32 to index
    %get3A_18 = arith.constant 0 : index
    %get3A_19 = tpu.vector_load %arg5[%get3A_16, %get3A_17, %get3A_18] {strides = array<i32>} : memref<6x32x16xi32, #tpu.memory_space<vmem>>, vector<1x1x16xi32>,
    %get3A_20 = vector.shape_cast %get3A_19 : vector<1x1x16xi32> to vector<16xi32>
    %swap3A_21 = arith.constant 0 : i32
    %swap3A_22 = arith.index_cast %swap3A_21 : i32 to index
    %swap3A_23 = arith.constant 16 : index
    %swap3A_24 = tpu.vector_load %arg6[%swap3A_22, %swap3A_23] {strides = array<i32>} : memref<24x128xi32, #tpu.memory_space<vmem>>, vector<1x16xi32>,
    %swap3A_25 = vector.shape_cast %swap3A_24 : vector<1x16xi32> to vector<16xi32>
    %swap3A_26 = vector.shape_cast %get3A_20 : vector<16xi32> to vector<1x16xi32>
    tpu.vector_store %arg6[%swap3A_22, %swap3A_23], %swap3A_26 {strides = array<i32>} : memref<24x128xi32, #tpu.memory_space<vmem>>, vector<1x16xi32>,
    %get3A_27 = arith.constant 2 : i32
    %get3A_28 = arith.constant 0 : i32
    %get3A_29 = arith.index_cast %get3A_27 : i32 to index
    %get3A_30 = arith.index_cast %get3A_28 : i32 to index
    %get3A_31 = arith.constant 0 : index
    %get3A_32 = tpu.vector_load %arg5[%get3A_29, %get3A_30, %get3A_31] {strides = array<i32>} : memref<6x32x16xi32, #tpu.memory_space<vmem>>, vector<1x1x16xi32>,
    %get3A_33 = vector.shape_cast %get3A_32 : vector<1x1x16xi32> to vector<16xi32>
    %swap3A_34 = arith.constant 0 : i32
    %swap3A_35 = arith.index_cast %swap3A_34 : i32 to index
    %swap3A_36 = arith.constant 32 : index
    %swap3A_37 = tpu.vector_load %arg6[%swap3A_35, %swap3A_36] {strides = array<i32>} : memref<24x128xi32, #tpu.memory_space<vmem>>, vector<1x16xi32>,
    %swap3A_38 = vector.shape_cast %swap3A_37 : vector<1x16xi32> to vector<16xi32>
    %swap3A_39 = vector.shape_cast %get3A_33 : vector<16xi32> to vector<1x16xi32>
    tpu.vector_store %arg6[%swap3A_35, %swap3A_36], %swap3A_39 {strides = array<i32>} : memref<24x128xi32, #tpu.memory_space<vmem>>, vector<1x16xi32>,
    %get3A_40 = arith.constant 3 : i32
    %get3A_41 = arith.constant 0 : i32
    %get3A_42 = arith.index_cast %get3A_40 : i32 to index
    %get3A_43 = arith.index_cast %get3A_41 : i32 to index
    %get3A_44 = arith.constant 0 : index
    %get3A_45 = tpu.vector_load %arg5[%get3A_42, %get3A_43, %get3A_44] {strides = array<i32>} : memref<6x32x16xi32, #tpu.memory_space<vmem>>, vector<1x1x16xi32>,
    %get3A_46 = vector.shape_cast %get3A_45 : vector<1x1x16xi32> to vector<16xi32>
    %swap3A_47 = arith.constant 0 : i32
    %swap3A_48 = arith.index_cast %swap3A_47 : i32 to index
    %swap3A_49 = arith.constant 48 : index
    %swap3A_50 = tpu.vector_load %arg6[%swap3A_48, %swap3A_49] {strides = array<i32>} : memref<24x128xi32, #tpu.memory_space<vmem>>, vector<1x16xi32>,
    %swap3A_51 = vector.shape_cast %swap3A_50 : vector<1x16xi32> to vector<16xi32>
    %swap3A_52 = vector.shape_cast %get3A_46 : vector<16xi32> to vector<1x16xi32>
    tpu.vector_store %arg6[%swap3A_48, %swap3A_49], %swap3A_52 {strides = array<i32>} : memref<24x128xi32, #tpu.memory_space<vmem>>, vector<1x16xi32>,
    %get3A_53 = arith.constant 4 : i32
    %get3A_54 = arith.constant 0 : i32
    %get3A_55 = arith.index_cast %get3A_53 : i32 to index
    %get3A_56 = arith.index_cast %get3A_54 : i32 to index
    %get3A_57 = arith.constant 0 : index
    %get3A_58 = tpu.vector_load %arg5[%get3A_55, %get3A_56, %get3A_57] {strides = array<i32>} : memref<6x32x16xi32, #tpu.memory_space<vmem>>, vector<1x1x16xi32>,
    %get3A_59 = vector.shape_cast %get3A_58 : vector<1x1x16xi32> to vector<16xi32>
    %swap3A_60 = arith.constant 0 : i32
    %swap3A_61 = arith.index_cast %swap3A_60 : i32 to index
    %swap3A_62 = arith.constant 64 : index
    %swap3A_63 = tpu.vector_load %arg6[%swap3A_61, %swap3A_62] {strides = array<i32>} : memref<24x128xi32, #tpu.memory_space<vmem>>, vector<1x16xi32>,
    %swap3A_64 = vector.shape_cast %swap3A_63 : vector<1x16xi32> to vector<16xi32>
    %swap3A_65 = vector.shape_cast %get3A_59 : vector<16xi32> to vector<1x16xi32>
    tpu.vector_store %arg6[%swap3A_61, %swap3A_62], %swap3A_65 {strides = array<i32>} : memref<24x128xi32, #tpu.memory_space<vmem>>, vector<1x16xi32>,
    %get3A_66 = arith.constant 5 : i32
    %get3A_67 = arith.constant 0 : i32
    %get3A_68 = arith.index_cast %get3A_66 : i32 to index
    %get3A_69 = arith.index_cast %get3A_67 : i32 to index
    %get3A_70 = arith.constant 0 : index
    %get3A_71 = tpu.vector_load %arg5[%get3A_68, %get3A_69, %get3A_70] {strides = array<i32>} : memref<6x32x16xi32, #tpu.memory_space<vmem>>, vector<1x1x16xi32>,
    %get3A_72 = vector.shape_cast %get3A_71 : vector<1x1x16xi32> to vector<16xi32>
    %swap3A_73 = arith.constant 0 : i32
    %swap3A_74 = arith.index_cast %swap3A_73 : i32 to index
    %swap3A_75 = arith.constant 80 : index
    %swap3A_76 = tpu.vector_load %arg6[%swap3A_74, %swap3A_75] {strides = array<i32>} : memref<24x128xi32, #tpu.memory_space<vmem>>, vector<1x16xi32>,
    %swap3A_77 = vector.shape_cast %swap3A_76 : vector<1x16xi32> to vector<16xi32>
    %swap3A_78 = vector.shape_cast %get3A_72 : vector<16xi32> to vector<1x16xi32>
    tpu.vector_store %arg6[%swap3A_74, %swap3A_75], %swap3A_78 {strides = array<i32>} : memref<24x128xi32, #tpu.memory_space<vmem>>, vector<1x16xi32>,
    %get3A_79 = arith.constant 0 : i32
    %get3A_80 = arith.constant 1 : i32
    %get3A_81 = arith.index_cast %get3A_79 : i32 to index
    %get3A_82 = arith.index_cast %get3A_80 : i32 to index
    %get3A_83 = arith.constant 0 : index
    %get3A_84 = tpu.vector_load %arg5[%get3A_81, %get3A_82, %get3A_83] {strides = array<i32>} : memref<6x32x16xi32, #tpu.memory_space<vmem>>, vector<1x1x16xi32>,
    %get3A_85 = vector.shape_cast %get3A_84 : vector<1x1x16xi32> to vector<16xi32>
    %swap3A_86 = arith.constant 0 : i32
    %swap3A_87 = arith.index_cast %swap3A_86 : i32 to index
    %swap3A_88 = arith.constant 96 : index
    %swap3A_89 = tpu.vector_load %arg6[%swap3A_87, %swap3A_88] {strides = array<i32>} : memref<24x128xi32, #tpu.memory_space<vmem>>, vector<1x16xi32>,
    %swap3A_90 = vector.shape_cast %swap3A_89 : vector<1x16xi32> to vector<16xi32>
    %swap3A_91 = vector.shape_cast %get3A_85 : vector<16xi32> to vector<1x16xi32>
    tpu.vector_store %arg6[%swap3A_87, %swap3A_88], %swap3A_91 {strides = array<i32>} : memref<24x128xi32, #tpu.memory_space<vmem>>, vector<1x16xi32>,
    %get3A_92 = arith.constant 1 : i32
    %get3A_93 = arith.constant 1 : i32
    %get3A_94 = arith.index_cast %get3A_92 : i32 to index
    %get3A_95 = arith.index_cast %get3A_93 : i32 to index
    %get3A_96 = arith.constant 0 : index
    %get3A_97 = tpu.vector_load %arg5[%get3A_94, %get3A_95, %get3A_96] {strides = array<i32>} : memref<6x32x16xi32, #tpu.memory_space<vmem>>, vector<1x1x16xi32>,
    %get3A_98 = vector.shape_cast %get3A_97 : vector<1x1x16xi32> to vector<16xi32>
    %swap3A_99 = arith.constant 0 : i32
    %swap3A_100 = arith.index_cast %swap3A_99 : i32 to index
    %swap3A_101 = arith.constant 112 : index
    %swap3A_102 = tpu.vector_load %arg6[%swap3A_100, %swap3A_101] {strides = array<i32>} : memref<24x128xi32, #tpu.memory_space<vmem>>, vector<1x16xi32>,
    %swap3A_103 = vector.shape_cast %swap3A_102 : vector<1x16xi32> to vector<16xi32>
    %swap3A_104 = vector.shape_cast %get3A_98 : vector<16xi32> to vector<1x16xi32>
    tpu.vector_store %arg6[%swap3A_100, %swap3A_101], %swap3A_104 {strides = array<i32>} : memref<24x128xi32, #tpu.memory_space<vmem>>, vector<1x16xi32>,
    %get3A_105 = arith.constant 2 : i32
    %get3A_106 = arith.constant 1 : i32
    %get3A_107 = arith.index_cast %get3A_105 : i32 to index
    %get3A_108 = arith.index_cast %get3A_106 : i32 to index
    %get3A_109 = arith.constant 0 : index
    %get3A_110 = tpu.vector_load %arg5[%get3A_107, %get3A_108, %get3A_109] {strides = array<i32>} : memref<6x32x16xi32, #tpu.memory_space<vmem>>, vector<1x1x16xi32>,
    %get3A_111 = vector.shape_cast %get3A_110 : vector<1x1x16xi32> to vector<16xi32>
    %swap3A_112 = arith.constant 1 : i32
    %swap3A_113 = arith.index_cast %swap3A_112 : i32 to index
    %swap3A_114 = arith.constant 0 : index
    %swap3A_115 = tpu.vector_load %arg6[%swap3A_113, %swap3A_114] {strides = array<i32>} : memref<24x128xi32, #tpu.memory_space<vmem>>, vector<1x16xi32>,
    %swap3A_116 = vector.shape_cast %swap3A_115 : vector<1x16xi32> to vector<16xi32>
    %swap3A_117 = vector.shape_cast %get3A_111 : vector<16xi32> to vector<1x16xi32>
    tpu.vector_store %arg6[%swap3A_113, %swap3A_114], %swap3A_117 {strides = array<i32>} : memref<24x128xi32, #tpu.memory_space<vmem>>, vector<1x16xi32>,
    %get3A_118 = arith.constant 3 : i32
    %get3A_119 = arith.constant 1 : i32
    %get3A_120 = arith.index_cast %get3A_118 : i32 to index
    %get3A_121 = arith.index_cast %get3A_119 : i32 to index
    %get3A_122 = arith.constant 0 : index
    %get3A_123 = tpu.vector_load %arg5[%get3A_120, %get3A_121, %get3A_122] {strides = array<i32>} : memref<6x32x16xi32, #tpu.memory_space<vmem>>, vector<1x1x16xi32>,
    %get3A_124 = vector.shape_cast %get3A_123 : vector<1x1x16xi32> to vector<16xi32>
    %swap3A_125 = arith.constant 1 : i32
    %swap3A_126 = arith.index_cast %swap3A_125 : i32 to index
    %swap3A_127 = arith.constant 16 : index
    %swap3A_128 = tpu.vector_load %arg6[%swap3A_126, %swap3A_127] {strides = array<i32>} : memref<24x128xi32, #tpu.memory_space<vmem>>, vector<1x16xi32>,
    %swap3A_129 = vector.shape_cast %swap3A_128 : vector<1x16xi32> to vector<16xi32>
    %swap3A_130 = vector.shape_cast %get3A_124 : vector<16xi32> to vector<1x16xi32>
    tpu.vector_store %arg6[%swap3A_126, %swap3A_127], %swap3A_130 {strides = array<i32>} : memref<24x128xi32, #tpu.memory_space<vmem>>, vector<1x16xi32>,
    %get3A_131 = arith.constant 4 : i32
    %get3A_132 = arith.constant 1 : i32
    %get3A_133 = arith.index_cast %get3A_131 : i32 to index
    %get3A_134 = arith.index_cast %get3A_132 : i32 to index
    %get3A_135 = arith.constant 0 : index
    %get3A_136 = tpu.vector_load %arg5[%get3A_133, %get3A_134, %get3A_135] {strides = array<i32>} : memref<6x32x16xi32, #tpu.memory_space<vmem>>, vector<1x1x16xi32>,
    %get3A_137 = vector.shape_cast %get3A_136 : vector<1x1x16xi32> to vector<16xi32>
    %swap3A_138 = arith.constant 1 : i32
    %swap3A_139 = arith.index_cast %swap3A_138 : i32 to index
    %swap3A_140 = arith.constant 32 : index
    %swap3A_141 = tpu.vector_load %arg6[%swap3A_139, %swap3A_140] {strides = array<i32>} : memref<24x128xi32, #tpu.memory_space<vmem>>, vector<1x16xi32>,
    %swap3A_142 = vector.shape_cast %swap3A_141 : vector<1x16xi32> to vector<16xi32>
    %swap3A_143 = vector.shape_cast %get3A_137 : vector<16xi32> to vector<1x16xi32>
    tpu.vector_store %arg6[%swap3A_139, %swap3A_140], %swap3A_143 {strides = array<i32>} : memref<24x128xi32, #tpu.memory_space<vmem>>, vector<1x16xi32>,
    %get3A_144 = arith.constant 5 : i32
    %get3A_145 = arith.constant 1 : i32
    %get3A_146 = arith.index_cast %get3A_144 : i32 to index
    %get3A_147 = arith.index_cast %get3A_145 : i32 to index
    %get3A_148 = arith.constant 0 : index
    %get3A_149 = tpu.vector_load %arg5[%get3A_146, %get3A_147, %get3A_148] {strides = array<i32>} : memref<6x32x16xi32, #tpu.memory_space<vmem>>, vector<1x1x16xi32>,
    %get3A_150 = vector.shape_cast %get3A_149 : vector<1x1x16xi32> to vector<16xi32>
    %swap3A_151 = arith.constant 1 : i32
    %swap3A_152 = arith.index_cast %swap3A_151 : i32 to index
    %swap3A_153 = arith.constant 48 : index
    %swap3A_154 = tpu.vector_load %arg6[%swap3A_152, %swap3A_153] {strides = array<i32>} : memref<24x128xi32, #tpu.memory_space<vmem>>, vector<1x16xi32>,
    %swap3A_155 = vector.shape_cast %swap3A_154 : vector<1x16xi32> to vector<16xi32>
    %swap3A_156 = vector.shape_cast %get3A_150 : vector<16xi32> to vector<1x16xi32>
    tpu.vector_store %arg6[%swap3A_152, %swap3A_153], %swap3A_156 {strides = array<i32>} : memref<24x128xi32, #tpu.memory_space<vmem>>, vector<1x16xi32>,
    %get3A_157 = arith.constant 0 : i32
    %get3A_158 = arith.constant 2 : i32
    %get3A_159 = arith.index_cast %get3A_157 : i32 to index
    %get3A_160 = arith.index_cast %get3A_158 : i32 to index
    %get3A_161 = arith.constant 0 : index
    %get3A_162 = tpu.vector_load %arg5[%get3A_159, %get3A_160, %get3A_161] {strides = array<i32>} : memref<6x32x16xi32, #tpu.memory_space<vmem>>, vector<1x1x16xi32>,
    %get3A_163 = vector.shape_cast %get3A_162 : vector<1x1x16xi32> to vector<16xi32>
    %swap3A_164 = arith.constant 1 : i32
    %swap3A_165 = arith.index_cast %swap3A_164 : i32 to index
    %swap3A_166 = arith.constant 64 : index
    %swap3A_167 = tpu.vector_load %arg6[%swap3A_165, %swap3A_166] {strides = array<i32>} : memref<24x128xi32, #tpu.memory_space<vmem>>, vector<1x16xi32>,
    %swap3A_168 = vector.shape_cast %swap3A_167 : vector<1x16xi32> to vector<16xi32>
    %swap3A_169 = vector.shape_cast %get3A_163 : vector<16xi32> to vector<1x16xi32>
    tpu.vector_store %arg6[%swap3A_165, %swap3A_166], %swap3A_169 {strides = array<i32>} : memref<24x128xi32, #tpu.memory_space<vmem>>, vector<1x16xi32>,
    %get3A_170 = arith.constant 1 : i32
    %get3A_171 = arith.constant 2 : i32
    %get3A_172 = arith.index_cast %get3A_170 : i32 to index
    %get3A_173 = arith.index_cast %get3A_171 : i32 to index
    %get3A_174 = arith.constant 0 : index
    %get3A_175 = tpu.vector_load %arg5[%get3A_172, %get3A_173, %get3A_174] {strides = array<i32>} : memref<6x32x16xi32, #tpu.memory_space<vmem>>, vector<1x1x16xi32>,
    %get3A_176 = vector.shape_cast %get3A_175 : vector<1x1x16xi32> to vector<16xi32>
    %swap3A_177 = arith.constant 1 : i32
    %swap3A_178 = arith.index_cast %swap3A_177 : i32 to index
    %swap3A_179 = arith.constant 80 : index
    %swap3A_180 = tpu.vector_load %arg6[%swap3A_178, %swap3A_179] {strides = array<i32>} : memref<24x128xi32, #tpu.memory_space<vmem>>, vector<1x16xi32>,
    %swap3A_181 = vector.shape_cast %swap3A_180 : vector<1x16xi32> to vector<16xi32>
    %swap3A_182 = vector.shape_cast %get3A_176 : vector<16xi32> to vector<1x16xi32>
    tpu.vector_store %arg6[%swap3A_178, %swap3A_179], %swap3A_182 {strides = array<i32>} : memref<24x128xi32, #tpu.memory_space<vmem>>, vector<1x16xi32>,
    %get3A_183 = arith.constant 2 : i32
    %get3A_184 = arith.constant 2 : i32
    %get3A_185 = arith.index_cast %get3A_183 : i32 to index
    %get3A_186 = arith.index_cast %get3A_184 : i32 to index
    %get3A_187 = arith.constant 0 : index
    %get3A_188 = tpu.vector_load %arg5[%get3A_185, %get3A_186, %get3A_187] {strides = array<i32>} : memref<6x32x16xi32, #tpu.memory_space<vmem>>, vector<1x1x16xi32>,
    %get3A_189 = vector.shape_cast %get3A_188 : vector<1x1x16xi32> to vector<16xi32>
    %swap3A_190 = arith.constant 1 : i32
    %swap3A_191 = arith.index_cast %swap3A_190 : i32 to index
    %swap3A_192 = arith.constant 96 : index
    %swap3A_193 = tpu.vector_load %arg6[%swap3A_191, %swap3A_192] {strides = array<i32>} : memref<24x128xi32, #tpu.memory_space<vmem>>, vector<1x16xi32>,
    %swap3A_194 = vector.shape_cast %swap3A_193 : vector<1x16xi32> to vector<16xi32>
    %swap3A_195 = vector.shape_cast %get3A_189 : vector<16xi32> to vector<1x16xi32>
    tpu.vector_store %arg6[%swap3A_191, %swap3A_192], %swap3A_195 {strides = array<i32>} : memref<24x128xi32, #tpu.memory_space<vmem>>, vector<1x16xi32>,
    %get3A_196 = arith.constant 3 : i32
    %get3A_197 = arith.constant 2 : i32
    %get3A_198 = arith.index_cast %get3A_196 : i32 to index
    %get3A_199 = arith.index_cast %get3A_197 : i32 to index
    %get3A_200 = arith.constant 0 : index
    %get3A_201 = tpu.vector_load %arg5[%get3A_198, %get3A_199, %get3A_200] {strides = array<i32>} : memref<6x32x16xi32, #tpu.memory_space<vmem>>, vector<1x1x16xi32>,
    %get3A_202 = vector.shape_cast %get3A_201 : vector<1x1x16xi32> to vector<16xi32>
    %swap3A_203 = arith.constant 1 : i32
    %swap3A_204 = arith.index_cast %swap3A_203 : i32 to index
    %swap3A_205 = arith.constant 112 : index
    %swap3A_206 = tpu.vector_load %arg6[%swap3A_204, %swap3A_205] {strides = array<i32>} : memref<24x128xi32, #tpu.memory_space<vmem>>, vector<1x16xi32>,
    %swap3A_207 = vector.shape_cast %swap3A_206 : vector<1x16xi32> to vector<16xi32>
    %swap3A_208 = vector.shape_cast %get3A_202 : vector<16xi32> to vector<1x16xi32>
    tpu.vector_store %arg6[%swap3A_204, %swap3A_205], %swap3A_208 {strides = array<i32>} : memref<24x128xi32, #tpu.memory_space<vmem>>, vector<1x16xi32>,
    %get3A_209 = arith.constant 4 : i32
    %get3A_210 = arith.constant 2 : i32
    %get3A_211 = arith.index_cast %get3A_209 : i32 to index
    %get3A_212 = arith.index_cast %get3A_210 : i32 to index
    %get3A_213 = arith.constant 0 : index
    %get3A_214 = tpu.vector_load %arg5[%get3A_211, %get3A_212, %get3A_213] {strides = array<i32>} : memref<6x32x16xi32, #tpu.memory_space<vmem>>, vector<1x1x16xi32>,
    %get3A_215 = vector.shape_cast %get3A_214 : vector<1x1x16xi32> to vector<16xi32>
    %swap3A_216 = arith.constant 2 : i32
    %swap3A_217 = arith.index_cast %swap3A_216 : i32 to index
    %swap3A_218 = arith.constant 0 : index
    %swap3A_219 = tpu.vector_load %arg6[%swap3A_217, %swap3A_218] {strides = array<i32>} : memref<24x128xi32, #tpu.memory_space<vmem>>, vector<1x16xi32>,
    %swap3A_220 = vector.shape_cast %swap3A_219 : vector<1x16xi32> to vector<16xi32>
    %swap3A_221 = vector.shape_cast %get3A_215 : vector<16xi32> to vector<1x16xi32>
    tpu.vector_store %arg6[%swap3A_217, %swap3A_218], %swap3A_221 {strides = array<i32>} : memref<24x128xi32, #tpu.memory_space<vmem>>, vector<1x16xi32>,
    %get3A_222 = arith.constant 5 : i32
    %get3A_223 = arith.constant 2 : i32
    %get3A_224 = arith.index_cast %get3A_222 : i32 to index
    %get3A_225 = arith.index_cast %get3A_223 : i32 to index
    %get3A_226 = arith.constant 0 : index
    %get3A_227 = tpu.vector_load %arg5[%get3A_224, %get3A_225, %get3A_226] {strides = array<i32>} : memref<6x32x16xi32, #tpu.memory_space<vmem>>, vector<1x1x16xi32>,
    %get3A_228 = vector.shape_cast %get3A_227 : vector<1x1x16xi32> to vector<16xi32>
    %swap3A_229 = arith.constant 2 : i32
    %swap3A_230 = arith.index_cast %swap3A_229 : i32 to index
    %swap3A_231 = arith.constant 16 : index
    %swap3A_232 = tpu.vector_load %arg6[%swap3A_230, %swap3A_231] {strides = array<i32>} : memref<24x128xi32, #tpu.memory_space<vmem>>, vector<1x16xi32>,
    %swap3A_233 = vector.shape_cast %swap3A_232 : vector<1x16xi32> to vector<16xi32>
    %swap3A_234 = vector.shape_cast %get3A_228 : vector<16xi32> to vector<1x16xi32>
    tpu.vector_store %arg6[%swap3A_230, %swap3A_231], %swap3A_234 {strides = array<i32>} : memref<24x128xi32, #tpu.memory_space<vmem>>, vector<1x16xi32>,
    %get3A_235 = arith.constant 0 : i32
    %get3A_236 = arith.constant 3 : i32
    %get3A_237 = arith.index_cast %get3A_235 : i32 to index
    %get3A_238 = arith.index_cast %get3A_236 : i32 to index
    %get3A_239 = arith.constant 0 : index
    %get3A_240 = tpu.vector_load %arg5[%get3A_237, %get3A_238, %get3A_239] {strides = array<i32>} : memref<6x32x16xi32, #tpu.memory_space<vmem>>, vector<1x1x16xi32>,
    %get3A_241 = vector.shape_cast %get3A_240 : vector<1x1x16xi32> to vector<16xi32>
    %swap3A_242 = arith.constant 2 : i32
    %swap3A_243 = arith.index_cast %swap3A_242 : i32 to index
    %swap3A_244 = arith.constant 32 : index
    %swap3A_245 = tpu.vector_load %arg6[%swap3A_243, %swap3A_244] {strides = array<i32>} : memref<24x128xi32, #tpu.memory_space<vmem>>, vector<1x16xi32>,
    %swap3A_246 = vector.shape_cast %swap3A_245 : vector<1x16xi32> to vector<16xi32>
    %swap3A_247 = vector.shape_cast %get3A_241 : vector<16xi32> to vector<1x16xi32>
    tpu.vector_store %arg6[%swap3A_243, %swap3A_244], %swap3A_247 {strides = array<i32>} : memref<24x128xi32, #tpu.memory_space<vmem>>, vector<1x16xi32>,
    %get3A_248 = arith.constant 1 : i32
    %get3A_249 = arith.constant 3 : i32
    %get3A_250 = arith.index_cast %get3A_248 : i32 to index
    %get3A_251 = arith.index_cast %get3A_249 : i32 to index
    %get3A_252 = arith.constant 0 : index
    %get3A_253 = tpu.vector_load %arg5[%get3A_250, %get3A_251, %get3A_252] {strides = array<i32>} : memref<6x32x16xi32, #tpu.memory_space<vmem>>, vector<1x1x16xi32>,
    %get3A_254 = vector.shape_cast %get3A_253 : vector<1x1x16xi32> to vector<16xi32>
    %swap3A_255 = arith.constant 2 : i32
    %swap3A_256 = arith.index_cast %swap3A_255 : i32 to index
    %swap3A_257 = arith.constant 48 : index
    %swap3A_258 = tpu.vector_load %arg6[%swap3A_256, %swap3A_257] {strides = array<i32>} : memref<24x128xi32, #tpu.memory_space<vmem>>, vector<1x16xi32>,
    %swap3A_259 = vector.shape_cast %swap3A_258 : vector<1x16xi32> to vector<16xi32>
    %swap3A_260 = vector.shape_cast %get3A_254 : vector<16xi32> to vector<1x16xi32>
    tpu.vector_store %arg6[%swap3A_256, %swap3A_257], %swap3A_260 {strides = array<i32>} : memref<24x128xi32, #tpu.memory_space<vmem>>, vector<1x16xi32>,
    %get3A_261 = arith.constant 2 : i32
    %get3A_262 = arith.constant 3 : i32
    %get3A_263 = arith.index_cast %get3A_261 : i32 to index
    %get3A_264 = arith.index_cast %get3A_262 : i32 to index
    %get3A_265 = arith.constant 0 : index
    %get3A_266 = tpu.vector_load %arg5[%get3A_263, %get3A_264, %get3A_265] {strides = array<i32>} : memref<6x32x16xi32, #tpu.memory_space<vmem>>, vector<1x1x16xi32>,
    %get3A_267 = vector.shape_cast %get3A_266 : vector<1x1x16xi32> to vector<16xi32>
    %swap3A_268 = arith.constant 2 : i32
    %swap3A_269 = arith.index_cast %swap3A_268 : i32 to index
    %swap3A_270 = arith.constant 64 : index
    %swap3A_271 = tpu.vector_load %arg6[%swap3A_269, %swap3A_270] {strides = array<i32>} : memref<24x128xi32, #tpu.memory_space<vmem>>, vector<1x16xi32>,
    %swap3A_272 = vector.shape_cast %swap3A_271 : vector<1x16xi32> to vector<16xi32>
    %swap3A_273 = vector.shape_cast %get3A_267 : vector<16xi32> to vector<1x16xi32>
    tpu.vector_store %arg6[%swap3A_269, %swap3A_270], %swap3A_273 {strides = array<i32>} : memref<24x128xi32, #tpu.memory_space<vmem>>, vector<1x16xi32>,
    %get3A_274 = arith.constant 3 : i32
    %get3A_275 = arith.constant 3 : i32
    %get3A_276 = arith.index_cast %get3A_274 : i32 to index
    %get3A_277 = arith.index_cast %get3A_275 : i32 to index
    %get3A_278 = arith.constant 0 : index
    %get3A_279 = tpu.vector_load %arg5[%get3A_276, %get3A_277, %get3A_278] {strides = array<i32>} : memref<6x32x16xi32, #tpu.memory_space<vmem>>, vector<1x1x16xi32>,
    %get3A_280 = vector.shape_cast %get3A_279 : vector<1x1x16xi32> to vector<16xi32>
    %swap3A_281 = arith.constant 2 : i32
    %swap3A_282 = arith.index_cast %swap3A_281 : i32 to index
    %swap3A_283 = arith.constant 80 : index
    %swap3A_284 = tpu.vector_load %arg6[%swap3A_282, %swap3A_283] {strides = array<i32>} : memref<24x128xi32, #tpu.memory_space<vmem>>, vector<1x16xi32>,
    %swap3A_285 = vector.shape_cast %swap3A_284 : vector<1x16xi32> to vector<16xi32>
    %swap3A_286 = vector.shape_cast %get3A_280 : vector<16xi32> to vector<1x16xi32>
    tpu.vector_store %arg6[%swap3A_282, %swap3A_283], %swap3A_286 {strides = array<i32>} : memref<24x128xi32, #tpu.memory_space<vmem>>, vector<1x16xi32>,
    %get3A_287 = arith.constant 4 : i32
    %get3A_288 = arith.constant 3 : i32
    %get3A_289 = arith.index_cast %get3A_287 : i32 to index
    %get3A_290 = arith.index_cast %get3A_288 : i32 to index
    %get3A_291 = arith.constant 0 : index
    %get3A_292 = tpu.vector_load %arg5[%get3A_289, %get3A_290, %get3A_291] {strides = array<i32>} : memref<6x32x16xi32, #tpu.memory_space<vmem>>, vector<1x1x16xi32>,
    %get3A_293 = vector.shape_cast %get3A_292 : vector<1x1x16xi32> to vector<16xi32>
    %swap3A_294 = arith.constant 2 : i32
    %swap3A_295 = arith.index_cast %swap3A_294 : i32 to index
    %swap3A_296 = arith.constant 96 : index
    %swap3A_297 = tpu.vector_load %arg6[%swap3A_295, %swap3A_296] {strides = array<i32>} : memref<24x128xi32, #tpu.memory_space<vmem>>, vector<1x16xi32>,
    %swap3A_298 = vector.shape_cast %swap3A_297 : vector<1x16xi32> to vector<16xi32>
    %swap3A_299 = vector.shape_cast %get3A_293 : vector<16xi32> to vector<1x16xi32>
    tpu.vector_store %arg6[%swap3A_295, %swap3A_296], %swap3A_299 {strides = array<i32>} : memref<24x128xi32, #tpu.memory_space<vmem>>, vector<1x16xi32>,
    %get3A_300 = arith.constant 5 : i32
    %get3A_301 = arith.constant 3 : i32
    %get3A_302 = arith.index_cast %get3A_300 : i32 to index
    %get3A_303 = arith.index_cast %get3A_301 : i32 to index
    %get3A_304 = arith.constant 0 : index
    %get3A_305 = tpu.vector_load %arg5[%get3A_302, %get3A_303, %get3A_304] {strides = array<i32>} : memref<6x32x16xi32, #tpu.memory_space<vmem>>, vector<1x1x16xi32>,
    %get3A_306 = vector.shape_cast %get3A_305 : vector<1x1x16xi32> to vector<16xi32>
    %swap3A_307 = arith.constant 2 : i32
    %swap3A_308 = arith.index_cast %swap3A_307 : i32 to index
    %swap3A_309 = arith.constant 112 : index
    %swap3A_310 = tpu.vector_load %arg6[%swap3A_308, %swap3A_309] {strides = array<i32>} : memref<24x128xi32, #tpu.memory_space<vmem>>, vector<1x16xi32>,
    %swap3A_311 = vector.shape_cast %swap3A_310 : vector<1x16xi32> to vector<16xi32>
    %swap3A_312 = vector.shape_cast %get3A_306 : vector<16xi32> to vector<1x16xi32>
    tpu.vector_store %arg6[%swap3A_308, %swap3A_309], %swap3A_312 {strides = array<i32>} : memref<24x128xi32, #tpu.memory_space<vmem>>, vector<1x16xi32>,
    %get3A_313 = arith.constant 0 : i32
    %get3A_314 = arith.constant 4 : i32
    %get3A_315 = arith.index_cast %get3A_313 : i32 to index
    %get3A_316 = arith.index_cast %get3A_314 : i32 to index
    %get3A_317 = arith.constant 0 : index
    %get3A_318 = tpu.vector_load %arg5[%get3A_315, %get3A_316, %get3A_317] {strides = array<i32>} : memref<6x32x16xi32, #tpu.memory_space<vmem>>, vector<1x1x16xi32>,
    %get3A_319 = vector.shape_cast %get3A_318 : vector<1x1x16xi32> to vector<16xi32>
    %swap3A_320 = arith.constant 3 : i32
    %swap3A_321 = arith.index_cast %swap3A_320 : i32 to index
    %swap3A_322 = arith.constant 0 : index
    %swap3A_323 = tpu.vector_load %arg6[%swap3A_321, %swap3A_322] {strides = array<i32>} : memref<24x128xi32, #tpu.memory_space<vmem>>, vector<1x16xi32>,
    %swap3A_324 = vector.shape_cast %swap3A_323 : vector<1x16xi32> to vector<16xi32>
    %swap3A_325 = vector.shape_cast %get3A_319 : vector<16xi32> to vector<1x16xi32>
    tpu.vector_store %arg6[%swap3A_321, %swap3A_322], %swap3A_325 {strides = array<i32>} : memref<24x128xi32, #tpu.memory_space<vmem>>, vector<1x16xi32>,
    %get3A_326 = arith.constant 1 : i32
    %get3A_327 = arith.constant 4 : i32
    %get3A_328 = arith.index_cast %get3A_326 : i32 to index
    %get3A_329 = arith.index_cast %get3A_327 : i32 to index
    %get3A_330 = arith.constant 0 : index
    %get3A_331 = tpu.vector_load %arg5[%get3A_328, %get3A_329, %get3A_330] {strides = array<i32>} : memref<6x32x16xi32, #tpu.memory_space<vmem>>, vector<1x1x16xi32>,
    %get3A_332 = vector.shape_cast %get3A_331 : vector<1x1x16xi32> to vector<16xi32>
    %swap3A_333 = arith.constant 3 : i32
    %swap3A_334 = arith.index_cast %swap3A_333 : i32 to index
    %swap3A_335 = arith.constant 16 : index
    %swap3A_336 = tpu.vector_load %arg6[%swap3A_334, %swap3A_335] {strides = array<i32>} : memref<24x128xi32, #tpu.memory_space<vmem>>, vector<1x16xi32>,
    %swap3A_337 = vector.shape_cast %swap3A_336 : vector<1x16xi32> to vector<16xi32>
    %swap3A_338 = vector.shape_cast %get3A_332 : vector<16xi32> to vector<1x16xi32>
    tpu.vector_store %arg6[%swap3A_334, %swap3A_335], %swap3A_338 {strides = array<i32>} : memref<24x128xi32, #tpu.memory_space<vmem>>, vector<1x16xi32>,
    %get3A_339 = arith.constant 2 : i32
    %get3A_340 = arith.constant 4 : i32
    %get3A_341 = arith.index_cast %get3A_339 : i32 to index
    %get3A_342 = arith.index_cast %get3A_340 : i32 to index
    %get3A_343 = arith.constant 0 : index
    %get3A_344 = tpu.vector_load %arg5[%get3A_341, %get3A_342, %get3A_343] {strides = array<i32>} : memref<6x32x16xi32, #tpu.memory_space<vmem>>, vector<1x1x16xi32>,
    %get3A_345 = vector.shape_cast %get3A_344 : vector<1x1x16xi32> to vector<16xi32>
    %swap3A_346 = arith.constant 3 : i32
    %swap3A_347 = arith.index_cast %swap3A_346 : i32 to index
    %swap3A_348 = arith.constant 32 : index
    %swap3A_349 = tpu.vector_load %arg6[%swap3A_347, %swap3A_348] {strides = array<i32>} : memref<24x128xi32, #tpu.memory_space<vmem>>, vector<1x16xi32>,
    %swap3A_350 = vector.shape_cast %swap3A_349 : vector<1x16xi32> to vector<16xi32>
    %swap3A_351 = vector.shape_cast %get3A_345 : vector<16xi32> to vector<1x16xi32>
    tpu.vector_store %arg6[%swap3A_347, %swap3A_348], %swap3A_351 {strides = array<i32>} : memref<24x128xi32, #tpu.memory_space<vmem>>, vector<1x16xi32>,
    %get3A_352 = arith.constant 3 : i32
    %get3A_353 = arith.constant 4 : i32
    %get3A_354 = arith.index_cast %get3A_352 : i32 to index
    %get3A_355 = arith.index_cast %get3A_353 : i32 to index
    %get3A_356 = arith.constant 0 : index
    %get3A_357 = tpu.vector_load %arg5[%get3A_354, %get3A_355, %get3A_356] {strides = array<i32>} : memref<6x32x16xi32, #tpu.memory_space<vmem>>, vector<1x1x16xi32>,
    %get3A_358 = vector.shape_cast %get3A_357 : vector<1x1x16xi32> to vector<16xi32>
    %swap3A_359 = arith.constant 3 : i32
    %swap3A_360 = arith.index_cast %swap3A_359 : i32 to index
    %swap3A_361 = arith.constant 48 : index
    %swap3A_362 = tpu.vector_load %arg6[%swap3A_360, %swap3A_361] {strides = array<i32>} : memref<24x128xi32, #tpu.memory_space<vmem>>, vector<1x16xi32>,
    %swap3A_363 = vector.shape_cast %swap3A_362 : vector<1x16xi32> to vector<16xi32>
    %swap3A_364 = vector.shape_cast %get3A_358 : vector<16xi32> to vector<1x16xi32>
    tpu.vector_store %arg6[%swap3A_360, %swap3A_361], %swap3A_364 {strides = array<i32>} : memref<24x128xi32, #tpu.memory_space<vmem>>, vector<1x16xi32>,
    %get3A_365 = arith.constant 4 : i32
    %get3A_366 = arith.constant 4 : i32
    %get3A_367 = arith.index_cast %get3A_365 : i32 to index
    %get3A_368 = arith.index_cast %get3A_366 : i32 to index
    %get3A_369 = arith.constant 0 : index
    %get3A_370 = tpu.vector_load %arg5[%get3A_367, %get3A_368, %get3A_369] {strides = array<i32>} : memref<6x32x16xi32, #tpu.memory_space<vmem>>, vector<1x1x16xi32>,
    %get3A_371 = vector.shape_cast %get3A_370 : vector<1x1x16xi32> to vector<16xi32>
    %swap3A_372 = arith.constant 3 : i32
    %swap3A_373 = arith.index_cast %swap3A_372 : i32 to index
    %swap3A_374 = arith.constant 64 : index
    %swap3A_375 = tpu.vector_load %arg6[%swap3A_373, %swap3A_374] {strides = array<i32>} : memref<24x128xi32, #tpu.memory_space<vmem>>, vector<1x16xi32>,
    %swap3A_376 = vector.shape_cast %swap3A_375 : vector<1x16xi32> to vector<16xi32>
    %swap3A_377 = vector.shape_cast %get3A_371 : vector<16xi32> to vector<1x16xi32>
    tpu.vector_store %arg6[%swap3A_373, %swap3A_374], %swap3A_377 {strides = array<i32>} : memref<24x128xi32, #tpu.memory_space<vmem>>, vector<1x16xi32>,
    %get3A_378 = arith.constant 5 : i32
    %get3A_379 = arith.constant 4 : i32
    %get3A_380 = arith.index_cast %get3A_378 : i32 to index
    %get3A_381 = arith.index_cast %get3A_379 : i32 to index
    %get3A_382 = arith.constant 0 : index
    %get3A_383 = tpu.vector_load %arg5[%get3A_380, %get3A_381, %get3A_382] {strides = array<i32>} : memref<6x32x16xi32, #tpu.memory_space<vmem>>, vector<1x1x16xi32>,
    %get3A_384 = vector.shape_cast %get3A_383 : vector<1x1x16xi32> to vector<16xi32>
    %swap3A_385 = arith.constant 3 : i32
    %swap3A_386 = arith.index_cast %swap3A_385 : i32 to index
    %swap3A_387 = arith.constant 80 : index
    %swap3A_388 = tpu.vector_load %arg6[%swap3A_386, %swap3A_387] {strides = array<i32>} : memref<24x128xi32, #tpu.memory_space<vmem>>, vector<1x16xi32>,
    %swap3A_389 = vector.shape_cast %swap3A_388 : vector<1x16xi32> to vector<16xi32>
    %swap3A_390 = vector.shape_cast %get3A_384 : vector<16xi32> to vector<1x16xi32>
    tpu.vector_store %arg6[%swap3A_386, %swap3A_387], %swap3A_390 {strides = array<i32>} : memref<24x128xi32, #tpu.memory_space<vmem>>, vector<1x16xi32>,
    %get3A_391 = arith.constant 0 : i32
    %get3A_392 = arith.constant 5 : i32
    %get3A_393 = arith.index_cast %get3A_391 : i32 to index
    %get3A_394 = arith.index_cast %get3A_392 : i32 to index
    %get3A_395 = arith.constant 0 : index
    %get3A_396 = tpu.vector_load %arg5[%get3A_393, %get3A_394, %get3A_395] {strides = array<i32>} : memref<6x32x16xi32, #tpu.memory_space<vmem>>, vector<1x1x16xi32>,
    %get3A_397 = vector.shape_cast %get3A_396 : vector<1x1x16xi32> to vector<16xi32>
    %swap3A_398 = arith.constant 3 : i32
    %swap3A_399 = arith.index_cast %swap3A_398 : i32 to index
    %swap3A_400 = arith.constant 96 : index
    %swap3A_401 = tpu.vector_load %arg6[%swap3A_399, %swap3A_400] {strides = array<i32>} : memref<24x128xi32, #tpu.memory_space<vmem>>, vector<1x16xi32>,
    %swap3A_402 = vector.shape_cast %swap3A_401 : vector<1x16xi32> to vector<16xi32>
    %swap3A_403 = vector.shape_cast %get3A_397 : vector<16xi32> to vector<1x16xi32>
    tpu.vector_store %arg6[%swap3A_399, %swap3A_400], %swap3A_403 {strides = array<i32>} : memref<24x128xi32, #tpu.memory_space<vmem>>, vector<1x16xi32>,
    %get3A_404 = arith.constant 1 : i32
    %get3A_405 = arith.constant 5 : i32
    %get3A_406 = arith.index_cast %get3A_404 : i32 to index
    %get3A_407 = arith.index_cast %get3A_405 : i32 to index
    %get3A_408 = arith.constant 0 : index
    %get3A_409 = tpu.vector_load %arg5[%get3A_406, %get3A_407, %get3A_408] {strides = array<i32>} : memref<6x32x16xi32, #tpu.memory_space<vmem>>, vector<1x1x16xi32>,
    %get3A_410 = vector.shape_cast %get3A_409 : vector<1x1x16xi32> to vector<16xi32>
    %swap3A_411 = arith.constant 3 : i32
    %swap3A_412 = arith.index_cast %swap3A_411 : i32 to index
    %swap3A_413 = arith.constant 112 : index
    %swap3A_414 = tpu.vector_load %arg6[%swap3A_412, %swap3A_413] {strides = array<i32>} : memref<24x128xi32, #tpu.memory_space<vmem>>, vector<1x16xi32>,
    %swap3A_415 = vector.shape_cast %swap3A_414 : vector<1x16xi32> to vector<16xi32>
    %swap3A_416 = vector.shape_cast %get3A_410 : vector<16xi32> to vector<1x16xi32>
    tpu.vector_store %arg6[%swap3A_412, %swap3A_413], %swap3A_416 {strides = array<i32>} : memref<24x128xi32, #tpu.memory_space<vmem>>, vector<1x16xi32>,
    %get3A_417 = arith.constant 2 : i32
    %get3A_418 = arith.constant 5 : i32
    %get3A_419 = arith.index_cast %get3A_417 : i32 to index
    %get3A_420 = arith.index_cast %get3A_418 : i32 to index
    %get3A_421 = arith.constant 0 : index
    %get3A_422 = tpu.vector_load %arg5[%get3A_419, %get3A_420, %get3A_421] {strides = array<i32>} : memref<6x32x16xi32, #tpu.memory_space<vmem>>, vector<1x1x16xi32>,
    %get3A_423 = vector.shape_cast %get3A_422 : vector<1x1x16xi32> to vector<16xi32>
    %swap3A_424 = arith.constant 4 : i32
    %swap3A_425 = arith.index_cast %swap3A_424 : i32 to index
    %swap3A_426 = arith.constant 0 : index
    %swap3A_427 = tpu.vector_load %arg6[%swap3A_425, %swap3A_426] {strides = array<i32>} : memref<24x128xi32, #tpu.memory_space<vmem>>, vector<1x16xi32>,
    %swap3A_428 = vector.shape_cast %swap3A_427 : vector<1x16xi32> to vector<16xi32>
    %swap3A_429 = vector.shape_cast %get3A_423 : vector<16xi32> to vector<1x16xi32>
    tpu.vector_store %arg6[%swap3A_425, %swap3A_426], %swap3A_429 {strides = array<i32>} : memref<24x128xi32, #tpu.memory_space<vmem>>, vector<1x16xi32>,
    %get3A_430 = arith.constant 3 : i32
    %get3A_431 = arith.constant 5 : i32
    %get3A_432 = arith.index_cast %get3A_430 : i32 to index
    %get3A_433 = arith.index_cast %get3A_431 : i32 to index
    %get3A_434 = arith.constant 0 : index
    %get3A_435 = tpu.vector_load %arg5[%get3A_432, %get3A_433, %get3A_434] {strides = array<i32>} : memref<6x32x16xi32, #tpu.memory_space<vmem>>, vector<1x1x16xi32>,
    %get3A_436 = vector.shape_cast %get3A_435 : vector<1x1x16xi32> to vector<16xi32>
    %swap3A_437 = arith.constant 4 : i32
    %swap3A_438 = arith.index_cast %swap3A_437 : i32 to index
    %swap3A_439 = arith.constant 16 : index
    %swap3A_440 = tpu.vector_load %arg6[%swap3A_438, %swap3A_439] {strides = array<i32>} : memref<24x128xi32, #tpu.memory_space<vmem>>, vector<1x16xi32>,
    %swap3A_441 = vector.shape_cast %swap3A_440 : vector<1x16xi32> to vector<16xi32>
    %swap3A_442 = vector.shape_cast %get3A_436 : vector<16xi32> to vector<1x16xi32>
    tpu.vector_store %arg6[%swap3A_438, %swap3A_439], %swap3A_442 {strides = array<i32>} : memref<24x128xi32, #tpu.memory_space<vmem>>, vector<1x16xi32>,
    %get3A_443 = arith.constant 4 : i32
    %get3A_444 = arith.constant 5 : i32
    %get3A_445 = arith.index_cast %get3A_443 : i32 to index
    %get3A_446 = arith.index_cast %get3A_444 : i32 to index
    %get3A_447 = arith.constant 0 : index
    %get3A_448 = tpu.vector_load %arg5[%get3A_445, %get3A_446, %get3A_447] {strides = array<i32>} : memref<6x32x16xi32, #tpu.memory_space<vmem>>, vector<1x1x16xi32>,
    %get3A_449 = vector.shape_cast %get3A_448 : vector<1x1x16xi32> to vector<16xi32>
    %swap3A_450 = arith.constant 4 : i32
    %swap3A_451 = arith.index_cast %swap3A_450 : i32 to index
    %swap3A_452 = arith.constant 32 : index
    %swap3A_453 = tpu.vector_load %arg6[%swap3A_451, %swap3A_452] {strides = array<i32>} : memref<24x128xi32, #tpu.memory_space<vmem>>, vector<1x16xi32>,
    %swap3A_454 = vector.shape_cast %swap3A_453 : vector<1x16xi32> to vector<16xi32>
    %swap3A_455 = vector.shape_cast %get3A_449 : vector<16xi32> to vector<1x16xi32>
    tpu.vector_store %arg6[%swap3A_451, %swap3A_452], %swap3A_455 {strides = array<i32>} : memref<24x128xi32, #tpu.memory_space<vmem>>, vector<1x16xi32>,
    %get3A_456 = arith.constant 5 : i32
    %get3A_457 = arith.constant 5 : i32
    %get3A_458 = arith.index_cast %get3A_456 : i32 to index
    %get3A_459 = arith.index_cast %get3A_457 : i32 to index
    %get3A_460 = arith.constant 0 : index
    %get3A_461 = tpu.vector_load %arg5[%get3A_458, %get3A_459, %get3A_460] {strides = array<i32>} : memref<6x32x16xi32, #tpu.memory_space<vmem>>, vector<1x1x16xi32>,
    %get3A_462 = vector.shape_cast %get3A_461 : vector<1x1x16xi32> to vector<16xi32>
    %swap3A_463 = arith.constant 4 : i32
    %swap3A_464 = arith.index_cast %swap3A_463 : i32 to index
    %swap3A_465 = arith.constant 48 : index
    %swap3A_466 = tpu.vector_load %arg6[%swap3A_464, %swap3A_465] {strides = array<i32>} : memref<24x128xi32, #tpu.memory_space<vmem>>, vector<1x16xi32>,
    %swap3A_467 = vector.shape_cast %swap3A_466 : vector<1x16xi32> to vector<16xi32>
    %swap3A_468 = vector.shape_cast %get3A_462 : vector<16xi32> to vector<1x16xi32>
    tpu.vector_store %arg6[%swap3A_464, %swap3A_465], %swap3A_468 {strides = array<i32>} : memref<24x128xi32, #tpu.memory_space<vmem>>, vector<1x16xi32>,
    %get3A_469 = arith.constant 0 : i32
    %get3A_470 = arith.constant 6 : i32
    %get3A_471 = arith.index_cast %get3A_469 : i32 to index
    %get3A_472 = arith.index_cast %get3A_470 : i32 to index
    %get3A_473 = arith.constant 0 : index
    %get3A_474 = tpu.vector_load %arg5[%get3A_471, %get3A_472, %get3A_473] {strides = array<i32>} : memref<6x32x16xi32, #tpu.memory_space<vmem>>, vector<1x1x16xi32>,
    %get3A_475 = vector.shape_cast %get3A_474 : vector<1x1x16xi32> to vector<16xi32>
    %swap3A_476 = arith.constant 4 : i32
    %swap3A_477 = arith.index_cast %swap3A_476 : i32 to index
    %swap3A_478 = arith.constant 64 : index
    %swap3A_479 = tpu.vector_load %arg6[%swap3A_477, %swap3A_478] {strides = array<i32>} : memref<24x128xi32, #tpu.memory_space<vmem>>, vector<1x16xi32>,
    %swap3A_480 = vector.shape_cast %swap3A_479 : vector<1x16xi32> to vector<16xi32>
    %swap3A_481 = vector.shape_cast %get3A_475 : vector<16xi32> to vector<1x16xi32>
    tpu.vector_store %arg6[%swap3A_477, %swap3A_478], %swap3A_481 {strides = array<i32>} : memref<24x128xi32, #tpu.memory_space<vmem>>, vector<1x16xi32>,
    %get3A_482 = arith.constant 1 : i32
    %get3A_483 = arith.constant 6 : i32
    %get3A_484 = arith.index_cast %get3A_482 : i32 to index
    %get3A_485 = arith.index_cast %get3A_483 : i32 to index
    %get3A_486 = arith.constant 0 : index
    %get3A_487 = tpu.vector_load %arg5[%get3A_484, %get3A_485, %get3A_486] {strides = array<i32>} : memref<6x32x16xi32, #tpu.memory_space<vmem>>, vector<1x1x16xi32>,
    %get3A_488 = vector.shape_cast %get3A_487 : vector<1x1x16xi32> to vector<16xi32>
    %swap3A_489 = arith.constant 4 : i32
    %swap3A_490 = arith.index_cast %swap3A_489 : i32 to index
    %swap3A_491 = arith.constant 80 : index
    %swap3A_492 = tpu.vector_load %arg6[%swap3A_490, %swap3A_491] {strides = array<i32>} : memref<24x128xi32, #tpu.memory_space<vmem>>, vector<1x16xi32>,
    %swap3A_493 = vector.shape_cast %swap3A_492 : vector<1x16xi32> to vector<16xi32>
    %swap3A_494 = vector.shape_cast %get3A_488 : vector<16xi32> to vector<1x16xi32>
    tpu.vector_store %arg6[%swap3A_490, %swap3A_491], %swap3A_494 {strides = array<i32>} : memref<24x128xi32, #tpu.memory_space<vmem>>, vector<1x16xi32>,
    %get3A_495 = arith.constant 2 : i32
    %get3A_496 = arith.constant 6 : i32
    %get3A_497 = arith.index_cast %get3A_495 : i32 to index
    %get3A_498 = arith.index_cast %get3A_496 : i32 to index
    %get3A_499 = arith.constant 0 : index
    %get3A_500 = tpu.vector_load %arg5[%get3A_497, %get3A_498, %get3A_499] {strides = array<i32>} : memref<6x32x16xi32, #tpu.memory_space<vmem>>, vector<1x1x16xi32>,
    %get3A_501 = vector.shape_cast %get3A_500 : vector<1x1x16xi32> to vector<16xi32>
    %swap3A_502 = arith.constant 4 : i32
    %swap3A_503 = arith.index_cast %swap3A_502 : i32 to index
    %swap3A_504 = arith.constant 96 : index
    %swap3A_505 = tpu.vector_load %arg6[%swap3A_503, %swap3A_504] {strides = array<i32>} : memref<24x128xi32, #tpu.memory_space<vmem>>, vector<1x16xi32>,
    %swap3A_506 = vector.shape_cast %swap3A_505 : vector<1x16xi32> to vector<16xi32>
    %swap3A_507 = vector.shape_cast %get3A_501 : vector<16xi32> to vector<1x16xi32>
    tpu.vector_store %arg6[%swap3A_503, %swap3A_504], %swap3A_507 {strides = array<i32>} : memref<24x128xi32, #tpu.memory_space<vmem>>, vector<1x16xi32>,
    %get3A_508 = arith.constant 3 : i32
    %get3A_509 = arith.constant 6 : i32
    %get3A_510 = arith.index_cast %get3A_508 : i32 to index
    %get3A_511 = arith.index_cast %get3A_509 : i32 to index
    %get3A_512 = arith.constant 0 : index
    %get3A_513 = tpu.vector_load %arg5[%get3A_510, %get3A_511, %get3A_512] {strides = array<i32>} : memref<6x32x16xi32, #tpu.memory_space<vmem>>, vector<1x1x16xi32>,
    %get3A_514 = vector.shape_cast %get3A_513 : vector<1x1x16xi32> to vector<16xi32>
    %swap3A_515 = arith.constant 4 : i32
    %swap3A_516 = arith.index_cast %swap3A_515 : i32 to index
    %swap3A_517 = arith.constant 112 : index
    %swap3A_518 = tpu.vector_load %arg6[%swap3A_516, %swap3A_517] {strides = array<i32>} : memref<24x128xi32, #tpu.memory_space<vmem>>, vector<1x16xi32>,
    %swap3A_519 = vector.shape_cast %swap3A_518 : vector<1x16xi32> to vector<16xi32>
    %swap3A_520 = vector.shape_cast %get3A_514 : vector<16xi32> to vector<1x16xi32>
    tpu.vector_store %arg6[%swap3A_516, %swap3A_517], %swap3A_520 {strides = array<i32>} : memref<24x128xi32, #tpu.memory_space<vmem>>, vector<1x16xi32>,
    %get3A_521 = arith.constant 4 : i32
    %get3A_522 = arith.constant 6 : i32
    %get3A_523 = arith.index_cast %get3A_521 : i32 to index
    %get3A_524 = arith.index_cast %get3A_522 : i32 to index
    %get3A_525 = arith.constant 0 : index
    %get3A_526 = tpu.vector_load %arg5[%get3A_523, %get3A_524, %get3A_525] {strides = array<i32>} : memref<6x32x16xi32, #tpu.memory_space<vmem>>, vector<1x1x16xi32>,
    %get3A_527 = vector.shape_cast %get3A_526 : vector<1x1x16xi32> to vector<16xi32>
    %swap3A_528 = arith.constant 5 : i32
    %swap3A_529 = arith.index_cast %swap3A_528 : i32 to index
    %swap3A_530 = arith.constant 0 : index
    %swap3A_531 = tpu.vector_load %arg6[%swap3A_529, %swap3A_530] {strides = array<i32>} : memref<24x128xi32, #tpu.memory_space<vmem>>, vector<1x16xi32>,
    %swap3A_532 = vector.shape_cast %swap3A_531 : vector<1x16xi32> to vector<16xi32>
    %swap3A_533 = vector.shape_cast %get3A_527 : vector<16xi32> to vector<1x16xi32>
    tpu.vector_store %arg6[%swap3A_529, %swap3A_530], %swap3A_533 {strides = array<i32>} : memref<24x128xi32, #tpu.memory_space<vmem>>, vector<1x16xi32>,
    %get3A_534 = arith.constant 5 : i32
    %get3A_535 = arith.constant 6 : i32
    %get3A_536 = arith.index_cast %get3A_534 : i32 to index
    %get3A_537 = arith.index_cast %get3A_535 : i32 to index
    %get3A_538 = arith.constant 0 : index
    %get3A_539 = tpu.vector_load %arg5[%get3A_536, %get3A_537, %get3A_538] {strides = array<i32>} : memref<6x32x16xi32, #tpu.memory_space<vmem>>, vector<1x1x16xi32>,
    %get3A_540 = vector.shape_cast %get3A_539 : vector<1x1x16xi32> to vector<16xi32>
    %swap3A_541 = arith.constant 5 : i32
    %swap3A_542 = arith.index_cast %swap3A_541 : i32 to index
    %swap3A_543 = arith.constant 16 : index
    %swap3A_544 = tpu.vector_load %arg6[%swap3A_542, %swap3A_543] {strides = array<i32>} : memref<24x128xi32, #tpu.memory_space<vmem>>, vector<1x16xi32>,
    %swap3A_545 = vector.shape_cast %swap3A_544 : vector<1x16xi32> to vector<16xi32>
    %swap3A_546 = vector.shape_cast %get3A_540 : vector<16xi32> to vector<1x16xi32>
    tpu.vector_store %arg6[%swap3A_542, %swap3A_543], %swap3A_546 {strides = array<i32>} : memref<24x128xi32, #tpu.memory_space<vmem>>, vector<1x16xi32>,
    %get3A_547 = arith.constant 0 : i32
    %get3A_548 = arith.constant 7 : i32
    %get3A_549 = arith.index_cast %get3A_547 : i32 to index
    %get3A_550 = arith.index_cast %get3A_548 : i32 to index
    %get3A_551 = arith.constant 0 : index
    %get3A_552 = tpu.vector_load %arg5[%get3A_549, %get3A_550, %get3A_551] {strides = array<i32>} : memref<6x32x16xi32, #tpu.memory_space<vmem>>, vector<1x1x16xi32>,
    %get3A_553 = vector.shape_cast %get3A_552 : vector<1x1x16xi32> to vector<16xi32>
    %swap3A_554 = arith.constant 5 : i32
    %swap3A_555 = arith.index_cast %swap3A_554 : i32 to index
    %swap3A_556 = arith.constant 32 : index
    %swap3A_557 = tpu.vector_load %arg6[%swap3A_555, %swap3A_556] {strides = array<i32>} : memref<24x128xi32, #tpu.memory_space<vmem>>, vector<1x16xi32>,
    %swap3A_558 = vector.shape_cast %swap3A_557 : vector<1x16xi32> to vector<16xi32>
    %swap3A_559 = vector.shape_cast %get3A_553 : vector<16xi32> to vector<1x16xi32>
    tpu.vector_store %arg6[%swap3A_555, %swap3A_556], %swap3A_559 {strides = array<i32>} : memref<24x128xi32, #tpu.memory_space<vmem>>, vector<1x16xi32>,
    %get3A_560 = arith.constant 1 : i32
    %get3A_561 = arith.constant 7 : i32
    %get3A_562 = arith.index_cast %get3A_560 : i32 to index
    %get3A_563 = arith.index_cast %get3A_561 : i32 to index
    %get3A_564 = arith.constant 0 : index
    %get3A_565 = tpu.vector_load %arg5[%get3A_562, %get3A_563, %get3A_564] {strides = array<i32>} : memref<6x32x16xi32, #tpu.memory_space<vmem>>, vector<1x1x16xi32>,
    %get3A_566 = vector.shape_cast %get3A_565 : vector<1x1x16xi32> to vector<16xi32>
    %swap3A_567 = arith.constant 5 : i32
    %swap3A_568 = arith.index_cast %swap3A_567 : i32 to index
    %swap3A_569 = arith.constant 48 : index
    %swap3A_570 = tpu.vector_load %arg6[%swap3A_568, %swap3A_569] {strides = array<i32>} : memref<24x128xi32, #tpu.memory_space<vmem>>, vector<1x16xi32>,
    %swap3A_571 = vector.shape_cast %swap3A_570 : vector<1x16xi32> to vector<16xi32>
    %swap3A_572 = vector.shape_cast %get3A_566 : vector<16xi32> to vector<1x16xi32>
    tpu.vector_store %arg6[%swap3A_568, %swap3A_569], %swap3A_572 {strides = array<i32>} : memref<24x128xi32, #tpu.memory_space<vmem>>, vector<1x16xi32>,
    %get3A_573 = arith.constant 2 : i32
    %get3A_574 = arith.constant 7 : i32
    %get3A_575 = arith.index_cast %get3A_573 : i32 to index
    %get3A_576 = arith.index_cast %get3A_574 : i32 to index
    %get3A_577 = arith.constant 0 : index
    %get3A_578 = tpu.vector_load %arg5[%get3A_575, %get3A_576, %get3A_577] {strides = array<i32>} : memref<6x32x16xi32, #tpu.memory_space<vmem>>, vector<1x1x16xi32>,
    %get3A_579 = vector.shape_cast %get3A_578 : vector<1x1x16xi32> to vector<16xi32>
    %swap3A_580 = arith.constant 5 : i32
    %swap3A_581 = arith.index_cast %swap3A_580 : i32 to index
    %swap3A_582 = arith.constant 64 : index
    %swap3A_583 = tpu.vector_load %arg6[%swap3A_581, %swap3A_582] {strides = array<i32>} : memref<24x128xi32, #tpu.memory_space<vmem>>, vector<1x16xi32>,
    %swap3A_584 = vector.shape_cast %swap3A_583 : vector<1x16xi32> to vector<16xi32>
    %swap3A_585 = vector.shape_cast %get3A_579 : vector<16xi32> to vector<1x16xi32>
    tpu.vector_store %arg6[%swap3A_581, %swap3A_582], %swap3A_585 {strides = array<i32>} : memref<24x128xi32, #tpu.memory_space<vmem>>, vector<1x16xi32>,
    %get3A_586 = arith.constant 3 : i32
    %get3A_587 = arith.constant 7 : i32
    %get3A_588 = arith.index_cast %get3A_586 : i32 to index
    %get3A_589 = arith.index_cast %get3A_587 : i32 to index
    %get3A_590 = arith.constant 0 : index
    %get3A_591 = tpu.vector_load %arg5[%get3A_588, %get3A_589, %get3A_590] {strides = array<i32>} : memref<6x32x16xi32, #tpu.memory_space<vmem>>, vector<1x1x16xi32>,
    %get3A_592 = vector.shape_cast %get3A_591 : vector<1x1x16xi32> to vector<16xi32>
    %swap3A_593 = arith.constant 5 : i32
    %swap3A_594 = arith.index_cast %swap3A_593 : i32 to index
    %swap3A_595 = arith.constant 80 : index
    %swap3A_596 = tpu.vector_load %arg6[%swap3A_594, %swap3A_595] {strides = array<i32>} : memref<24x128xi32, #tpu.memory_space<vmem>>, vector<1x16xi32>,
    %swap3A_597 = vector.shape_cast %swap3A_596 : vector<1x16xi32> to vector<16xi32>
    %swap3A_598 = vector.shape_cast %get3A_592 : vector<16xi32> to vector<1x16xi32>
    tpu.vector_store %arg6[%swap3A_594, %swap3A_595], %swap3A_598 {strides = array<i32>} : memref<24x128xi32, #tpu.memory_space<vmem>>, vector<1x16xi32>,
    %get3A_599 = arith.constant 4 : i32
    %get3A_600 = arith.constant 7 : i32
    %get3A_601 = arith.index_cast %get3A_599 : i32 to index
    %get3A_602 = arith.index_cast %get3A_600 : i32 to index
    %get3A_603 = arith.constant 0 : index
    %get3A_604 = tpu.vector_load %arg5[%get3A_601, %get3A_602, %get3A_603] {strides = array<i32>} : memref<6x32x16xi32, #tpu.memory_space<vmem>>, vector<1x1x16xi32>,
    %get3A_605 = vector.shape_cast %get3A_604 : vector<1x1x16xi32> to vector<16xi32>
    %swap3A_606 = arith.constant 5 : i32
    %swap3A_607 = arith.index_cast %swap3A_606 : i32 to index
    %swap3A_608 = arith.constant 96 : index
    %swap3A_609 = tpu.vector_load %arg6[%swap3A_607, %swap3A_608] {strides = array<i32>} : memref<24x128xi32, #tpu.memory_space<vmem>>, vector<1x16xi32>,
    %swap3A_610 = vector.shape_cast %swap3A_609 : vector<1x16xi32> to vector<16xi32>
    %swap3A_611 = vector.shape_cast %get3A_605 : vector<16xi32> to vector<1x16xi32>
    tpu.vector_store %arg6[%swap3A_607, %swap3A_608], %swap3A_611 {strides = array<i32>} : memref<24x128xi32, #tpu.memory_space<vmem>>, vector<1x16xi32>,
    %get3A_612 = arith.constant 5 : i32
    %get3A_613 = arith.constant 7 : i32
    %get3A_614 = arith.index_cast %get3A_612 : i32 to index
    %get3A_615 = arith.index_cast %get3A_613 : i32 to index
    %get3A_616 = arith.constant 0 : index
    %get3A_617 = tpu.vector_load %arg5[%get3A_614, %get3A_615, %get3A_616] {strides = array<i32>} : memref<6x32x16xi32, #tpu.memory_space<vmem>>, vector<1x1x16xi32>,
    %get3A_618 = vector.shape_cast %get3A_617 : vector<1x1x16xi32> to vector<16xi32>
    %swap3A_619 = arith.constant 5 : i32
    %swap3A_620 = arith.index_cast %swap3A_619 : i32 to index
    %swap3A_621 = arith.constant 112 : index
    %swap3A_622 = tpu.vector_load %arg6[%swap3A_620, %swap3A_621] {strides = array<i32>} : memref<24x128xi32, #tpu.memory_space<vmem>>, vector<1x16xi32>,
    %swap3A_623 = vector.shape_cast %swap3A_622 : vector<1x16xi32> to vector<16xi32>
    %swap3A_624 = vector.shape_cast %get3A_618 : vector<16xi32> to vector<1x16xi32>
    tpu.vector_store %arg6[%swap3A_620, %swap3A_621], %swap3A_624 {strides = array<i32>} : memref<24x128xi32, #tpu.memory_space<vmem>>, vector<1x16xi32>,
    %get3A_625 = arith.constant 0 : i32
    %get3A_626 = arith.constant 8 : i32
    %get3A_627 = arith.index_cast %get3A_625 : i32 to index
    %get3A_628 = arith.index_cast %get3A_626 : i32 to index
    %get3A_629 = arith.constant 0 : index
    %get3A_630 = tpu.vector_load %arg5[%get3A_627, %get3A_628, %get3A_629] {strides = array<i32>} : memref<6x32x16xi32, #tpu.memory_space<vmem>>, vector<1x1x16xi32>,
    %get3A_631 = vector.shape_cast %get3A_630 : vector<1x1x16xi32> to vector<16xi32>
    %swap3A_632 = arith.constant 6 : i32
    %swap3A_633 = arith.index_cast %swap3A_632 : i32 to index
    %swap3A_634 = arith.constant 0 : index
    %swap3A_635 = tpu.vector_load %arg6[%swap3A_633, %swap3A_634] {strides = array<i32>} : memref<24x128xi32, #tpu.memory_space<vmem>>, vector<1x16xi32>,
    %swap3A_636 = vector.shape_cast %swap3A_635 : vector<1x16xi32> to vector<16xi32>
    %swap3A_637 = vector.shape_cast %get3A_631 : vector<16xi32> to vector<1x16xi32>
    tpu.vector_store %arg6[%swap3A_633, %swap3A_634], %swap3A_637 {strides = array<i32>} : memref<24x128xi32, #tpu.memory_space<vmem>>, vector<1x16xi32>,
    %get3A_638 = arith.constant 1 : i32
    %get3A_639 = arith.constant 8 : i32
    %get3A_640 = arith.index_cast %get3A_638 : i32 to index
    %get3A_641 = arith.index_cast %get3A_639 : i32 to index
    %get3A_642 = arith.constant 0 : index
    %get3A_643 = tpu.vector_load %arg5[%get3A_640, %get3A_641, %get3A_642] {strides = array<i32>} : memref<6x32x16xi32, #tpu.memory_space<vmem>>, vector<1x1x16xi32>,
    %get3A_644 = vector.shape_cast %get3A_643 : vector<1x1x16xi32> to vector<16xi32>
    %swap3A_645 = arith.constant 6 : i32
    %swap3A_646 = arith.index_cast %swap3A_645 : i32 to index
    %swap3A_647 = arith.constant 16 : index
    %swap3A_648 = tpu.vector_load %arg6[%swap3A_646, %swap3A_647] {strides = array<i32>} : memref<24x128xi32, #tpu.memory_space<vmem>>, vector<1x16xi32>,
    %swap3A_649 = vector.shape_cast %swap3A_648 : vector<1x16xi32> to vector<16xi32>
    %swap3A_650 = vector.shape_cast %get3A_644 : vector<16xi32> to vector<1x16xi32>
    tpu.vector_store %arg6[%swap3A_646, %swap3A_647], %swap3A_650 {strides = array<i32>} : memref<24x128xi32, #tpu.memory_space<vmem>>, vector<1x16xi32>,
    %get3A_651 = arith.constant 2 : i32
    %get3A_652 = arith.constant 8 : i32
    %get3A_653 = arith.index_cast %get3A_651 : i32 to index
    %get3A_654 = arith.index_cast %get3A_652 : i32 to index
    %get3A_655 = arith.constant 0 : index
    %get3A_656 = tpu.vector_load %arg5[%get3A_653, %get3A_654, %get3A_655] {strides = array<i32>} : memref<6x32x16xi32, #tpu.memory_space<vmem>>, vector<1x1x16xi32>,
    %get3A_657 = vector.shape_cast %get3A_656 : vector<1x1x16xi32> to vector<16xi32>
    %swap3A_658 = arith.constant 6 : i32
    %swap3A_659 = arith.index_cast %swap3A_658 : i32 to index
    %swap3A_660 = arith.constant 32 : index
    %swap3A_661 = tpu.vector_load %arg6[%swap3A_659, %swap3A_660] {strides = array<i32>} : memref<24x128xi32, #tpu.memory_space<vmem>>, vector<1x16xi32>,
    %swap3A_662 = vector.shape_cast %swap3A_661 : vector<1x16xi32> to vector<16xi32>
    %swap3A_663 = vector.shape_cast %get3A_657 : vector<16xi32> to vector<1x16xi32>
    tpu.vector_store %arg6[%swap3A_659, %swap3A_660], %swap3A_663 {strides = array<i32>} : memref<24x128xi32, #tpu.memory_space<vmem>>, vector<1x16xi32>,
    %get3A_664 = arith.constant 3 : i32
    %get3A_665 = arith.constant 8 : i32
    %get3A_666 = arith.index_cast %get3A_664 : i32 to index
    %get3A_667 = arith.index_cast %get3A_665 : i32 to index
    %get3A_668 = arith.constant 0 : index
    %get3A_669 = tpu.vector_load %arg5[%get3A_666, %get3A_667, %get3A_668] {strides = array<i32>} : memref<6x32x16xi32, #tpu.memory_space<vmem>>, vector<1x1x16xi32>,
    %get3A_670 = vector.shape_cast %get3A_669 : vector<1x1x16xi32> to vector<16xi32>
    %swap3A_671 = arith.constant 6 : i32
    %swap3A_672 = arith.index_cast %swap3A_671 : i32 to index
    %swap3A_673 = arith.constant 48 : index
    %swap3A_674 = tpu.vector_load %arg6[%swap3A_672, %swap3A_673] {strides = array<i32>} : memref<24x128xi32, #tpu.memory_space<vmem>>, vector<1x16xi32>,
    %swap3A_675 = vector.shape_cast %swap3A_674 : vector<1x16xi32> to vector<16xi32>
    %swap3A_676 = vector.shape_cast %get3A_670 : vector<16xi32> to vector<1x16xi32>
    tpu.vector_store %arg6[%swap3A_672, %swap3A_673], %swap3A_676 {strides = array<i32>} : memref<24x128xi32, #tpu.memory_space<vmem>>, vector<1x16xi32>,
    %get3A_677 = arith.constant 4 : i32
    %get3A_678 = arith.constant 8 : i32
    %get3A_679 = arith.index_cast %get3A_677 : i32 to index
    %get3A_680 = arith.index_cast %get3A_678 : i32 to index
    %get3A_681 = arith.constant 0 : index
    %get3A_682 = tpu.vector_load %arg5[%get3A_679, %get3A_680, %get3A_681] {strides = array<i32>} : memref<6x32x16xi32, #tpu.memory_space<vmem>>, vector<1x1x16xi32>,
    %get3A_683 = vector.shape_cast %get3A_682 : vector<1x1x16xi32> to vector<16xi32>
    %swap3A_684 = arith.constant 6 : i32
    %swap3A_685 = arith.index_cast %swap3A_684 : i32 to index
    %swap3A_686 = arith.constant 64 : index
    %swap3A_687 = tpu.vector_load %arg6[%swap3A_685, %swap3A_686] {strides = array<i32>} : memref<24x128xi32, #tpu.memory_space<vmem>>, vector<1x16xi32>,
    %swap3A_688 = vector.shape_cast %swap3A_687 : vector<1x16xi32> to vector<16xi32>
    %swap3A_689 = vector.shape_cast %get3A_683 : vector<16xi32> to vector<1x16xi32>
    tpu.vector_store %arg6[%swap3A_685, %swap3A_686], %swap3A_689 {strides = array<i32>} : memref<24x128xi32, #tpu.memory_space<vmem>>, vector<1x16xi32>,
    %get3A_690 = arith.constant 5 : i32
    %get3A_691 = arith.constant 8 : i32
    %get3A_692 = arith.index_cast %get3A_690 : i32 to index
    %get3A_693 = arith.index_cast %get3A_691 : i32 to index
    %get3A_694 = arith.constant 0 : index
    %get3A_695 = tpu.vector_load %arg5[%get3A_692, %get3A_693, %get3A_694] {strides = array<i32>} : memref<6x32x16xi32, #tpu.memory_space<vmem>>, vector<1x1x16xi32>,
    %get3A_696 = vector.shape_cast %get3A_695 : vector<1x1x16xi32> to vector<16xi32>
    %swap3A_697 = arith.constant 6 : i32
    %swap3A_698 = arith.index_cast %swap3A_697 : i32 to index
    %swap3A_699 = arith.constant 80 : index
    %swap3A_700 = tpu.vector_load %arg6[%swap3A_698, %swap3A_699] {strides = array<i32>} : memref<24x128xi32, #tpu.memory_space<vmem>>, vector<1x16xi32>,
    %swap3A_701 = vector.shape_cast %swap3A_700 : vector<1x16xi32> to vector<16xi32>
    %swap3A_702 = vector.shape_cast %get3A_696 : vector<16xi32> to vector<1x16xi32>
    tpu.vector_store %arg6[%swap3A_698, %swap3A_699], %swap3A_702 {strides = array<i32>} : memref<24x128xi32, #tpu.memory_space<vmem>>, vector<1x16xi32>,
    %get3A_703 = arith.constant 0 : i32
    %get3A_704 = arith.constant 9 : i32
    %get3A_705 = arith.index_cast %get3A_703 : i32 to index
    %get3A_706 = arith.index_cast %get3A_704 : i32 to index
    %get3A_707 = arith.constant 0 : index
    %get3A_708 = tpu.vector_load %arg5[%get3A_705, %get3A_706, %get3A_707] {strides = array<i32>} : memref<6x32x16xi32, #tpu.memory_space<vmem>>, vector<1x1x16xi32>,
    %get3A_709 = vector.shape_cast %get3A_708 : vector<1x1x16xi32> to vector<16xi32>
    %swap3A_710 = arith.constant 6 : i32
    %swap3A_711 = arith.index_cast %swap3A_710 : i32 to index
    %swap3A_712 = arith.constant 96 : index
    %swap3A_713 = tpu.vector_load %arg6[%swap3A_711, %swap3A_712] {strides = array<i32>} : memref<24x128xi32, #tpu.memory_space<vmem>>, vector<1x16xi32>,
    %swap3A_714 = vector.shape_cast %swap3A_713 : vector<1x16xi32> to vector<16xi32>
    %swap3A_715 = vector.shape_cast %get3A_709 : vector<16xi32> to vector<1x16xi32>
    tpu.vector_store %arg6[%swap3A_711, %swap3A_712], %swap3A_715 {strides = array<i32>} : memref<24x128xi32, #tpu.memory_space<vmem>>, vector<1x16xi32>,
    %get3A_716 = arith.constant 1 : i32
    %get3A_717 = arith.constant 9 : i32
    %get3A_718 = arith.index_cast %get3A_716 : i32 to index
    %get3A_719 = arith.index_cast %get3A_717 : i32 to index
    %get3A_720 = arith.constant 0 : index
    %get3A_721 = tpu.vector_load %arg5[%get3A_718, %get3A_719, %get3A_720] {strides = array<i32>} : memref<6x32x16xi32, #tpu.memory_space<vmem>>, vector<1x1x16xi32>,
    %get3A_722 = vector.shape_cast %get3A_721 : vector<1x1x16xi32> to vector<16xi32>
    %swap3A_723 = arith.constant 6 : i32
    %swap3A_724 = arith.index_cast %swap3A_723 : i32 to index
    %swap3A_725 = arith.constant 112 : index
    %swap3A_726 = tpu.vector_load %arg6[%swap3A_724, %swap3A_725] {strides = array<i32>} : memref<24x128xi32, #tpu.memory_space<vmem>>, vector<1x16xi32>,
    %swap3A_727 = vector.shape_cast %swap3A_726 : vector<1x16xi32> to vector<16xi32>
    %swap3A_728 = vector.shape_cast %get3A_722 : vector<16xi32> to vector<1x16xi32>
    tpu.vector_store %arg6[%swap3A_724, %swap3A_725], %swap3A_728 {strides = array<i32>} : memref<24x128xi32, #tpu.memory_space<vmem>>, vector<1x16xi32>,
    %get3A_729 = arith.constant 2 : i32
    %get3A_730 = arith.constant 9 : i32
    %get3A_731 = arith.index_cast %get3A_729 : i32 to index
    %get3A_732 = arith.index_cast %get3A_730 : i32 to index
    %get3A_733 = arith.constant 0 : index
    %get3A_734 = tpu.vector_load %arg5[%get3A_731, %get3A_732, %get3A_733] {strides = array<i32>} : memref<6x32x16xi32, #tpu.memory_space<vmem>>, vector<1x1x16xi32>,
    %get3A_735 = vector.shape_cast %get3A_734 : vector<1x1x16xi32> to vector<16xi32>
    %swap3A_736 = arith.constant 7 : i32
    %swap3A_737 = arith.index_cast %swap3A_736 : i32 to index
    %swap3A_738 = arith.constant 0 : index
    %swap3A_739 = tpu.vector_load %arg6[%swap3A_737, %swap3A_738] {strides = array<i32>} : memref<24x128xi32, #tpu.memory_space<vmem>>, vector<1x16xi32>,
    %swap3A_740 = vector.shape_cast %swap3A_739 : vector<1x16xi32> to vector<16xi32>
    %swap3A_741 = vector.shape_cast %get3A_735 : vector<16xi32> to vector<1x16xi32>
    tpu.vector_store %arg6[%swap3A_737, %swap3A_738], %swap3A_741 {strides = array<i32>} : memref<24x128xi32, #tpu.memory_space<vmem>>, vector<1x16xi32>,
    %get3A_742 = arith.constant 3 : i32
    %get3A_743 = arith.constant 9 : i32
    %get3A_744 = arith.index_cast %get3A_742 : i32 to index
    %get3A_745 = arith.index_cast %get3A_743 : i32 to index
    %get3A_746 = arith.constant 0 : index
    %get3A_747 = tpu.vector_load %arg5[%get3A_744, %get3A_745, %get3A_746] {strides = array<i32>} : memref<6x32x16xi32, #tpu.memory_space<vmem>>, vector<1x1x16xi32>,
    %get3A_748 = vector.shape_cast %get3A_747 : vector<1x1x16xi32> to vector<16xi32>
    %swap3A_749 = arith.constant 7 : i32
    %swap3A_750 = arith.index_cast %swap3A_749 : i32 to index
    %swap3A_751 = arith.constant 16 : index
    %swap3A_752 = tpu.vector_load %arg6[%swap3A_750, %swap3A_751] {strides = array<i32>} : memref<24x128xi32, #tpu.memory_space<vmem>>, vector<1x16xi32>,
    %swap3A_753 = vector.shape_cast %swap3A_752 : vector<1x16xi32> to vector<16xi32>
    %swap3A_754 = vector.shape_cast %get3A_748 : vector<16xi32> to vector<1x16xi32>
    tpu.vector_store %arg6[%swap3A_750, %swap3A_751], %swap3A_754 {strides = array<i32>} : memref<24x128xi32, #tpu.memory_space<vmem>>, vector<1x16xi32>,
    %get3A_755 = arith.constant 4 : i32
    %get3A_756 = arith.constant 9 : i32
    %get3A_757 = arith.index_cast %get3A_755 : i32 to index
    %get3A_758 = arith.index_cast %get3A_756 : i32 to index
    %get3A_759 = arith.constant 0 : index
    %get3A_760 = tpu.vector_load %arg5[%get3A_757, %get3A_758, %get3A_759] {strides = array<i32>} : memref<6x32x16xi32, #tpu.memory_space<vmem>>, vector<1x1x16xi32>,
    %get3A_761 = vector.shape_cast %get3A_760 : vector<1x1x16xi32> to vector<16xi32>
    %swap3A_762 = arith.constant 7 : i32
    %swap3A_763 = arith.index_cast %swap3A_762 : i32 to index
    %swap3A_764 = arith.constant 32 : index
    %swap3A_765 = tpu.vector_load %arg6[%swap3A_763, %swap3A_764] {strides = array<i32>} : memref<24x128xi32, #tpu.memory_space<vmem>>, vector<1x16xi32>,
    %swap3A_766 = vector.shape_cast %swap3A_765 : vector<1x16xi32> to vector<16xi32>
    %swap3A_767 = vector.shape_cast %get3A_761 : vector<16xi32> to vector<1x16xi32>
    tpu.vector_store %arg6[%swap3A_763, %swap3A_764], %swap3A_767 {strides = array<i32>} : memref<24x128xi32, #tpu.memory_space<vmem>>, vector<1x16xi32>,
    %get3A_768 = arith.constant 5 : i32
    %get3A_769 = arith.constant 9 : i32
    %get3A_770 = arith.index_cast %get3A_768 : i32 to index
    %get3A_771 = arith.index_cast %get3A_769 : i32 to index
    %get3A_772 = arith.constant 0 : index
    %get3A_773 = tpu.vector_load %arg5[%get3A_770, %get3A_771, %get3A_772] {strides = array<i32>} : memref<6x32x16xi32, #tpu.memory_space<vmem>>, vector<1x1x16xi32>,
    %get3A_774 = vector.shape_cast %get3A_773 : vector<1x1x16xi32> to vector<16xi32>
    %swap3A_775 = arith.constant 7 : i32
    %swap3A_776 = arith.index_cast %swap3A_775 : i32 to index
    %swap3A_777 = arith.constant 48 : index
    %swap3A_778 = tpu.vector_load %arg6[%swap3A_776, %swap3A_777] {strides = array<i32>} : memref<24x128xi32, #tpu.memory_space<vmem>>, vector<1x16xi32>,
    %swap3A_779 = vector.shape_cast %swap3A_778 : vector<1x16xi32> to vector<16xi32>
    %swap3A_780 = vector.shape_cast %get3A_774 : vector<16xi32> to vector<1x16xi32>
    tpu.vector_store %arg6[%swap3A_776, %swap3A_777], %swap3A_780 {strides = array<i32>} : memref<24x128xi32, #tpu.memory_space<vmem>>, vector<1x16xi32>,
    %get3A_781 = arith.constant 0 : i32
    %get3A_782 = arith.constant 10 : i32
    %get3A_783 = arith.index_cast %get3A_781 : i32 to index
    %get3A_784 = arith.index_cast %get3A_782 : i32 to index
    %get3A_785 = arith.constant 0 : index
    %get3A_786 = tpu.vector_load %arg5[%get3A_783, %get3A_784, %get3A_785] {strides = array<i32>} : memref<6x32x16xi32, #tpu.memory_space<vmem>>, vector<1x1x16xi32>,
    %get3A_787 = vector.shape_cast %get3A_786 : vector<1x1x16xi32> to vector<16xi32>
    %swap3A_788 = arith.constant 7 : i32
    %swap3A_789 = arith.index_cast %swap3A_788 : i32 to index
    %swap3A_790 = arith.constant 64 : index
    %swap3A_791 = tpu.vector_load %arg6[%swap3A_789, %swap3A_790] {strides = array<i32>} : memref<24x128xi32, #tpu.memory_space<vmem>>, vector<1x16xi32>,
    %swap3A_792 = vector.shape_cast %swap3A_791 : vector<1x16xi32> to vector<16xi32>
    %swap3A_793 = vector.shape_cast %get3A_787 : vector<16xi32> to vector<1x16xi32>
    tpu.vector_store %arg6[%swap3A_789, %swap3A_790], %swap3A_793 {strides = array<i32>} : memref<24x128xi32, #tpu.memory_space<vmem>>, vector<1x16xi32>,
    %get3A_794 = arith.constant 1 : i32
    %get3A_795 = arith.constant 10 : i32
    %get3A_796 = arith.index_cast %get3A_794 : i32 to index
    %get3A_797 = arith.index_cast %get3A_795 : i32 to index
    %get3A_798 = arith.constant 0 : index
    %get3A_799 = tpu.vector_load %arg5[%get3A_796, %get3A_797, %get3A_798] {strides = array<i32>} : memref<6x32x16xi32, #tpu.memory_space<vmem>>, vector<1x1x16xi32>,
    %get3A_800 = vector.shape_cast %get3A_799 : vector<1x1x16xi32> to vector<16xi32>
    %swap3A_801 = arith.constant 7 : i32
    %swap3A_802 = arith.index_cast %swap3A_801 : i32 to index
    %swap3A_803 = arith.constant 80 : index
    %swap3A_804 = tpu.vector_load %arg6[%swap3A_802, %swap3A_803] {strides = array<i32>} : memref<24x128xi32, #tpu.memory_space<vmem>>, vector<1x16xi32>,
    %swap3A_805 = vector.shape_cast %swap3A_804 : vector<1x16xi32> to vector<16xi32>
    %swap3A_806 = vector.shape_cast %get3A_800 : vector<16xi32> to vector<1x16xi32>
    tpu.vector_store %arg6[%swap3A_802, %swap3A_803], %swap3A_806 {strides = array<i32>} : memref<24x128xi32, #tpu.memory_space<vmem>>, vector<1x16xi32>,
    %get3A_807 = arith.constant 2 : i32
    %get3A_808 = arith.constant 10 : i32
    %get3A_809 = arith.index_cast %get3A_807 : i32 to index
    %get3A_810 = arith.index_cast %get3A_808 : i32 to index
    %get3A_811 = arith.constant 0 : index
    %get3A_812 = tpu.vector_load %arg5[%get3A_809, %get3A_810, %get3A_811] {strides = array<i32>} : memref<6x32x16xi32, #tpu.memory_space<vmem>>, vector<1x1x16xi32>,
    %get3A_813 = vector.shape_cast %get3A_812 : vector<1x1x16xi32> to vector<16xi32>
    %swap3A_814 = arith.constant 7 : i32
    %swap3A_815 = arith.index_cast %swap3A_814 : i32 to index
    %swap3A_816 = arith.constant 96 : index
    %swap3A_817 = tpu.vector_load %arg6[%swap3A_815, %swap3A_816] {strides = array<i32>} : memref<24x128xi32, #tpu.memory_space<vmem>>, vector<1x16xi32>,
    %swap3A_818 = vector.shape_cast %swap3A_817 : vector<1x16xi32> to vector<16xi32>
    %swap3A_819 = vector.shape_cast %get3A_813 : vector<16xi32> to vector<1x16xi32>
    tpu.vector_store %arg6[%swap3A_815, %swap3A_816], %swap3A_819 {strides = array<i32>} : memref<24x128xi32, #tpu.memory_space<vmem>>, vector<1x16xi32>,
    %get3A_820 = arith.constant 3 : i32
    %get3A_821 = arith.constant 10 : i32
    %get3A_822 = arith.index_cast %get3A_820 : i32 to index
    %get3A_823 = arith.index_cast %get3A_821 : i32 to index
    %get3A_824 = arith.constant 0 : index
    %get3A_825 = tpu.vector_load %arg5[%get3A_822, %get3A_823, %get3A_824] {strides = array<i32>} : memref<6x32x16xi32, #tpu.memory_space<vmem>>, vector<1x1x16xi32>,
    %get3A_826 = vector.shape_cast %get3A_825 : vector<1x1x16xi32> to vector<16xi32>
    %swap3A_827 = arith.constant 7 : i32
    %swap3A_828 = arith.index_cast %swap3A_827 : i32 to index
    %swap3A_829 = arith.constant 112 : index
    %swap3A_830 = tpu.vector_load %arg6[%swap3A_828, %swap3A_829] {strides = array<i32>} : memref<24x128xi32, #tpu.memory_space<vmem>>, vector<1x16xi32>,
    %swap3A_831 = vector.shape_cast %swap3A_830 : vector<1x16xi32> to vector<16xi32>
    %swap3A_832 = vector.shape_cast %get3A_826 : vector<16xi32> to vector<1x16xi32>
    tpu.vector_store %arg6[%swap3A_828, %swap3A_829], %swap3A_832 {strides = array<i32>} : memref<24x128xi32, #tpu.memory_space<vmem>>, vector<1x16xi32>,
    %get3A_833 = arith.constant 4 : i32
    %get3A_834 = arith.constant 10 : i32
    %get3A_835 = arith.index_cast %get3A_833 : i32 to index
    %get3A_836 = arith.index_cast %get3A_834 : i32 to index
    %get3A_837 = arith.constant 0 : index
    %get3A_838 = tpu.vector_load %arg5[%get3A_835, %get3A_836, %get3A_837] {strides = array<i32>} : memref<6x32x16xi32, #tpu.memory_space<vmem>>, vector<1x1x16xi32>,
    %get3A_839 = vector.shape_cast %get3A_838 : vector<1x1x16xi32> to vector<16xi32>
    %swap3A_840 = arith.constant 8 : i32
    %swap3A_841 = arith.index_cast %swap3A_840 : i32 to index
    %swap3A_842 = arith.constant 0 : index
    %swap3A_843 = tpu.vector_load %arg6[%swap3A_841, %swap3A_842] {strides = array<i32>} : memref<24x128xi32, #tpu.memory_space<vmem>>, vector<1x16xi32>,
    %swap3A_844 = vector.shape_cast %swap3A_843 : vector<1x16xi32> to vector<16xi32>
    %swap3A_845 = vector.shape_cast %get3A_839 : vector<16xi32> to vector<1x16xi32>
    tpu.vector_store %arg6[%swap3A_841, %swap3A_842], %swap3A_845 {strides = array<i32>} : memref<24x128xi32, #tpu.memory_space<vmem>>, vector<1x16xi32>,
    %get3A_846 = arith.constant 5 : i32
    %get3A_847 = arith.constant 10 : i32
    %get3A_848 = arith.index_cast %get3A_846 : i32 to index
    %get3A_849 = arith.index_cast %get3A_847 : i32 to index
    %get3A_850 = arith.constant 0 : index
    %get3A_851 = tpu.vector_load %arg5[%get3A_848, %get3A_849, %get3A_850] {strides = array<i32>} : memref<6x32x16xi32, #tpu.memory_space<vmem>>, vector<1x1x16xi32>,
    %get3A_852 = vector.shape_cast %get3A_851 : vector<1x1x16xi32> to vector<16xi32>
    %swap3A_853 = arith.constant 8 : i32
    %swap3A_854 = arith.index_cast %swap3A_853 : i32 to index
    %swap3A_855 = arith.constant 16 : index
    %swap3A_856 = tpu.vector_load %arg6[%swap3A_854, %swap3A_855] {strides = array<i32>} : memref<24x128xi32, #tpu.memory_space<vmem>>, vector<1x16xi32>,
    %swap3A_857 = vector.shape_cast %swap3A_856 : vector<1x16xi32> to vector<16xi32>
    %swap3A_858 = vector.shape_cast %get3A_852 : vector<16xi32> to vector<1x16xi32>
    tpu.vector_store %arg6[%swap3A_854, %swap3A_855], %swap3A_858 {strides = array<i32>} : memref<24x128xi32, #tpu.memory_space<vmem>>, vector<1x16xi32>,
    %get3A_859 = arith.constant 0 : i32
    %get3A_860 = arith.constant 11 : i32
    %get3A_861 = arith.index_cast %get3A_859 : i32 to index
    %get3A_862 = arith.index_cast %get3A_860 : i32 to index
    %get3A_863 = arith.constant 0 : index
    %get3A_864 = tpu.vector_load %arg5[%get3A_861, %get3A_862, %get3A_863] {strides = array<i32>} : memref<6x32x16xi32, #tpu.memory_space<vmem>>, vector<1x1x16xi32>,
    %get3A_865 = vector.shape_cast %get3A_864 : vector<1x1x16xi32> to vector<16xi32>
    %swap3A_866 = arith.constant 8 : i32
    %swap3A_867 = arith.index_cast %swap3A_866 : i32 to index
    %swap3A_868 = arith.constant 32 : index
    %swap3A_869 = tpu.vector_load %arg6[%swap3A_867, %swap3A_868] {strides = array<i32>} : memref<24x128xi32, #tpu.memory_space<vmem>>, vector<1x16xi32>,
    %swap3A_870 = vector.shape_cast %swap3A_869 : vector<1x16xi32> to vector<16xi32>
    %swap3A_871 = vector.shape_cast %get3A_865 : vector<16xi32> to vector<1x16xi32>
    tpu.vector_store %arg6[%swap3A_867, %swap3A_868], %swap3A_871 {strides = array<i32>} : memref<24x128xi32, #tpu.memory_space<vmem>>, vector<1x16xi32>,
    %get3A_872 = arith.constant 1 : i32
    %get3A_873 = arith.constant 11 : i32
    %get3A_874 = arith.index_cast %get3A_872 : i32 to index
    %get3A_875 = arith.index_cast %get3A_873 : i32 to index
    %get3A_876 = arith.constant 0 : index
    %get3A_877 = tpu.vector_load %arg5[%get3A_874, %get3A_875, %get3A_876] {strides = array<i32>} : memref<6x32x16xi32, #tpu.memory_space<vmem>>, vector<1x1x16xi32>,
    %get3A_878 = vector.shape_cast %get3A_877 : vector<1x1x16xi32> to vector<16xi32>
    %swap3A_879 = arith.constant 8 : i32
    %swap3A_880 = arith.index_cast %swap3A_879 : i32 to index
    %swap3A_881 = arith.constant 48 : index
    %swap3A_882 = tpu.vector_load %arg6[%swap3A_880, %swap3A_881] {strides = array<i32>} : memref<24x128xi32, #tpu.memory_space<vmem>>, vector<1x16xi32>,
    %swap3A_883 = vector.shape_cast %swap3A_882 : vector<1x16xi32> to vector<16xi32>
    %swap3A_884 = vector.shape_cast %get3A_878 : vector<16xi32> to vector<1x16xi32>
    tpu.vector_store %arg6[%swap3A_880, %swap3A_881], %swap3A_884 {strides = array<i32>} : memref<24x128xi32, #tpu.memory_space<vmem>>, vector<1x16xi32>,
    %get3A_885 = arith.constant 2 : i32
    %get3A_886 = arith.constant 11 : i32
    %get3A_887 = arith.index_cast %get3A_885 : i32 to index
    %get3A_888 = arith.index_cast %get3A_886 : i32 to index
    %get3A_889 = arith.constant 0 : index
    %get3A_890 = tpu.vector_load %arg5[%get3A_887, %get3A_888, %get3A_889] {strides = array<i32>} : memref<6x32x16xi32, #tpu.memory_space<vmem>>, vector<1x1x16xi32>,
    %get3A_891 = vector.shape_cast %get3A_890 : vector<1x1x16xi32> to vector<16xi32>
    %swap3A_892 = arith.constant 8 : i32
    %swap3A_893 = arith.index_cast %swap3A_892 : i32 to index
    %swap3A_894 = arith.constant 64 : index
    %swap3A_895 = tpu.vector_load %arg6[%swap3A_893, %swap3A_894] {strides = array<i32>} : memref<24x128xi32, #tpu.memory_space<vmem>>, vector<1x16xi32>,
    %swap3A_896 = vector.shape_cast %swap3A_895 : vector<1x16xi32> to vector<16xi32>
    %swap3A_897 = vector.shape_cast %get3A_891 : vector<16xi32> to vector<1x16xi32>
    tpu.vector_store %arg6[%swap3A_893, %swap3A_894], %swap3A_897 {strides = array<i32>} : memref<24x128xi32, #tpu.memory_space<vmem>>, vector<1x16xi32>,
    %get3A_898 = arith.constant 3 : i32
    %get3A_899 = arith.constant 11 : i32
    %get3A_900 = arith.index_cast %get3A_898 : i32 to index
    %get3A_901 = arith.index_cast %get3A_899 : i32 to index
    %get3A_902 = arith.constant 0 : index
    %get3A_903 = tpu.vector_load %arg5[%get3A_900, %get3A_901, %get3A_902] {strides = array<i32>} : memref<6x32x16xi32, #tpu.memory_space<vmem>>, vector<1x1x16xi32>,
    %get3A_904 = vector.shape_cast %get3A_903 : vector<1x1x16xi32> to vector<16xi32>
    %swap3A_905 = arith.constant 8 : i32
    %swap3A_906 = arith.index_cast %swap3A_905 : i32 to index
    %swap3A_907 = arith.constant 80 : index
    %swap3A_908 = tpu.vector_load %arg6[%swap3A_906, %swap3A_907] {strides = array<i32>} : memref<24x128xi32, #tpu.memory_space<vmem>>, vector<1x16xi32>,
    %swap3A_909 = vector.shape_cast %swap3A_908 : vector<1x16xi32> to vector<16xi32>
    %swap3A_910 = vector.shape_cast %get3A_904 : vector<16xi32> to vector<1x16xi32>
    tpu.vector_store %arg6[%swap3A_906, %swap3A_907], %swap3A_910 {strides = array<i32>} : memref<24x128xi32, #tpu.memory_space<vmem>>, vector<1x16xi32>,
    %get3A_911 = arith.constant 4 : i32
    %get3A_912 = arith.constant 11 : i32
    %get3A_913 = arith.index_cast %get3A_911 : i32 to index
    %get3A_914 = arith.index_cast %get3A_912 : i32 to index
    %get3A_915 = arith.constant 0 : index
    %get3A_916 = tpu.vector_load %arg5[%get3A_913, %get3A_914, %get3A_915] {strides = array<i32>} : memref<6x32x16xi32, #tpu.memory_space<vmem>>, vector<1x1x16xi32>,
    %get3A_917 = vector.shape_cast %get3A_916 : vector<1x1x16xi32> to vector<16xi32>
    %swap3A_918 = arith.constant 8 : i32
    %swap3A_919 = arith.index_cast %swap3A_918 : i32 to index
    %swap3A_920 = arith.constant 96 : index
    %swap3A_921 = tpu.vector_load %arg6[%swap3A_919, %swap3A_920] {strides = array<i32>} : memref<24x128xi32, #tpu.memory_space<vmem>>, vector<1x16xi32>,
    %swap3A_922 = vector.shape_cast %swap3A_921 : vector<1x16xi32> to vector<16xi32>
    %swap3A_923 = vector.shape_cast %get3A_917 : vector<16xi32> to vector<1x16xi32>
    tpu.vector_store %arg6[%swap3A_919, %swap3A_920], %swap3A_923 {strides = array<i32>} : memref<24x128xi32, #tpu.memory_space<vmem>>, vector<1x16xi32>,
    %get3A_924 = arith.constant 5 : i32
    %get3A_925 = arith.constant 11 : i32
    %get3A_926 = arith.index_cast %get3A_924 : i32 to index
    %get3A_927 = arith.index_cast %get3A_925 : i32 to index
    %get3A_928 = arith.constant 0 : index
    %get3A_929 = tpu.vector_load %arg5[%get3A_926, %get3A_927, %get3A_928] {strides = array<i32>} : memref<6x32x16xi32, #tpu.memory_space<vmem>>, vector<1x1x16xi32>,
    %get3A_930 = vector.shape_cast %get3A_929 : vector<1x1x16xi32> to vector<16xi32>
    %swap3A_931 = arith.constant 8 : i32
    %swap3A_932 = arith.index_cast %swap3A_931 : i32 to index
    %swap3A_933 = arith.constant 112 : index
    %swap3A_934 = tpu.vector_load %arg6[%swap3A_932, %swap3A_933] {strides = array<i32>} : memref<24x128xi32, #tpu.memory_space<vmem>>, vector<1x16xi32>,
    %swap3A_935 = vector.shape_cast %swap3A_934 : vector<1x16xi32> to vector<16xi32>
    %swap3A_936 = vector.shape_cast %get3A_930 : vector<16xi32> to vector<1x16xi32>
    tpu.vector_store %arg6[%swap3A_932, %swap3A_933], %swap3A_936 {strides = array<i32>} : memref<24x128xi32, #tpu.memory_space<vmem>>, vector<1x16xi32>,
    %get3A_937 = arith.constant 0 : i32
    %get3A_938 = arith.constant 12 : i32
    %get3A_939 = arith.index_cast %get3A_937 : i32 to index
    %get3A_940 = arith.index_cast %get3A_938 : i32 to index
    %get3A_941 = arith.constant 0 : index
    %get3A_942 = tpu.vector_load %arg5[%get3A_939, %get3A_940, %get3A_941] {strides = array<i32>} : memref<6x32x16xi32, #tpu.memory_space<vmem>>, vector<1x1x16xi32>,
    %get3A_943 = vector.shape_cast %get3A_942 : vector<1x1x16xi32> to vector<16xi32>
    %swap3A_944 = arith.constant 9 : i32
    %swap3A_945 = arith.index_cast %swap3A_944 : i32 to index
    %swap3A_946 = arith.constant 0 : index
    %swap3A_947 = tpu.vector_load %arg6[%swap3A_945, %swap3A_946] {strides = array<i32>} : memref<24x128xi32, #tpu.memory_space<vmem>>, vector<1x16xi32>,
    %swap3A_948 = vector.shape_cast %swap3A_947 : vector<1x16xi32> to vector<16xi32>
    %swap3A_949 = vector.shape_cast %get3A_943 : vector<16xi32> to vector<1x16xi32>
    tpu.vector_store %arg6[%swap3A_945, %swap3A_946], %swap3A_949 {strides = array<i32>} : memref<24x128xi32, #tpu.memory_space<vmem>>, vector<1x16xi32>,
    %get3A_950 = arith.constant 1 : i32
    %get3A_951 = arith.constant 12 : i32
    %get3A_952 = arith.index_cast %get3A_950 : i32 to index
    %get3A_953 = arith.index_cast %get3A_951 : i32 to index
    %get3A_954 = arith.constant 0 : index
    %get3A_955 = tpu.vector_load %arg5[%get3A_952, %get3A_953, %get3A_954] {strides = array<i32>} : memref<6x32x16xi32, #tpu.memory_space<vmem>>, vector<1x1x16xi32>,
    %get3A_956 = vector.shape_cast %get3A_955 : vector<1x1x16xi32> to vector<16xi32>
    %swap3A_957 = arith.constant 9 : i32
    %swap3A_958 = arith.index_cast %swap3A_957 : i32 to index
    %swap3A_959 = arith.constant 16 : index
    %swap3A_960 = tpu.vector_load %arg6[%swap3A_958, %swap3A_959] {strides = array<i32>} : memref<24x128xi32, #tpu.memory_space<vmem>>, vector<1x16xi32>,
    %swap3A_961 = vector.shape_cast %swap3A_960 : vector<1x16xi32> to vector<16xi32>
    %swap3A_962 = vector.shape_cast %get3A_956 : vector<16xi32> to vector<1x16xi32>
    tpu.vector_store %arg6[%swap3A_958, %swap3A_959], %swap3A_962 {strides = array<i32>} : memref<24x128xi32, #tpu.memory_space<vmem>>, vector<1x16xi32>,
    %get3A_963 = arith.constant 2 : i32
    %get3A_964 = arith.constant 12 : i32
    %get3A_965 = arith.index_cast %get3A_963 : i32 to index
    %get3A_966 = arith.index_cast %get3A_964 : i32 to index
    %get3A_967 = arith.constant 0 : index
    %get3A_968 = tpu.vector_load %arg5[%get3A_965, %get3A_966, %get3A_967] {strides = array<i32>} : memref<6x32x16xi32, #tpu.memory_space<vmem>>, vector<1x1x16xi32>,
    %get3A_969 = vector.shape_cast %get3A_968 : vector<1x1x16xi32> to vector<16xi32>
    %swap3A_970 = arith.constant 9 : i32
    %swap3A_971 = arith.index_cast %swap3A_970 : i32 to index
    %swap3A_972 = arith.constant 32 : index
    %swap3A_973 = tpu.vector_load %arg6[%swap3A_971, %swap3A_972] {strides = array<i32>} : memref<24x128xi32, #tpu.memory_space<vmem>>, vector<1x16xi32>,
    %swap3A_974 = vector.shape_cast %swap3A_973 : vector<1x16xi32> to vector<16xi32>
    %swap3A_975 = vector.shape_cast %get3A_969 : vector<16xi32> to vector<1x16xi32>
    tpu.vector_store %arg6[%swap3A_971, %swap3A_972], %swap3A_975 {strides = array<i32>} : memref<24x128xi32, #tpu.memory_space<vmem>>, vector<1x16xi32>,
    %get3A_976 = arith.constant 3 : i32
    %get3A_977 = arith.constant 12 : i32
    %get3A_978 = arith.index_cast %get3A_976 : i32 to index
    %get3A_979 = arith.index_cast %get3A_977 : i32 to index
    %get3A_980 = arith.constant 0 : index
    %get3A_981 = tpu.vector_load %arg5[%get3A_978, %get3A_979, %get3A_980] {strides = array<i32>} : memref<6x32x16xi32, #tpu.memory_space<vmem>>, vector<1x1x16xi32>,
    %get3A_982 = vector.shape_cast %get3A_981 : vector<1x1x16xi32> to vector<16xi32>
    %swap3A_983 = arith.constant 9 : i32
    %swap3A_984 = arith.index_cast %swap3A_983 : i32 to index
    %swap3A_985 = arith.constant 48 : index
    %swap3A_986 = tpu.vector_load %arg6[%swap3A_984, %swap3A_985] {strides = array<i32>} : memref<24x128xi32, #tpu.memory_space<vmem>>, vector<1x16xi32>,
    %swap3A_987 = vector.shape_cast %swap3A_986 : vector<1x16xi32> to vector<16xi32>
    %swap3A_988 = vector.shape_cast %get3A_982 : vector<16xi32> to vector<1x16xi32>
    tpu.vector_store %arg6[%swap3A_984, %swap3A_985], %swap3A_988 {strides = array<i32>} : memref<24x128xi32, #tpu.memory_space<vmem>>, vector<1x16xi32>,
    %get3A_989 = arith.constant 4 : i32
    %get3A_990 = arith.constant 12 : i32
    %get3A_991 = arith.index_cast %get3A_989 : i32 to index
    %get3A_992 = arith.index_cast %get3A_990 : i32 to index
    %get3A_993 = arith.constant 0 : index
    %get3A_994 = tpu.vector_load %arg5[%get3A_991, %get3A_992, %get3A_993] {strides = array<i32>} : memref<6x32x16xi32, #tpu.memory_space<vmem>>, vector<1x1x16xi32>,
    %get3A_995 = vector.shape_cast %get3A_994 : vector<1x1x16xi32> to vector<16xi32>
    %swap3A_996 = arith.constant 9 : i32
    %swap3A_997 = arith.index_cast %swap3A_996 : i32 to index
    %swap3A_998 = arith.constant 64 : index
    %swap3A_999 = tpu.vector_load %arg6[%swap3A_997, %swap3A_998] {strides = array<i32>} : memref<24x128xi32, #tpu.memory_space<vmem>>, vector<1x16xi32>,
    %swap3A_1000 = vector.shape_cast %swap3A_999 : vector<1x16xi32> to vector<16xi32>
    %swap3A_1001 = vector.shape_cast %get3A_995 : vector<16xi32> to vector<1x16xi32>
    tpu.vector_store %arg6[%swap3A_997, %swap3A_998], %swap3A_1001 {strides = array<i32>} : memref<24x128xi32, #tpu.memory_space<vmem>>, vector<1x16xi32>,
    %get3A_1002 = arith.constant 5 : i32
    %get3A_1003 = arith.constant 12 : i32
    %get3A_1004 = arith.index_cast %get3A_1002 : i32 to index
    %get3A_1005 = arith.index_cast %get3A_1003 : i32 to index
    %get3A_1006 = arith.constant 0 : index
    %get3A_1007 = tpu.vector_load %arg5[%get3A_1004, %get3A_1005, %get3A_1006] {strides = array<i32>} : memref<6x32x16xi32, #tpu.memory_space<vmem>>, vector<1x1x16xi32>,
    %get3A_1008 = vector.shape_cast %get3A_1007 : vector<1x1x16xi32> to vector<16xi32>
    %swap3A_1009 = arith.constant 9 : i32
    %swap3A_1010 = arith.index_cast %swap3A_1009 : i32 to index
    %swap3A_1011 = arith.constant 80 : index
    %swap3A_1012 = tpu.vector_load %arg6[%swap3A_1010, %swap3A_1011] {strides = array<i32>} : memref<24x128xi32, #tpu.memory_space<vmem>>, vector<1x16xi32>,
    %swap3A_1013 = vector.shape_cast %swap3A_1012 : vector<1x16xi32> to vector<16xi32>
    %swap3A_1014 = vector.shape_cast %get3A_1008 : vector<16xi32> to vector<1x16xi32>
    tpu.vector_store %arg6[%swap3A_1010, %swap3A_1011], %swap3A_1014 {strides = array<i32>} : memref<24x128xi32, #tpu.memory_space<vmem>>, vector<1x16xi32>,
    %get3A_1015 = arith.constant 0 : i32
    %get3A_1016 = arith.constant 13 : i32
    %get3A_1017 = arith.index_cast %get3A_1015 : i32 to index
    %get3A_1018 = arith.index_cast %get3A_1016 : i32 to index
    %get3A_1019 = arith.constant 0 : index
    %get3A_1020 = tpu.vector_load %arg5[%get3A_1017, %get3A_1018, %get3A_1019] {strides = array<i32>} : memref<6x32x16xi32, #tpu.memory_space<vmem>>, vector<1x1x16xi32>,
    %get3A_1021 = vector.shape_cast %get3A_1020 : vector<1x1x16xi32> to vector<16xi32>
    %swap3A_1022 = arith.constant 9 : i32
    %swap3A_1023 = arith.index_cast %swap3A_1022 : i32 to index
    %swap3A_1024 = arith.constant 96 : index
    %swap3A_1025 = tpu.vector_load %arg6[%swap3A_1023, %swap3A_1024] {strides = array<i32>} : memref<24x128xi32, #tpu.memory_space<vmem>>, vector<1x16xi32>,
    %swap3A_1026 = vector.shape_cast %swap3A_1025 : vector<1x16xi32> to vector<16xi32>
    %swap3A_1027 = vector.shape_cast %get3A_1021 : vector<16xi32> to vector<1x16xi32>
    tpu.vector_store %arg6[%swap3A_1023, %swap3A_1024], %swap3A_1027 {strides = array<i32>} : memref<24x128xi32, #tpu.memory_space<vmem>>, vector<1x16xi32>,
    %get3A_1028 = arith.constant 1 : i32
    %get3A_1029 = arith.constant 13 : i32
    %get3A_1030 = arith.index_cast %get3A_1028 : i32 to index
    %get3A_1031 = arith.index_cast %get3A_1029 : i32 to index
    %get3A_1032 = arith.constant 0 : index
    %get3A_1033 = tpu.vector_load %arg5[%get3A_1030, %get3A_1031, %get3A_1032] {strides = array<i32>} : memref<6x32x16xi32, #tpu.memory_space<vmem>>, vector<1x1x16xi32>,
    %get3A_1034 = vector.shape_cast %get3A_1033 : vector<1x1x16xi32> to vector<16xi32>
    %swap3A_1035 = arith.constant 9 : i32
    %swap3A_1036 = arith.index_cast %swap3A_1035 : i32 to index
    %swap3A_1037 = arith.constant 112 : index
    %swap3A_1038 = tpu.vector_load %arg6[%swap3A_1036, %swap3A_1037] {strides = array<i32>} : memref<24x128xi32, #tpu.memory_space<vmem>>, vector<1x16xi32>,
    %swap3A_1039 = vector.shape_cast %swap3A_1038 : vector<1x16xi32> to vector<16xi32>
    %swap3A_1040 = vector.shape_cast %get3A_1034 : vector<16xi32> to vector<1x16xi32>
    tpu.vector_store %arg6[%swap3A_1036, %swap3A_1037], %swap3A_1040 {strides = array<i32>} : memref<24x128xi32, #tpu.memory_space<vmem>>, vector<1x16xi32>,
    %get3A_1041 = arith.constant 2 : i32
    %get3A_1042 = arith.constant 13 : i32
    %get3A_1043 = arith.index_cast %get3A_1041 : i32 to index
    %get3A_1044 = arith.index_cast %get3A_1042 : i32 to index
    %get3A_1045 = arith.constant 0 : index
    %get3A_1046 = tpu.vector_load %arg5[%get3A_1043, %get3A_1044, %get3A_1045] {strides = array<i32>} : memref<6x32x16xi32, #tpu.memory_space<vmem>>, vector<1x1x16xi32>,
    %get3A_1047 = vector.shape_cast %get3A_1046 : vector<1x1x16xi32> to vector<16xi32>
    %swap3A_1048 = arith.constant 10 : i32
    %swap3A_1049 = arith.index_cast %swap3A_1048 : i32 to index
    %swap3A_1050 = arith.constant 0 : index
    %swap3A_1051 = tpu.vector_load %arg6[%swap3A_1049, %swap3A_1050] {strides = array<i32>} : memref<24x128xi32, #tpu.memory_space<vmem>>, vector<1x16xi32>,
    %swap3A_1052 = vector.shape_cast %swap3A_1051 : vector<1x16xi32> to vector<16xi32>
    %swap3A_1053 = vector.shape_cast %get3A_1047 : vector<16xi32> to vector<1x16xi32>
    tpu.vector_store %arg6[%swap3A_1049, %swap3A_1050], %swap3A_1053 {strides = array<i32>} : memref<24x128xi32, #tpu.memory_space<vmem>>, vector<1x16xi32>,
    %get3A_1054 = arith.constant 3 : i32
    %get3A_1055 = arith.constant 13 : i32
    %get3A_1056 = arith.index_cast %get3A_1054 : i32 to index
    %get3A_1057 = arith.index_cast %get3A_1055 : i32 to index
    %get3A_1058 = arith.constant 0 : index
    %get3A_1059 = tpu.vector_load %arg5[%get3A_1056, %get3A_1057, %get3A_1058] {strides = array<i32>} : memref<6x32x16xi32, #tpu.memory_space<vmem>>, vector<1x1x16xi32>,
    %get3A_1060 = vector.shape_cast %get3A_1059 : vector<1x1x16xi32> to vector<16xi32>
    %swap3A_1061 = arith.constant 10 : i32
    %swap3A_1062 = arith.index_cast %swap3A_1061 : i32 to index
    %swap3A_1063 = arith.constant 16 : index
    %swap3A_1064 = tpu.vector_load %arg6[%swap3A_1062, %swap3A_1063] {strides = array<i32>} : memref<24x128xi32, #tpu.memory_space<vmem>>, vector<1x16xi32>,
    %swap3A_1065 = vector.shape_cast %swap3A_1064 : vector<1x16xi32> to vector<16xi32>
    %swap3A_1066 = vector.shape_cast %get3A_1060 : vector<16xi32> to vector<1x16xi32>
    tpu.vector_store %arg6[%swap3A_1062, %swap3A_1063], %swap3A_1066 {strides = array<i32>} : memref<24x128xi32, #tpu.memory_space<vmem>>, vector<1x16xi32>,
    %get3A_1067 = arith.constant 4 : i32
    %get3A_1068 = arith.constant 13 : i32
    %get3A_1069 = arith.index_cast %get3A_1067 : i32 to index
    %get3A_1070 = arith.index_cast %get3A_1068 : i32 to index
    %get3A_1071 = arith.constant 0 : index
    %get3A_1072 = tpu.vector_load %arg5[%get3A_1069, %get3A_1070, %get3A_1071] {strides = array<i32>} : memref<6x32x16xi32, #tpu.memory_space<vmem>>, vector<1x1x16xi32>,
    %get3A_1073 = vector.shape_cast %get3A_1072 : vector<1x1x16xi32> to vector<16xi32>
    %swap3A_1074 = arith.constant 10 : i32
    %swap3A_1075 = arith.index_cast %swap3A_1074 : i32 to index
    %swap3A_1076 = arith.constant 32 : index
    %swap3A_1077 = tpu.vector_load %arg6[%swap3A_1075, %swap3A_1076] {strides = array<i32>} : memref<24x128xi32, #tpu.memory_space<vmem>>, vector<1x16xi32>,
    %swap3A_1078 = vector.shape_cast %swap3A_1077 : vector<1x16xi32> to vector<16xi32>
    %swap3A_1079 = vector.shape_cast %get3A_1073 : vector<16xi32> to vector<1x16xi32>
    tpu.vector_store %arg6[%swap3A_1075, %swap3A_1076], %swap3A_1079 {strides = array<i32>} : memref<24x128xi32, #tpu.memory_space<vmem>>, vector<1x16xi32>,
    %get3A_1080 = arith.constant 5 : i32
    %get3A_1081 = arith.constant 13 : i32
    %get3A_1082 = arith.index_cast %get3A_1080 : i32 to index
    %get3A_1083 = arith.index_cast %get3A_1081 : i32 to index
    %get3A_1084 = arith.constant 0 : index
    %get3A_1085 = tpu.vector_load %arg5[%get3A_1082, %get3A_1083, %get3A_1084] {strides = array<i32>} : memref<6x32x16xi32, #tpu.memory_space<vmem>>, vector<1x1x16xi32>,
    %get3A_1086 = vector.shape_cast %get3A_1085 : vector<1x1x16xi32> to vector<16xi32>
    %swap3A_1087 = arith.constant 10 : i32
    %swap3A_1088 = arith.index_cast %swap3A_1087 : i32 to index
    %swap3A_1089 = arith.constant 48 : index
    %swap3A_1090 = tpu.vector_load %arg6[%swap3A_1088, %swap3A_1089] {strides = array<i32>} : memref<24x128xi32, #tpu.memory_space<vmem>>, vector<1x16xi32>,
    %swap3A_1091 = vector.shape_cast %swap3A_1090 : vector<1x16xi32> to vector<16xi32>
    %swap3A_1092 = vector.shape_cast %get3A_1086 : vector<16xi32> to vector<1x16xi32>
    tpu.vector_store %arg6[%swap3A_1088, %swap3A_1089], %swap3A_1092 {strides = array<i32>} : memref<24x128xi32, #tpu.memory_space<vmem>>, vector<1x16xi32>,
    %get3A_1093 = arith.constant 0 : i32
    %get3A_1094 = arith.constant 14 : i32
    %get3A_1095 = arith.index_cast %get3A_1093 : i32 to index
    %get3A_1096 = arith.index_cast %get3A_1094 : i32 to index
    %get3A_1097 = arith.constant 0 : index
    %get3A_1098 = tpu.vector_load %arg5[%get3A_1095, %get3A_1096, %get3A_1097] {strides = array<i32>} : memref<6x32x16xi32, #tpu.memory_space<vmem>>, vector<1x1x16xi32>,
    %get3A_1099 = vector.shape_cast %get3A_1098 : vector<1x1x16xi32> to vector<16xi32>
    %swap3A_1100 = arith.constant 10 : i32
    %swap3A_1101 = arith.index_cast %swap3A_1100 : i32 to index
    %swap3A_1102 = arith.constant 64 : index
    %swap3A_1103 = tpu.vector_load %arg6[%swap3A_1101, %swap3A_1102] {strides = array<i32>} : memref<24x128xi32, #tpu.memory_space<vmem>>, vector<1x16xi32>,
    %swap3A_1104 = vector.shape_cast %swap3A_1103 : vector<1x16xi32> to vector<16xi32>
    %swap3A_1105 = vector.shape_cast %get3A_1099 : vector<16xi32> to vector<1x16xi32>
    tpu.vector_store %arg6[%swap3A_1101, %swap3A_1102], %swap3A_1105 {strides = array<i32>} : memref<24x128xi32, #tpu.memory_space<vmem>>, vector<1x16xi32>,
    %get3A_1106 = arith.constant 1 : i32
    %get3A_1107 = arith.constant 14 : i32
    %get3A_1108 = arith.index_cast %get3A_1106 : i32 to index
    %get3A_1109 = arith.index_cast %get3A_1107 : i32 to index
    %get3A_1110 = arith.constant 0 : index
    %get3A_1111 = tpu.vector_load %arg5[%get3A_1108, %get3A_1109, %get3A_1110] {strides = array<i32>} : memref<6x32x16xi32, #tpu.memory_space<vmem>>, vector<1x1x16xi32>,
    %get3A_1112 = vector.shape_cast %get3A_1111 : vector<1x1x16xi32> to vector<16xi32>
    %swap3A_1113 = arith.constant 10 : i32
    %swap3A_1114 = arith.index_cast %swap3A_1113 : i32 to index
    %swap3A_1115 = arith.constant 80 : index
    %swap3A_1116 = tpu.vector_load %arg6[%swap3A_1114, %swap3A_1115] {strides = array<i32>} : memref<24x128xi32, #tpu.memory_space<vmem>>, vector<1x16xi32>,
    %swap3A_1117 = vector.shape_cast %swap3A_1116 : vector<1x16xi32> to vector<16xi32>
    %swap3A_1118 = vector.shape_cast %get3A_1112 : vector<16xi32> to vector<1x16xi32>
    tpu.vector_store %arg6[%swap3A_1114, %swap3A_1115], %swap3A_1118 {strides = array<i32>} : memref<24x128xi32, #tpu.memory_space<vmem>>, vector<1x16xi32>,
    %get3A_1119 = arith.constant 2 : i32
    %get3A_1120 = arith.constant 14 : i32
    %get3A_1121 = arith.index_cast %get3A_1119 : i32 to index
    %get3A_1122 = arith.index_cast %get3A_1120 : i32 to index
    %get3A_1123 = arith.constant 0 : index
    %get3A_1124 = tpu.vector_load %arg5[%get3A_1121, %get3A_1122, %get3A_1123] {strides = array<i32>} : memref<6x32x16xi32, #tpu.memory_space<vmem>>, vector<1x1x16xi32>,
    %get3A_1125 = vector.shape_cast %get3A_1124 : vector<1x1x16xi32> to vector<16xi32>
    %swap3A_1126 = arith.constant 10 : i32
    %swap3A_1127 = arith.index_cast %swap3A_1126 : i32 to index
    %swap3A_1128 = arith.constant 96 : index
    %swap3A_1129 = tpu.vector_load %arg6[%swap3A_1127, %swap3A_1128] {strides = array<i32>} : memref<24x128xi32, #tpu.memory_space<vmem>>, vector<1x16xi32>,
    %swap3A_1130 = vector.shape_cast %swap3A_1129 : vector<1x16xi32> to vector<16xi32>
    %swap3A_1131 = vector.shape_cast %get3A_1125 : vector<16xi32> to vector<1x16xi32>
    tpu.vector_store %arg6[%swap3A_1127, %swap3A_1128], %swap3A_1131 {strides = array<i32>} : memref<24x128xi32, #tpu.memory_space<vmem>>, vector<1x16xi32>,
    %get3A_1132 = arith.constant 3 : i32
    %get3A_1133 = arith.constant 14 : i32
    %get3A_1134 = arith.index_cast %get3A_1132 : i32 to index
    %get3A_1135 = arith.index_cast %get3A_1133 : i32 to index
    %get3A_1136 = arith.constant 0 : index
    %get3A_1137 = tpu.vector_load %arg5[%get3A_1134, %get3A_1135, %get3A_1136] {strides = array<i32>} : memref<6x32x16xi32, #tpu.memory_space<vmem>>, vector<1x1x16xi32>,
    %get3A_1138 = vector.shape_cast %get3A_1137 : vector<1x1x16xi32> to vector<16xi32>
    %swap3A_1139 = arith.constant 10 : i32
    %swap3A_1140 = arith.index_cast %swap3A_1139 : i32 to index
    %swap3A_1141 = arith.constant 112 : index
    %swap3A_1142 = tpu.vector_load %arg6[%swap3A_1140, %swap3A_1141] {strides = array<i32>} : memref<24x128xi32, #tpu.memory_space<vmem>>, vector<1x16xi32>,
    %swap3A_1143 = vector.shape_cast %swap3A_1142 : vector<1x16xi32> to vector<16xi32>
    %swap3A_1144 = vector.shape_cast %get3A_1138 : vector<16xi32> to vector<1x16xi32>
    tpu.vector_store %arg6[%swap3A_1140, %swap3A_1141], %swap3A_1144 {strides = array<i32>} : memref<24x128xi32, #tpu.memory_space<vmem>>, vector<1x16xi32>,
    %get3A_1145 = arith.constant 4 : i32
    %get3A_1146 = arith.constant 14 : i32
    %get3A_1147 = arith.index_cast %get3A_1145 : i32 to index
    %get3A_1148 = arith.index_cast %get3A_1146 : i32 to index
    %get3A_1149 = arith.constant 0 : index
    %get3A_1150 = tpu.vector_load %arg5[%get3A_1147, %get3A_1148, %get3A_1149] {strides = array<i32>} : memref<6x32x16xi32, #tpu.memory_space<vmem>>, vector<1x1x16xi32>,
    %get3A_1151 = vector.shape_cast %get3A_1150 : vector<1x1x16xi32> to vector<16xi32>
    %swap3A_1152 = arith.constant 11 : i32
    %swap3A_1153 = arith.index_cast %swap3A_1152 : i32 to index
    %swap3A_1154 = arith.constant 0 : index
    %swap3A_1155 = tpu.vector_load %arg6[%swap3A_1153, %swap3A_1154] {strides = array<i32>} : memref<24x128xi32, #tpu.memory_space<vmem>>, vector<1x16xi32>,
    %swap3A_1156 = vector.shape_cast %swap3A_1155 : vector<1x16xi32> to vector<16xi32>
    %swap3A_1157 = vector.shape_cast %get3A_1151 : vector<16xi32> to vector<1x16xi32>
    tpu.vector_store %arg6[%swap3A_1153, %swap3A_1154], %swap3A_1157 {strides = array<i32>} : memref<24x128xi32, #tpu.memory_space<vmem>>, vector<1x16xi32>,
    %get3A_1158 = arith.constant 5 : i32
    %get3A_1159 = arith.constant 14 : i32
    %get3A_1160 = arith.index_cast %get3A_1158 : i32 to index
    %get3A_1161 = arith.index_cast %get3A_1159 : i32 to index
    %get3A_1162 = arith.constant 0 : index
    %get3A_1163 = tpu.vector_load %arg5[%get3A_1160, %get3A_1161, %get3A_1162] {strides = array<i32>} : memref<6x32x16xi32, #tpu.memory_space<vmem>>, vector<1x1x16xi32>,
    %get3A_1164 = vector.shape_cast %get3A_1163 : vector<1x1x16xi32> to vector<16xi32>
    %swap3A_1165 = arith.constant 11 : i32
    %swap3A_1166 = arith.index_cast %swap3A_1165 : i32 to index
    %swap3A_1167 = arith.constant 16 : index
    %swap3A_1168 = tpu.vector_load %arg6[%swap3A_1166, %swap3A_1167] {strides = array<i32>} : memref<24x128xi32, #tpu.memory_space<vmem>>, vector<1x16xi32>,
    %swap3A_1169 = vector.shape_cast %swap3A_1168 : vector<1x16xi32> to vector<16xi32>
    %swap3A_1170 = vector.shape_cast %get3A_1164 : vector<16xi32> to vector<1x16xi32>
    tpu.vector_store %arg6[%swap3A_1166, %swap3A_1167], %swap3A_1170 {strides = array<i32>} : memref<24x128xi32, #tpu.memory_space<vmem>>, vector<1x16xi32>,
    %get3A_1171 = arith.constant 0 : i32
    %get3A_1172 = arith.constant 15 : i32
    %get3A_1173 = arith.index_cast %get3A_1171 : i32 to index
    %get3A_1174 = arith.index_cast %get3A_1172 : i32 to index
    %get3A_1175 = arith.constant 0 : index
    %get3A_1176 = tpu.vector_load %arg5[%get3A_1173, %get3A_1174, %get3A_1175] {strides = array<i32>} : memref<6x32x16xi32, #tpu.memory_space<vmem>>, vector<1x1x16xi32>,
    %get3A_1177 = vector.shape_cast %get3A_1176 : vector<1x1x16xi32> to vector<16xi32>
    %swap3A_1178 = arith.constant 11 : i32
    %swap3A_1179 = arith.index_cast %swap3A_1178 : i32 to index
    %swap3A_1180 = arith.constant 32 : index
    %swap3A_1181 = tpu.vector_load %arg6[%swap3A_1179, %swap3A_1180] {strides = array<i32>} : memref<24x128xi32, #tpu.memory_space<vmem>>, vector<1x16xi32>,
    %swap3A_1182 = vector.shape_cast %swap3A_1181 : vector<1x16xi32> to vector<16xi32>
    %swap3A_1183 = vector.shape_cast %get3A_1177 : vector<16xi32> to vector<1x16xi32>
    tpu.vector_store %arg6[%swap3A_1179, %swap3A_1180], %swap3A_1183 {strides = array<i32>} : memref<24x128xi32, #tpu.memory_space<vmem>>, vector<1x16xi32>,
    %get3A_1184 = arith.constant 1 : i32
    %get3A_1185 = arith.constant 15 : i32
    %get3A_1186 = arith.index_cast %get3A_1184 : i32 to index
    %get3A_1187 = arith.index_cast %get3A_1185 : i32 to index
    %get3A_1188 = arith.constant 0 : index
    %get3A_1189 = tpu.vector_load %arg5[%get3A_1186, %get3A_1187, %get3A_1188] {strides = array<i32>} : memref<6x32x16xi32, #tpu.memory_space<vmem>>, vector<1x1x16xi32>,
    %get3A_1190 = vector.shape_cast %get3A_1189 : vector<1x1x16xi32> to vector<16xi32>
    %swap3A_1191 = arith.constant 11 : i32
    %swap3A_1192 = arith.index_cast %swap3A_1191 : i32 to index
    %swap3A_1193 = arith.constant 48 : index
    %swap3A_1194 = tpu.vector_load %arg6[%swap3A_1192, %swap3A_1193] {strides = array<i32>} : memref<24x128xi32, #tpu.memory_space<vmem>>, vector<1x16xi32>,
    %swap3A_1195 = vector.shape_cast %swap3A_1194 : vector<1x16xi32> to vector<16xi32>
    %swap3A_1196 = vector.shape_cast %get3A_1190 : vector<16xi32> to vector<1x16xi32>
    tpu.vector_store %arg6[%swap3A_1192, %swap3A_1193], %swap3A_1196 {strides = array<i32>} : memref<24x128xi32, #tpu.memory_space<vmem>>, vector<1x16xi32>,
    %get3A_1197 = arith.constant 2 : i32
    %get3A_1198 = arith.constant 15 : i32
    %get3A_1199 = arith.index_cast %get3A_1197 : i32 to index
    %get3A_1200 = arith.index_cast %get3A_1198 : i32 to index
    %get3A_1201 = arith.constant 0 : index
    %get3A_1202 = tpu.vector_load %arg5[%get3A_1199, %get3A_1200, %get3A_1201] {strides = array<i32>} : memref<6x32x16xi32, #tpu.memory_space<vmem>>, vector<1x1x16xi32>,
    %get3A_1203 = vector.shape_cast %get3A_1202 : vector<1x1x16xi32> to vector<16xi32>
    %swap3A_1204 = arith.constant 11 : i32
    %swap3A_1205 = arith.index_cast %swap3A_1204 : i32 to index
    %swap3A_1206 = arith.constant 64 : index
    %swap3A_1207 = tpu.vector_load %arg6[%swap3A_1205, %swap3A_1206] {strides = array<i32>} : memref<24x128xi32, #tpu.memory_space<vmem>>, vector<1x16xi32>,
    %swap3A_1208 = vector.shape_cast %swap3A_1207 : vector<1x16xi32> to vector<16xi32>
    %swap3A_1209 = vector.shape_cast %get3A_1203 : vector<16xi32> to vector<1x16xi32>
    tpu.vector_store %arg6[%swap3A_1205, %swap3A_1206], %swap3A_1209 {strides = array<i32>} : memref<24x128xi32, #tpu.memory_space<vmem>>, vector<1x16xi32>,
    %get3A_1210 = arith.constant 3 : i32
    %get3A_1211 = arith.constant 15 : i32
    %get3A_1212 = arith.index_cast %get3A_1210 : i32 to index
    %get3A_1213 = arith.index_cast %get3A_1211 : i32 to index
    %get3A_1214 = arith.constant 0 : index
    %get3A_1215 = tpu.vector_load %arg5[%get3A_1212, %get3A_1213, %get3A_1214] {strides = array<i32>} : memref<6x32x16xi32, #tpu.memory_space<vmem>>, vector<1x1x16xi32>,
    %get3A_1216 = vector.shape_cast %get3A_1215 : vector<1x1x16xi32> to vector<16xi32>
    %swap3A_1217 = arith.constant 11 : i32
    %swap3A_1218 = arith.index_cast %swap3A_1217 : i32 to index
    %swap3A_1219 = arith.constant 80 : index
    %swap3A_1220 = tpu.vector_load %arg6[%swap3A_1218, %swap3A_1219] {strides = array<i32>} : memref<24x128xi32, #tpu.memory_space<vmem>>, vector<1x16xi32>,
    %swap3A_1221 = vector.shape_cast %swap3A_1220 : vector<1x16xi32> to vector<16xi32>
    %swap3A_1222 = vector.shape_cast %get3A_1216 : vector<16xi32> to vector<1x16xi32>
    tpu.vector_store %arg6[%swap3A_1218, %swap3A_1219], %swap3A_1222 {strides = array<i32>} : memref<24x128xi32, #tpu.memory_space<vmem>>, vector<1x16xi32>,
    %get3A_1223 = arith.constant 4 : i32
    %get3A_1224 = arith.constant 15 : i32
    %get3A_1225 = arith.index_cast %get3A_1223 : i32 to index
    %get3A_1226 = arith.index_cast %get3A_1224 : i32 to index
    %get3A_1227 = arith.constant 0 : index
    %get3A_1228 = tpu.vector_load %arg5[%get3A_1225, %get3A_1226, %get3A_1227] {strides = array<i32>} : memref<6x32x16xi32, #tpu.memory_space<vmem>>, vector<1x1x16xi32>,
    %get3A_1229 = vector.shape_cast %get3A_1228 : vector<1x1x16xi32> to vector<16xi32>
    %swap3A_1230 = arith.constant 11 : i32
    %swap3A_1231 = arith.index_cast %swap3A_1230 : i32 to index
    %swap3A_1232 = arith.constant 96 : index
    %swap3A_1233 = tpu.vector_load %arg6[%swap3A_1231, %swap3A_1232] {strides = array<i32>} : memref<24x128xi32, #tpu.memory_space<vmem>>, vector<1x16xi32>,
    %swap3A_1234 = vector.shape_cast %swap3A_1233 : vector<1x16xi32> to vector<16xi32>
    %swap3A_1235 = vector.shape_cast %get3A_1229 : vector<16xi32> to vector<1x16xi32>
    tpu.vector_store %arg6[%swap3A_1231, %swap3A_1232], %swap3A_1235 {strides = array<i32>} : memref<24x128xi32, #tpu.memory_space<vmem>>, vector<1x16xi32>,
    %get3A_1236 = arith.constant 5 : i32
    %get3A_1237 = arith.constant 15 : i32
    %get3A_1238 = arith.index_cast %get3A_1236 : i32 to index
    %get3A_1239 = arith.index_cast %get3A_1237 : i32 to index
    %get3A_1240 = arith.constant 0 : index
    %get3A_1241 = tpu.vector_load %arg5[%get3A_1238, %get3A_1239, %get3A_1240] {strides = array<i32>} : memref<6x32x16xi32, #tpu.memory_space<vmem>>, vector<1x1x16xi32>,
    %get3A_1242 = vector.shape_cast %get3A_1241 : vector<1x1x16xi32> to vector<16xi32>
    %swap3A_1243 = arith.constant 11 : i32
    %swap3A_1244 = arith.index_cast %swap3A_1243 : i32 to index
    %swap3A_1245 = arith.constant 112 : index
    %swap3A_1246 = tpu.vector_load %arg6[%swap3A_1244, %swap3A_1245] {strides = array<i32>} : memref<24x128xi32, #tpu.memory_space<vmem>>, vector<1x16xi32>,
    %swap3A_1247 = vector.shape_cast %swap3A_1246 : vector<1x16xi32> to vector<16xi32>
    %swap3A_1248 = vector.shape_cast %get3A_1242 : vector<16xi32> to vector<1x16xi32>
    tpu.vector_store %arg6[%swap3A_1244, %swap3A_1245], %swap3A_1248 {strides = array<i32>} : memref<24x128xi32, #tpu.memory_space<vmem>>, vector<1x16xi32>,
    %get3A_1249 = arith.constant 0 : i32
    %get3A_1250 = arith.constant 16 : i32
    %get3A_1251 = arith.index_cast %get3A_1249 : i32 to index
    %get3A_1252 = arith.index_cast %get3A_1250 : i32 to index
    %get3A_1253 = arith.constant 0 : index
    %get3A_1254 = tpu.vector_load %arg5[%get3A_1251, %get3A_1252, %get3A_1253] {strides = array<i32>} : memref<6x32x16xi32, #tpu.memory_space<vmem>>, vector<1x1x16xi32>,
    %get3A_1255 = vector.shape_cast %get3A_1254 : vector<1x1x16xi32> to vector<16xi32>
    %swap3A_1256 = arith.constant 12 : i32
    %swap3A_1257 = arith.index_cast %swap3A_1256 : i32 to index
    %swap3A_1258 = arith.constant 0 : index
    %swap3A_1259 = tpu.vector_load %arg6[%swap3A_1257, %swap3A_1258] {strides = array<i32>} : memref<24x128xi32, #tpu.memory_space<vmem>>, vector<1x16xi32>,
    %swap3A_1260 = vector.shape_cast %swap3A_1259 : vector<1x16xi32> to vector<16xi32>
    %swap3A_1261 = vector.shape_cast %get3A_1255 : vector<16xi32> to vector<1x16xi32>
    tpu.vector_store %arg6[%swap3A_1257, %swap3A_1258], %swap3A_1261 {strides = array<i32>} : memref<24x128xi32, #tpu.memory_space<vmem>>, vector<1x16xi32>,
    %get3A_1262 = arith.constant 1 : i32
    %get3A_1263 = arith.constant 16 : i32
    %get3A_1264 = arith.index_cast %get3A_1262 : i32 to index
    %get3A_1265 = arith.index_cast %get3A_1263 : i32 to index
    %get3A_1266 = arith.constant 0 : index
    %get3A_1267 = tpu.vector_load %arg5[%get3A_1264, %get3A_1265, %get3A_1266] {strides = array<i32>} : memref<6x32x16xi32, #tpu.memory_space<vmem>>, vector<1x1x16xi32>,
    %get3A_1268 = vector.shape_cast %get3A_1267 : vector<1x1x16xi32> to vector<16xi32>
    %swap3A_1269 = arith.constant 12 : i32
    %swap3A_1270 = arith.index_cast %swap3A_1269 : i32 to index
    %swap3A_1271 = arith.constant 16 : index
    %swap3A_1272 = tpu.vector_load %arg6[%swap3A_1270, %swap3A_1271] {strides = array<i32>} : memref<24x128xi32, #tpu.memory_space<vmem>>, vector<1x16xi32>,
    %swap3A_1273 = vector.shape_cast %swap3A_1272 : vector<1x16xi32> to vector<16xi32>
    %swap3A_1274 = vector.shape_cast %get3A_1268 : vector<16xi32> to vector<1x16xi32>
    tpu.vector_store %arg6[%swap3A_1270, %swap3A_1271], %swap3A_1274 {strides = array<i32>} : memref<24x128xi32, #tpu.memory_space<vmem>>, vector<1x16xi32>,
    %get3A_1275 = arith.constant 2 : i32
    %get3A_1276 = arith.constant 16 : i32
    %get3A_1277 = arith.index_cast %get3A_1275 : i32 to index
    %get3A_1278 = arith.index_cast %get3A_1276 : i32 to index
    %get3A_1279 = arith.constant 0 : index
    %get3A_1280 = tpu.vector_load %arg5[%get3A_1277, %get3A_1278, %get3A_1279] {strides = array<i32>} : memref<6x32x16xi32, #tpu.memory_space<vmem>>, vector<1x1x16xi32>,
    %get3A_1281 = vector.shape_cast %get3A_1280 : vector<1x1x16xi32> to vector<16xi32>
    %swap3A_1282 = arith.constant 12 : i32
    %swap3A_1283 = arith.index_cast %swap3A_1282 : i32 to index
    %swap3A_1284 = arith.constant 32 : index
    %swap3A_1285 = tpu.vector_load %arg6[%swap3A_1283, %swap3A_1284] {strides = array<i32>} : memref<24x128xi32, #tpu.memory_space<vmem>>, vector<1x16xi32>,
    %swap3A_1286 = vector.shape_cast %swap3A_1285 : vector<1x16xi32> to vector<16xi32>
    %swap3A_1287 = vector.shape_cast %get3A_1281 : vector<16xi32> to vector<1x16xi32>
    tpu.vector_store %arg6[%swap3A_1283, %swap3A_1284], %swap3A_1287 {strides = array<i32>} : memref<24x128xi32, #tpu.memory_space<vmem>>, vector<1x16xi32>,
    %get3A_1288 = arith.constant 3 : i32
    %get3A_1289 = arith.constant 16 : i32
    %get3A_1290 = arith.index_cast %get3A_1288 : i32 to index
    %get3A_1291 = arith.index_cast %get3A_1289 : i32 to index
    %get3A_1292 = arith.constant 0 : index
    %get3A_1293 = tpu.vector_load %arg5[%get3A_1290, %get3A_1291, %get3A_1292] {strides = array<i32>} : memref<6x32x16xi32, #tpu.memory_space<vmem>>, vector<1x1x16xi32>,
    %get3A_1294 = vector.shape_cast %get3A_1293 : vector<1x1x16xi32> to vector<16xi32>
    %swap3A_1295 = arith.constant 12 : i32
    %swap3A_1296 = arith.index_cast %swap3A_1295 : i32 to index
    %swap3A_1297 = arith.constant 48 : index
    %swap3A_1298 = tpu.vector_load %arg6[%swap3A_1296, %swap3A_1297] {strides = array<i32>} : memref<24x128xi32, #tpu.memory_space<vmem>>, vector<1x16xi32>,
    %swap3A_1299 = vector.shape_cast %swap3A_1298 : vector<1x16xi32> to vector<16xi32>
    %swap3A_1300 = vector.shape_cast %get3A_1294 : vector<16xi32> to vector<1x16xi32>
    tpu.vector_store %arg6[%swap3A_1296, %swap3A_1297], %swap3A_1300 {strides = array<i32>} : memref<24x128xi32, #tpu.memory_space<vmem>>, vector<1x16xi32>,
    %get3A_1301 = arith.constant 4 : i32
    %get3A_1302 = arith.constant 16 : i32
    %get3A_1303 = arith.index_cast %get3A_1301 : i32 to index
    %get3A_1304 = arith.index_cast %get3A_1302 : i32 to index
    %get3A_1305 = arith.constant 0 : index
    %get3A_1306 = tpu.vector_load %arg5[%get3A_1303, %get3A_1304, %get3A_1305] {strides = array<i32>} : memref<6x32x16xi32, #tpu.memory_space<vmem>>, vector<1x1x16xi32>,
    %get3A_1307 = vector.shape_cast %get3A_1306 : vector<1x1x16xi32> to vector<16xi32>
    %swap3A_1308 = arith.constant 12 : i32
    %swap3A_1309 = arith.index_cast %swap3A_1308 : i32 to index
    %swap3A_1310 = arith.constant 64 : index
    %swap3A_1311 = tpu.vector_load %arg6[%swap3A_1309, %swap3A_1310] {strides = array<i32>} : memref<24x128xi32, #tpu.memory_space<vmem>>, vector<1x16xi32>,
    %swap3A_1312 = vector.shape_cast %swap3A_1311 : vector<1x16xi32> to vector<16xi32>
    %swap3A_1313 = vector.shape_cast %get3A_1307 : vector<16xi32> to vector<1x16xi32>
    tpu.vector_store %arg6[%swap3A_1309, %swap3A_1310], %swap3A_1313 {strides = array<i32>} : memref<24x128xi32, #tpu.memory_space<vmem>>, vector<1x16xi32>,
    %get3A_1314 = arith.constant 5 : i32
    %get3A_1315 = arith.constant 16 : i32
    %get3A_1316 = arith.index_cast %get3A_1314 : i32 to index
    %get3A_1317 = arith.index_cast %get3A_1315 : i32 to index
    %get3A_1318 = arith.constant 0 : index
    %get3A_1319 = tpu.vector_load %arg5[%get3A_1316, %get3A_1317, %get3A_1318] {strides = array<i32>} : memref<6x32x16xi32, #tpu.memory_space<vmem>>, vector<1x1x16xi32>,
    %get3A_1320 = vector.shape_cast %get3A_1319 : vector<1x1x16xi32> to vector<16xi32>
    %swap3A_1321 = arith.constant 12 : i32
    %swap3A_1322 = arith.index_cast %swap3A_1321 : i32 to index
    %swap3A_1323 = arith.constant 80 : index
    %swap3A_1324 = tpu.vector_load %arg6[%swap3A_1322, %swap3A_1323] {strides = array<i32>} : memref<24x128xi32, #tpu.memory_space<vmem>>, vector<1x16xi32>,
    %swap3A_1325 = vector.shape_cast %swap3A_1324 : vector<1x16xi32> to vector<16xi32>
    %swap3A_1326 = vector.shape_cast %get3A_1320 : vector<16xi32> to vector<1x16xi32>
    tpu.vector_store %arg6[%swap3A_1322, %swap3A_1323], %swap3A_1326 {strides = array<i32>} : memref<24x128xi32, #tpu.memory_space<vmem>>, vector<1x16xi32>,
    %get3A_1327 = arith.constant 0 : i32
    %get3A_1328 = arith.constant 17 : i32
    %get3A_1329 = arith.index_cast %get3A_1327 : i32 to index
    %get3A_1330 = arith.index_cast %get3A_1328 : i32 to index
    %get3A_1331 = arith.constant 0 : index
    %get3A_1332 = tpu.vector_load %arg5[%get3A_1329, %get3A_1330, %get3A_1331] {strides = array<i32>} : memref<6x32x16xi32, #tpu.memory_space<vmem>>, vector<1x1x16xi32>,
    %get3A_1333 = vector.shape_cast %get3A_1332 : vector<1x1x16xi32> to vector<16xi32>
    %swap3A_1334 = arith.constant 12 : i32
    %swap3A_1335 = arith.index_cast %swap3A_1334 : i32 to index
    %swap3A_1336 = arith.constant 96 : index
    %swap3A_1337 = tpu.vector_load %arg6[%swap3A_1335, %swap3A_1336] {strides = array<i32>} : memref<24x128xi32, #tpu.memory_space<vmem>>, vector<1x16xi32>,
    %swap3A_1338 = vector.shape_cast %swap3A_1337 : vector<1x16xi32> to vector<16xi32>
    %swap3A_1339 = vector.shape_cast %get3A_1333 : vector<16xi32> to vector<1x16xi32>
    tpu.vector_store %arg6[%swap3A_1335, %swap3A_1336], %swap3A_1339 {strides = array<i32>} : memref<24x128xi32, #tpu.memory_space<vmem>>, vector<1x16xi32>,
    %get3A_1340 = arith.constant 1 : i32
    %get3A_1341 = arith.constant 17 : i32
    %get3A_1342 = arith.index_cast %get3A_1340 : i32 to index
    %get3A_1343 = arith.index_cast %get3A_1341 : i32 to index
    %get3A_1344 = arith.constant 0 : index
    %get3A_1345 = tpu.vector_load %arg5[%get3A_1342, %get3A_1343, %get3A_1344] {strides = array<i32>} : memref<6x32x16xi32, #tpu.memory_space<vmem>>, vector<1x1x16xi32>,
    %get3A_1346 = vector.shape_cast %get3A_1345 : vector<1x1x16xi32> to vector<16xi32>
    %swap3A_1347 = arith.constant 12 : i32
    %swap3A_1348 = arith.index_cast %swap3A_1347 : i32 to index
    %swap3A_1349 = arith.constant 112 : index
    %swap3A_1350 = tpu.vector_load %arg6[%swap3A_1348, %swap3A_1349] {strides = array<i32>} : memref<24x128xi32, #tpu.memory_space<vmem>>, vector<1x16xi32>,
    %swap3A_1351 = vector.shape_cast %swap3A_1350 : vector<1x16xi32> to vector<16xi32>
    %swap3A_1352 = vector.shape_cast %get3A_1346 : vector<16xi32> to vector<1x16xi32>
    tpu.vector_store %arg6[%swap3A_1348, %swap3A_1349], %swap3A_1352 {strides = array<i32>} : memref<24x128xi32, #tpu.memory_space<vmem>>, vector<1x16xi32>,
    %get3A_1353 = arith.constant 2 : i32
    %get3A_1354 = arith.constant 17 : i32
    %get3A_1355 = arith.index_cast %get3A_1353 : i32 to index
    %get3A_1356 = arith.index_cast %get3A_1354 : i32 to index
    %get3A_1357 = arith.constant 0 : index
    %get3A_1358 = tpu.vector_load %arg5[%get3A_1355, %get3A_1356, %get3A_1357] {strides = array<i32>} : memref<6x32x16xi32, #tpu.memory_space<vmem>>, vector<1x1x16xi32>,
    %get3A_1359 = vector.shape_cast %get3A_1358 : vector<1x1x16xi32> to vector<16xi32>
    %swap3A_1360 = arith.constant 13 : i32
    %swap3A_1361 = arith.index_cast %swap3A_1360 : i32 to index
    %swap3A_1362 = arith.constant 0 : index
    %swap3A_1363 = tpu.vector_load %arg6[%swap3A_1361, %swap3A_1362] {strides = array<i32>} : memref<24x128xi32, #tpu.memory_space<vmem>>, vector<1x16xi32>,
    %swap3A_1364 = vector.shape_cast %swap3A_1363 : vector<1x16xi32> to vector<16xi32>
    %swap3A_1365 = vector.shape_cast %get3A_1359 : vector<16xi32> to vector<1x16xi32>
    tpu.vector_store %arg6[%swap3A_1361, %swap3A_1362], %swap3A_1365 {strides = array<i32>} : memref<24x128xi32, #tpu.memory_space<vmem>>, vector<1x16xi32>,
    %get3A_1366 = arith.constant 3 : i32
    %get3A_1367 = arith.constant 17 : i32
    %get3A_1368 = arith.index_cast %get3A_1366 : i32 to index
    %get3A_1369 = arith.index_cast %get3A_1367 : i32 to index
    %get3A_1370 = arith.constant 0 : index
    %get3A_1371 = tpu.vector_load %arg5[%get3A_1368, %get3A_1369, %get3A_1370] {strides = array<i32>} : memref<6x32x16xi32, #tpu.memory_space<vmem>>, vector<1x1x16xi32>,
    %get3A_1372 = vector.shape_cast %get3A_1371 : vector<1x1x16xi32> to vector<16xi32>
    %swap3A_1373 = arith.constant 13 : i32
    %swap3A_1374 = arith.index_cast %swap3A_1373 : i32 to index
    %swap3A_1375 = arith.constant 16 : index
    %swap3A_1376 = tpu.vector_load %arg6[%swap3A_1374, %swap3A_1375] {strides = array<i32>} : memref<24x128xi32, #tpu.memory_space<vmem>>, vector<1x16xi32>,
    %swap3A_1377 = vector.shape_cast %swap3A_1376 : vector<1x16xi32> to vector<16xi32>
    %swap3A_1378 = vector.shape_cast %get3A_1372 : vector<16xi32> to vector<1x16xi32>
    tpu.vector_store %arg6[%swap3A_1374, %swap3A_1375], %swap3A_1378 {strides = array<i32>} : memref<24x128xi32, #tpu.memory_space<vmem>>, vector<1x16xi32>,
    %get3A_1379 = arith.constant 4 : i32
    %get3A_1380 = arith.constant 17 : i32
    %get3A_1381 = arith.index_cast %get3A_1379 : i32 to index
    %get3A_1382 = arith.index_cast %get3A_1380 : i32 to index
    %get3A_1383 = arith.constant 0 : index
    %get3A_1384 = tpu.vector_load %arg5[%get3A_1381, %get3A_1382, %get3A_1383] {strides = array<i32>} : memref<6x32x16xi32, #tpu.memory_space<vmem>>, vector<1x1x16xi32>,
    %get3A_1385 = vector.shape_cast %get3A_1384 : vector<1x1x16xi32> to vector<16xi32>
    %swap3A_1386 = arith.constant 13 : i32
    %swap3A_1387 = arith.index_cast %swap3A_1386 : i32 to index
    %swap3A_1388 = arith.constant 32 : index
    %swap3A_1389 = tpu.vector_load %arg6[%swap3A_1387, %swap3A_1388] {strides = array<i32>} : memref<24x128xi32, #tpu.memory_space<vmem>>, vector<1x16xi32>,
    %swap3A_1390 = vector.shape_cast %swap3A_1389 : vector<1x16xi32> to vector<16xi32>
    %swap3A_1391 = vector.shape_cast %get3A_1385 : vector<16xi32> to vector<1x16xi32>
    tpu.vector_store %arg6[%swap3A_1387, %swap3A_1388], %swap3A_1391 {strides = array<i32>} : memref<24x128xi32, #tpu.memory_space<vmem>>, vector<1x16xi32>,
    %get3A_1392 = arith.constant 5 : i32
    %get3A_1393 = arith.constant 17 : i32
    %get3A_1394 = arith.index_cast %get3A_1392 : i32 to index
    %get3A_1395 = arith.index_cast %get3A_1393 : i32 to index
    %get3A_1396 = arith.constant 0 : index
    %get3A_1397 = tpu.vector_load %arg5[%get3A_1394, %get3A_1395, %get3A_1396] {strides = array<i32>} : memref<6x32x16xi32, #tpu.memory_space<vmem>>, vector<1x1x16xi32>,
    %get3A_1398 = vector.shape_cast %get3A_1397 : vector<1x1x16xi32> to vector<16xi32>
    %swap3A_1399 = arith.constant 13 : i32
    %swap3A_1400 = arith.index_cast %swap3A_1399 : i32 to index
    %swap3A_1401 = arith.constant 48 : index
    %swap3A_1402 = tpu.vector_load %arg6[%swap3A_1400, %swap3A_1401] {strides = array<i32>} : memref<24x128xi32, #tpu.memory_space<vmem>>, vector<1x16xi32>,
    %swap3A_1403 = vector.shape_cast %swap3A_1402 : vector<1x16xi32> to vector<16xi32>
    %swap3A_1404 = vector.shape_cast %get3A_1398 : vector<16xi32> to vector<1x16xi32>
    tpu.vector_store %arg6[%swap3A_1400, %swap3A_1401], %swap3A_1404 {strides = array<i32>} : memref<24x128xi32, #tpu.memory_space<vmem>>, vector<1x16xi32>,
    %get3A_1405 = arith.constant 0 : i32
    %get3A_1406 = arith.constant 18 : i32
    %get3A_1407 = arith.index_cast %get3A_1405 : i32 to index
    %get3A_1408 = arith.index_cast %get3A_1406 : i32 to index
    %get3A_1409 = arith.constant 0 : index
    %get3A_1410 = tpu.vector_load %arg5[%get3A_1407, %get3A_1408, %get3A_1409] {strides = array<i32>} : memref<6x32x16xi32, #tpu.memory_space<vmem>>, vector<1x1x16xi32>,
    %get3A_1411 = vector.shape_cast %get3A_1410 : vector<1x1x16xi32> to vector<16xi32>
    %swap3A_1412 = arith.constant 13 : i32
    %swap3A_1413 = arith.index_cast %swap3A_1412 : i32 to index
    %swap3A_1414 = arith.constant 64 : index
    %swap3A_1415 = tpu.vector_load %arg6[%swap3A_1413, %swap3A_1414] {strides = array<i32>} : memref<24x128xi32, #tpu.memory_space<vmem>>, vector<1x16xi32>,
    %swap3A_1416 = vector.shape_cast %swap3A_1415 : vector<1x16xi32> to vector<16xi32>
    %swap3A_1417 = vector.shape_cast %get3A_1411 : vector<16xi32> to vector<1x16xi32>
    tpu.vector_store %arg6[%swap3A_1413, %swap3A_1414], %swap3A_1417 {strides = array<i32>} : memref<24x128xi32, #tpu.memory_space<vmem>>, vector<1x16xi32>,
    %get3A_1418 = arith.constant 1 : i32
    %get3A_1419 = arith.constant 18 : i32
    %get3A_1420 = arith.index_cast %get3A_1418 : i32 to index
    %get3A_1421 = arith.index_cast %get3A_1419 : i32 to index
    %get3A_1422 = arith.constant 0 : index
    %get3A_1423 = tpu.vector_load %arg5[%get3A_1420, %get3A_1421, %get3A_1422] {strides = array<i32>} : memref<6x32x16xi32, #tpu.memory_space<vmem>>, vector<1x1x16xi32>,
    %get3A_1424 = vector.shape_cast %get3A_1423 : vector<1x1x16xi32> to vector<16xi32>
    %swap3A_1425 = arith.constant 13 : i32
    %swap3A_1426 = arith.index_cast %swap3A_1425 : i32 to index
    %swap3A_1427 = arith.constant 80 : index
    %swap3A_1428 = tpu.vector_load %arg6[%swap3A_1426, %swap3A_1427] {strides = array<i32>} : memref<24x128xi32, #tpu.memory_space<vmem>>, vector<1x16xi32>,
    %swap3A_1429 = vector.shape_cast %swap3A_1428 : vector<1x16xi32> to vector<16xi32>
    %swap3A_1430 = vector.shape_cast %get3A_1424 : vector<16xi32> to vector<1x16xi32>
    tpu.vector_store %arg6[%swap3A_1426, %swap3A_1427], %swap3A_1430 {strides = array<i32>} : memref<24x128xi32, #tpu.memory_space<vmem>>, vector<1x16xi32>,
    %get3A_1431 = arith.constant 2 : i32
    %get3A_1432 = arith.constant 18 : i32
    %get3A_1433 = arith.index_cast %get3A_1431 : i32 to index
    %get3A_1434 = arith.index_cast %get3A_1432 : i32 to index
    %get3A_1435 = arith.constant 0 : index
    %get3A_1436 = tpu.vector_load %arg5[%get3A_1433, %get3A_1434, %get3A_1435] {strides = array<i32>} : memref<6x32x16xi32, #tpu.memory_space<vmem>>, vector<1x1x16xi32>,
    %get3A_1437 = vector.shape_cast %get3A_1436 : vector<1x1x16xi32> to vector<16xi32>
    %swap3A_1438 = arith.constant 13 : i32
    %swap3A_1439 = arith.index_cast %swap3A_1438 : i32 to index
    %swap3A_1440 = arith.constant 96 : index
    %swap3A_1441 = tpu.vector_load %arg6[%swap3A_1439, %swap3A_1440] {strides = array<i32>} : memref<24x128xi32, #tpu.memory_space<vmem>>, vector<1x16xi32>,
    %swap3A_1442 = vector.shape_cast %swap3A_1441 : vector<1x16xi32> to vector<16xi32>
    %swap3A_1443 = vector.shape_cast %get3A_1437 : vector<16xi32> to vector<1x16xi32>
    tpu.vector_store %arg6[%swap3A_1439, %swap3A_1440], %swap3A_1443 {strides = array<i32>} : memref<24x128xi32, #tpu.memory_space<vmem>>, vector<1x16xi32>,
    %get3A_1444 = arith.constant 3 : i32
    %get3A_1445 = arith.constant 18 : i32
    %get3A_1446 = arith.index_cast %get3A_1444 : i32 to index
    %get3A_1447 = arith.index_cast %get3A_1445 : i32 to index
    %get3A_1448 = arith.constant 0 : index
    %get3A_1449 = tpu.vector_load %arg5[%get3A_1446, %get3A_1447, %get3A_1448] {strides = array<i32>} : memref<6x32x16xi32, #tpu.memory_space<vmem>>, vector<1x1x16xi32>,
    %get3A_1450 = vector.shape_cast %get3A_1449 : vector<1x1x16xi32> to vector<16xi32>
    %swap3A_1451 = arith.constant 13 : i32
    %swap3A_1452 = arith.index_cast %swap3A_1451 : i32 to index
    %swap3A_1453 = arith.constant 112 : index
    %swap3A_1454 = tpu.vector_load %arg6[%swap3A_1452, %swap3A_1453] {strides = array<i32>} : memref<24x128xi32, #tpu.memory_space<vmem>>, vector<1x16xi32>,
    %swap3A_1455 = vector.shape_cast %swap3A_1454 : vector<1x16xi32> to vector<16xi32>
    %swap3A_1456 = vector.shape_cast %get3A_1450 : vector<16xi32> to vector<1x16xi32>
    tpu.vector_store %arg6[%swap3A_1452, %swap3A_1453], %swap3A_1456 {strides = array<i32>} : memref<24x128xi32, #tpu.memory_space<vmem>>, vector<1x16xi32>,
    %get3A_1457 = arith.constant 4 : i32
    %get3A_1458 = arith.constant 18 : i32
    %get3A_1459 = arith.index_cast %get3A_1457 : i32 to index
    %get3A_1460 = arith.index_cast %get3A_1458 : i32 to index
    %get3A_1461 = arith.constant 0 : index
    %get3A_1462 = tpu.vector_load %arg5[%get3A_1459, %get3A_1460, %get3A_1461] {strides = array<i32>} : memref<6x32x16xi32, #tpu.memory_space<vmem>>, vector<1x1x16xi32>,
    %get3A_1463 = vector.shape_cast %get3A_1462 : vector<1x1x16xi32> to vector<16xi32>
    %swap3A_1464 = arith.constant 14 : i32
    %swap3A_1465 = arith.index_cast %swap3A_1464 : i32 to index
    %swap3A_1466 = arith.constant 0 : index
    %swap3A_1467 = tpu.vector_load %arg6[%swap3A_1465, %swap3A_1466] {strides = array<i32>} : memref<24x128xi32, #tpu.memory_space<vmem>>, vector<1x16xi32>,
    %swap3A_1468 = vector.shape_cast %swap3A_1467 : vector<1x16xi32> to vector<16xi32>
    %swap3A_1469 = vector.shape_cast %get3A_1463 : vector<16xi32> to vector<1x16xi32>
    tpu.vector_store %arg6[%swap3A_1465, %swap3A_1466], %swap3A_1469 {strides = array<i32>} : memref<24x128xi32, #tpu.memory_space<vmem>>, vector<1x16xi32>,
    %get3A_1470 = arith.constant 5 : i32
    %get3A_1471 = arith.constant 18 : i32
    %get3A_1472 = arith.index_cast %get3A_1470 : i32 to index
    %get3A_1473 = arith.index_cast %get3A_1471 : i32 to index
    %get3A_1474 = arith.constant 0 : index
    %get3A_1475 = tpu.vector_load %arg5[%get3A_1472, %get3A_1473, %get3A_1474] {strides = array<i32>} : memref<6x32x16xi32, #tpu.memory_space<vmem>>, vector<1x1x16xi32>,
    %get3A_1476 = vector.shape_cast %get3A_1475 : vector<1x1x16xi32> to vector<16xi32>
    %swap3A_1477 = arith.constant 14 : i32
    %swap3A_1478 = arith.index_cast %swap3A_1477 : i32 to index
    %swap3A_1479 = arith.constant 16 : index
    %swap3A_1480 = tpu.vector_load %arg6[%swap3A_1478, %swap3A_1479] {strides = array<i32>} : memref<24x128xi32, #tpu.memory_space<vmem>>, vector<1x16xi32>,
    %swap3A_1481 = vector.shape_cast %swap3A_1480 : vector<1x16xi32> to vector<16xi32>
    %swap3A_1482 = vector.shape_cast %get3A_1476 : vector<16xi32> to vector<1x16xi32>
    tpu.vector_store %arg6[%swap3A_1478, %swap3A_1479], %swap3A_1482 {strides = array<i32>} : memref<24x128xi32, #tpu.memory_space<vmem>>, vector<1x16xi32>,
    %get3A_1483 = arith.constant 0 : i32
    %get3A_1484 = arith.constant 19 : i32
    %get3A_1485 = arith.index_cast %get3A_1483 : i32 to index
    %get3A_1486 = arith.index_cast %get3A_1484 : i32 to index
    %get3A_1487 = arith.constant 0 : index
    %get3A_1488 = tpu.vector_load %arg5[%get3A_1485, %get3A_1486, %get3A_1487] {strides = array<i32>} : memref<6x32x16xi32, #tpu.memory_space<vmem>>, vector<1x1x16xi32>,
    %get3A_1489 = vector.shape_cast %get3A_1488 : vector<1x1x16xi32> to vector<16xi32>
    %swap3A_1490 = arith.constant 14 : i32
    %swap3A_1491 = arith.index_cast %swap3A_1490 : i32 to index
    %swap3A_1492 = arith.constant 32 : index
    %swap3A_1493 = tpu.vector_load %arg6[%swap3A_1491, %swap3A_1492] {strides = array<i32>} : memref<24x128xi32, #tpu.memory_space<vmem>>, vector<1x16xi32>,
    %swap3A_1494 = vector.shape_cast %swap3A_1493 : vector<1x16xi32> to vector<16xi32>
    %swap3A_1495 = vector.shape_cast %get3A_1489 : vector<16xi32> to vector<1x16xi32>
    tpu.vector_store %arg6[%swap3A_1491, %swap3A_1492], %swap3A_1495 {strides = array<i32>} : memref<24x128xi32, #tpu.memory_space<vmem>>, vector<1x16xi32>,
    %get3A_1496 = arith.constant 1 : i32
    %get3A_1497 = arith.constant 19 : i32
    %get3A_1498 = arith.index_cast %get3A_1496 : i32 to index
    %get3A_1499 = arith.index_cast %get3A_1497 : i32 to index
    %get3A_1500 = arith.constant 0 : index
    %get3A_1501 = tpu.vector_load %arg5[%get3A_1498, %get3A_1499, %get3A_1500] {strides = array<i32>} : memref<6x32x16xi32, #tpu.memory_space<vmem>>, vector<1x1x16xi32>,
    %get3A_1502 = vector.shape_cast %get3A_1501 : vector<1x1x16xi32> to vector<16xi32>
    %swap3A_1503 = arith.constant 14 : i32
    %swap3A_1504 = arith.index_cast %swap3A_1503 : i32 to index
    %swap3A_1505 = arith.constant 48 : index
    %swap3A_1506 = tpu.vector_load %arg6[%swap3A_1504, %swap3A_1505] {strides = array<i32>} : memref<24x128xi32, #tpu.memory_space<vmem>>, vector<1x16xi32>,
    %swap3A_1507 = vector.shape_cast %swap3A_1506 : vector<1x16xi32> to vector<16xi32>
    %swap3A_1508 = vector.shape_cast %get3A_1502 : vector<16xi32> to vector<1x16xi32>
    tpu.vector_store %arg6[%swap3A_1504, %swap3A_1505], %swap3A_1508 {strides = array<i32>} : memref<24x128xi32, #tpu.memory_space<vmem>>, vector<1x16xi32>,
    %get3A_1509 = arith.constant 2 : i32
    %get3A_1510 = arith.constant 19 : i32
    %get3A_1511 = arith.index_cast %get3A_1509 : i32 to index
    %get3A_1512 = arith.index_cast %get3A_1510 : i32 to index
    %get3A_1513 = arith.constant 0 : index
    %get3A_1514 = tpu.vector_load %arg5[%get3A_1511, %get3A_1512, %get3A_1513] {strides = array<i32>} : memref<6x32x16xi32, #tpu.memory_space<vmem>>, vector<1x1x16xi32>,
    %get3A_1515 = vector.shape_cast %get3A_1514 : vector<1x1x16xi32> to vector<16xi32>
    %swap3A_1516 = arith.constant 14 : i32
    %swap3A_1517 = arith.index_cast %swap3A_1516 : i32 to index
    %swap3A_1518 = arith.constant 64 : index
    %swap3A_1519 = tpu.vector_load %arg6[%swap3A_1517, %swap3A_1518] {strides = array<i32>} : memref<24x128xi32, #tpu.memory_space<vmem>>, vector<1x16xi32>,
    %swap3A_1520 = vector.shape_cast %swap3A_1519 : vector<1x16xi32> to vector<16xi32>
    %swap3A_1521 = vector.shape_cast %get3A_1515 : vector<16xi32> to vector<1x16xi32>
    tpu.vector_store %arg6[%swap3A_1517, %swap3A_1518], %swap3A_1521 {strides = array<i32>} : memref<24x128xi32, #tpu.memory_space<vmem>>, vector<1x16xi32>,
    %get3A_1522 = arith.constant 3 : i32
    %get3A_1523 = arith.constant 19 : i32
    %get3A_1524 = arith.index_cast %get3A_1522 : i32 to index
    %get3A_1525 = arith.index_cast %get3A_1523 : i32 to index
    %get3A_1526 = arith.constant 0 : index
    %get3A_1527 = tpu.vector_load %arg5[%get3A_1524, %get3A_1525, %get3A_1526] {strides = array<i32>} : memref<6x32x16xi32, #tpu.memory_space<vmem>>, vector<1x1x16xi32>,
    %get3A_1528 = vector.shape_cast %get3A_1527 : vector<1x1x16xi32> to vector<16xi32>
    %swap3A_1529 = arith.constant 14 : i32
    %swap3A_1530 = arith.index_cast %swap3A_1529 : i32 to index
    %swap3A_1531 = arith.constant 80 : index
    %swap3A_1532 = tpu.vector_load %arg6[%swap3A_1530, %swap3A_1531] {strides = array<i32>} : memref<24x128xi32, #tpu.memory_space<vmem>>, vector<1x16xi32>,
    %swap3A_1533 = vector.shape_cast %swap3A_1532 : vector<1x16xi32> to vector<16xi32>
    %swap3A_1534 = vector.shape_cast %get3A_1528 : vector<16xi32> to vector<1x16xi32>
    tpu.vector_store %arg6[%swap3A_1530, %swap3A_1531], %swap3A_1534 {strides = array<i32>} : memref<24x128xi32, #tpu.memory_space<vmem>>, vector<1x16xi32>,
    %get3A_1535 = arith.constant 4 : i32
    %get3A_1536 = arith.constant 19 : i32
    %get3A_1537 = arith.index_cast %get3A_1535 : i32 to index
    %get3A_1538 = arith.index_cast %get3A_1536 : i32 to index
    %get3A_1539 = arith.constant 0 : index
    %get3A_1540 = tpu.vector_load %arg5[%get3A_1537, %get3A_1538, %get3A_1539] {strides = array<i32>} : memref<6x32x16xi32, #tpu.memory_space<vmem>>, vector<1x1x16xi32>,
    %get3A_1541 = vector.shape_cast %get3A_1540 : vector<1x1x16xi32> to vector<16xi32>
    %swap3A_1542 = arith.constant 14 : i32
    %swap3A_1543 = arith.index_cast %swap3A_1542 : i32 to index
    %swap3A_1544 = arith.constant 96 : index
    %swap3A_1545 = tpu.vector_load %arg6[%swap3A_1543, %swap3A_1544] {strides = array<i32>} : memref<24x128xi32, #tpu.memory_space<vmem>>, vector<1x16xi32>,
    %swap3A_1546 = vector.shape_cast %swap3A_1545 : vector<1x16xi32> to vector<16xi32>
    %swap3A_1547 = vector.shape_cast %get3A_1541 : vector<16xi32> to vector<1x16xi32>
    tpu.vector_store %arg6[%swap3A_1543, %swap3A_1544], %swap3A_1547 {strides = array<i32>} : memref<24x128xi32, #tpu.memory_space<vmem>>, vector<1x16xi32>,
    %get3A_1548 = arith.constant 5 : i32
    %get3A_1549 = arith.constant 19 : i32
    %get3A_1550 = arith.index_cast %get3A_1548 : i32 to index
    %get3A_1551 = arith.index_cast %get3A_1549 : i32 to index
    %get3A_1552 = arith.constant 0 : index
    %get3A_1553 = tpu.vector_load %arg5[%get3A_1550, %get3A_1551, %get3A_1552] {strides = array<i32>} : memref<6x32x16xi32, #tpu.memory_space<vmem>>, vector<1x1x16xi32>,
    %get3A_1554 = vector.shape_cast %get3A_1553 : vector<1x1x16xi32> to vector<16xi32>
    %swap3A_1555 = arith.constant 14 : i32
    %swap3A_1556 = arith.index_cast %swap3A_1555 : i32 to index
    %swap3A_1557 = arith.constant 112 : index
    %swap3A_1558 = tpu.vector_load %arg6[%swap3A_1556, %swap3A_1557] {strides = array<i32>} : memref<24x128xi32, #tpu.memory_space<vmem>>, vector<1x16xi32>,
    %swap3A_1559 = vector.shape_cast %swap3A_1558 : vector<1x16xi32> to vector<16xi32>
    %swap3A_1560 = vector.shape_cast %get3A_1554 : vector<16xi32> to vector<1x16xi32>
    tpu.vector_store %arg6[%swap3A_1556, %swap3A_1557], %swap3A_1560 {strides = array<i32>} : memref<24x128xi32, #tpu.memory_space<vmem>>, vector<1x16xi32>,
    %get3A_1561 = arith.constant 0 : i32
    %get3A_1562 = arith.constant 20 : i32
    %get3A_1563 = arith.index_cast %get3A_1561 : i32 to index
    %get3A_1564 = arith.index_cast %get3A_1562 : i32 to index
    %get3A_1565 = arith.constant 0 : index
    %get3A_1566 = tpu.vector_load %arg5[%get3A_1563, %get3A_1564, %get3A_1565] {strides = array<i32>} : memref<6x32x16xi32, #tpu.memory_space<vmem>>, vector<1x1x16xi32>,
    %get3A_1567 = vector.shape_cast %get3A_1566 : vector<1x1x16xi32> to vector<16xi32>
    %swap3A_1568 = arith.constant 15 : i32
    %swap3A_1569 = arith.index_cast %swap3A_1568 : i32 to index
    %swap3A_1570 = arith.constant 0 : index
    %swap3A_1571 = tpu.vector_load %arg6[%swap3A_1569, %swap3A_1570] {strides = array<i32>} : memref<24x128xi32, #tpu.memory_space<vmem>>, vector<1x16xi32>,
    %swap3A_1572 = vector.shape_cast %swap3A_1571 : vector<1x16xi32> to vector<16xi32>
    %swap3A_1573 = vector.shape_cast %get3A_1567 : vector<16xi32> to vector<1x16xi32>
    tpu.vector_store %arg6[%swap3A_1569, %swap3A_1570], %swap3A_1573 {strides = array<i32>} : memref<24x128xi32, #tpu.memory_space<vmem>>, vector<1x16xi32>,
    %get3A_1574 = arith.constant 1 : i32
    %get3A_1575 = arith.constant 20 : i32
    %get3A_1576 = arith.index_cast %get3A_1574 : i32 to index
    %get3A_1577 = arith.index_cast %get3A_1575 : i32 to index
    %get3A_1578 = arith.constant 0 : index
    %get3A_1579 = tpu.vector_load %arg5[%get3A_1576, %get3A_1577, %get3A_1578] {strides = array<i32>} : memref<6x32x16xi32, #tpu.memory_space<vmem>>, vector<1x1x16xi32>,
    %get3A_1580 = vector.shape_cast %get3A_1579 : vector<1x1x16xi32> to vector<16xi32>
    %swap3A_1581 = arith.constant 15 : i32
    %swap3A_1582 = arith.index_cast %swap3A_1581 : i32 to index
    %swap3A_1583 = arith.constant 16 : index
    %swap3A_1584 = tpu.vector_load %arg6[%swap3A_1582, %swap3A_1583] {strides = array<i32>} : memref<24x128xi32, #tpu.memory_space<vmem>>, vector<1x16xi32>,
    %swap3A_1585 = vector.shape_cast %swap3A_1584 : vector<1x16xi32> to vector<16xi32>
    %swap3A_1586 = vector.shape_cast %get3A_1580 : vector<16xi32> to vector<1x16xi32>
    tpu.vector_store %arg6[%swap3A_1582, %swap3A_1583], %swap3A_1586 {strides = array<i32>} : memref<24x128xi32, #tpu.memory_space<vmem>>, vector<1x16xi32>,
    %get3A_1587 = arith.constant 2 : i32
    %get3A_1588 = arith.constant 20 : i32
    %get3A_1589 = arith.index_cast %get3A_1587 : i32 to index
    %get3A_1590 = arith.index_cast %get3A_1588 : i32 to index
    %get3A_1591 = arith.constant 0 : index
    %get3A_1592 = tpu.vector_load %arg5[%get3A_1589, %get3A_1590, %get3A_1591] {strides = array<i32>} : memref<6x32x16xi32, #tpu.memory_space<vmem>>, vector<1x1x16xi32>,
    %get3A_1593 = vector.shape_cast %get3A_1592 : vector<1x1x16xi32> to vector<16xi32>
    %swap3A_1594 = arith.constant 15 : i32
    %swap3A_1595 = arith.index_cast %swap3A_1594 : i32 to index
    %swap3A_1596 = arith.constant 32 : index
    %swap3A_1597 = tpu.vector_load %arg6[%swap3A_1595, %swap3A_1596] {strides = array<i32>} : memref<24x128xi32, #tpu.memory_space<vmem>>, vector<1x16xi32>,
    %swap3A_1598 = vector.shape_cast %swap3A_1597 : vector<1x16xi32> to vector<16xi32>
    %swap3A_1599 = vector.shape_cast %get3A_1593 : vector<16xi32> to vector<1x16xi32>
    tpu.vector_store %arg6[%swap3A_1595, %swap3A_1596], %swap3A_1599 {strides = array<i32>} : memref<24x128xi32, #tpu.memory_space<vmem>>, vector<1x16xi32>,
    %get3A_1600 = arith.constant 3 : i32
    %get3A_1601 = arith.constant 20 : i32
    %get3A_1602 = arith.index_cast %get3A_1600 : i32 to index
    %get3A_1603 = arith.index_cast %get3A_1601 : i32 to index
    %get3A_1604 = arith.constant 0 : index
    %get3A_1605 = tpu.vector_load %arg5[%get3A_1602, %get3A_1603, %get3A_1604] {strides = array<i32>} : memref<6x32x16xi32, #tpu.memory_space<vmem>>, vector<1x1x16xi32>,
    %get3A_1606 = vector.shape_cast %get3A_1605 : vector<1x1x16xi32> to vector<16xi32>
    %swap3A_1607 = arith.constant 15 : i32
    %swap3A_1608 = arith.index_cast %swap3A_1607 : i32 to index
    %swap3A_1609 = arith.constant 48 : index
    %swap3A_1610 = tpu.vector_load %arg6[%swap3A_1608, %swap3A_1609] {strides = array<i32>} : memref<24x128xi32, #tpu.memory_space<vmem>>, vector<1x16xi32>,
    %swap3A_1611 = vector.shape_cast %swap3A_1610 : vector<1x16xi32> to vector<16xi32>
    %swap3A_1612 = vector.shape_cast %get3A_1606 : vector<16xi32> to vector<1x16xi32>
    tpu.vector_store %arg6[%swap3A_1608, %swap3A_1609], %swap3A_1612 {strides = array<i32>} : memref<24x128xi32, #tpu.memory_space<vmem>>, vector<1x16xi32>,
    %get3A_1613 = arith.constant 4 : i32
    %get3A_1614 = arith.constant 20 : i32
    %get3A_1615 = arith.index_cast %get3A_1613 : i32 to index
    %get3A_1616 = arith.index_cast %get3A_1614 : i32 to index
    %get3A_1617 = arith.constant 0 : index
    %get3A_1618 = tpu.vector_load %arg5[%get3A_1615, %get3A_1616, %get3A_1617] {strides = array<i32>} : memref<6x32x16xi32, #tpu.memory_space<vmem>>, vector<1x1x16xi32>,
    %get3A_1619 = vector.shape_cast %get3A_1618 : vector<1x1x16xi32> to vector<16xi32>
    %swap3A_1620 = arith.constant 15 : i32
    %swap3A_1621 = arith.index_cast %swap3A_1620 : i32 to index
    %swap3A_1622 = arith.constant 64 : index
    %swap3A_1623 = tpu.vector_load %arg6[%swap3A_1621, %swap3A_1622] {strides = array<i32>} : memref<24x128xi32, #tpu.memory_space<vmem>>, vector<1x16xi32>,
    %swap3A_1624 = vector.shape_cast %swap3A_1623 : vector<1x16xi32> to vector<16xi32>
    %swap3A_1625 = vector.shape_cast %get3A_1619 : vector<16xi32> to vector<1x16xi32>
    tpu.vector_store %arg6[%swap3A_1621, %swap3A_1622], %swap3A_1625 {strides = array<i32>} : memref<24x128xi32, #tpu.memory_space<vmem>>, vector<1x16xi32>,
    %get3A_1626 = arith.constant 5 : i32
    %get3A_1627 = arith.constant 20 : i32
    %get3A_1628 = arith.index_cast %get3A_1626 : i32 to index
    %get3A_1629 = arith.index_cast %get3A_1627 : i32 to index
    %get3A_1630 = arith.constant 0 : index
    %get3A_1631 = tpu.vector_load %arg5[%get3A_1628, %get3A_1629, %get3A_1630] {strides = array<i32>} : memref<6x32x16xi32, #tpu.memory_space<vmem>>, vector<1x1x16xi32>,
    %get3A_1632 = vector.shape_cast %get3A_1631 : vector<1x1x16xi32> to vector<16xi32>
    %swap3A_1633 = arith.constant 15 : i32
    %swap3A_1634 = arith.index_cast %swap3A_1633 : i32 to index
    %swap3A_1635 = arith.constant 80 : index
    %swap3A_1636 = tpu.vector_load %arg6[%swap3A_1634, %swap3A_1635] {strides = array<i32>} : memref<24x128xi32, #tpu.memory_space<vmem>>, vector<1x16xi32>,
    %swap3A_1637 = vector.shape_cast %swap3A_1636 : vector<1x16xi32> to vector<16xi32>
    %swap3A_1638 = vector.shape_cast %get3A_1632 : vector<16xi32> to vector<1x16xi32>
    tpu.vector_store %arg6[%swap3A_1634, %swap3A_1635], %swap3A_1638 {strides = array<i32>} : memref<24x128xi32, #tpu.memory_space<vmem>>, vector<1x16xi32>,
    %get3A_1639 = arith.constant 0 : i32
    %get3A_1640 = arith.constant 21 : i32
    %get3A_1641 = arith.index_cast %get3A_1639 : i32 to index
    %get3A_1642 = arith.index_cast %get3A_1640 : i32 to index
    %get3A_1643 = arith.constant 0 : index
    %get3A_1644 = tpu.vector_load %arg5[%get3A_1641, %get3A_1642, %get3A_1643] {strides = array<i32>} : memref<6x32x16xi32, #tpu.memory_space<vmem>>, vector<1x1x16xi32>,
    %get3A_1645 = vector.shape_cast %get3A_1644 : vector<1x1x16xi32> to vector<16xi32>
    %swap3A_1646 = arith.constant 15 : i32
    %swap3A_1647 = arith.index_cast %swap3A_1646 : i32 to index
    %swap3A_1648 = arith.constant 96 : index
    %swap3A_1649 = tpu.vector_load %arg6[%swap3A_1647, %swap3A_1648] {strides = array<i32>} : memref<24x128xi32, #tpu.memory_space<vmem>>, vector<1x16xi32>,
    %swap3A_1650 = vector.shape_cast %swap3A_1649 : vector<1x16xi32> to vector<16xi32>
    %swap3A_1651 = vector.shape_cast %get3A_1645 : vector<16xi32> to vector<1x16xi32>
    tpu.vector_store %arg6[%swap3A_1647, %swap3A_1648], %swap3A_1651 {strides = array<i32>} : memref<24x128xi32, #tpu.memory_space<vmem>>, vector<1x16xi32>,
    %get3A_1652 = arith.constant 1 : i32
    %get3A_1653 = arith.constant 21 : i32
    %get3A_1654 = arith.index_cast %get3A_1652 : i32 to index
    %get3A_1655 = arith.index_cast %get3A_1653 : i32 to index
    %get3A_1656 = arith.constant 0 : index
    %get3A_1657 = tpu.vector_load %arg5[%get3A_1654, %get3A_1655, %get3A_1656] {strides = array<i32>} : memref<6x32x16xi32, #tpu.memory_space<vmem>>, vector<1x1x16xi32>,
    %get3A_1658 = vector.shape_cast %get3A_1657 : vector<1x1x16xi32> to vector<16xi32>
    %swap3A_1659 = arith.constant 15 : i32
    %swap3A_1660 = arith.index_cast %swap3A_1659 : i32 to index
    %swap3A_1661 = arith.constant 112 : index
    %swap3A_1662 = tpu.vector_load %arg6[%swap3A_1660, %swap3A_1661] {strides = array<i32>} : memref<24x128xi32, #tpu.memory_space<vmem>>, vector<1x16xi32>,
    %swap3A_1663 = vector.shape_cast %swap3A_1662 : vector<1x16xi32> to vector<16xi32>
    %swap3A_1664 = vector.shape_cast %get3A_1658 : vector<16xi32> to vector<1x16xi32>
    tpu.vector_store %arg6[%swap3A_1660, %swap3A_1661], %swap3A_1664 {strides = array<i32>} : memref<24x128xi32, #tpu.memory_space<vmem>>, vector<1x16xi32>,
    %get3A_1665 = arith.constant 2 : i32
    %get3A_1666 = arith.constant 21 : i32
    %get3A_1667 = arith.index_cast %get3A_1665 : i32 to index
    %get3A_1668 = arith.index_cast %get3A_1666 : i32 to index
    %get3A_1669 = arith.constant 0 : index
    %get3A_1670 = tpu.vector_load %arg5[%get3A_1667, %get3A_1668, %get3A_1669] {strides = array<i32>} : memref<6x32x16xi32, #tpu.memory_space<vmem>>, vector<1x1x16xi32>,
    %get3A_1671 = vector.shape_cast %get3A_1670 : vector<1x1x16xi32> to vector<16xi32>
    %swap3A_1672 = arith.constant 16 : i32
    %swap3A_1673 = arith.index_cast %swap3A_1672 : i32 to index
    %swap3A_1674 = arith.constant 0 : index
    %swap3A_1675 = tpu.vector_load %arg6[%swap3A_1673, %swap3A_1674] {strides = array<i32>} : memref<24x128xi32, #tpu.memory_space<vmem>>, vector<1x16xi32>,
    %swap3A_1676 = vector.shape_cast %swap3A_1675 : vector<1x16xi32> to vector<16xi32>
    %swap3A_1677 = vector.shape_cast %get3A_1671 : vector<16xi32> to vector<1x16xi32>
    tpu.vector_store %arg6[%swap3A_1673, %swap3A_1674], %swap3A_1677 {strides = array<i32>} : memref<24x128xi32, #tpu.memory_space<vmem>>, vector<1x16xi32>,
    %get3A_1678 = arith.constant 3 : i32
    %get3A_1679 = arith.constant 21 : i32
    %get3A_1680 = arith.index_cast %get3A_1678 : i32 to index
    %get3A_1681 = arith.index_cast %get3A_1679 : i32 to index
    %get3A_1682 = arith.constant 0 : index
    %get3A_1683 = tpu.vector_load %arg5[%get3A_1680, %get3A_1681, %get3A_1682] {strides = array<i32>} : memref<6x32x16xi32, #tpu.memory_space<vmem>>, vector<1x1x16xi32>,
    %get3A_1684 = vector.shape_cast %get3A_1683 : vector<1x1x16xi32> to vector<16xi32>
    %swap3A_1685 = arith.constant 16 : i32
    %swap3A_1686 = arith.index_cast %swap3A_1685 : i32 to index
    %swap3A_1687 = arith.constant 16 : index
    %swap3A_1688 = tpu.vector_load %arg6[%swap3A_1686, %swap3A_1687] {strides = array<i32>} : memref<24x128xi32, #tpu.memory_space<vmem>>, vector<1x16xi32>,
    %swap3A_1689 = vector.shape_cast %swap3A_1688 : vector<1x16xi32> to vector<16xi32>
    %swap3A_1690 = vector.shape_cast %get3A_1684 : vector<16xi32> to vector<1x16xi32>
    tpu.vector_store %arg6[%swap3A_1686, %swap3A_1687], %swap3A_1690 {strides = array<i32>} : memref<24x128xi32, #tpu.memory_space<vmem>>, vector<1x16xi32>,
    %get3A_1691 = arith.constant 4 : i32
    %get3A_1692 = arith.constant 21 : i32
    %get3A_1693 = arith.index_cast %get3A_1691 : i32 to index
    %get3A_1694 = arith.index_cast %get3A_1692 : i32 to index
    %get3A_1695 = arith.constant 0 : index
    %get3A_1696 = tpu.vector_load %arg5[%get3A_1693, %get3A_1694, %get3A_1695] {strides = array<i32>} : memref<6x32x16xi32, #tpu.memory_space<vmem>>, vector<1x1x16xi32>,
    %get3A_1697 = vector.shape_cast %get3A_1696 : vector<1x1x16xi32> to vector<16xi32>
    %swap3A_1698 = arith.constant 16 : i32
    %swap3A_1699 = arith.index_cast %swap3A_1698 : i32 to index
    %swap3A_1700 = arith.constant 32 : index
    %swap3A_1701 = tpu.vector_load %arg6[%swap3A_1699, %swap3A_1700] {strides = array<i32>} : memref<24x128xi32, #tpu.memory_space<vmem>>, vector<1x16xi32>,
    %swap3A_1702 = vector.shape_cast %swap3A_1701 : vector<1x16xi32> to vector<16xi32>
    %swap3A_1703 = vector.shape_cast %get3A_1697 : vector<16xi32> to vector<1x16xi32>
    tpu.vector_store %arg6[%swap3A_1699, %swap3A_1700], %swap3A_1703 {strides = array<i32>} : memref<24x128xi32, #tpu.memory_space<vmem>>, vector<1x16xi32>,
    %get3A_1704 = arith.constant 5 : i32
    %get3A_1705 = arith.constant 21 : i32
    %get3A_1706 = arith.index_cast %get3A_1704 : i32 to index
    %get3A_1707 = arith.index_cast %get3A_1705 : i32 to index
    %get3A_1708 = arith.constant 0 : index
    %get3A_1709 = tpu.vector_load %arg5[%get3A_1706, %get3A_1707, %get3A_1708] {strides = array<i32>} : memref<6x32x16xi32, #tpu.memory_space<vmem>>, vector<1x1x16xi32>,
    %get3A_1710 = vector.shape_cast %get3A_1709 : vector<1x1x16xi32> to vector<16xi32>
    %swap3A_1711 = arith.constant 16 : i32
    %swap3A_1712 = arith.index_cast %swap3A_1711 : i32 to index
    %swap3A_1713 = arith.constant 48 : index
    %swap3A_1714 = tpu.vector_load %arg6[%swap3A_1712, %swap3A_1713] {strides = array<i32>} : memref<24x128xi32, #tpu.memory_space<vmem>>, vector<1x16xi32>,
    %swap3A_1715 = vector.shape_cast %swap3A_1714 : vector<1x16xi32> to vector<16xi32>
    %swap3A_1716 = vector.shape_cast %get3A_1710 : vector<16xi32> to vector<1x16xi32>
    tpu.vector_store %arg6[%swap3A_1712, %swap3A_1713], %swap3A_1716 {strides = array<i32>} : memref<24x128xi32, #tpu.memory_space<vmem>>, vector<1x16xi32>,
    %get3A_1717 = arith.constant 0 : i32
    %get3A_1718 = arith.constant 22 : i32
    %get3A_1719 = arith.index_cast %get3A_1717 : i32 to index
    %get3A_1720 = arith.index_cast %get3A_1718 : i32 to index
    %get3A_1721 = arith.constant 0 : index
    %get3A_1722 = tpu.vector_load %arg5[%get3A_1719, %get3A_1720, %get3A_1721] {strides = array<i32>} : memref<6x32x16xi32, #tpu.memory_space<vmem>>, vector<1x1x16xi32>,
    %get3A_1723 = vector.shape_cast %get3A_1722 : vector<1x1x16xi32> to vector<16xi32>
    %swap3A_1724 = arith.constant 16 : i32
    %swap3A_1725 = arith.index_cast %swap3A_1724 : i32 to index
    %swap3A_1726 = arith.constant 64 : index
    %swap3A_1727 = tpu.vector_load %arg6[%swap3A_1725, %swap3A_1726] {strides = array<i32>} : memref<24x128xi32, #tpu.memory_space<vmem>>, vector<1x16xi32>,
    %swap3A_1728 = vector.shape_cast %swap3A_1727 : vector<1x16xi32> to vector<16xi32>
    %swap3A_1729 = vector.shape_cast %get3A_1723 : vector<16xi32> to vector<1x16xi32>
    tpu.vector_store %arg6[%swap3A_1725, %swap3A_1726], %swap3A_1729 {strides = array<i32>} : memref<24x128xi32, #tpu.memory_space<vmem>>, vector<1x16xi32>,
    %get3A_1730 = arith.constant 1 : i32
    %get3A_1731 = arith.constant 22 : i32
    %get3A_1732 = arith.index_cast %get3A_1730 : i32 to index
    %get3A_1733 = arith.index_cast %get3A_1731 : i32 to index
    %get3A_1734 = arith.constant 0 : index
    %get3A_1735 = tpu.vector_load %arg5[%get3A_1732, %get3A_1733, %get3A_1734] {strides = array<i32>} : memref<6x32x16xi32, #tpu.memory_space<vmem>>, vector<1x1x16xi32>,
    %get3A_1736 = vector.shape_cast %get3A_1735 : vector<1x1x16xi32> to vector<16xi32>
    %swap3A_1737 = arith.constant 16 : i32
    %swap3A_1738 = arith.index_cast %swap3A_1737 : i32 to index
    %swap3A_1739 = arith.constant 80 : index
    %swap3A_1740 = tpu.vector_load %arg6[%swap3A_1738, %swap3A_1739] {strides = array<i32>} : memref<24x128xi32, #tpu.memory_space<vmem>>, vector<1x16xi32>,
    %swap3A_1741 = vector.shape_cast %swap3A_1740 : vector<1x16xi32> to vector<16xi32>
    %swap3A_1742 = vector.shape_cast %get3A_1736 : vector<16xi32> to vector<1x16xi32>
    tpu.vector_store %arg6[%swap3A_1738, %swap3A_1739], %swap3A_1742 {strides = array<i32>} : memref<24x128xi32, #tpu.memory_space<vmem>>, vector<1x16xi32>,
    %get3A_1743 = arith.constant 2 : i32
    %get3A_1744 = arith.constant 22 : i32
    %get3A_1745 = arith.index_cast %get3A_1743 : i32 to index
    %get3A_1746 = arith.index_cast %get3A_1744 : i32 to index
    %get3A_1747 = arith.constant 0 : index
    %get3A_1748 = tpu.vector_load %arg5[%get3A_1745, %get3A_1746, %get3A_1747] {strides = array<i32>} : memref<6x32x16xi32, #tpu.memory_space<vmem>>, vector<1x1x16xi32>,
    %get3A_1749 = vector.shape_cast %get3A_1748 : vector<1x1x16xi32> to vector<16xi32>
    %swap3A_1750 = arith.constant 16 : i32
    %swap3A_1751 = arith.index_cast %swap3A_1750 : i32 to index
    %swap3A_1752 = arith.constant 96 : index
    %swap3A_1753 = tpu.vector_load %arg6[%swap3A_1751, %swap3A_1752] {strides = array<i32>} : memref<24x128xi32, #tpu.memory_space<vmem>>, vector<1x16xi32>,
    %swap3A_1754 = vector.shape_cast %swap3A_1753 : vector<1x16xi32> to vector<16xi32>
    %swap3A_1755 = vector.shape_cast %get3A_1749 : vector<16xi32> to vector<1x16xi32>
    tpu.vector_store %arg6[%swap3A_1751, %swap3A_1752], %swap3A_1755 {strides = array<i32>} : memref<24x128xi32, #tpu.memory_space<vmem>>, vector<1x16xi32>,
    %get3A_1756 = arith.constant 3 : i32
    %get3A_1757 = arith.constant 22 : i32
    %get3A_1758 = arith.index_cast %get3A_1756 : i32 to index
    %get3A_1759 = arith.index_cast %get3A_1757 : i32 to index
    %get3A_1760 = arith.constant 0 : index
    %get3A_1761 = tpu.vector_load %arg5[%get3A_1758, %get3A_1759, %get3A_1760] {strides = array<i32>} : memref<6x32x16xi32, #tpu.memory_space<vmem>>, vector<1x1x16xi32>,
    %get3A_1762 = vector.shape_cast %get3A_1761 : vector<1x1x16xi32> to vector<16xi32>
    %swap3A_1763 = arith.constant 16 : i32
    %swap3A_1764 = arith.index_cast %swap3A_1763 : i32 to index
    %swap3A_1765 = arith.constant 112 : index
    %swap3A_1766 = tpu.vector_load %arg6[%swap3A_1764, %swap3A_1765] {strides = array<i32>} : memref<24x128xi32, #tpu.memory_space<vmem>>, vector<1x16xi32>,
    %swap3A_1767 = vector.shape_cast %swap3A_1766 : vector<1x16xi32> to vector<16xi32>
    %swap3A_1768 = vector.shape_cast %get3A_1762 : vector<16xi32> to vector<1x16xi32>
    tpu.vector_store %arg6[%swap3A_1764, %swap3A_1765], %swap3A_1768 {strides = array<i32>} : memref<24x128xi32, #tpu.memory_space<vmem>>, vector<1x16xi32>,
    %get3A_1769 = arith.constant 4 : i32
    %get3A_1770 = arith.constant 22 : i32
    %get3A_1771 = arith.index_cast %get3A_1769 : i32 to index
    %get3A_1772 = arith.index_cast %get3A_1770 : i32 to index
    %get3A_1773 = arith.constant 0 : index
    %get3A_1774 = tpu.vector_load %arg5[%get3A_1771, %get3A_1772, %get3A_1773] {strides = array<i32>} : memref<6x32x16xi32, #tpu.memory_space<vmem>>, vector<1x1x16xi32>,
    %get3A_1775 = vector.shape_cast %get3A_1774 : vector<1x1x16xi32> to vector<16xi32>
    %swap3A_1776 = arith.constant 17 : i32
    %swap3A_1777 = arith.index_cast %swap3A_1776 : i32 to index
    %swap3A_1778 = arith.constant 0 : index
    %swap3A_1779 = tpu.vector_load %arg6[%swap3A_1777, %swap3A_1778] {strides = array<i32>} : memref<24x128xi32, #tpu.memory_space<vmem>>, vector<1x16xi32>,
    %swap3A_1780 = vector.shape_cast %swap3A_1779 : vector<1x16xi32> to vector<16xi32>
    %swap3A_1781 = vector.shape_cast %get3A_1775 : vector<16xi32> to vector<1x16xi32>
    tpu.vector_store %arg6[%swap3A_1777, %swap3A_1778], %swap3A_1781 {strides = array<i32>} : memref<24x128xi32, #tpu.memory_space<vmem>>, vector<1x16xi32>,
    %get3A_1782 = arith.constant 5 : i32
    %get3A_1783 = arith.constant 22 : i32
    %get3A_1784 = arith.index_cast %get3A_1782 : i32 to index
    %get3A_1785 = arith.index_cast %get3A_1783 : i32 to index
    %get3A_1786 = arith.constant 0 : index
    %get3A_1787 = tpu.vector_load %arg5[%get3A_1784, %get3A_1785, %get3A_1786] {strides = array<i32>} : memref<6x32x16xi32, #tpu.memory_space<vmem>>, vector<1x1x16xi32>,
    %get3A_1788 = vector.shape_cast %get3A_1787 : vector<1x1x16xi32> to vector<16xi32>
    %swap3A_1789 = arith.constant 17 : i32
    %swap3A_1790 = arith.index_cast %swap3A_1789 : i32 to index
    %swap3A_1791 = arith.constant 16 : index
    %swap3A_1792 = tpu.vector_load %arg6[%swap3A_1790, %swap3A_1791] {strides = array<i32>} : memref<24x128xi32, #tpu.memory_space<vmem>>, vector<1x16xi32>,
    %swap3A_1793 = vector.shape_cast %swap3A_1792 : vector<1x16xi32> to vector<16xi32>
    %swap3A_1794 = vector.shape_cast %get3A_1788 : vector<16xi32> to vector<1x16xi32>
    tpu.vector_store %arg6[%swap3A_1790, %swap3A_1791], %swap3A_1794 {strides = array<i32>} : memref<24x128xi32, #tpu.memory_space<vmem>>, vector<1x16xi32>,
    %get3A_1795 = arith.constant 0 : i32
    %get3A_1796 = arith.constant 23 : i32
    %get3A_1797 = arith.index_cast %get3A_1795 : i32 to index
    %get3A_1798 = arith.index_cast %get3A_1796 : i32 to index
    %get3A_1799 = arith.constant 0 : index
    %get3A_1800 = tpu.vector_load %arg5[%get3A_1797, %get3A_1798, %get3A_1799] {strides = array<i32>} : memref<6x32x16xi32, #tpu.memory_space<vmem>>, vector<1x1x16xi32>,
    %get3A_1801 = vector.shape_cast %get3A_1800 : vector<1x1x16xi32> to vector<16xi32>
    %swap3A_1802 = arith.constant 17 : i32
    %swap3A_1803 = arith.index_cast %swap3A_1802 : i32 to index
    %swap3A_1804 = arith.constant 32 : index
    %swap3A_1805 = tpu.vector_load %arg6[%swap3A_1803, %swap3A_1804] {strides = array<i32>} : memref<24x128xi32, #tpu.memory_space<vmem>>, vector<1x16xi32>,
    %swap3A_1806 = vector.shape_cast %swap3A_1805 : vector<1x16xi32> to vector<16xi32>
    %swap3A_1807 = vector.shape_cast %get3A_1801 : vector<16xi32> to vector<1x16xi32>
    tpu.vector_store %arg6[%swap3A_1803, %swap3A_1804], %swap3A_1807 {strides = array<i32>} : memref<24x128xi32, #tpu.memory_space<vmem>>, vector<1x16xi32>,
    %get3A_1808 = arith.constant 1 : i32
    %get3A_1809 = arith.constant 23 : i32
    %get3A_1810 = arith.index_cast %get3A_1808 : i32 to index
    %get3A_1811 = arith.index_cast %get3A_1809 : i32 to index
    %get3A_1812 = arith.constant 0 : index
    %get3A_1813 = tpu.vector_load %arg5[%get3A_1810, %get3A_1811, %get3A_1812] {strides = array<i32>} : memref<6x32x16xi32, #tpu.memory_space<vmem>>, vector<1x1x16xi32>,
    %get3A_1814 = vector.shape_cast %get3A_1813 : vector<1x1x16xi32> to vector<16xi32>
    %swap3A_1815 = arith.constant 17 : i32
    %swap3A_1816 = arith.index_cast %swap3A_1815 : i32 to index
    %swap3A_1817 = arith.constant 48 : index
    %swap3A_1818 = tpu.vector_load %arg6[%swap3A_1816, %swap3A_1817] {strides = array<i32>} : memref<24x128xi32, #tpu.memory_space<vmem>>, vector<1x16xi32>,
    %swap3A_1819 = vector.shape_cast %swap3A_1818 : vector<1x16xi32> to vector<16xi32>
    %swap3A_1820 = vector.shape_cast %get3A_1814 : vector<16xi32> to vector<1x16xi32>
    tpu.vector_store %arg6[%swap3A_1816, %swap3A_1817], %swap3A_1820 {strides = array<i32>} : memref<24x128xi32, #tpu.memory_space<vmem>>, vector<1x16xi32>,
    %get3A_1821 = arith.constant 2 : i32
    %get3A_1822 = arith.constant 23 : i32
    %get3A_1823 = arith.index_cast %get3A_1821 : i32 to index
    %get3A_1824 = arith.index_cast %get3A_1822 : i32 to index
    %get3A_1825 = arith.constant 0 : index
    %get3A_1826 = tpu.vector_load %arg5[%get3A_1823, %get3A_1824, %get3A_1825] {strides = array<i32>} : memref<6x32x16xi32, #tpu.memory_space<vmem>>, vector<1x1x16xi32>,
    %get3A_1827 = vector.shape_cast %get3A_1826 : vector<1x1x16xi32> to vector<16xi32>
    %swap3A_1828 = arith.constant 17 : i32
    %swap3A_1829 = arith.index_cast %swap3A_1828 : i32 to index
    %swap3A_1830 = arith.constant 64 : index
    %swap3A_1831 = tpu.vector_load %arg6[%swap3A_1829, %swap3A_1830] {strides = array<i32>} : memref<24x128xi32, #tpu.memory_space<vmem>>, vector<1x16xi32>,
    %swap3A_1832 = vector.shape_cast %swap3A_1831 : vector<1x16xi32> to vector<16xi32>
    %swap3A_1833 = vector.shape_cast %get3A_1827 : vector<16xi32> to vector<1x16xi32>
    tpu.vector_store %arg6[%swap3A_1829, %swap3A_1830], %swap3A_1833 {strides = array<i32>} : memref<24x128xi32, #tpu.memory_space<vmem>>, vector<1x16xi32>,
    %get3A_1834 = arith.constant 3 : i32
    %get3A_1835 = arith.constant 23 : i32
    %get3A_1836 = arith.index_cast %get3A_1834 : i32 to index
    %get3A_1837 = arith.index_cast %get3A_1835 : i32 to index
    %get3A_1838 = arith.constant 0 : index
    %get3A_1839 = tpu.vector_load %arg5[%get3A_1836, %get3A_1837, %get3A_1838] {strides = array<i32>} : memref<6x32x16xi32, #tpu.memory_space<vmem>>, vector<1x1x16xi32>,
    %get3A_1840 = vector.shape_cast %get3A_1839 : vector<1x1x16xi32> to vector<16xi32>
    %swap3A_1841 = arith.constant 17 : i32
    %swap3A_1842 = arith.index_cast %swap3A_1841 : i32 to index
    %swap3A_1843 = arith.constant 80 : index
    %swap3A_1844 = tpu.vector_load %arg6[%swap3A_1842, %swap3A_1843] {strides = array<i32>} : memref<24x128xi32, #tpu.memory_space<vmem>>, vector<1x16xi32>,
    %swap3A_1845 = vector.shape_cast %swap3A_1844 : vector<1x16xi32> to vector<16xi32>
    %swap3A_1846 = vector.shape_cast %get3A_1840 : vector<16xi32> to vector<1x16xi32>
    tpu.vector_store %arg6[%swap3A_1842, %swap3A_1843], %swap3A_1846 {strides = array<i32>} : memref<24x128xi32, #tpu.memory_space<vmem>>, vector<1x16xi32>,
    %get3A_1847 = arith.constant 4 : i32
    %get3A_1848 = arith.constant 23 : i32
    %get3A_1849 = arith.index_cast %get3A_1847 : i32 to index
    %get3A_1850 = arith.index_cast %get3A_1848 : i32 to index
    %get3A_1851 = arith.constant 0 : index
    %get3A_1852 = tpu.vector_load %arg5[%get3A_1849, %get3A_1850, %get3A_1851] {strides = array<i32>} : memref<6x32x16xi32, #tpu.memory_space<vmem>>, vector<1x1x16xi32>,
    %get3A_1853 = vector.shape_cast %get3A_1852 : vector<1x1x16xi32> to vector<16xi32>
    %swap3A_1854 = arith.constant 17 : i32
    %swap3A_1855 = arith.index_cast %swap3A_1854 : i32 to index
    %swap3A_1856 = arith.constant 96 : index
    %swap3A_1857 = tpu.vector_load %arg6[%swap3A_1855, %swap3A_1856] {strides = array<i32>} : memref<24x128xi32, #tpu.memory_space<vmem>>, vector<1x16xi32>,
    %swap3A_1858 = vector.shape_cast %swap3A_1857 : vector<1x16xi32> to vector<16xi32>
    %swap3A_1859 = vector.shape_cast %get3A_1853 : vector<16xi32> to vector<1x16xi32>
    tpu.vector_store %arg6[%swap3A_1855, %swap3A_1856], %swap3A_1859 {strides = array<i32>} : memref<24x128xi32, #tpu.memory_space<vmem>>, vector<1x16xi32>,
    %get3A_1860 = arith.constant 5 : i32
    %get3A_1861 = arith.constant 23 : i32
    %get3A_1862 = arith.index_cast %get3A_1860 : i32 to index
    %get3A_1863 = arith.index_cast %get3A_1861 : i32 to index
    %get3A_1864 = arith.constant 0 : index
    %get3A_1865 = tpu.vector_load %arg5[%get3A_1862, %get3A_1863, %get3A_1864] {strides = array<i32>} : memref<6x32x16xi32, #tpu.memory_space<vmem>>, vector<1x1x16xi32>,
    %get3A_1866 = vector.shape_cast %get3A_1865 : vector<1x1x16xi32> to vector<16xi32>
    %swap3A_1867 = arith.constant 17 : i32
    %swap3A_1868 = arith.index_cast %swap3A_1867 : i32 to index
    %swap3A_1869 = arith.constant 112 : index
    %swap3A_1870 = tpu.vector_load %arg6[%swap3A_1868, %swap3A_1869] {strides = array<i32>} : memref<24x128xi32, #tpu.memory_space<vmem>>, vector<1x16xi32>,
    %swap3A_1871 = vector.shape_cast %swap3A_1870 : vector<1x16xi32> to vector<16xi32>
    %swap3A_1872 = vector.shape_cast %get3A_1866 : vector<16xi32> to vector<1x16xi32>
    tpu.vector_store %arg6[%swap3A_1868, %swap3A_1869], %swap3A_1872 {strides = array<i32>} : memref<24x128xi32, #tpu.memory_space<vmem>>, vector<1x16xi32>,
    %get3A_1873 = arith.constant 0 : i32
    %get3A_1874 = arith.constant 24 : i32
    %get3A_1875 = arith.index_cast %get3A_1873 : i32 to index
    %get3A_1876 = arith.index_cast %get3A_1874 : i32 to index
    %get3A_1877 = arith.constant 0 : index
    %get3A_1878 = tpu.vector_load %arg5[%get3A_1875, %get3A_1876, %get3A_1877] {strides = array<i32>} : memref<6x32x16xi32, #tpu.memory_space<vmem>>, vector<1x1x16xi32>,
    %get3A_1879 = vector.shape_cast %get3A_1878 : vector<1x1x16xi32> to vector<16xi32>
    %swap3A_1880 = arith.constant 18 : i32
    %swap3A_1881 = arith.index_cast %swap3A_1880 : i32 to index
    %swap3A_1882 = arith.constant 0 : index
    %swap3A_1883 = tpu.vector_load %arg6[%swap3A_1881, %swap3A_1882] {strides = array<i32>} : memref<24x128xi32, #tpu.memory_space<vmem>>, vector<1x16xi32>,
    %swap3A_1884 = vector.shape_cast %swap3A_1883 : vector<1x16xi32> to vector<16xi32>
    %swap3A_1885 = vector.shape_cast %get3A_1879 : vector<16xi32> to vector<1x16xi32>
    tpu.vector_store %arg6[%swap3A_1881, %swap3A_1882], %swap3A_1885 {strides = array<i32>} : memref<24x128xi32, #tpu.memory_space<vmem>>, vector<1x16xi32>,
    %get3A_1886 = arith.constant 1 : i32
    %get3A_1887 = arith.constant 24 : i32
    %get3A_1888 = arith.index_cast %get3A_1886 : i32 to index
    %get3A_1889 = arith.index_cast %get3A_1887 : i32 to index
    %get3A_1890 = arith.constant 0 : index
    %get3A_1891 = tpu.vector_load %arg5[%get3A_1888, %get3A_1889, %get3A_1890] {strides = array<i32>} : memref<6x32x16xi32, #tpu.memory_space<vmem>>, vector<1x1x16xi32>,
    %get3A_1892 = vector.shape_cast %get3A_1891 : vector<1x1x16xi32> to vector<16xi32>
    %swap3A_1893 = arith.constant 18 : i32
    %swap3A_1894 = arith.index_cast %swap3A_1893 : i32 to index
    %swap3A_1895 = arith.constant 16 : index
    %swap3A_1896 = tpu.vector_load %arg6[%swap3A_1894, %swap3A_1895] {strides = array<i32>} : memref<24x128xi32, #tpu.memory_space<vmem>>, vector<1x16xi32>,
    %swap3A_1897 = vector.shape_cast %swap3A_1896 : vector<1x16xi32> to vector<16xi32>
    %swap3A_1898 = vector.shape_cast %get3A_1892 : vector<16xi32> to vector<1x16xi32>
    tpu.vector_store %arg6[%swap3A_1894, %swap3A_1895], %swap3A_1898 {strides = array<i32>} : memref<24x128xi32, #tpu.memory_space<vmem>>, vector<1x16xi32>,
    %get3A_1899 = arith.constant 2 : i32
    %get3A_1900 = arith.constant 24 : i32
    %get3A_1901 = arith.index_cast %get3A_1899 : i32 to index
    %get3A_1902 = arith.index_cast %get3A_1900 : i32 to index
    %get3A_1903 = arith.constant 0 : index
    %get3A_1904 = tpu.vector_load %arg5[%get3A_1901, %get3A_1902, %get3A_1903] {strides = array<i32>} : memref<6x32x16xi32, #tpu.memory_space<vmem>>, vector<1x1x16xi32>,
    %get3A_1905 = vector.shape_cast %get3A_1904 : vector<1x1x16xi32> to vector<16xi32>
    %swap3A_1906 = arith.constant 18 : i32
    %swap3A_1907 = arith.index_cast %swap3A_1906 : i32 to index
    %swap3A_1908 = arith.constant 32 : index
    %swap3A_1909 = tpu.vector_load %arg6[%swap3A_1907, %swap3A_1908] {strides = array<i32>} : memref<24x128xi32, #tpu.memory_space<vmem>>, vector<1x16xi32>,
    %swap3A_1910 = vector.shape_cast %swap3A_1909 : vector<1x16xi32> to vector<16xi32>
    %swap3A_1911 = vector.shape_cast %get3A_1905 : vector<16xi32> to vector<1x16xi32>
    tpu.vector_store %arg6[%swap3A_1907, %swap3A_1908], %swap3A_1911 {strides = array<i32>} : memref<24x128xi32, #tpu.memory_space<vmem>>, vector<1x16xi32>,
    %get3A_1912 = arith.constant 3 : i32
    %get3A_1913 = arith.constant 24 : i32
    %get3A_1914 = arith.index_cast %get3A_1912 : i32 to index
    %get3A_1915 = arith.index_cast %get3A_1913 : i32 to index
    %get3A_1916 = arith.constant 0 : index
    %get3A_1917 = tpu.vector_load %arg5[%get3A_1914, %get3A_1915, %get3A_1916] {strides = array<i32>} : memref<6x32x16xi32, #tpu.memory_space<vmem>>, vector<1x1x16xi32>,
    %get3A_1918 = vector.shape_cast %get3A_1917 : vector<1x1x16xi32> to vector<16xi32>
    %swap3A_1919 = arith.constant 18 : i32
    %swap3A_1920 = arith.index_cast %swap3A_1919 : i32 to index
    %swap3A_1921 = arith.constant 48 : index
    %swap3A_1922 = tpu.vector_load %arg6[%swap3A_1920, %swap3A_1921] {strides = array<i32>} : memref<24x128xi32, #tpu.memory_space<vmem>>, vector<1x16xi32>,
    %swap3A_1923 = vector.shape_cast %swap3A_1922 : vector<1x16xi32> to vector<16xi32>
    %swap3A_1924 = vector.shape_cast %get3A_1918 : vector<16xi32> to vector<1x16xi32>
    tpu.vector_store %arg6[%swap3A_1920, %swap3A_1921], %swap3A_1924 {strides = array<i32>} : memref<24x128xi32, #tpu.memory_space<vmem>>, vector<1x16xi32>,
    %get3A_1925 = arith.constant 4 : i32
    %get3A_1926 = arith.constant 24 : i32
    %get3A_1927 = arith.index_cast %get3A_1925 : i32 to index
    %get3A_1928 = arith.index_cast %get3A_1926 : i32 to index
    %get3A_1929 = arith.constant 0 : index
    %get3A_1930 = tpu.vector_load %arg5[%get3A_1927, %get3A_1928, %get3A_1929] {strides = array<i32>} : memref<6x32x16xi32, #tpu.memory_space<vmem>>, vector<1x1x16xi32>,
    %get3A_1931 = vector.shape_cast %get3A_1930 : vector<1x1x16xi32> to vector<16xi32>
    %swap3A_1932 = arith.constant 18 : i32
    %swap3A_1933 = arith.index_cast %swap3A_1932 : i32 to index
    %swap3A_1934 = arith.constant 64 : index
    %swap3A_1935 = tpu.vector_load %arg6[%swap3A_1933, %swap3A_1934] {strides = array<i32>} : memref<24x128xi32, #tpu.memory_space<vmem>>, vector<1x16xi32>,
    %swap3A_1936 = vector.shape_cast %swap3A_1935 : vector<1x16xi32> to vector<16xi32>
    %swap3A_1937 = vector.shape_cast %get3A_1931 : vector<16xi32> to vector<1x16xi32>
    tpu.vector_store %arg6[%swap3A_1933, %swap3A_1934], %swap3A_1937 {strides = array<i32>} : memref<24x128xi32, #tpu.memory_space<vmem>>, vector<1x16xi32>,
    %get3A_1938 = arith.constant 5 : i32
    %get3A_1939 = arith.constant 24 : i32
    %get3A_1940 = arith.index_cast %get3A_1938 : i32 to index
    %get3A_1941 = arith.index_cast %get3A_1939 : i32 to index
    %get3A_1942 = arith.constant 0 : index
    %get3A_1943 = tpu.vector_load %arg5[%get3A_1940, %get3A_1941, %get3A_1942] {strides = array<i32>} : memref<6x32x16xi32, #tpu.memory_space<vmem>>, vector<1x1x16xi32>,
    %get3A_1944 = vector.shape_cast %get3A_1943 : vector<1x1x16xi32> to vector<16xi32>
    %swap3A_1945 = arith.constant 18 : i32
    %swap3A_1946 = arith.index_cast %swap3A_1945 : i32 to index
    %swap3A_1947 = arith.constant 80 : index
    %swap3A_1948 = tpu.vector_load %arg6[%swap3A_1946, %swap3A_1947] {strides = array<i32>} : memref<24x128xi32, #tpu.memory_space<vmem>>, vector<1x16xi32>,
    %swap3A_1949 = vector.shape_cast %swap3A_1948 : vector<1x16xi32> to vector<16xi32>
    %swap3A_1950 = vector.shape_cast %get3A_1944 : vector<16xi32> to vector<1x16xi32>
    tpu.vector_store %arg6[%swap3A_1946, %swap3A_1947], %swap3A_1950 {strides = array<i32>} : memref<24x128xi32, #tpu.memory_space<vmem>>, vector<1x16xi32>,
    %get3A_1951 = arith.constant 0 : i32
    %get3A_1952 = arith.constant 25 : i32
    %get3A_1953 = arith.index_cast %get3A_1951 : i32 to index
    %get3A_1954 = arith.index_cast %get3A_1952 : i32 to index
    %get3A_1955 = arith.constant 0 : index
    %get3A_1956 = tpu.vector_load %arg5[%get3A_1953, %get3A_1954, %get3A_1955] {strides = array<i32>} : memref<6x32x16xi32, #tpu.memory_space<vmem>>, vector<1x1x16xi32>,
    %get3A_1957 = vector.shape_cast %get3A_1956 : vector<1x1x16xi32> to vector<16xi32>
    %swap3A_1958 = arith.constant 18 : i32
    %swap3A_1959 = arith.index_cast %swap3A_1958 : i32 to index
    %swap3A_1960 = arith.constant 96 : index
    %swap3A_1961 = tpu.vector_load %arg6[%swap3A_1959, %swap3A_1960] {strides = array<i32>} : memref<24x128xi32, #tpu.memory_space<vmem>>, vector<1x16xi32>,
    %swap3A_1962 = vector.shape_cast %swap3A_1961 : vector<1x16xi32> to vector<16xi32>
    %swap3A_1963 = vector.shape_cast %get3A_1957 : vector<16xi32> to vector<1x16xi32>
    tpu.vector_store %arg6[%swap3A_1959, %swap3A_1960], %swap3A_1963 {strides = array<i32>} : memref<24x128xi32, #tpu.memory_space<vmem>>, vector<1x16xi32>,
    %get3A_1964 = arith.constant 1 : i32
    %get3A_1965 = arith.constant 25 : i32
    %get3A_1966 = arith.index_cast %get3A_1964 : i32 to index
    %get3A_1967 = arith.index_cast %get3A_1965 : i32 to index
    %get3A_1968 = arith.constant 0 : index
    %get3A_1969 = tpu.vector_load %arg5[%get3A_1966, %get3A_1967, %get3A_1968] {strides = array<i32>} : memref<6x32x16xi32, #tpu.memory_space<vmem>>, vector<1x1x16xi32>,
    %get3A_1970 = vector.shape_cast %get3A_1969 : vector<1x1x16xi32> to vector<16xi32>
    %swap3A_1971 = arith.constant 18 : i32
    %swap3A_1972 = arith.index_cast %swap3A_1971 : i32 to index
    %swap3A_1973 = arith.constant 112 : index
    %swap3A_1974 = tpu.vector_load %arg6[%swap3A_1972, %swap3A_1973] {strides = array<i32>} : memref<24x128xi32, #tpu.memory_space<vmem>>, vector<1x16xi32>,
    %swap3A_1975 = vector.shape_cast %swap3A_1974 : vector<1x16xi32> to vector<16xi32>
    %swap3A_1976 = vector.shape_cast %get3A_1970 : vector<16xi32> to vector<1x16xi32>
    tpu.vector_store %arg6[%swap3A_1972, %swap3A_1973], %swap3A_1976 {strides = array<i32>} : memref<24x128xi32, #tpu.memory_space<vmem>>, vector<1x16xi32>,
    %get3A_1977 = arith.constant 2 : i32
    %get3A_1978 = arith.constant 25 : i32
    %get3A_1979 = arith.index_cast %get3A_1977 : i32 to index
    %get3A_1980 = arith.index_cast %get3A_1978 : i32 to index
    %get3A_1981 = arith.constant 0 : index
    %get3A_1982 = tpu.vector_load %arg5[%get3A_1979, %get3A_1980, %get3A_1981] {strides = array<i32>} : memref<6x32x16xi32, #tpu.memory_space<vmem>>, vector<1x1x16xi32>,
    %get3A_1983 = vector.shape_cast %get3A_1982 : vector<1x1x16xi32> to vector<16xi32>
    %swap3A_1984 = arith.constant 19 : i32
    %swap3A_1985 = arith.index_cast %swap3A_1984 : i32 to index
    %swap3A_1986 = arith.constant 0 : index
    %swap3A_1987 = tpu.vector_load %arg6[%swap3A_1985, %swap3A_1986] {strides = array<i32>} : memref<24x128xi32, #tpu.memory_space<vmem>>, vector<1x16xi32>,
    %swap3A_1988 = vector.shape_cast %swap3A_1987 : vector<1x16xi32> to vector<16xi32>
    %swap3A_1989 = vector.shape_cast %get3A_1983 : vector<16xi32> to vector<1x16xi32>
    tpu.vector_store %arg6[%swap3A_1985, %swap3A_1986], %swap3A_1989 {strides = array<i32>} : memref<24x128xi32, #tpu.memory_space<vmem>>, vector<1x16xi32>,
    %get3A_1990 = arith.constant 3 : i32
    %get3A_1991 = arith.constant 25 : i32
    %get3A_1992 = arith.index_cast %get3A_1990 : i32 to index
    %get3A_1993 = arith.index_cast %get3A_1991 : i32 to index
    %get3A_1994 = arith.constant 0 : index
    %get3A_1995 = tpu.vector_load %arg5[%get3A_1992, %get3A_1993, %get3A_1994] {strides = array<i32>} : memref<6x32x16xi32, #tpu.memory_space<vmem>>, vector<1x1x16xi32>,
    %get3A_1996 = vector.shape_cast %get3A_1995 : vector<1x1x16xi32> to vector<16xi32>
    %swap3A_1997 = arith.constant 19 : i32
    %swap3A_1998 = arith.index_cast %swap3A_1997 : i32 to index
    %swap3A_1999 = arith.constant 16 : index
    %swap3A_2000 = tpu.vector_load %arg6[%swap3A_1998, %swap3A_1999] {strides = array<i32>} : memref<24x128xi32, #tpu.memory_space<vmem>>, vector<1x16xi32>,
    %swap3A_2001 = vector.shape_cast %swap3A_2000 : vector<1x16xi32> to vector<16xi32>
    %swap3A_2002 = vector.shape_cast %get3A_1996 : vector<16xi32> to vector<1x16xi32>
    tpu.vector_store %arg6[%swap3A_1998, %swap3A_1999], %swap3A_2002 {strides = array<i32>} : memref<24x128xi32, #tpu.memory_space<vmem>>, vector<1x16xi32>,
    %get3A_2003 = arith.constant 4 : i32
    %get3A_2004 = arith.constant 25 : i32
    %get3A_2005 = arith.index_cast %get3A_2003 : i32 to index
    %get3A_2006 = arith.index_cast %get3A_2004 : i32 to index
    %get3A_2007 = arith.constant 0 : index
    %get3A_2008 = tpu.vector_load %arg5[%get3A_2005, %get3A_2006, %get3A_2007] {strides = array<i32>} : memref<6x32x16xi32, #tpu.memory_space<vmem>>, vector<1x1x16xi32>,
    %get3A_2009 = vector.shape_cast %get3A_2008 : vector<1x1x16xi32> to vector<16xi32>
    %swap3A_2010 = arith.constant 19 : i32
    %swap3A_2011 = arith.index_cast %swap3A_2010 : i32 to index
    %swap3A_2012 = arith.constant 32 : index
    %swap3A_2013 = tpu.vector_load %arg6[%swap3A_2011, %swap3A_2012] {strides = array<i32>} : memref<24x128xi32, #tpu.memory_space<vmem>>, vector<1x16xi32>,
    %swap3A_2014 = vector.shape_cast %swap3A_2013 : vector<1x16xi32> to vector<16xi32>
    %swap3A_2015 = vector.shape_cast %get3A_2009 : vector<16xi32> to vector<1x16xi32>
    tpu.vector_store %arg6[%swap3A_2011, %swap3A_2012], %swap3A_2015 {strides = array<i32>} : memref<24x128xi32, #tpu.memory_space<vmem>>, vector<1x16xi32>,
    %get3A_2016 = arith.constant 5 : i32
    %get3A_2017 = arith.constant 25 : i32
    %get3A_2018 = arith.index_cast %get3A_2016 : i32 to index
    %get3A_2019 = arith.index_cast %get3A_2017 : i32 to index
    %get3A_2020 = arith.constant 0 : index
    %get3A_2021 = tpu.vector_load %arg5[%get3A_2018, %get3A_2019, %get3A_2020] {strides = array<i32>} : memref<6x32x16xi32, #tpu.memory_space<vmem>>, vector<1x1x16xi32>,
    %get3A_2022 = vector.shape_cast %get3A_2021 : vector<1x1x16xi32> to vector<16xi32>
    %swap3A_2023 = arith.constant 19 : i32
    %swap3A_2024 = arith.index_cast %swap3A_2023 : i32 to index
    %swap3A_2025 = arith.constant 48 : index
    %swap3A_2026 = tpu.vector_load %arg6[%swap3A_2024, %swap3A_2025] {strides = array<i32>} : memref<24x128xi32, #tpu.memory_space<vmem>>, vector<1x16xi32>,
    %swap3A_2027 = vector.shape_cast %swap3A_2026 : vector<1x16xi32> to vector<16xi32>
    %swap3A_2028 = vector.shape_cast %get3A_2022 : vector<16xi32> to vector<1x16xi32>
    tpu.vector_store %arg6[%swap3A_2024, %swap3A_2025], %swap3A_2028 {strides = array<i32>} : memref<24x128xi32, #tpu.memory_space<vmem>>, vector<1x16xi32>,
    %get3A_2029 = arith.constant 0 : i32
    %get3A_2030 = arith.constant 26 : i32
    %get3A_2031 = arith.index_cast %get3A_2029 : i32 to index
    %get3A_2032 = arith.index_cast %get3A_2030 : i32 to index
    %get3A_2033 = arith.constant 0 : index
    %get3A_2034 = tpu.vector_load %arg5[%get3A_2031, %get3A_2032, %get3A_2033] {strides = array<i32>} : memref<6x32x16xi32, #tpu.memory_space<vmem>>, vector<1x1x16xi32>,
    %get3A_2035 = vector.shape_cast %get3A_2034 : vector<1x1x16xi32> to vector<16xi32>
    %swap3A_2036 = arith.constant 19 : i32
    %swap3A_2037 = arith.index_cast %swap3A_2036 : i32 to index
    %swap3A_2038 = arith.constant 64 : index
    %swap3A_2039 = tpu.vector_load %arg6[%swap3A_2037, %swap3A_2038] {strides = array<i32>} : memref<24x128xi32, #tpu.memory_space<vmem>>, vector<1x16xi32>,
    %swap3A_2040 = vector.shape_cast %swap3A_2039 : vector<1x16xi32> to vector<16xi32>
    %swap3A_2041 = vector.shape_cast %get3A_2035 : vector<16xi32> to vector<1x16xi32>
    tpu.vector_store %arg6[%swap3A_2037, %swap3A_2038], %swap3A_2041 {strides = array<i32>} : memref<24x128xi32, #tpu.memory_space<vmem>>, vector<1x16xi32>,
    %get3A_2042 = arith.constant 1 : i32
    %get3A_2043 = arith.constant 26 : i32
    %get3A_2044 = arith.index_cast %get3A_2042 : i32 to index
    %get3A_2045 = arith.index_cast %get3A_2043 : i32 to index
    %get3A_2046 = arith.constant 0 : index
    %get3A_2047 = tpu.vector_load %arg5[%get3A_2044, %get3A_2045, %get3A_2046] {strides = array<i32>} : memref<6x32x16xi32, #tpu.memory_space<vmem>>, vector<1x1x16xi32>,
    %get3A_2048 = vector.shape_cast %get3A_2047 : vector<1x1x16xi32> to vector<16xi32>
    %swap3A_2049 = arith.constant 19 : i32
    %swap3A_2050 = arith.index_cast %swap3A_2049 : i32 to index
    %swap3A_2051 = arith.constant 80 : index
    %swap3A_2052 = tpu.vector_load %arg6[%swap3A_2050, %swap3A_2051] {strides = array<i32>} : memref<24x128xi32, #tpu.memory_space<vmem>>, vector<1x16xi32>,
    %swap3A_2053 = vector.shape_cast %swap3A_2052 : vector<1x16xi32> to vector<16xi32>
    %swap3A_2054 = vector.shape_cast %get3A_2048 : vector<16xi32> to vector<1x16xi32>
    tpu.vector_store %arg6[%swap3A_2050, %swap3A_2051], %swap3A_2054 {strides = array<i32>} : memref<24x128xi32, #tpu.memory_space<vmem>>, vector<1x16xi32>,
    %get3A_2055 = arith.constant 2 : i32
    %get3A_2056 = arith.constant 26 : i32
    %get3A_2057 = arith.index_cast %get3A_2055 : i32 to index
    %get3A_2058 = arith.index_cast %get3A_2056 : i32 to index
    %get3A_2059 = arith.constant 0 : index
    %get3A_2060 = tpu.vector_load %arg5[%get3A_2057, %get3A_2058, %get3A_2059] {strides = array<i32>} : memref<6x32x16xi32, #tpu.memory_space<vmem>>, vector<1x1x16xi32>,
    %get3A_2061 = vector.shape_cast %get3A_2060 : vector<1x1x16xi32> to vector<16xi32>
    %swap3A_2062 = arith.constant 19 : i32
    %swap3A_2063 = arith.index_cast %swap3A_2062 : i32 to index
    %swap3A_2064 = arith.constant 96 : index
    %swap3A_2065 = tpu.vector_load %arg6[%swap3A_2063, %swap3A_2064] {strides = array<i32>} : memref<24x128xi32, #tpu.memory_space<vmem>>, vector<1x16xi32>,
    %swap3A_2066 = vector.shape_cast %swap3A_2065 : vector<1x16xi32> to vector<16xi32>
    %swap3A_2067 = vector.shape_cast %get3A_2061 : vector<16xi32> to vector<1x16xi32>
    tpu.vector_store %arg6[%swap3A_2063, %swap3A_2064], %swap3A_2067 {strides = array<i32>} : memref<24x128xi32, #tpu.memory_space<vmem>>, vector<1x16xi32>,
    %get3A_2068 = arith.constant 3 : i32
    %get3A_2069 = arith.constant 26 : i32
    %get3A_2070 = arith.index_cast %get3A_2068 : i32 to index
    %get3A_2071 = arith.index_cast %get3A_2069 : i32 to index
    %get3A_2072 = arith.constant 0 : index
    %get3A_2073 = tpu.vector_load %arg5[%get3A_2070, %get3A_2071, %get3A_2072] {strides = array<i32>} : memref<6x32x16xi32, #tpu.memory_space<vmem>>, vector<1x1x16xi32>,
    %get3A_2074 = vector.shape_cast %get3A_2073 : vector<1x1x16xi32> to vector<16xi32>
    %swap3A_2075 = arith.constant 19 : i32
    %swap3A_2076 = arith.index_cast %swap3A_2075 : i32 to index
    %swap3A_2077 = arith.constant 112 : index
    %swap3A_2078 = tpu.vector_load %arg6[%swap3A_2076, %swap3A_2077] {strides = array<i32>} : memref<24x128xi32, #tpu.memory_space<vmem>>, vector<1x16xi32>,
    %swap3A_2079 = vector.shape_cast %swap3A_2078 : vector<1x16xi32> to vector<16xi32>
    %swap3A_2080 = vector.shape_cast %get3A_2074 : vector<16xi32> to vector<1x16xi32>
    tpu.vector_store %arg6[%swap3A_2076, %swap3A_2077], %swap3A_2080 {strides = array<i32>} : memref<24x128xi32, #tpu.memory_space<vmem>>, vector<1x16xi32>,
    %get3A_2081 = arith.constant 4 : i32
    %get3A_2082 = arith.constant 26 : i32
    %get3A_2083 = arith.index_cast %get3A_2081 : i32 to index
    %get3A_2084 = arith.index_cast %get3A_2082 : i32 to index
    %get3A_2085 = arith.constant 0 : index
    %get3A_2086 = tpu.vector_load %arg5[%get3A_2083, %get3A_2084, %get3A_2085] {strides = array<i32>} : memref<6x32x16xi32, #tpu.memory_space<vmem>>, vector<1x1x16xi32>,
    %get3A_2087 = vector.shape_cast %get3A_2086 : vector<1x1x16xi32> to vector<16xi32>
    %swap3A_2088 = arith.constant 20 : i32
    %swap3A_2089 = arith.index_cast %swap3A_2088 : i32 to index
    %swap3A_2090 = arith.constant 0 : index
    %swap3A_2091 = tpu.vector_load %arg6[%swap3A_2089, %swap3A_2090] {strides = array<i32>} : memref<24x128xi32, #tpu.memory_space<vmem>>, vector<1x16xi32>,
    %swap3A_2092 = vector.shape_cast %swap3A_2091 : vector<1x16xi32> to vector<16xi32>
    %swap3A_2093 = vector.shape_cast %get3A_2087 : vector<16xi32> to vector<1x16xi32>
    tpu.vector_store %arg6[%swap3A_2089, %swap3A_2090], %swap3A_2093 {strides = array<i32>} : memref<24x128xi32, #tpu.memory_space<vmem>>, vector<1x16xi32>,
    %get3A_2094 = arith.constant 5 : i32
    %get3A_2095 = arith.constant 26 : i32
    %get3A_2096 = arith.index_cast %get3A_2094 : i32 to index
    %get3A_2097 = arith.index_cast %get3A_2095 : i32 to index
    %get3A_2098 = arith.constant 0 : index
    %get3A_2099 = tpu.vector_load %arg5[%get3A_2096, %get3A_2097, %get3A_2098] {strides = array<i32>} : memref<6x32x16xi32, #tpu.memory_space<vmem>>, vector<1x1x16xi32>,
    %get3A_2100 = vector.shape_cast %get3A_2099 : vector<1x1x16xi32> to vector<16xi32>
    %swap3A_2101 = arith.constant 20 : i32
    %swap3A_2102 = arith.index_cast %swap3A_2101 : i32 to index
    %swap3A_2103 = arith.constant 16 : index
    %swap3A_2104 = tpu.vector_load %arg6[%swap3A_2102, %swap3A_2103] {strides = array<i32>} : memref<24x128xi32, #tpu.memory_space<vmem>>, vector<1x16xi32>,
    %swap3A_2105 = vector.shape_cast %swap3A_2104 : vector<1x16xi32> to vector<16xi32>
    %swap3A_2106 = vector.shape_cast %get3A_2100 : vector<16xi32> to vector<1x16xi32>
    tpu.vector_store %arg6[%swap3A_2102, %swap3A_2103], %swap3A_2106 {strides = array<i32>} : memref<24x128xi32, #tpu.memory_space<vmem>>, vector<1x16xi32>,
    %get3A_2107 = arith.constant 0 : i32
    %get3A_2108 = arith.constant 27 : i32
    %get3A_2109 = arith.index_cast %get3A_2107 : i32 to index
    %get3A_2110 = arith.index_cast %get3A_2108 : i32 to index
    %get3A_2111 = arith.constant 0 : index
    %get3A_2112 = tpu.vector_load %arg5[%get3A_2109, %get3A_2110, %get3A_2111] {strides = array<i32>} : memref<6x32x16xi32, #tpu.memory_space<vmem>>, vector<1x1x16xi32>,
    %get3A_2113 = vector.shape_cast %get3A_2112 : vector<1x1x16xi32> to vector<16xi32>
    %swap3A_2114 = arith.constant 20 : i32
    %swap3A_2115 = arith.index_cast %swap3A_2114 : i32 to index
    %swap3A_2116 = arith.constant 32 : index
    %swap3A_2117 = tpu.vector_load %arg6[%swap3A_2115, %swap3A_2116] {strides = array<i32>} : memref<24x128xi32, #tpu.memory_space<vmem>>, vector<1x16xi32>,
    %swap3A_2118 = vector.shape_cast %swap3A_2117 : vector<1x16xi32> to vector<16xi32>
    %swap3A_2119 = vector.shape_cast %get3A_2113 : vector<16xi32> to vector<1x16xi32>
    tpu.vector_store %arg6[%swap3A_2115, %swap3A_2116], %swap3A_2119 {strides = array<i32>} : memref<24x128xi32, #tpu.memory_space<vmem>>, vector<1x16xi32>,
    %get3A_2120 = arith.constant 1 : i32
    %get3A_2121 = arith.constant 27 : i32
    %get3A_2122 = arith.index_cast %get3A_2120 : i32 to index
    %get3A_2123 = arith.index_cast %get3A_2121 : i32 to index
    %get3A_2124 = arith.constant 0 : index
    %get3A_2125 = tpu.vector_load %arg5[%get3A_2122, %get3A_2123, %get3A_2124] {strides = array<i32>} : memref<6x32x16xi32, #tpu.memory_space<vmem>>, vector<1x1x16xi32>,
    %get3A_2126 = vector.shape_cast %get3A_2125 : vector<1x1x16xi32> to vector<16xi32>
    %swap3A_2127 = arith.constant 20 : i32
    %swap3A_2128 = arith.index_cast %swap3A_2127 : i32 to index
    %swap3A_2129 = arith.constant 48 : index
    %swap3A_2130 = tpu.vector_load %arg6[%swap3A_2128, %swap3A_2129] {strides = array<i32>} : memref<24x128xi32, #tpu.memory_space<vmem>>, vector<1x16xi32>,
    %swap3A_2131 = vector.shape_cast %swap3A_2130 : vector<1x16xi32> to vector<16xi32>
    %swap3A_2132 = vector.shape_cast %get3A_2126 : vector<16xi32> to vector<1x16xi32>
    tpu.vector_store %arg6[%swap3A_2128, %swap3A_2129], %swap3A_2132 {strides = array<i32>} : memref<24x128xi32, #tpu.memory_space<vmem>>, vector<1x16xi32>,
    %get3A_2133 = arith.constant 2 : i32
    %get3A_2134 = arith.constant 27 : i32
    %get3A_2135 = arith.index_cast %get3A_2133 : i32 to index
    %get3A_2136 = arith.index_cast %get3A_2134 : i32 to index
    %get3A_2137 = arith.constant 0 : index
    %get3A_2138 = tpu.vector_load %arg5[%get3A_2135, %get3A_2136, %get3A_2137] {strides = array<i32>} : memref<6x32x16xi32, #tpu.memory_space<vmem>>, vector<1x1x16xi32>,
    %get3A_2139 = vector.shape_cast %get3A_2138 : vector<1x1x16xi32> to vector<16xi32>
    %swap3A_2140 = arith.constant 20 : i32
    %swap3A_2141 = arith.index_cast %swap3A_2140 : i32 to index
    %swap3A_2142 = arith.constant 64 : index
    %swap3A_2143 = tpu.vector_load %arg6[%swap3A_2141, %swap3A_2142] {strides = array<i32>} : memref<24x128xi32, #tpu.memory_space<vmem>>, vector<1x16xi32>,
    %swap3A_2144 = vector.shape_cast %swap3A_2143 : vector<1x16xi32> to vector<16xi32>
    %swap3A_2145 = vector.shape_cast %get3A_2139 : vector<16xi32> to vector<1x16xi32>
    tpu.vector_store %arg6[%swap3A_2141, %swap3A_2142], %swap3A_2145 {strides = array<i32>} : memref<24x128xi32, #tpu.memory_space<vmem>>, vector<1x16xi32>,
    %get3A_2146 = arith.constant 3 : i32
    %get3A_2147 = arith.constant 27 : i32
    %get3A_2148 = arith.index_cast %get3A_2146 : i32 to index
    %get3A_2149 = arith.index_cast %get3A_2147 : i32 to index
    %get3A_2150 = arith.constant 0 : index
    %get3A_2151 = tpu.vector_load %arg5[%get3A_2148, %get3A_2149, %get3A_2150] {strides = array<i32>} : memref<6x32x16xi32, #tpu.memory_space<vmem>>, vector<1x1x16xi32>,
    %get3A_2152 = vector.shape_cast %get3A_2151 : vector<1x1x16xi32> to vector<16xi32>
    %swap3A_2153 = arith.constant 20 : i32
    %swap3A_2154 = arith.index_cast %swap3A_2153 : i32 to index
    %swap3A_2155 = arith.constant 80 : index
    %swap3A_2156 = tpu.vector_load %arg6[%swap3A_2154, %swap3A_2155] {strides = array<i32>} : memref<24x128xi32, #tpu.memory_space<vmem>>, vector<1x16xi32>,
    %swap3A_2157 = vector.shape_cast %swap3A_2156 : vector<1x16xi32> to vector<16xi32>
    %swap3A_2158 = vector.shape_cast %get3A_2152 : vector<16xi32> to vector<1x16xi32>
    tpu.vector_store %arg6[%swap3A_2154, %swap3A_2155], %swap3A_2158 {strides = array<i32>} : memref<24x128xi32, #tpu.memory_space<vmem>>, vector<1x16xi32>,
    %get3A_2159 = arith.constant 4 : i32
    %get3A_2160 = arith.constant 27 : i32
    %get3A_2161 = arith.index_cast %get3A_2159 : i32 to index
    %get3A_2162 = arith.index_cast %get3A_2160 : i32 to index
    %get3A_2163 = arith.constant 0 : index
    %get3A_2164 = tpu.vector_load %arg5[%get3A_2161, %get3A_2162, %get3A_2163] {strides = array<i32>} : memref<6x32x16xi32, #tpu.memory_space<vmem>>, vector<1x1x16xi32>,
    %get3A_2165 = vector.shape_cast %get3A_2164 : vector<1x1x16xi32> to vector<16xi32>
    %swap3A_2166 = arith.constant 20 : i32
    %swap3A_2167 = arith.index_cast %swap3A_2166 : i32 to index
    %swap3A_2168 = arith.constant 96 : index
    %swap3A_2169 = tpu.vector_load %arg6[%swap3A_2167, %swap3A_2168] {strides = array<i32>} : memref<24x128xi32, #tpu.memory_space<vmem>>, vector<1x16xi32>,
    %swap3A_2170 = vector.shape_cast %swap3A_2169 : vector<1x16xi32> to vector<16xi32>
    %swap3A_2171 = vector.shape_cast %get3A_2165 : vector<16xi32> to vector<1x16xi32>
    tpu.vector_store %arg6[%swap3A_2167, %swap3A_2168], %swap3A_2171 {strides = array<i32>} : memref<24x128xi32, #tpu.memory_space<vmem>>, vector<1x16xi32>,
    %get3A_2172 = arith.constant 5 : i32
    %get3A_2173 = arith.constant 27 : i32
    %get3A_2174 = arith.index_cast %get3A_2172 : i32 to index
    %get3A_2175 = arith.index_cast %get3A_2173 : i32 to index
    %get3A_2176 = arith.constant 0 : index
    %get3A_2177 = tpu.vector_load %arg5[%get3A_2174, %get3A_2175, %get3A_2176] {strides = array<i32>} : memref<6x32x16xi32, #tpu.memory_space<vmem>>, vector<1x1x16xi32>,
    %get3A_2178 = vector.shape_cast %get3A_2177 : vector<1x1x16xi32> to vector<16xi32>
    %swap3A_2179 = arith.constant 20 : i32
    %swap3A_2180 = arith.index_cast %swap3A_2179 : i32 to index
    %swap3A_2181 = arith.constant 112 : index
    %swap3A_2182 = tpu.vector_load %arg6[%swap3A_2180, %swap3A_2181] {strides = array<i32>} : memref<24x128xi32, #tpu.memory_space<vmem>>, vector<1x16xi32>,
    %swap3A_2183 = vector.shape_cast %swap3A_2182 : vector<1x16xi32> to vector<16xi32>
    %swap3A_2184 = vector.shape_cast %get3A_2178 : vector<16xi32> to vector<1x16xi32>
    tpu.vector_store %arg6[%swap3A_2180, %swap3A_2181], %swap3A_2184 {strides = array<i32>} : memref<24x128xi32, #tpu.memory_space<vmem>>, vector<1x16xi32>,
    %get3A_2185 = arith.constant 0 : i32
    %get3A_2186 = arith.constant 28 : i32
    %get3A_2187 = arith.index_cast %get3A_2185 : i32 to index
    %get3A_2188 = arith.index_cast %get3A_2186 : i32 to index
    %get3A_2189 = arith.constant 0 : index
    %get3A_2190 = tpu.vector_load %arg5[%get3A_2187, %get3A_2188, %get3A_2189] {strides = array<i32>} : memref<6x32x16xi32, #tpu.memory_space<vmem>>, vector<1x1x16xi32>,
    %get3A_2191 = vector.shape_cast %get3A_2190 : vector<1x1x16xi32> to vector<16xi32>
    %swap3A_2192 = arith.constant 21 : i32
    %swap3A_2193 = arith.index_cast %swap3A_2192 : i32 to index
    %swap3A_2194 = arith.constant 0 : index
    %swap3A_2195 = tpu.vector_load %arg6[%swap3A_2193, %swap3A_2194] {strides = array<i32>} : memref<24x128xi32, #tpu.memory_space<vmem>>, vector<1x16xi32>,
    %swap3A_2196 = vector.shape_cast %swap3A_2195 : vector<1x16xi32> to vector<16xi32>
    %swap3A_2197 = vector.shape_cast %get3A_2191 : vector<16xi32> to vector<1x16xi32>
    tpu.vector_store %arg6[%swap3A_2193, %swap3A_2194], %swap3A_2197 {strides = array<i32>} : memref<24x128xi32, #tpu.memory_space<vmem>>, vector<1x16xi32>,
    %get3A_2198 = arith.constant 1 : i32
    %get3A_2199 = arith.constant 28 : i32
    %get3A_2200 = arith.index_cast %get3A_2198 : i32 to index
    %get3A_2201 = arith.index_cast %get3A_2199 : i32 to index
    %get3A_2202 = arith.constant 0 : index
    %get3A_2203 = tpu.vector_load %arg5[%get3A_2200, %get3A_2201, %get3A_2202] {strides = array<i32>} : memref<6x32x16xi32, #tpu.memory_space<vmem>>, vector<1x1x16xi32>,
    %get3A_2204 = vector.shape_cast %get3A_2203 : vector<1x1x16xi32> to vector<16xi32>
    %swap3A_2205 = arith.constant 21 : i32
    %swap3A_2206 = arith.index_cast %swap3A_2205 : i32 to index
    %swap3A_2207 = arith.constant 16 : index
    %swap3A_2208 = tpu.vector_load %arg6[%swap3A_2206, %swap3A_2207] {strides = array<i32>} : memref<24x128xi32, #tpu.memory_space<vmem>>, vector<1x16xi32>,
    %swap3A_2209 = vector.shape_cast %swap3A_2208 : vector<1x16xi32> to vector<16xi32>
    %swap3A_2210 = vector.shape_cast %get3A_2204 : vector<16xi32> to vector<1x16xi32>
    tpu.vector_store %arg6[%swap3A_2206, %swap3A_2207], %swap3A_2210 {strides = array<i32>} : memref<24x128xi32, #tpu.memory_space<vmem>>, vector<1x16xi32>,
    %get3A_2211 = arith.constant 2 : i32
    %get3A_2212 = arith.constant 28 : i32
    %get3A_2213 = arith.index_cast %get3A_2211 : i32 to index
    %get3A_2214 = arith.index_cast %get3A_2212 : i32 to index
    %get3A_2215 = arith.constant 0 : index
    %get3A_2216 = tpu.vector_load %arg5[%get3A_2213, %get3A_2214, %get3A_2215] {strides = array<i32>} : memref<6x32x16xi32, #tpu.memory_space<vmem>>, vector<1x1x16xi32>,
    %get3A_2217 = vector.shape_cast %get3A_2216 : vector<1x1x16xi32> to vector<16xi32>
    %swap3A_2218 = arith.constant 21 : i32
    %swap3A_2219 = arith.index_cast %swap3A_2218 : i32 to index
    %swap3A_2220 = arith.constant 32 : index
    %swap3A_2221 = tpu.vector_load %arg6[%swap3A_2219, %swap3A_2220] {strides = array<i32>} : memref<24x128xi32, #tpu.memory_space<vmem>>, vector<1x16xi32>,
    %swap3A_2222 = vector.shape_cast %swap3A_2221 : vector<1x16xi32> to vector<16xi32>
    %swap3A_2223 = vector.shape_cast %get3A_2217 : vector<16xi32> to vector<1x16xi32>
    tpu.vector_store %arg6[%swap3A_2219, %swap3A_2220], %swap3A_2223 {strides = array<i32>} : memref<24x128xi32, #tpu.memory_space<vmem>>, vector<1x16xi32>,
    %get3A_2224 = arith.constant 3 : i32
    %get3A_2225 = arith.constant 28 : i32
    %get3A_2226 = arith.index_cast %get3A_2224 : i32 to index
    %get3A_2227 = arith.index_cast %get3A_2225 : i32 to index
    %get3A_2228 = arith.constant 0 : index
    %get3A_2229 = tpu.vector_load %arg5[%get3A_2226, %get3A_2227, %get3A_2228] {strides = array<i32>} : memref<6x32x16xi32, #tpu.memory_space<vmem>>, vector<1x1x16xi32>,
    %get3A_2230 = vector.shape_cast %get3A_2229 : vector<1x1x16xi32> to vector<16xi32>
    %swap3A_2231 = arith.constant 21 : i32
    %swap3A_2232 = arith.index_cast %swap3A_2231 : i32 to index
    %swap3A_2233 = arith.constant 48 : index
    %swap3A_2234 = tpu.vector_load %arg6[%swap3A_2232, %swap3A_2233] {strides = array<i32>} : memref<24x128xi32, #tpu.memory_space<vmem>>, vector<1x16xi32>,
    %swap3A_2235 = vector.shape_cast %swap3A_2234 : vector<1x16xi32> to vector<16xi32>
    %swap3A_2236 = vector.shape_cast %get3A_2230 : vector<16xi32> to vector<1x16xi32>
    tpu.vector_store %arg6[%swap3A_2232, %swap3A_2233], %swap3A_2236 {strides = array<i32>} : memref<24x128xi32, #tpu.memory_space<vmem>>, vector<1x16xi32>,
    %get3A_2237 = arith.constant 4 : i32
    %get3A_2238 = arith.constant 28 : i32
    %get3A_2239 = arith.index_cast %get3A_2237 : i32 to index
    %get3A_2240 = arith.index_cast %get3A_2238 : i32 to index
    %get3A_2241 = arith.constant 0 : index
    %get3A_2242 = tpu.vector_load %arg5[%get3A_2239, %get3A_2240, %get3A_2241] {strides = array<i32>} : memref<6x32x16xi32, #tpu.memory_space<vmem>>, vector<1x1x16xi32>,
    %get3A_2243 = vector.shape_cast %get3A_2242 : vector<1x1x16xi32> to vector<16xi32>
    %swap3A_2244 = arith.constant 21 : i32
    %swap3A_2245 = arith.index_cast %swap3A_2244 : i32 to index
    %swap3A_2246 = arith.constant 64 : index
    %swap3A_2247 = tpu.vector_load %arg6[%swap3A_2245, %swap3A_2246] {strides = array<i32>} : memref<24x128xi32, #tpu.memory_space<vmem>>, vector<1x16xi32>,
    %swap3A_2248 = vector.shape_cast %swap3A_2247 : vector<1x16xi32> to vector<16xi32>
    %swap3A_2249 = vector.shape_cast %get3A_2243 : vector<16xi32> to vector<1x16xi32>
    tpu.vector_store %arg6[%swap3A_2245, %swap3A_2246], %swap3A_2249 {strides = array<i32>} : memref<24x128xi32, #tpu.memory_space<vmem>>, vector<1x16xi32>,
    %get3A_2250 = arith.constant 5 : i32
    %get3A_2251 = arith.constant 28 : i32
    %get3A_2252 = arith.index_cast %get3A_2250 : i32 to index
    %get3A_2253 = arith.index_cast %get3A_2251 : i32 to index
    %get3A_2254 = arith.constant 0 : index
    %get3A_2255 = tpu.vector_load %arg5[%get3A_2252, %get3A_2253, %get3A_2254] {strides = array<i32>} : memref<6x32x16xi32, #tpu.memory_space<vmem>>, vector<1x1x16xi32>,
    %get3A_2256 = vector.shape_cast %get3A_2255 : vector<1x1x16xi32> to vector<16xi32>
    %swap3A_2257 = arith.constant 21 : i32
    %swap3A_2258 = arith.index_cast %swap3A_2257 : i32 to index
    %swap3A_2259 = arith.constant 80 : index
    %swap3A_2260 = tpu.vector_load %arg6[%swap3A_2258, %swap3A_2259] {strides = array<i32>} : memref<24x128xi32, #tpu.memory_space<vmem>>, vector<1x16xi32>,
    %swap3A_2261 = vector.shape_cast %swap3A_2260 : vector<1x16xi32> to vector<16xi32>
    %swap3A_2262 = vector.shape_cast %get3A_2256 : vector<16xi32> to vector<1x16xi32>
    tpu.vector_store %arg6[%swap3A_2258, %swap3A_2259], %swap3A_2262 {strides = array<i32>} : memref<24x128xi32, #tpu.memory_space<vmem>>, vector<1x16xi32>,
    %get3A_2263 = arith.constant 0 : i32
    %get3A_2264 = arith.constant 29 : i32
    %get3A_2265 = arith.index_cast %get3A_2263 : i32 to index
    %get3A_2266 = arith.index_cast %get3A_2264 : i32 to index
    %get3A_2267 = arith.constant 0 : index
    %get3A_2268 = tpu.vector_load %arg5[%get3A_2265, %get3A_2266, %get3A_2267] {strides = array<i32>} : memref<6x32x16xi32, #tpu.memory_space<vmem>>, vector<1x1x16xi32>,
    %get3A_2269 = vector.shape_cast %get3A_2268 : vector<1x1x16xi32> to vector<16xi32>
    %swap3A_2270 = arith.constant 21 : i32
    %swap3A_2271 = arith.index_cast %swap3A_2270 : i32 to index
    %swap3A_2272 = arith.constant 96 : index
    %swap3A_2273 = tpu.vector_load %arg6[%swap3A_2271, %swap3A_2272] {strides = array<i32>} : memref<24x128xi32, #tpu.memory_space<vmem>>, vector<1x16xi32>,
    %swap3A_2274 = vector.shape_cast %swap3A_2273 : vector<1x16xi32> to vector<16xi32>
    %swap3A_2275 = vector.shape_cast %get3A_2269 : vector<16xi32> to vector<1x16xi32>
    tpu.vector_store %arg6[%swap3A_2271, %swap3A_2272], %swap3A_2275 {strides = array<i32>} : memref<24x128xi32, #tpu.memory_space<vmem>>, vector<1x16xi32>,
    %get3A_2276 = arith.constant 1 : i32
    %get3A_2277 = arith.constant 29 : i32
    %get3A_2278 = arith.index_cast %get3A_2276 : i32 to index
    %get3A_2279 = arith.index_cast %get3A_2277 : i32 to index
    %get3A_2280 = arith.constant 0 : index
    %get3A_2281 = tpu.vector_load %arg5[%get3A_2278, %get3A_2279, %get3A_2280] {strides = array<i32>} : memref<6x32x16xi32, #tpu.memory_space<vmem>>, vector<1x1x16xi32>,
    %get3A_2282 = vector.shape_cast %get3A_2281 : vector<1x1x16xi32> to vector<16xi32>
    %swap3A_2283 = arith.constant 21 : i32
    %swap3A_2284 = arith.index_cast %swap3A_2283 : i32 to index
    %swap3A_2285 = arith.constant 112 : index
    %swap3A_2286 = tpu.vector_load %arg6[%swap3A_2284, %swap3A_2285] {strides = array<i32>} : memref<24x128xi32, #tpu.memory_space<vmem>>, vector<1x16xi32>,
    %swap3A_2287 = vector.shape_cast %swap3A_2286 : vector<1x16xi32> to vector<16xi32>
    %swap3A_2288 = vector.shape_cast %get3A_2282 : vector<16xi32> to vector<1x16xi32>
    tpu.vector_store %arg6[%swap3A_2284, %swap3A_2285], %swap3A_2288 {strides = array<i32>} : memref<24x128xi32, #tpu.memory_space<vmem>>, vector<1x16xi32>,
    %get3A_2289 = arith.constant 2 : i32
    %get3A_2290 = arith.constant 29 : i32
    %get3A_2291 = arith.index_cast %get3A_2289 : i32 to index
    %get3A_2292 = arith.index_cast %get3A_2290 : i32 to index
    %get3A_2293 = arith.constant 0 : index
    %get3A_2294 = tpu.vector_load %arg5[%get3A_2291, %get3A_2292, %get3A_2293] {strides = array<i32>} : memref<6x32x16xi32, #tpu.memory_space<vmem>>, vector<1x1x16xi32>,
    %get3A_2295 = vector.shape_cast %get3A_2294 : vector<1x1x16xi32> to vector<16xi32>
    %swap3A_2296 = arith.constant 22 : i32
    %swap3A_2297 = arith.index_cast %swap3A_2296 : i32 to index
    %swap3A_2298 = arith.constant 0 : index
    %swap3A_2299 = tpu.vector_load %arg6[%swap3A_2297, %swap3A_2298] {strides = array<i32>} : memref<24x128xi32, #tpu.memory_space<vmem>>, vector<1x16xi32>,
    %swap3A_2300 = vector.shape_cast %swap3A_2299 : vector<1x16xi32> to vector<16xi32>
    %swap3A_2301 = vector.shape_cast %get3A_2295 : vector<16xi32> to vector<1x16xi32>
    tpu.vector_store %arg6[%swap3A_2297, %swap3A_2298], %swap3A_2301 {strides = array<i32>} : memref<24x128xi32, #tpu.memory_space<vmem>>, vector<1x16xi32>,
    %get3A_2302 = arith.constant 3 : i32
    %get3A_2303 = arith.constant 29 : i32
    %get3A_2304 = arith.index_cast %get3A_2302 : i32 to index
    %get3A_2305 = arith.index_cast %get3A_2303 : i32 to index
    %get3A_2306 = arith.constant 0 : index
    %get3A_2307 = tpu.vector_load %arg5[%get3A_2304, %get3A_2305, %get3A_2306] {strides = array<i32>} : memref<6x32x16xi32, #tpu.memory_space<vmem>>, vector<1x1x16xi32>,
    %get3A_2308 = vector.shape_cast %get3A_2307 : vector<1x1x16xi32> to vector<16xi32>
    %swap3A_2309 = arith.constant 22 : i32
    %swap3A_2310 = arith.index_cast %swap3A_2309 : i32 to index
    %swap3A_2311 = arith.constant 16 : index
    %swap3A_2312 = tpu.vector_load %arg6[%swap3A_2310, %swap3A_2311] {strides = array<i32>} : memref<24x128xi32, #tpu.memory_space<vmem>>, vector<1x16xi32>,
    %swap3A_2313 = vector.shape_cast %swap3A_2312 : vector<1x16xi32> to vector<16xi32>
    %swap3A_2314 = vector.shape_cast %get3A_2308 : vector<16xi32> to vector<1x16xi32>
    tpu.vector_store %arg6[%swap3A_2310, %swap3A_2311], %swap3A_2314 {strides = array<i32>} : memref<24x128xi32, #tpu.memory_space<vmem>>, vector<1x16xi32>,
    %get3A_2315 = arith.constant 4 : i32
    %get3A_2316 = arith.constant 29 : i32
    %get3A_2317 = arith.index_cast %get3A_2315 : i32 to index
    %get3A_2318 = arith.index_cast %get3A_2316 : i32 to index
    %get3A_2319 = arith.constant 0 : index
    %get3A_2320 = tpu.vector_load %arg5[%get3A_2317, %get3A_2318, %get3A_2319] {strides = array<i32>} : memref<6x32x16xi32, #tpu.memory_space<vmem>>, vector<1x1x16xi32>,
    %get3A_2321 = vector.shape_cast %get3A_2320 : vector<1x1x16xi32> to vector<16xi32>
    %swap3A_2322 = arith.constant 22 : i32
    %swap3A_2323 = arith.index_cast %swap3A_2322 : i32 to index
    %swap3A_2324 = arith.constant 32 : index
    %swap3A_2325 = tpu.vector_load %arg6[%swap3A_2323, %swap3A_2324] {strides = array<i32>} : memref<24x128xi32, #tpu.memory_space<vmem>>, vector<1x16xi32>,
    %swap3A_2326 = vector.shape_cast %swap3A_2325 : vector<1x16xi32> to vector<16xi32>
    %swap3A_2327 = vector.shape_cast %get3A_2321 : vector<16xi32> to vector<1x16xi32>
    tpu.vector_store %arg6[%swap3A_2323, %swap3A_2324], %swap3A_2327 {strides = array<i32>} : memref<24x128xi32, #tpu.memory_space<vmem>>, vector<1x16xi32>,
    %get3A_2328 = arith.constant 5 : i32
    %get3A_2329 = arith.constant 29 : i32
    %get3A_2330 = arith.index_cast %get3A_2328 : i32 to index
    %get3A_2331 = arith.index_cast %get3A_2329 : i32 to index
    %get3A_2332 = arith.constant 0 : index
    %get3A_2333 = tpu.vector_load %arg5[%get3A_2330, %get3A_2331, %get3A_2332] {strides = array<i32>} : memref<6x32x16xi32, #tpu.memory_space<vmem>>, vector<1x1x16xi32>,
    %get3A_2334 = vector.shape_cast %get3A_2333 : vector<1x1x16xi32> to vector<16xi32>
    %swap3A_2335 = arith.constant 22 : i32
    %swap3A_2336 = arith.index_cast %swap3A_2335 : i32 to index
    %swap3A_2337 = arith.constant 48 : index
    %swap3A_2338 = tpu.vector_load %arg6[%swap3A_2336, %swap3A_2337] {strides = array<i32>} : memref<24x128xi32, #tpu.memory_space<vmem>>, vector<1x16xi32>,
    %swap3A_2339 = vector.shape_cast %swap3A_2338 : vector<1x16xi32> to vector<16xi32>
    %swap3A_2340 = vector.shape_cast %get3A_2334 : vector<16xi32> to vector<1x16xi32>
    tpu.vector_store %arg6[%swap3A_2336, %swap3A_2337], %swap3A_2340 {strides = array<i32>} : memref<24x128xi32, #tpu.memory_space<vmem>>, vector<1x16xi32>,
    %get3A_2341 = arith.constant 0 : i32
    %get3A_2342 = arith.constant 30 : i32
    %get3A_2343 = arith.index_cast %get3A_2341 : i32 to index
    %get3A_2344 = arith.index_cast %get3A_2342 : i32 to index
    %get3A_2345 = arith.constant 0 : index
    %get3A_2346 = tpu.vector_load %arg5[%get3A_2343, %get3A_2344, %get3A_2345] {strides = array<i32>} : memref<6x32x16xi32, #tpu.memory_space<vmem>>, vector<1x1x16xi32>,
    %get3A_2347 = vector.shape_cast %get3A_2346 : vector<1x1x16xi32> to vector<16xi32>
    %swap3A_2348 = arith.constant 22 : i32
    %swap3A_2349 = arith.index_cast %swap3A_2348 : i32 to index
    %swap3A_2350 = arith.constant 64 : index
    %swap3A_2351 = tpu.vector_load %arg6[%swap3A_2349, %swap3A_2350] {strides = array<i32>} : memref<24x128xi32, #tpu.memory_space<vmem>>, vector<1x16xi32>,
    %swap3A_2352 = vector.shape_cast %swap3A_2351 : vector<1x16xi32> to vector<16xi32>
    %swap3A_2353 = vector.shape_cast %get3A_2347 : vector<16xi32> to vector<1x16xi32>
    tpu.vector_store %arg6[%swap3A_2349, %swap3A_2350], %swap3A_2353 {strides = array<i32>} : memref<24x128xi32, #tpu.memory_space<vmem>>, vector<1x16xi32>,
    %get3A_2354 = arith.constant 1 : i32
    %get3A_2355 = arith.constant 30 : i32
    %get3A_2356 = arith.index_cast %get3A_2354 : i32 to index
    %get3A_2357 = arith.index_cast %get3A_2355 : i32 to index
    %get3A_2358 = arith.constant 0 : index
    %get3A_2359 = tpu.vector_load %arg5[%get3A_2356, %get3A_2357, %get3A_2358] {strides = array<i32>} : memref<6x32x16xi32, #tpu.memory_space<vmem>>, vector<1x1x16xi32>,
    %get3A_2360 = vector.shape_cast %get3A_2359 : vector<1x1x16xi32> to vector<16xi32>
    %swap3A_2361 = arith.constant 22 : i32
    %swap3A_2362 = arith.index_cast %swap3A_2361 : i32 to index
    %swap3A_2363 = arith.constant 80 : index
    %swap3A_2364 = tpu.vector_load %arg6[%swap3A_2362, %swap3A_2363] {strides = array<i32>} : memref<24x128xi32, #tpu.memory_space<vmem>>, vector<1x16xi32>,
    %swap3A_2365 = vector.shape_cast %swap3A_2364 : vector<1x16xi32> to vector<16xi32>
    %swap3A_2366 = vector.shape_cast %get3A_2360 : vector<16xi32> to vector<1x16xi32>
    tpu.vector_store %arg6[%swap3A_2362, %swap3A_2363], %swap3A_2366 {strides = array<i32>} : memref<24x128xi32, #tpu.memory_space<vmem>>, vector<1x16xi32>,
    %get3A_2367 = arith.constant 2 : i32
    %get3A_2368 = arith.constant 30 : i32
    %get3A_2369 = arith.index_cast %get3A_2367 : i32 to index
    %get3A_2370 = arith.index_cast %get3A_2368 : i32 to index
    %get3A_2371 = arith.constant 0 : index
    %get3A_2372 = tpu.vector_load %arg5[%get3A_2369, %get3A_2370, %get3A_2371] {strides = array<i32>} : memref<6x32x16xi32, #tpu.memory_space<vmem>>, vector<1x1x16xi32>,
    %get3A_2373 = vector.shape_cast %get3A_2372 : vector<1x1x16xi32> to vector<16xi32>
    %swap3A_2374 = arith.constant 22 : i32
    %swap3A_2375 = arith.index_cast %swap3A_2374 : i32 to index
    %swap3A_2376 = arith.constant 96 : index
    %swap3A_2377 = tpu.vector_load %arg6[%swap3A_2375, %swap3A_2376] {strides = array<i32>} : memref<24x128xi32, #tpu.memory_space<vmem>>, vector<1x16xi32>,
    %swap3A_2378 = vector.shape_cast %swap3A_2377 : vector<1x16xi32> to vector<16xi32>
    %swap3A_2379 = vector.shape_cast %get3A_2373 : vector<16xi32> to vector<1x16xi32>
    tpu.vector_store %arg6[%swap3A_2375, %swap3A_2376], %swap3A_2379 {strides = array<i32>} : memref<24x128xi32, #tpu.memory_space<vmem>>, vector<1x16xi32>,
    %get3A_2380 = arith.constant 3 : i32
    %get3A_2381 = arith.constant 30 : i32
    %get3A_2382 = arith.index_cast %get3A_2380 : i32 to index
    %get3A_2383 = arith.index_cast %get3A_2381 : i32 to index
    %get3A_2384 = arith.constant 0 : index
    %get3A_2385 = tpu.vector_load %arg5[%get3A_2382, %get3A_2383, %get3A_2384] {strides = array<i32>} : memref<6x32x16xi32, #tpu.memory_space<vmem>>, vector<1x1x16xi32>,
    %get3A_2386 = vector.shape_cast %get3A_2385 : vector<1x1x16xi32> to vector<16xi32>
    %swap3A_2387 = arith.constant 22 : i32
    %swap3A_2388 = arith.index_cast %swap3A_2387 : i32 to index
    %swap3A_2389 = arith.constant 112 : index
    %swap3A_2390 = tpu.vector_load %arg6[%swap3A_2388, %swap3A_2389] {strides = array<i32>} : memref<24x128xi32, #tpu.memory_space<vmem>>, vector<1x16xi32>,
    %swap3A_2391 = vector.shape_cast %swap3A_2390 : vector<1x16xi32> to vector<16xi32>
    %swap3A_2392 = vector.shape_cast %get3A_2386 : vector<16xi32> to vector<1x16xi32>
    tpu.vector_store %arg6[%swap3A_2388, %swap3A_2389], %swap3A_2392 {strides = array<i32>} : memref<24x128xi32, #tpu.memory_space<vmem>>, vector<1x16xi32>,
    %get3A_2393 = arith.constant 4 : i32
    %get3A_2394 = arith.constant 30 : i32
    %get3A_2395 = arith.index_cast %get3A_2393 : i32 to index
    %get3A_2396 = arith.index_cast %get3A_2394 : i32 to index
    %get3A_2397 = arith.constant 0 : index
    %get3A_2398 = tpu.vector_load %arg5[%get3A_2395, %get3A_2396, %get3A_2397] {strides = array<i32>} : memref<6x32x16xi32, #tpu.memory_space<vmem>>, vector<1x1x16xi32>,
    %get3A_2399 = vector.shape_cast %get3A_2398 : vector<1x1x16xi32> to vector<16xi32>
    %swap3A_2400 = arith.constant 23 : i32
    %swap3A_2401 = arith.index_cast %swap3A_2400 : i32 to index
    %swap3A_2402 = arith.constant 0 : index
    %swap3A_2403 = tpu.vector_load %arg6[%swap3A_2401, %swap3A_2402] {strides = array<i32>} : memref<24x128xi32, #tpu.memory_space<vmem>>, vector<1x16xi32>,
    %swap3A_2404 = vector.shape_cast %swap3A_2403 : vector<1x16xi32> to vector<16xi32>
    %swap3A_2405 = vector.shape_cast %get3A_2399 : vector<16xi32> to vector<1x16xi32>
    tpu.vector_store %arg6[%swap3A_2401, %swap3A_2402], %swap3A_2405 {strides = array<i32>} : memref<24x128xi32, #tpu.memory_space<vmem>>, vector<1x16xi32>,
    %get3A_2406 = arith.constant 5 : i32
    %get3A_2407 = arith.constant 30 : i32
    %get3A_2408 = arith.index_cast %get3A_2406 : i32 to index
    %get3A_2409 = arith.index_cast %get3A_2407 : i32 to index
    %get3A_2410 = arith.constant 0 : index
    %get3A_2411 = tpu.vector_load %arg5[%get3A_2408, %get3A_2409, %get3A_2410] {strides = array<i32>} : memref<6x32x16xi32, #tpu.memory_space<vmem>>, vector<1x1x16xi32>,
    %get3A_2412 = vector.shape_cast %get3A_2411 : vector<1x1x16xi32> to vector<16xi32>
    %swap3A_2413 = arith.constant 23 : i32
    %swap3A_2414 = arith.index_cast %swap3A_2413 : i32 to index
    %swap3A_2415 = arith.constant 16 : index
    %swap3A_2416 = tpu.vector_load %arg6[%swap3A_2414, %swap3A_2415] {strides = array<i32>} : memref<24x128xi32, #tpu.memory_space<vmem>>, vector<1x16xi32>,
    %swap3A_2417 = vector.shape_cast %swap3A_2416 : vector<1x16xi32> to vector<16xi32>
    %swap3A_2418 = vector.shape_cast %get3A_2412 : vector<16xi32> to vector<1x16xi32>
    tpu.vector_store %arg6[%swap3A_2414, %swap3A_2415], %swap3A_2418 {strides = array<i32>} : memref<24x128xi32, #tpu.memory_space<vmem>>, vector<1x16xi32>,
    %get3A_2419 = arith.constant 0 : i32
    %get3A_2420 = arith.constant 31 : i32
    %get3A_2421 = arith.index_cast %get3A_2419 : i32 to index
    %get3A_2422 = arith.index_cast %get3A_2420 : i32 to index
    %get3A_2423 = arith.constant 0 : index
    %get3A_2424 = tpu.vector_load %arg5[%get3A_2421, %get3A_2422, %get3A_2423] {strides = array<i32>} : memref<6x32x16xi32, #tpu.memory_space<vmem>>, vector<1x1x16xi32>,
    %get3A_2425 = vector.shape_cast %get3A_2424 : vector<1x1x16xi32> to vector<16xi32>
    %swap3A_2426 = arith.constant 23 : i32
    %swap3A_2427 = arith.index_cast %swap3A_2426 : i32 to index
    %swap3A_2428 = arith.constant 32 : index
    %swap3A_2429 = tpu.vector_load %arg6[%swap3A_2427, %swap3A_2428] {strides = array<i32>} : memref<24x128xi32, #tpu.memory_space<vmem>>, vector<1x16xi32>,
    %swap3A_2430 = vector.shape_cast %swap3A_2429 : vector<1x16xi32> to vector<16xi32>
    %swap3A_2431 = vector.shape_cast %get3A_2425 : vector<16xi32> to vector<1x16xi32>
    tpu.vector_store %arg6[%swap3A_2427, %swap3A_2428], %swap3A_2431 {strides = array<i32>} : memref<24x128xi32, #tpu.memory_space<vmem>>, vector<1x16xi32>,
    %get3A_2432 = arith.constant 1 : i32
    %get3A_2433 = arith.constant 31 : i32
    %get3A_2434 = arith.index_cast %get3A_2432 : i32 to index
    %get3A_2435 = arith.index_cast %get3A_2433 : i32 to index
    %get3A_2436 = arith.constant 0 : index
    %get3A_2437 = tpu.vector_load %arg5[%get3A_2434, %get3A_2435, %get3A_2436] {strides = array<i32>} : memref<6x32x16xi32, #tpu.memory_space<vmem>>, vector<1x1x16xi32>,
    %get3A_2438 = vector.shape_cast %get3A_2437 : vector<1x1x16xi32> to vector<16xi32>
    %swap3A_2439 = arith.constant 23 : i32
    %swap3A_2440 = arith.index_cast %swap3A_2439 : i32 to index
    %swap3A_2441 = arith.constant 48 : index
    %swap3A_2442 = tpu.vector_load %arg6[%swap3A_2440, %swap3A_2441] {strides = array<i32>} : memref<24x128xi32, #tpu.memory_space<vmem>>, vector<1x16xi32>,
    %swap3A_2443 = vector.shape_cast %swap3A_2442 : vector<1x16xi32> to vector<16xi32>
    %swap3A_2444 = vector.shape_cast %get3A_2438 : vector<16xi32> to vector<1x16xi32>
    tpu.vector_store %arg6[%swap3A_2440, %swap3A_2441], %swap3A_2444 {strides = array<i32>} : memref<24x128xi32, #tpu.memory_space<vmem>>, vector<1x16xi32>,
    %get3A_2445 = arith.constant 2 : i32
    %get3A_2446 = arith.constant 31 : i32
    %get3A_2447 = arith.index_cast %get3A_2445 : i32 to index
    %get3A_2448 = arith.index_cast %get3A_2446 : i32 to index
    %get3A_2449 = arith.constant 0 : index
    %get3A_2450 = tpu.vector_load %arg5[%get3A_2447, %get3A_2448, %get3A_2449] {strides = array<i32>} : memref<6x32x16xi32, #tpu.memory_space<vmem>>, vector<1x1x16xi32>,
    %get3A_2451 = vector.shape_cast %get3A_2450 : vector<1x1x16xi32> to vector<16xi32>
    %swap3A_2452 = arith.constant 23 : i32
    %swap3A_2453 = arith.index_cast %swap3A_2452 : i32 to index
    %swap3A_2454 = arith.constant 64 : index
    %swap3A_2455 = tpu.vector_load %arg6[%swap3A_2453, %swap3A_2454] {strides = array<i32>} : memref<24x128xi32, #tpu.memory_space<vmem>>, vector<1x16xi32>,
    %swap3A_2456 = vector.shape_cast %swap3A_2455 : vector<1x16xi32> to vector<16xi32>
    %swap3A_2457 = vector.shape_cast %get3A_2451 : vector<16xi32> to vector<1x16xi32>
    tpu.vector_store %arg6[%swap3A_2453, %swap3A_2454], %swap3A_2457 {strides = array<i32>} : memref<24x128xi32, #tpu.memory_space<vmem>>, vector<1x16xi32>,
    %get3A_2458 = arith.constant 3 : i32
    %get3A_2459 = arith.constant 31 : i32
    %get3A_2460 = arith.index_cast %get3A_2458 : i32 to index
    %get3A_2461 = arith.index_cast %get3A_2459 : i32 to index
    %get3A_2462 = arith.constant 0 : index
    %get3A_2463 = tpu.vector_load %arg5[%get3A_2460, %get3A_2461, %get3A_2462] {strides = array<i32>} : memref<6x32x16xi32, #tpu.memory_space<vmem>>, vector<1x1x16xi32>,
    %get3A_2464 = vector.shape_cast %get3A_2463 : vector<1x1x16xi32> to vector<16xi32>
    %swap3A_2465 = arith.constant 23 : i32
    %swap3A_2466 = arith.index_cast %swap3A_2465 : i32 to index
    %swap3A_2467 = arith.constant 80 : index
    %swap3A_2468 = tpu.vector_load %arg6[%swap3A_2466, %swap3A_2467] {strides = array<i32>} : memref<24x128xi32, #tpu.memory_space<vmem>>, vector<1x16xi32>,
    %swap3A_2469 = vector.shape_cast %swap3A_2468 : vector<1x16xi32> to vector<16xi32>
    %swap3A_2470 = vector.shape_cast %get3A_2464 : vector<16xi32> to vector<1x16xi32>
    tpu.vector_store %arg6[%swap3A_2466, %swap3A_2467], %swap3A_2470 {strides = array<i32>} : memref<24x128xi32, #tpu.memory_space<vmem>>, vector<1x16xi32>,
    %get3A_2471 = arith.constant 4 : i32
    %get3A_2472 = arith.constant 31 : i32
    %get3A_2473 = arith.index_cast %get3A_2471 : i32 to index
    %get3A_2474 = arith.index_cast %get3A_2472 : i32 to index
    %get3A_2475 = arith.constant 0 : index
    %get3A_2476 = tpu.vector_load %arg5[%get3A_2473, %get3A_2474, %get3A_2475] {strides = array<i32>} : memref<6x32x16xi32, #tpu.memory_space<vmem>>, vector<1x1x16xi32>,
    %get3A_2477 = vector.shape_cast %get3A_2476 : vector<1x1x16xi32> to vector<16xi32>
    %swap3A_2478 = arith.constant 23 : i32
    %swap3A_2479 = arith.index_cast %swap3A_2478 : i32 to index
    %swap3A_2480 = arith.constant 96 : index
    %swap3A_2481 = tpu.vector_load %arg6[%swap3A_2479, %swap3A_2480] {strides = array<i32>} : memref<24x128xi32, #tpu.memory_space<vmem>>, vector<1x16xi32>,
    %swap3A_2482 = vector.shape_cast %swap3A_2481 : vector<1x16xi32> to vector<16xi32>
    %swap3A_2483 = vector.shape_cast %get3A_2477 : vector<16xi32> to vector<1x16xi32>
    tpu.vector_store %arg6[%swap3A_2479, %swap3A_2480], %swap3A_2483 {strides = array<i32>} : memref<24x128xi32, #tpu.memory_space<vmem>>, vector<1x16xi32>,
    %get3A_2484 = arith.constant 5 : i32
    %get3A_2485 = arith.constant 31 : i32
    %get3A_2486 = arith.index_cast %get3A_2484 : i32 to index
    %get3A_2487 = arith.index_cast %get3A_2485 : i32 to index
    %get3A_2488 = arith.constant 0 : index
    %get3A_2489 = tpu.vector_load %arg5[%get3A_2486, %get3A_2487, %get3A_2488] {strides = array<i32>} : memref<6x32x16xi32, #tpu.memory_space<vmem>>, vector<1x1x16xi32>,
    %get3A_2490 = vector.shape_cast %get3A_2489 : vector<1x1x16xi32> to vector<16xi32>
    %swap3A_2491 = arith.constant 23 : i32
    %swap3A_2492 = arith.index_cast %swap3A_2491 : i32 to index
    %swap3A_2493 = arith.constant 112 : index
    %swap3A_2494 = tpu.vector_load %arg6[%swap3A_2492, %swap3A_2493] {strides = array<i32>} : memref<24x128xi32, #tpu.memory_space<vmem>>, vector<1x16xi32>,
    %swap3A_2495 = vector.shape_cast %swap3A_2494 : vector<1x16xi32> to vector<16xi32>
    %swap3A_2496 = vector.shape_cast %get3A_2490 : vector<16xi32> to vector<1x16xi32>
    tpu.vector_store %arg6[%swap3A_2492, %swap3A_2493], %swap3A_2496 {strides = array<i32>} : memref<24x128xi32, #tpu.memory_space<vmem>>, vector<1x16xi32>,
    %dma_start3A = arith.constant 0 : i32
    %dma_start3A_2497 = arith.constant 0 : i32
    %dma_start3A_2498 = arith.constant 0 : i32
    %dma_start3A_2499 = arith.constant 0 : i32
    %dma_start3A_2500 = tpu.memref_slice %arg7[%dma_start3A_2497, %dma_start3A_2498, %dma_start3A_2499] : memref<24x128x8xf32, #tpu.memory_space<vmem>> -> memref<1x128x8xf32, #tpu.memory_space<vmem>>
    %dma_start3A_2501 = tpu.memref_squeeze %dma_start3A_2500 : memref<1x128x8xf32, #tpu.memory_space<vmem>> -> memref<128x8xf32, #tpu.memory_space<vmem>>
    %dma_start3A_2502 = arith.constant 0 : i32
    %dma_start3A_2503 = tpu.memref_slice %arg6[%dma_start3A, %dma_start3A_2502] : memref<24x128xi32, #tpu.memory_space<vmem>> -> memref<1x128xi32, #tpu.memory_space<vmem>>
    %dma_start3A_2504 = tpu.memref_squeeze %dma_start3A_2503 : memref<1x128xi32, #tpu.memory_space<vmem>> -> memref<128xi32, #tpu.memory_space<vmem>>
    %dma_start3A_2505 = arith.constant 0 : i32
    %dma_start3A_2506 = arith.constant 0 : i32
    %dma_start3A_2507 = tpu.memref_slice %arg3[%dma_start3A_2505, %dma_start3A_2506] : memref<24576x8xf32, #tpu.memory_space<hbm>> -> memref<24576x8xf32, #tpu.memory_space<hbm>>
    tpu.enqueue_indirect_dma source(%dma_start3A_2507 : memref<24576x8xf32, #tpu.memory_space<hbm>>) target(%dma_start3A_2501 : memref<128x8xf32, #tpu.memory_space<vmem>>) offsets(%dma_start3A_2504 : memref<128xi32, #tpu.memory_space<vmem>>) semaphore(%arg8 : memref<!tpu.dma_semaphore, #tpu.memory_space<semaphore_mem>>)
    %dma_start3A_2508 = arith.constant 1 : i32
    %dma_start3A_2509 = arith.constant 1 : i32
    %dma_start3A_2510 = arith.constant 0 : i32
    %dma_start3A_2511 = arith.constant 0 : i32
    %dma_start3A_2512 = tpu.memref_slice %arg7[%dma_start3A_2509, %dma_start3A_2510, %dma_start3A_2511] : memref<24x128x8xf32, #tpu.memory_space<vmem>> -> memref<1x128x8xf32, #tpu.memory_space<vmem>>
    %dma_start3A_2513 = tpu.memref_squeeze %dma_start3A_2512 : memref<1x128x8xf32, #tpu.memory_space<vmem>> -> memref<128x8xf32, #tpu.memory_space<vmem>>
    %dma_start3A_2514 = arith.constant 0 : i32
    %dma_start3A_2515 = tpu.memref_slice %arg6[%dma_start3A_2508, %dma_start3A_2514] : memref<24x128xi32, #tpu.memory_space<vmem>> -> memref<1x128xi32, #tpu.memory_space<vmem>>
    %dma_start3A_2516 = tpu.memref_squeeze %dma_start3A_2515 : memref<1x128xi32, #tpu.memory_space<vmem>> -> memref<128xi32, #tpu.memory_space<vmem>>
    %dma_start3A_2517 = arith.constant 0 : i32
    %dma_start3A_2518 = arith.constant 0 : i32
    %dma_start3A_2519 = tpu.memref_slice %arg3[%dma_start3A_2517, %dma_start3A_2518] : memref<24576x8xf32, #tpu.memory_space<hbm>> -> memref<24576x8xf32, #tpu.memory_space<hbm>>
    tpu.enqueue_indirect_dma source(%dma_start3A_2519 : memref<24576x8xf32, #tpu.memory_space<hbm>>) target(%dma_start3A_2513 : memref<128x8xf32, #tpu.memory_space<vmem>>) offsets(%dma_start3A_2516 : memref<128xi32, #tpu.memory_space<vmem>>) semaphore(%arg8 : memref<!tpu.dma_semaphore, #tpu.memory_space<semaphore_mem>>)
    %dma_start3A_2520 = arith.constant 2 : i32
    %dma_start3A_2521 = arith.constant 2 : i32
    %dma_start3A_2522 = arith.constant 0 : i32
    %dma_start3A_2523 = arith.constant 0 : i32
    %dma_start3A_2524 = tpu.memref_slice %arg7[%dma_start3A_2521, %dma_start3A_2522, %dma_start3A_2523] : memref<24x128x8xf32, #tpu.memory_space<vmem>> -> memref<1x128x8xf32, #tpu.memory_space<vmem>>
    %dma_start3A_2525 = tpu.memref_squeeze %dma_start3A_2524 : memref<1x128x8xf32, #tpu.memory_space<vmem>> -> memref<128x8xf32, #tpu.memory_space<vmem>>
    %dma_start3A_2526 = arith.constant 0 : i32
    %dma_start3A_2527 = tpu.memref_slice %arg6[%dma_start3A_2520, %dma_start3A_2526] : memref<24x128xi32, #tpu.memory_space<vmem>> -> memref<1x128xi32, #tpu.memory_space<vmem>>
    %dma_start3A_2528 = tpu.memref_squeeze %dma_start3A_2527 : memref<1x128xi32, #tpu.memory_space<vmem>> -> memref<128xi32, #tpu.memory_space<vmem>>
    %dma_start3A_2529 = arith.constant 0 : i32
    %dma_start3A_2530 = arith.constant 0 : i32
    %dma_start3A_2531 = tpu.memref_slice %arg3[%dma_start3A_2529, %dma_start3A_2530] : memref<24576x8xf32, #tpu.memory_space<hbm>> -> memref<24576x8xf32, #tpu.memory_space<hbm>>
    tpu.enqueue_indirect_dma source(%dma_start3A_2531 : memref<24576x8xf32, #tpu.memory_space<hbm>>) target(%dma_start3A_2525 : memref<128x8xf32, #tpu.memory_space<vmem>>) offsets(%dma_start3A_2528 : memref<128xi32, #tpu.memory_space<vmem>>) semaphore(%arg8 : memref<!tpu.dma_semaphore, #tpu.memory_space<semaphore_mem>>)
    %dma_start3A_2532 = arith.constant 3 : i32
    %dma_start3A_2533 = arith.constant 3 : i32
    %dma_start3A_2534 = arith.constant 0 : i32
    %dma_start3A_2535 = arith.constant 0 : i32
    %dma_start3A_2536 = tpu.memref_slice %arg7[%dma_start3A_2533, %dma_start3A_2534, %dma_start3A_2535] : memref<24x128x8xf32, #tpu.memory_space<vmem>> -> memref<1x128x8xf32, #tpu.memory_space<vmem>>
    %dma_start3A_2537 = tpu.memref_squeeze %dma_start3A_2536 : memref<1x128x8xf32, #tpu.memory_space<vmem>> -> memref<128x8xf32, #tpu.memory_space<vmem>>
    %dma_start3A_2538 = arith.constant 0 : i32
    %dma_start3A_2539 = tpu.memref_slice %arg6[%dma_start3A_2532, %dma_start3A_2538] : memref<24x128xi32, #tpu.memory_space<vmem>> -> memref<1x128xi32, #tpu.memory_space<vmem>>
    %dma_start3A_2540 = tpu.memref_squeeze %dma_start3A_2539 : memref<1x128xi32, #tpu.memory_space<vmem>> -> memref<128xi32, #tpu.memory_space<vmem>>
    %dma_start3A_2541 = arith.constant 0 : i32
    %dma_start3A_2542 = arith.constant 0 : i32
    %dma_start3A_2543 = tpu.memref_slice %arg3[%dma_start3A_2541, %dma_start3A_2542] : memref<24576x8xf32, #tpu.memory_space<hbm>> -> memref<24576x8xf32, #tpu.memory_space<hbm>>
    tpu.enqueue_indirect_dma source(%dma_start3A_2543 : memref<24576x8xf32, #tpu.memory_space<hbm>>) target(%dma_start3A_2537 : memref<128x8xf32, #tpu.memory_space<vmem>>) offsets(%dma_start3A_2540 : memref<128xi32, #tpu.memory_space<vmem>>) semaphore(%arg8 : memref<!tpu.dma_semaphore, #tpu.memory_space<semaphore_mem>>)
    %dma_start3A_2544 = arith.constant 4 : i32
    %dma_start3A_2545 = arith.constant 4 : i32
    %dma_start3A_2546 = arith.constant 0 : i32
    %dma_start3A_2547 = arith.constant 0 : i32
    %dma_start3A_2548 = tpu.memref_slice %arg7[%dma_start3A_2545, %dma_start3A_2546, %dma_start3A_2547] : memref<24x128x8xf32, #tpu.memory_space<vmem>> -> memref<1x128x8xf32, #tpu.memory_space<vmem>>
    %dma_start3A_2549 = tpu.memref_squeeze %dma_start3A_2548 : memref<1x128x8xf32, #tpu.memory_space<vmem>> -> memref<128x8xf32, #tpu.memory_space<vmem>>
    %dma_start3A_2550 = arith.constant 0 : i32
    %dma_start3A_2551 = tpu.memref_slice %arg6[%dma_start3A_2544, %dma_start3A_2550] : memref<24x128xi32, #tpu.memory_space<vmem>> -> memref<1x128xi32, #tpu.memory_space<vmem>>
    %dma_start3A_2552 = tpu.memref_squeeze %dma_start3A_2551 : memref<1x128xi32, #tpu.memory_space<vmem>> -> memref<128xi32, #tpu.memory_space<vmem>>
    %dma_start3A_2553 = arith.constant 0 : i32
    %dma_start3A_2554 = arith.constant 0 : i32
    %dma_start3A_2555 = tpu.memref_slice %arg3[%dma_start3A_2553, %dma_start3A_2554] : memref<24576x8xf32, #tpu.memory_space<hbm>> -> memref<24576x8xf32, #tpu.memory_space<hbm>>
    tpu.enqueue_indirect_dma source(%dma_start3A_2555 : memref<24576x8xf32, #tpu.memory_space<hbm>>) target(%dma_start3A_2549 : memref<128x8xf32, #tpu.memory_space<vmem>>) offsets(%dma_start3A_2552 : memref<128xi32, #tpu.memory_space<vmem>>) semaphore(%arg8 : memref<!tpu.dma_semaphore, #tpu.memory_space<semaphore_mem>>)
    %dma_start3A_2556 = arith.constant 5 : i32
    %dma_start3A_2557 = arith.constant 5 : i32
    %dma_start3A_2558 = arith.constant 0 : i32
    %dma_start3A_2559 = arith.constant 0 : i32
    %dma_start3A_2560 = tpu.memref_slice %arg7[%dma_start3A_2557, %dma_start3A_2558, %dma_start3A_2559] : memref<24x128x8xf32, #tpu.memory_space<vmem>> -> memref<1x128x8xf32, #tpu.memory_space<vmem>>
    %dma_start3A_2561 = tpu.memref_squeeze %dma_start3A_2560 : memref<1x128x8xf32, #tpu.memory_space<vmem>> -> memref<128x8xf32, #tpu.memory_space<vmem>>
    %dma_start3A_2562 = arith.constant 0 : i32
    %dma_start3A_2563 = tpu.memref_slice %arg6[%dma_start3A_2556, %dma_start3A_2562] : memref<24x128xi32, #tpu.memory_space<vmem>> -> memref<1x128xi32, #tpu.memory_space<vmem>>
    %dma_start3A_2564 = tpu.memref_squeeze %dma_start3A_2563 : memref<1x128xi32, #tpu.memory_space<vmem>> -> memref<128xi32, #tpu.memory_space<vmem>>
    %dma_start3A_2565 = arith.constant 0 : i32
    %dma_start3A_2566 = arith.constant 0 : i32
    %dma_start3A_2567 = tpu.memref_slice %arg3[%dma_start3A_2565, %dma_start3A_2566] : memref<24576x8xf32, #tpu.memory_space<hbm>> -> memref<24576x8xf32, #tpu.memory_space<hbm>>
    tpu.enqueue_indirect_dma source(%dma_start3A_2567 : memref<24576x8xf32, #tpu.memory_space<hbm>>) target(%dma_start3A_2561 : memref<128x8xf32, #tpu.memory_space<vmem>>) offsets(%dma_start3A_2564 : memref<128xi32, #tpu.memory_space<vmem>>) semaphore(%arg8 : memref<!tpu.dma_semaphore, #tpu.memory_space<semaphore_mem>>)
    %dma_start3A_2568 = arith.constant 6 : i32
    %dma_start3A_2569 = arith.constant 6 : i32
    %dma_start3A_2570 = arith.constant 0 : i32
    %dma_start3A_2571 = arith.constant 0 : i32
    %dma_start3A_2572 = tpu.memref_slice %arg7[%dma_start3A_2569, %dma_start3A_2570, %dma_start3A_2571] : memref<24x128x8xf32, #tpu.memory_space<vmem>> -> memref<1x128x8xf32, #tpu.memory_space<vmem>>
    %dma_start3A_2573 = tpu.memref_squeeze %dma_start3A_2572 : memref<1x128x8xf32, #tpu.memory_space<vmem>> -> memref<128x8xf32, #tpu.memory_space<vmem>>
    %dma_start3A_2574 = arith.constant 0 : i32
    %dma_start3A_2575 = tpu.memref_slice %arg6[%dma_start3A_2568, %dma_start3A_2574] : memref<24x128xi32, #tpu.memory_space<vmem>> -> memref<1x128xi32, #tpu.memory_space<vmem>>
    %dma_start3A_2576 = tpu.memref_squeeze %dma_start3A_2575 : memref<1x128xi32, #tpu.memory_space<vmem>> -> memref<128xi32, #tpu.memory_space<vmem>>
    %dma_start3A_2577 = arith.constant 0 : i32
    %dma_start3A_2578 = arith.constant 0 : i32
    %dma_start3A_2579 = tpu.memref_slice %arg3[%dma_start3A_2577, %dma_start3A_2578] : memref<24576x8xf32, #tpu.memory_space<hbm>> -> memref<24576x8xf32, #tpu.memory_space<hbm>>
    tpu.enqueue_indirect_dma source(%dma_start3A_2579 : memref<24576x8xf32, #tpu.memory_space<hbm>>) target(%dma_start3A_2573 : memref<128x8xf32, #tpu.memory_space<vmem>>) offsets(%dma_start3A_2576 : memref<128xi32, #tpu.memory_space<vmem>>) semaphore(%arg8 : memref<!tpu.dma_semaphore, #tpu.memory_space<semaphore_mem>>)
    %dma_start3A_2580 = arith.constant 7 : i32
    %dma_start3A_2581 = arith.constant 7 : i32
    %dma_start3A_2582 = arith.constant 0 : i32
    %dma_start3A_2583 = arith.constant 0 : i32
    %dma_start3A_2584 = tpu.memref_slice %arg7[%dma_start3A_2581, %dma_start3A_2582, %dma_start3A_2583] : memref<24x128x8xf32, #tpu.memory_space<vmem>> -> memref<1x128x8xf32, #tpu.memory_space<vmem>>
    %dma_start3A_2585 = tpu.memref_squeeze %dma_start3A_2584 : memref<1x128x8xf32, #tpu.memory_space<vmem>> -> memref<128x8xf32, #tpu.memory_space<vmem>>
    %dma_start3A_2586 = arith.constant 0 : i32
    %dma_start3A_2587 = tpu.memref_slice %arg6[%dma_start3A_2580, %dma_start3A_2586] : memref<24x128xi32, #tpu.memory_space<vmem>> -> memref<1x128xi32, #tpu.memory_space<vmem>>
    %dma_start3A_2588 = tpu.memref_squeeze %dma_start3A_2587 : memref<1x128xi32, #tpu.memory_space<vmem>> -> memref<128xi32, #tpu.memory_space<vmem>>
    %dma_start3A_2589 = arith.constant 0 : i32
    %dma_start3A_2590 = arith.constant 0 : i32
    %dma_start3A_2591 = tpu.memref_slice %arg3[%dma_start3A_2589, %dma_start3A_2590] : memref<24576x8xf32, #tpu.memory_space<hbm>> -> memref<24576x8xf32, #tpu.memory_space<hbm>>
    tpu.enqueue_indirect_dma source(%dma_start3A_2591 : memref<24576x8xf32, #tpu.memory_space<hbm>>) target(%dma_start3A_2585 : memref<128x8xf32, #tpu.memory_space<vmem>>) offsets(%dma_start3A_2588 : memref<128xi32, #tpu.memory_space<vmem>>) semaphore(%arg8 : memref<!tpu.dma_semaphore, #tpu.memory_space<semaphore_mem>>)
    %dma_start3A_2592 = arith.constant 8 : i32
    %dma_start3A_2593 = arith.constant 8 : i32
    %dma_start3A_2594 = arith.constant 0 : i32
    %dma_start3A_2595 = arith.constant 0 : i32
    %dma_start3A_2596 = tpu.memref_slice %arg7[%dma_start3A_2593, %dma_start3A_2594, %dma_start3A_2595] : memref<24x128x8xf32, #tpu.memory_space<vmem>> -> memref<1x128x8xf32, #tpu.memory_space<vmem>>
    %dma_start3A_2597 = tpu.memref_squeeze %dma_start3A_2596 : memref<1x128x8xf32, #tpu.memory_space<vmem>> -> memref<128x8xf32, #tpu.memory_space<vmem>>
    %dma_start3A_2598 = arith.constant 0 : i32
    %dma_start3A_2599 = tpu.memref_slice %arg6[%dma_start3A_2592, %dma_start3A_2598] : memref<24x128xi32, #tpu.memory_space<vmem>> -> memref<1x128xi32, #tpu.memory_space<vmem>>
    %dma_start3A_2600 = tpu.memref_squeeze %dma_start3A_2599 : memref<1x128xi32, #tpu.memory_space<vmem>> -> memref<128xi32, #tpu.memory_space<vmem>>
    %dma_start3A_2601 = arith.constant 0 : i32
    %dma_start3A_2602 = arith.constant 0 : i32
    %dma_start3A_2603 = tpu.memref_slice %arg3[%dma_start3A_2601, %dma_start3A_2602] : memref<24576x8xf32, #tpu.memory_space<hbm>> -> memref<24576x8xf32, #tpu.memory_space<hbm>>
    tpu.enqueue_indirect_dma source(%dma_start3A_2603 : memref<24576x8xf32, #tpu.memory_space<hbm>>) target(%dma_start3A_2597 : memref<128x8xf32, #tpu.memory_space<vmem>>) offsets(%dma_start3A_2600 : memref<128xi32, #tpu.memory_space<vmem>>) semaphore(%arg8 : memref<!tpu.dma_semaphore, #tpu.memory_space<semaphore_mem>>)
    %dma_start3A_2604 = arith.constant 9 : i32
    %dma_start3A_2605 = arith.constant 9 : i32
    %dma_start3A_2606 = arith.constant 0 : i32
    %dma_start3A_2607 = arith.constant 0 : i32
    %dma_start3A_2608 = tpu.memref_slice %arg7[%dma_start3A_2605, %dma_start3A_2606, %dma_start3A_2607] : memref<24x128x8xf32, #tpu.memory_space<vmem>> -> memref<1x128x8xf32, #tpu.memory_space<vmem>>
    %dma_start3A_2609 = tpu.memref_squeeze %dma_start3A_2608 : memref<1x128x8xf32, #tpu.memory_space<vmem>> -> memref<128x8xf32, #tpu.memory_space<vmem>>
    %dma_start3A_2610 = arith.constant 0 : i32
    %dma_start3A_2611 = tpu.memref_slice %arg6[%dma_start3A_2604, %dma_start3A_2610] : memref<24x128xi32, #tpu.memory_space<vmem>> -> memref<1x128xi32, #tpu.memory_space<vmem>>
    %dma_start3A_2612 = tpu.memref_squeeze %dma_start3A_2611 : memref<1x128xi32, #tpu.memory_space<vmem>> -> memref<128xi32, #tpu.memory_space<vmem>>
    %dma_start3A_2613 = arith.constant 0 : i32
    %dma_start3A_2614 = arith.constant 0 : i32
    %dma_start3A_2615 = tpu.memref_slice %arg3[%dma_start3A_2613, %dma_start3A_2614] : memref<24576x8xf32, #tpu.memory_space<hbm>> -> memref<24576x8xf32, #tpu.memory_space<hbm>>
    tpu.enqueue_indirect_dma source(%dma_start3A_2615 : memref<24576x8xf32, #tpu.memory_space<hbm>>) target(%dma_start3A_2609 : memref<128x8xf32, #tpu.memory_space<vmem>>) offsets(%dma_start3A_2612 : memref<128xi32, #tpu.memory_space<vmem>>) semaphore(%arg8 : memref<!tpu.dma_semaphore, #tpu.memory_space<semaphore_mem>>)
    %dma_start3A_2616 = arith.constant 10 : i32
    %dma_start3A_2617 = arith.constant 10 : i32
    %dma_start3A_2618 = arith.constant 0 : i32
    %dma_start3A_2619 = arith.constant 0 : i32
    %dma_start3A_2620 = tpu.memref_slice %arg7[%dma_start3A_2617, %dma_start3A_2618, %dma_start3A_2619] : memref<24x128x8xf32, #tpu.memory_space<vmem>> -> memref<1x128x8xf32, #tpu.memory_space<vmem>>
    %dma_start3A_2621 = tpu.memref_squeeze %dma_start3A_2620 : memref<1x128x8xf32, #tpu.memory_space<vmem>> -> memref<128x8xf32, #tpu.memory_space<vmem>>
    %dma_start3A_2622 = arith.constant 0 : i32
    %dma_start3A_2623 = tpu.memref_slice %arg6[%dma_start3A_2616, %dma_start3A_2622] : memref<24x128xi32, #tpu.memory_space<vmem>> -> memref<1x128xi32, #tpu.memory_space<vmem>>
    %dma_start3A_2624 = tpu.memref_squeeze %dma_start3A_2623 : memref<1x128xi32, #tpu.memory_space<vmem>> -> memref<128xi32, #tpu.memory_space<vmem>>
    %dma_start3A_2625 = arith.constant 0 : i32
    %dma_start3A_2626 = arith.constant 0 : i32
    %dma_start3A_2627 = tpu.memref_slice %arg3[%dma_start3A_2625, %dma_start3A_2626] : memref<24576x8xf32, #tpu.memory_space<hbm>> -> memref<24576x8xf32, #tpu.memory_space<hbm>>
    tpu.enqueue_indirect_dma source(%dma_start3A_2627 : memref<24576x8xf32, #tpu.memory_space<hbm>>) target(%dma_start3A_2621 : memref<128x8xf32, #tpu.memory_space<vmem>>) offsets(%dma_start3A_2624 : memref<128xi32, #tpu.memory_space<vmem>>) semaphore(%arg8 : memref<!tpu.dma_semaphore, #tpu.memory_space<semaphore_mem>>)
    %dma_start3A_2628 = arith.constant 11 : i32
    %dma_start3A_2629 = arith.constant 11 : i32
    %dma_start3A_2630 = arith.constant 0 : i32
    %dma_start3A_2631 = arith.constant 0 : i32
    %dma_start3A_2632 = tpu.memref_slice %arg7[%dma_start3A_2629, %dma_start3A_2630, %dma_start3A_2631] : memref<24x128x8xf32, #tpu.memory_space<vmem>> -> memref<1x128x8xf32, #tpu.memory_space<vmem>>
    %dma_start3A_2633 = tpu.memref_squeeze %dma_start3A_2632 : memref<1x128x8xf32, #tpu.memory_space<vmem>> -> memref<128x8xf32, #tpu.memory_space<vmem>>
    %dma_start3A_2634 = arith.constant 0 : i32
    %dma_start3A_2635 = tpu.memref_slice %arg6[%dma_start3A_2628, %dma_start3A_2634] : memref<24x128xi32, #tpu.memory_space<vmem>> -> memref<1x128xi32, #tpu.memory_space<vmem>>
    %dma_start3A_2636 = tpu.memref_squeeze %dma_start3A_2635 : memref<1x128xi32, #tpu.memory_space<vmem>> -> memref<128xi32, #tpu.memory_space<vmem>>
    %dma_start3A_2637 = arith.constant 0 : i32
    %dma_start3A_2638 = arith.constant 0 : i32
    %dma_start3A_2639 = tpu.memref_slice %arg3[%dma_start3A_2637, %dma_start3A_2638] : memref<24576x8xf32, #tpu.memory_space<hbm>> -> memref<24576x8xf32, #tpu.memory_space<hbm>>
    tpu.enqueue_indirect_dma source(%dma_start3A_2639 : memref<24576x8xf32, #tpu.memory_space<hbm>>) target(%dma_start3A_2633 : memref<128x8xf32, #tpu.memory_space<vmem>>) offsets(%dma_start3A_2636 : memref<128xi32, #tpu.memory_space<vmem>>) semaphore(%arg8 : memref<!tpu.dma_semaphore, #tpu.memory_space<semaphore_mem>>)
    %dma_start3A_2640 = arith.constant 12 : i32
    %dma_start3A_2641 = arith.constant 12 : i32
    %dma_start3A_2642 = arith.constant 0 : i32
    %dma_start3A_2643 = arith.constant 0 : i32
    %dma_start3A_2644 = tpu.memref_slice %arg7[%dma_start3A_2641, %dma_start3A_2642, %dma_start3A_2643] : memref<24x128x8xf32, #tpu.memory_space<vmem>> -> memref<1x128x8xf32, #tpu.memory_space<vmem>>
    %dma_start3A_2645 = tpu.memref_squeeze %dma_start3A_2644 : memref<1x128x8xf32, #tpu.memory_space<vmem>> -> memref<128x8xf32, #tpu.memory_space<vmem>>
    %dma_start3A_2646 = arith.constant 0 : i32
    %dma_start3A_2647 = tpu.memref_slice %arg6[%dma_start3A_2640, %dma_start3A_2646] : memref<24x128xi32, #tpu.memory_space<vmem>> -> memref<1x128xi32, #tpu.memory_space<vmem>>
    %dma_start3A_2648 = tpu.memref_squeeze %dma_start3A_2647 : memref<1x128xi32, #tpu.memory_space<vmem>> -> memref<128xi32, #tpu.memory_space<vmem>>
    %dma_start3A_2649 = arith.constant 0 : i32
    %dma_start3A_2650 = arith.constant 0 : i32
    %dma_start3A_2651 = tpu.memref_slice %arg3[%dma_start3A_2649, %dma_start3A_2650] : memref<24576x8xf32, #tpu.memory_space<hbm>> -> memref<24576x8xf32, #tpu.memory_space<hbm>>
    tpu.enqueue_indirect_dma source(%dma_start3A_2651 : memref<24576x8xf32, #tpu.memory_space<hbm>>) target(%dma_start3A_2645 : memref<128x8xf32, #tpu.memory_space<vmem>>) offsets(%dma_start3A_2648 : memref<128xi32, #tpu.memory_space<vmem>>) semaphore(%arg8 : memref<!tpu.dma_semaphore, #tpu.memory_space<semaphore_mem>>)
    %dma_start3A_2652 = arith.constant 13 : i32
    %dma_start3A_2653 = arith.constant 13 : i32
    %dma_start3A_2654 = arith.constant 0 : i32
    %dma_start3A_2655 = arith.constant 0 : i32
    %dma_start3A_2656 = tpu.memref_slice %arg7[%dma_start3A_2653, %dma_start3A_2654, %dma_start3A_2655] : memref<24x128x8xf32, #tpu.memory_space<vmem>> -> memref<1x128x8xf32, #tpu.memory_space<vmem>>
    %dma_start3A_2657 = tpu.memref_squeeze %dma_start3A_2656 : memref<1x128x8xf32, #tpu.memory_space<vmem>> -> memref<128x8xf32, #tpu.memory_space<vmem>>
    %dma_start3A_2658 = arith.constant 0 : i32
    %dma_start3A_2659 = tpu.memref_slice %arg6[%dma_start3A_2652, %dma_start3A_2658] : memref<24x128xi32, #tpu.memory_space<vmem>> -> memref<1x128xi32, #tpu.memory_space<vmem>>
    %dma_start3A_2660 = tpu.memref_squeeze %dma_start3A_2659 : memref<1x128xi32, #tpu.memory_space<vmem>> -> memref<128xi32, #tpu.memory_space<vmem>>
    %dma_start3A_2661 = arith.constant 0 : i32
    %dma_start3A_2662 = arith.constant 0 : i32
    %dma_start3A_2663 = tpu.memref_slice %arg3[%dma_start3A_2661, %dma_start3A_2662] : memref<24576x8xf32, #tpu.memory_space<hbm>> -> memref<24576x8xf32, #tpu.memory_space<hbm>>
    tpu.enqueue_indirect_dma source(%dma_start3A_2663 : memref<24576x8xf32, #tpu.memory_space<hbm>>) target(%dma_start3A_2657 : memref<128x8xf32, #tpu.memory_space<vmem>>) offsets(%dma_start3A_2660 : memref<128xi32, #tpu.memory_space<vmem>>) semaphore(%arg8 : memref<!tpu.dma_semaphore, #tpu.memory_space<semaphore_mem>>)
    %dma_start3A_2664 = arith.constant 14 : i32
    %dma_start3A_2665 = arith.constant 14 : i32
    %dma_start3A_2666 = arith.constant 0 : i32
    %dma_start3A_2667 = arith.constant 0 : i32
    %dma_start3A_2668 = tpu.memref_slice %arg7[%dma_start3A_2665, %dma_start3A_2666, %dma_start3A_2667] : memref<24x128x8xf32, #tpu.memory_space<vmem>> -> memref<1x128x8xf32, #tpu.memory_space<vmem>>
    %dma_start3A_2669 = tpu.memref_squeeze %dma_start3A_2668 : memref<1x128x8xf32, #tpu.memory_space<vmem>> -> memref<128x8xf32, #tpu.memory_space<vmem>>
    %dma_start3A_2670 = arith.constant 0 : i32
    %dma_start3A_2671 = tpu.memref_slice %arg6[%dma_start3A_2664, %dma_start3A_2670] : memref<24x128xi32, #tpu.memory_space<vmem>> -> memref<1x128xi32, #tpu.memory_space<vmem>>
    %dma_start3A_2672 = tpu.memref_squeeze %dma_start3A_2671 : memref<1x128xi32, #tpu.memory_space<vmem>> -> memref<128xi32, #tpu.memory_space<vmem>>
    %dma_start3A_2673 = arith.constant 0 : i32
    %dma_start3A_2674 = arith.constant 0 : i32
    %dma_start3A_2675 = tpu.memref_slice %arg3[%dma_start3A_2673, %dma_start3A_2674] : memref<24576x8xf32, #tpu.memory_space<hbm>> -> memref<24576x8xf32, #tpu.memory_space<hbm>>
    tpu.enqueue_indirect_dma source(%dma_start3A_2675 : memref<24576x8xf32, #tpu.memory_space<hbm>>) target(%dma_start3A_2669 : memref<128x8xf32, #tpu.memory_space<vmem>>) offsets(%dma_start3A_2672 : memref<128xi32, #tpu.memory_space<vmem>>) semaphore(%arg8 : memref<!tpu.dma_semaphore, #tpu.memory_space<semaphore_mem>>)
    %dma_start3A_2676 = arith.constant 15 : i32
    %dma_start3A_2677 = arith.constant 15 : i32
    %dma_start3A_2678 = arith.constant 0 : i32
    %dma_start3A_2679 = arith.constant 0 : i32
    %dma_start3A_2680 = tpu.memref_slice %arg7[%dma_start3A_2677, %dma_start3A_2678, %dma_start3A_2679] : memref<24x128x8xf32, #tpu.memory_space<vmem>> -> memref<1x128x8xf32, #tpu.memory_space<vmem>>
    %dma_start3A_2681 = tpu.memref_squeeze %dma_start3A_2680 : memref<1x128x8xf32, #tpu.memory_space<vmem>> -> memref<128x8xf32, #tpu.memory_space<vmem>>
    %dma_start3A_2682 = arith.constant 0 : i32
    %dma_start3A_2683 = tpu.memref_slice %arg6[%dma_start3A_2676, %dma_start3A_2682] : memref<24x128xi32, #tpu.memory_space<vmem>> -> memref<1x128xi32, #tpu.memory_space<vmem>>
    %dma_start3A_2684 = tpu.memref_squeeze %dma_start3A_2683 : memref<1x128xi32, #tpu.memory_space<vmem>> -> memref<128xi32, #tpu.memory_space<vmem>>
    %dma_start3A_2685 = arith.constant 0 : i32
    %dma_start3A_2686 = arith.constant 0 : i32
    %dma_start3A_2687 = tpu.memref_slice %arg3[%dma_start3A_2685, %dma_start3A_2686] : memref<24576x8xf32, #tpu.memory_space<hbm>> -> memref<24576x8xf32, #tpu.memory_space<hbm>>
    tpu.enqueue_indirect_dma source(%dma_start3A_2687 : memref<24576x8xf32, #tpu.memory_space<hbm>>) target(%dma_start3A_2681 : memref<128x8xf32, #tpu.memory_space<vmem>>) offsets(%dma_start3A_2684 : memref<128xi32, #tpu.memory_space<vmem>>) semaphore(%arg8 : memref<!tpu.dma_semaphore, #tpu.memory_space<semaphore_mem>>)
    %dma_start3A_2688 = arith.constant 16 : i32
    %dma_start3A_2689 = arith.constant 16 : i32
    %dma_start3A_2690 = arith.constant 0 : i32
    %dma_start3A_2691 = arith.constant 0 : i32
    %dma_start3A_2692 = tpu.memref_slice %arg7[%dma_start3A_2689, %dma_start3A_2690, %dma_start3A_2691] : memref<24x128x8xf32, #tpu.memory_space<vmem>> -> memref<1x128x8xf32, #tpu.memory_space<vmem>>
    %dma_start3A_2693 = tpu.memref_squeeze %dma_start3A_2692 : memref<1x128x8xf32, #tpu.memory_space<vmem>> -> memref<128x8xf32, #tpu.memory_space<vmem>>
    %dma_start3A_2694 = arith.constant 0 : i32
    %dma_start3A_2695 = tpu.memref_slice %arg6[%dma_start3A_2688, %dma_start3A_2694] : memref<24x128xi32, #tpu.memory_space<vmem>> -> memref<1x128xi32, #tpu.memory_space<vmem>>
    %dma_start3A_2696 = tpu.memref_squeeze %dma_start3A_2695 : memref<1x128xi32, #tpu.memory_space<vmem>> -> memref<128xi32, #tpu.memory_space<vmem>>
    %dma_start3A_2697 = arith.constant 0 : i32
    %dma_start3A_2698 = arith.constant 0 : i32
    %dma_start3A_2699 = tpu.memref_slice %arg3[%dma_start3A_2697, %dma_start3A_2698] : memref<24576x8xf32, #tpu.memory_space<hbm>> -> memref<24576x8xf32, #tpu.memory_space<hbm>>
    tpu.enqueue_indirect_dma source(%dma_start3A_2699 : memref<24576x8xf32, #tpu.memory_space<hbm>>) target(%dma_start3A_2693 : memref<128x8xf32, #tpu.memory_space<vmem>>) offsets(%dma_start3A_2696 : memref<128xi32, #tpu.memory_space<vmem>>) semaphore(%arg8 : memref<!tpu.dma_semaphore, #tpu.memory_space<semaphore_mem>>)
    %dma_start3A_2700 = arith.constant 17 : i32
    %dma_start3A_2701 = arith.constant 17 : i32
    %dma_start3A_2702 = arith.constant 0 : i32
    %dma_start3A_2703 = arith.constant 0 : i32
    %dma_start3A_2704 = tpu.memref_slice %arg7[%dma_start3A_2701, %dma_start3A_2702, %dma_start3A_2703] : memref<24x128x8xf32, #tpu.memory_space<vmem>> -> memref<1x128x8xf32, #tpu.memory_space<vmem>>
    %dma_start3A_2705 = tpu.memref_squeeze %dma_start3A_2704 : memref<1x128x8xf32, #tpu.memory_space<vmem>> -> memref<128x8xf32, #tpu.memory_space<vmem>>
    %dma_start3A_2706 = arith.constant 0 : i32
    %dma_start3A_2707 = tpu.memref_slice %arg6[%dma_start3A_2700, %dma_start3A_2706] : memref<24x128xi32, #tpu.memory_space<vmem>> -> memref<1x128xi32, #tpu.memory_space<vmem>>
    %dma_start3A_2708 = tpu.memref_squeeze %dma_start3A_2707 : memref<1x128xi32, #tpu.memory_space<vmem>> -> memref<128xi32, #tpu.memory_space<vmem>>
    %dma_start3A_2709 = arith.constant 0 : i32
    %dma_start3A_2710 = arith.constant 0 : i32
    %dma_start3A_2711 = tpu.memref_slice %arg3[%dma_start3A_2709, %dma_start3A_2710] : memref<24576x8xf32, #tpu.memory_space<hbm>> -> memref<24576x8xf32, #tpu.memory_space<hbm>>
    tpu.enqueue_indirect_dma source(%dma_start3A_2711 : memref<24576x8xf32, #tpu.memory_space<hbm>>) target(%dma_start3A_2705 : memref<128x8xf32, #tpu.memory_space<vmem>>) offsets(%dma_start3A_2708 : memref<128xi32, #tpu.memory_space<vmem>>) semaphore(%arg8 : memref<!tpu.dma_semaphore, #tpu.memory_space<semaphore_mem>>)
    %dma_start3A_2712 = arith.constant 18 : i32
    %dma_start3A_2713 = arith.constant 18 : i32
    %dma_start3A_2714 = arith.constant 0 : i32
    %dma_start3A_2715 = arith.constant 0 : i32
    %dma_start3A_2716 = tpu.memref_slice %arg7[%dma_start3A_2713, %dma_start3A_2714, %dma_start3A_2715] : memref<24x128x8xf32, #tpu.memory_space<vmem>> -> memref<1x128x8xf32, #tpu.memory_space<vmem>>
    %dma_start3A_2717 = tpu.memref_squeeze %dma_start3A_2716 : memref<1x128x8xf32, #tpu.memory_space<vmem>> -> memref<128x8xf32, #tpu.memory_space<vmem>>
    %dma_start3A_2718 = arith.constant 0 : i32
    %dma_start3A_2719 = tpu.memref_slice %arg6[%dma_start3A_2712, %dma_start3A_2718] : memref<24x128xi32, #tpu.memory_space<vmem>> -> memref<1x128xi32, #tpu.memory_space<vmem>>
    %dma_start3A_2720 = tpu.memref_squeeze %dma_start3A_2719 : memref<1x128xi32, #tpu.memory_space<vmem>> -> memref<128xi32, #tpu.memory_space<vmem>>
    %dma_start3A_2721 = arith.constant 0 : i32
    %dma_start3A_2722 = arith.constant 0 : i32
    %dma_start3A_2723 = tpu.memref_slice %arg3[%dma_start3A_2721, %dma_start3A_2722] : memref<24576x8xf32, #tpu.memory_space<hbm>> -> memref<24576x8xf32, #tpu.memory_space<hbm>>
    tpu.enqueue_indirect_dma source(%dma_start3A_2723 : memref<24576x8xf32, #tpu.memory_space<hbm>>) target(%dma_start3A_2717 : memref<128x8xf32, #tpu.memory_space<vmem>>) offsets(%dma_start3A_2720 : memref<128xi32, #tpu.memory_space<vmem>>) semaphore(%arg8 : memref<!tpu.dma_semaphore, #tpu.memory_space<semaphore_mem>>)
    %dma_start3A_2724 = arith.constant 19 : i32
    %dma_start3A_2725 = arith.constant 19 : i32
    %dma_start3A_2726 = arith.constant 0 : i32
    %dma_start3A_2727 = arith.constant 0 : i32
    %dma_start3A_2728 = tpu.memref_slice %arg7[%dma_start3A_2725, %dma_start3A_2726, %dma_start3A_2727] : memref<24x128x8xf32, #tpu.memory_space<vmem>> -> memref<1x128x8xf32, #tpu.memory_space<vmem>>
    %dma_start3A_2729 = tpu.memref_squeeze %dma_start3A_2728 : memref<1x128x8xf32, #tpu.memory_space<vmem>> -> memref<128x8xf32, #tpu.memory_space<vmem>>
    %dma_start3A_2730 = arith.constant 0 : i32
    %dma_start3A_2731 = tpu.memref_slice %arg6[%dma_start3A_2724, %dma_start3A_2730] : memref<24x128xi32, #tpu.memory_space<vmem>> -> memref<1x128xi32, #tpu.memory_space<vmem>>
    %dma_start3A_2732 = tpu.memref_squeeze %dma_start3A_2731 : memref<1x128xi32, #tpu.memory_space<vmem>> -> memref<128xi32, #tpu.memory_space<vmem>>
    %dma_start3A_2733 = arith.constant 0 : i32
    %dma_start3A_2734 = arith.constant 0 : i32
    %dma_start3A_2735 = tpu.memref_slice %arg3[%dma_start3A_2733, %dma_start3A_2734] : memref<24576x8xf32, #tpu.memory_space<hbm>> -> memref<24576x8xf32, #tpu.memory_space<hbm>>
    tpu.enqueue_indirect_dma source(%dma_start3A_2735 : memref<24576x8xf32, #tpu.memory_space<hbm>>) target(%dma_start3A_2729 : memref<128x8xf32, #tpu.memory_space<vmem>>) offsets(%dma_start3A_2732 : memref<128xi32, #tpu.memory_space<vmem>>) semaphore(%arg8 : memref<!tpu.dma_semaphore, #tpu.memory_space<semaphore_mem>>)
    %dma_start3A_2736 = arith.constant 20 : i32
    %dma_start3A_2737 = arith.constant 20 : i32
    %dma_start3A_2738 = arith.constant 0 : i32
    %dma_start3A_2739 = arith.constant 0 : i32
    %dma_start3A_2740 = tpu.memref_slice %arg7[%dma_start3A_2737, %dma_start3A_2738, %dma_start3A_2739] : memref<24x128x8xf32, #tpu.memory_space<vmem>> -> memref<1x128x8xf32, #tpu.memory_space<vmem>>
    %dma_start3A_2741 = tpu.memref_squeeze %dma_start3A_2740 : memref<1x128x8xf32, #tpu.memory_space<vmem>> -> memref<128x8xf32, #tpu.memory_space<vmem>>
    %dma_start3A_2742 = arith.constant 0 : i32
    %dma_start3A_2743 = tpu.memref_slice %arg6[%dma_start3A_2736, %dma_start3A_2742] : memref<24x128xi32, #tpu.memory_space<vmem>> -> memref<1x128xi32, #tpu.memory_space<vmem>>
    %dma_start3A_2744 = tpu.memref_squeeze %dma_start3A_2743 : memref<1x128xi32, #tpu.memory_space<vmem>> -> memref<128xi32, #tpu.memory_space<vmem>>
    %dma_start3A_2745 = arith.constant 0 : i32
    %dma_start3A_2746 = arith.constant 0 : i32
    %dma_start3A_2747 = tpu.memref_slice %arg3[%dma_start3A_2745, %dma_start3A_2746] : memref<24576x8xf32, #tpu.memory_space<hbm>> -> memref<24576x8xf32, #tpu.memory_space<hbm>>
    tpu.enqueue_indirect_dma source(%dma_start3A_2747 : memref<24576x8xf32, #tpu.memory_space<hbm>>) target(%dma_start3A_2741 : memref<128x8xf32, #tpu.memory_space<vmem>>) offsets(%dma_start3A_2744 : memref<128xi32, #tpu.memory_space<vmem>>) semaphore(%arg8 : memref<!tpu.dma_semaphore, #tpu.memory_space<semaphore_mem>>)
    %dma_start3A_2748 = arith.constant 21 : i32
    %dma_start3A_2749 = arith.constant 21 : i32
    %dma_start3A_2750 = arith.constant 0 : i32
    %dma_start3A_2751 = arith.constant 0 : i32
    %dma_start3A_2752 = tpu.memref_slice %arg7[%dma_start3A_2749, %dma_start3A_2750, %dma_start3A_2751] : memref<24x128x8xf32, #tpu.memory_space<vmem>> -> memref<1x128x8xf32, #tpu.memory_space<vmem>>
    %dma_start3A_2753 = tpu.memref_squeeze %dma_start3A_2752 : memref<1x128x8xf32, #tpu.memory_space<vmem>> -> memref<128x8xf32, #tpu.memory_space<vmem>>
    %dma_start3A_2754 = arith.constant 0 : i32
    %dma_start3A_2755 = tpu.memref_slice %arg6[%dma_start3A_2748, %dma_start3A_2754] : memref<24x128xi32, #tpu.memory_space<vmem>> -> memref<1x128xi32, #tpu.memory_space<vmem>>
    %dma_start3A_2756 = tpu.memref_squeeze %dma_start3A_2755 : memref<1x128xi32, #tpu.memory_space<vmem>> -> memref<128xi32, #tpu.memory_space<vmem>>
    %dma_start3A_2757 = arith.constant 0 : i32
    %dma_start3A_2758 = arith.constant 0 : i32
    %dma_start3A_2759 = tpu.memref_slice %arg3[%dma_start3A_2757, %dma_start3A_2758] : memref<24576x8xf32, #tpu.memory_space<hbm>> -> memref<24576x8xf32, #tpu.memory_space<hbm>>
    tpu.enqueue_indirect_dma source(%dma_start3A_2759 : memref<24576x8xf32, #tpu.memory_space<hbm>>) target(%dma_start3A_2753 : memref<128x8xf32, #tpu.memory_space<vmem>>) offsets(%dma_start3A_2756 : memref<128xi32, #tpu.memory_space<vmem>>) semaphore(%arg8 : memref<!tpu.dma_semaphore, #tpu.memory_space<semaphore_mem>>)
    %dma_start3A_2760 = arith.constant 22 : i32
    %dma_start3A_2761 = arith.constant 22 : i32
    %dma_start3A_2762 = arith.constant 0 : i32
    %dma_start3A_2763 = arith.constant 0 : i32
    %dma_start3A_2764 = tpu.memref_slice %arg7[%dma_start3A_2761, %dma_start3A_2762, %dma_start3A_2763] : memref<24x128x8xf32, #tpu.memory_space<vmem>> -> memref<1x128x8xf32, #tpu.memory_space<vmem>>
    %dma_start3A_2765 = tpu.memref_squeeze %dma_start3A_2764 : memref<1x128x8xf32, #tpu.memory_space<vmem>> -> memref<128x8xf32, #tpu.memory_space<vmem>>
    %dma_start3A_2766 = arith.constant 0 : i32
    %dma_start3A_2767 = tpu.memref_slice %arg6[%dma_start3A_2760, %dma_start3A_2766] : memref<24x128xi32, #tpu.memory_space<vmem>> -> memref<1x128xi32, #tpu.memory_space<vmem>>
    %dma_start3A_2768 = tpu.memref_squeeze %dma_start3A_2767 : memref<1x128xi32, #tpu.memory_space<vmem>> -> memref<128xi32, #tpu.memory_space<vmem>>
    %dma_start3A_2769 = arith.constant 0 : i32
    %dma_start3A_2770 = arith.constant 0 : i32
    %dma_start3A_2771 = tpu.memref_slice %arg3[%dma_start3A_2769, %dma_start3A_2770] : memref<24576x8xf32, #tpu.memory_space<hbm>> -> memref<24576x8xf32, #tpu.memory_space<hbm>>
    tpu.enqueue_indirect_dma source(%dma_start3A_2771 : memref<24576x8xf32, #tpu.memory_space<hbm>>) target(%dma_start3A_2765 : memref<128x8xf32, #tpu.memory_space<vmem>>) offsets(%dma_start3A_2768 : memref<128xi32, #tpu.memory_space<vmem>>) semaphore(%arg8 : memref<!tpu.dma_semaphore, #tpu.memory_space<semaphore_mem>>)
    %dma_start3A_2772 = arith.constant 23 : i32
    %dma_start3A_2773 = arith.constant 23 : i32
    %dma_start3A_2774 = arith.constant 0 : i32
    %dma_start3A_2775 = arith.constant 0 : i32
    %dma_start3A_2776 = tpu.memref_slice %arg7[%dma_start3A_2773, %dma_start3A_2774, %dma_start3A_2775] : memref<24x128x8xf32, #tpu.memory_space<vmem>> -> memref<1x128x8xf32, #tpu.memory_space<vmem>>
    %dma_start3A_2777 = tpu.memref_squeeze %dma_start3A_2776 : memref<1x128x8xf32, #tpu.memory_space<vmem>> -> memref<128x8xf32, #tpu.memory_space<vmem>>
    %dma_start3A_2778 = arith.constant 0 : i32
    %dma_start3A_2779 = tpu.memref_slice %arg6[%dma_start3A_2772, %dma_start3A_2778] : memref<24x128xi32, #tpu.memory_space<vmem>> -> memref<1x128xi32, #tpu.memory_space<vmem>>
    %dma_start3A_2780 = tpu.memref_squeeze %dma_start3A_2779 : memref<1x128xi32, #tpu.memory_space<vmem>> -> memref<128xi32, #tpu.memory_space<vmem>>
    %dma_start3A_2781 = arith.constant 0 : i32
    %dma_start3A_2782 = arith.constant 0 : i32
    %dma_start3A_2783 = tpu.memref_slice %arg3[%dma_start3A_2781, %dma_start3A_2782] : memref<24576x8xf32, #tpu.memory_space<hbm>> -> memref<24576x8xf32, #tpu.memory_space<hbm>>
    tpu.enqueue_indirect_dma source(%dma_start3A_2783 : memref<24576x8xf32, #tpu.memory_space<hbm>>) target(%dma_start3A_2777 : memref<128x8xf32, #tpu.memory_space<vmem>>) offsets(%dma_start3A_2780 : memref<128xi32, #tpu.memory_space<vmem>>) semaphore(%arg8 : memref<!tpu.dma_semaphore, #tpu.memory_space<semaphore_mem>>)
    %dma_wait3A = arith.constant 0 : i32
    %dma_wait3A_2784 = arith.constant 0 : i32
    %dma_wait3A_2785 = arith.constant 0 : i32
    %dma_wait3A_2786 = arith.constant 0 : i32
    %dma_wait3A_2787 = tpu.memref_slice %arg7[%dma_wait3A_2784, %dma_wait3A_2785, %dma_wait3A_2786] : memref<24x128x8xf32, #tpu.memory_space<vmem>> -> memref<1x128x8xf32, #tpu.memory_space<vmem>>
    %dma_wait3A_2788 = tpu.memref_squeeze %dma_wait3A_2787 : memref<1x128x8xf32, #tpu.memory_space<vmem>> -> memref<128x8xf32, #tpu.memory_space<vmem>>
    %dma_wait3A_2789 = arith.constant 0 : i32
    %dma_wait3A_2790 = tpu.memref_slice %arg6[%dma_wait3A, %dma_wait3A_2789] : memref<24x128xi32, #tpu.memory_space<vmem>> -> memref<1x128xi32, #tpu.memory_space<vmem>>
    %dma_wait3A_2791 = tpu.memref_squeeze %dma_wait3A_2790 : memref<1x128xi32, #tpu.memory_space<vmem>> -> memref<128xi32, #tpu.memory_space<vmem>>
    %dma_wait3A_2792 = arith.constant 0 : i32
    %dma_wait3A_2793 = arith.constant 0 : i32
    %dma_wait3A_2794 = tpu.memref_slice %arg3[%dma_wait3A_2792, %dma_wait3A_2793] : memref<24576x8xf32, #tpu.memory_space<hbm>> -> memref<24576x8xf32, #tpu.memory_space<hbm>>
    tpu.wait_indirect_dma semaphore(%arg8 : memref<!tpu.dma_semaphore, #tpu.memory_space<semaphore_mem>>) src(%dma_wait3A_2794 : memref<24576x8xf32, #tpu.memory_space<hbm>>) dst(%dma_wait3A_2788 : memref<128x8xf32, #tpu.memory_space<vmem>>)
    %dma_wait3A_2795 = arith.constant 1 : i32
    %dma_wait3A_2796 = arith.constant 1 : i32
    %dma_wait3A_2797 = arith.constant 0 : i32
    %dma_wait3A_2798 = arith.constant 0 : i32
    %dma_wait3A_2799 = tpu.memref_slice %arg7[%dma_wait3A_2796, %dma_wait3A_2797, %dma_wait3A_2798] : memref<24x128x8xf32, #tpu.memory_space<vmem>> -> memref<1x128x8xf32, #tpu.memory_space<vmem>>
    %dma_wait3A_2800 = tpu.memref_squeeze %dma_wait3A_2799 : memref<1x128x8xf32, #tpu.memory_space<vmem>> -> memref<128x8xf32, #tpu.memory_space<vmem>>
    %dma_wait3A_2801 = arith.constant 0 : i32
    %dma_wait3A_2802 = tpu.memref_slice %arg6[%dma_wait3A_2795, %dma_wait3A_2801] : memref<24x128xi32, #tpu.memory_space<vmem>> -> memref<1x128xi32, #tpu.memory_space<vmem>>
    %dma_wait3A_2803 = tpu.memref_squeeze %dma_wait3A_2802 : memref<1x128xi32, #tpu.memory_space<vmem>> -> memref<128xi32, #tpu.memory_space<vmem>>
    %dma_wait3A_2804 = arith.constant 0 : i32
    %dma_wait3A_2805 = arith.constant 0 : i32
    %dma_wait3A_2806 = tpu.memref_slice %arg3[%dma_wait3A_2804, %dma_wait3A_2805] : memref<24576x8xf32, #tpu.memory_space<hbm>> -> memref<24576x8xf32, #tpu.memory_space<hbm>>
    tpu.wait_indirect_dma semaphore(%arg8 : memref<!tpu.dma_semaphore, #tpu.memory_space<semaphore_mem>>) src(%dma_wait3A_2806 : memref<24576x8xf32, #tpu.memory_space<hbm>>) dst(%dma_wait3A_2800 : memref<128x8xf32, #tpu.memory_space<vmem>>)
    %dma_wait3A_2807 = arith.constant 2 : i32
    %dma_wait3A_2808 = arith.constant 2 : i32
    %dma_wait3A_2809 = arith.constant 0 : i32
    %dma_wait3A_2810 = arith.constant 0 : i32
    %dma_wait3A_2811 = tpu.memref_slice %arg7[%dma_wait3A_2808, %dma_wait3A_2809, %dma_wait3A_2810] : memref<24x128x8xf32, #tpu.memory_space<vmem>> -> memref<1x128x8xf32, #tpu.memory_space<vmem>>
    %dma_wait3A_2812 = tpu.memref_squeeze %dma_wait3A_2811 : memref<1x128x8xf32, #tpu.memory_space<vmem>> -> memref<128x8xf32, #tpu.memory_space<vmem>>
    %dma_wait3A_2813 = arith.constant 0 : i32
    %dma_wait3A_2814 = tpu.memref_slice %arg6[%dma_wait3A_2807, %dma_wait3A_2813] : memref<24x128xi32, #tpu.memory_space<vmem>> -> memref<1x128xi32, #tpu.memory_space<vmem>>
    %dma_wait3A_2815 = tpu.memref_squeeze %dma_wait3A_2814 : memref<1x128xi32, #tpu.memory_space<vmem>> -> memref<128xi32, #tpu.memory_space<vmem>>
    %dma_wait3A_2816 = arith.constant 0 : i32
    %dma_wait3A_2817 = arith.constant 0 : i32
    %dma_wait3A_2818 = tpu.memref_slice %arg3[%dma_wait3A_2816, %dma_wait3A_2817] : memref<24576x8xf32, #tpu.memory_space<hbm>> -> memref<24576x8xf32, #tpu.memory_space<hbm>>
    tpu.wait_indirect_dma semaphore(%arg8 : memref<!tpu.dma_semaphore, #tpu.memory_space<semaphore_mem>>) src(%dma_wait3A_2818 : memref<24576x8xf32, #tpu.memory_space<hbm>>) dst(%dma_wait3A_2812 : memref<128x8xf32, #tpu.memory_space<vmem>>)
    %dma_wait3A_2819 = arith.constant 3 : i32
    %dma_wait3A_2820 = arith.constant 3 : i32
    %dma_wait3A_2821 = arith.constant 0 : i32
    %dma_wait3A_2822 = arith.constant 0 : i32
    %dma_wait3A_2823 = tpu.memref_slice %arg7[%dma_wait3A_2820, %dma_wait3A_2821, %dma_wait3A_2822] : memref<24x128x8xf32, #tpu.memory_space<vmem>> -> memref<1x128x8xf32, #tpu.memory_space<vmem>>
    %dma_wait3A_2824 = tpu.memref_squeeze %dma_wait3A_2823 : memref<1x128x8xf32, #tpu.memory_space<vmem>> -> memref<128x8xf32, #tpu.memory_space<vmem>>
    %dma_wait3A_2825 = arith.constant 0 : i32
    %dma_wait3A_2826 = tpu.memref_slice %arg6[%dma_wait3A_2819, %dma_wait3A_2825] : memref<24x128xi32, #tpu.memory_space<vmem>> -> memref<1x128xi32, #tpu.memory_space<vmem>>
    %dma_wait3A_2827 = tpu.memref_squeeze %dma_wait3A_2826 : memref<1x128xi32, #tpu.memory_space<vmem>> -> memref<128xi32, #tpu.memory_space<vmem>>
    %dma_wait3A_2828 = arith.constant 0 : i32
    %dma_wait3A_2829 = arith.constant 0 : i32
    %dma_wait3A_2830 = tpu.memref_slice %arg3[%dma_wait3A_2828, %dma_wait3A_2829] : memref<24576x8xf32, #tpu.memory_space<hbm>> -> memref<24576x8xf32, #tpu.memory_space<hbm>>
    tpu.wait_indirect_dma semaphore(%arg8 : memref<!tpu.dma_semaphore, #tpu.memory_space<semaphore_mem>>) src(%dma_wait3A_2830 : memref<24576x8xf32, #tpu.memory_space<hbm>>) dst(%dma_wait3A_2824 : memref<128x8xf32, #tpu.memory_space<vmem>>)
    %dma_wait3A_2831 = arith.constant 4 : i32
    %dma_wait3A_2832 = arith.constant 4 : i32
    %dma_wait3A_2833 = arith.constant 0 : i32
    %dma_wait3A_2834 = arith.constant 0 : i32
    %dma_wait3A_2835 = tpu.memref_slice %arg7[%dma_wait3A_2832, %dma_wait3A_2833, %dma_wait3A_2834] : memref<24x128x8xf32, #tpu.memory_space<vmem>> -> memref<1x128x8xf32, #tpu.memory_space<vmem>>
    %dma_wait3A_2836 = tpu.memref_squeeze %dma_wait3A_2835 : memref<1x128x8xf32, #tpu.memory_space<vmem>> -> memref<128x8xf32, #tpu.memory_space<vmem>>
    %dma_wait3A_2837 = arith.constant 0 : i32
    %dma_wait3A_2838 = tpu.memref_slice %arg6[%dma_wait3A_2831, %dma_wait3A_2837] : memref<24x128xi32, #tpu.memory_space<vmem>> -> memref<1x128xi32, #tpu.memory_space<vmem>>
    %dma_wait3A_2839 = tpu.memref_squeeze %dma_wait3A_2838 : memref<1x128xi32, #tpu.memory_space<vmem>> -> memref<128xi32, #tpu.memory_space<vmem>>
    %dma_wait3A_2840 = arith.constant 0 : i32
    %dma_wait3A_2841 = arith.constant 0 : i32
    %dma_wait3A_2842 = tpu.memref_slice %arg3[%dma_wait3A_2840, %dma_wait3A_2841] : memref<24576x8xf32, #tpu.memory_space<hbm>> -> memref<24576x8xf32, #tpu.memory_space<hbm>>
    tpu.wait_indirect_dma semaphore(%arg8 : memref<!tpu.dma_semaphore, #tpu.memory_space<semaphore_mem>>) src(%dma_wait3A_2842 : memref<24576x8xf32, #tpu.memory_space<hbm>>) dst(%dma_wait3A_2836 : memref<128x8xf32, #tpu.memory_space<vmem>>)
    %dma_wait3A_2843 = arith.constant 5 : i32
    %dma_wait3A_2844 = arith.constant 5 : i32
    %dma_wait3A_2845 = arith.constant 0 : i32
    %dma_wait3A_2846 = arith.constant 0 : i32
    %dma_wait3A_2847 = tpu.memref_slice %arg7[%dma_wait3A_2844, %dma_wait3A_2845, %dma_wait3A_2846] : memref<24x128x8xf32, #tpu.memory_space<vmem>> -> memref<1x128x8xf32, #tpu.memory_space<vmem>>
    %dma_wait3A_2848 = tpu.memref_squeeze %dma_wait3A_2847 : memref<1x128x8xf32, #tpu.memory_space<vmem>> -> memref<128x8xf32, #tpu.memory_space<vmem>>
    %dma_wait3A_2849 = arith.constant 0 : i32
    %dma_wait3A_2850 = tpu.memref_slice %arg6[%dma_wait3A_2843, %dma_wait3A_2849] : memref<24x128xi32, #tpu.memory_space<vmem>> -> memref<1x128xi32, #tpu.memory_space<vmem>>
    %dma_wait3A_2851 = tpu.memref_squeeze %dma_wait3A_2850 : memref<1x128xi32, #tpu.memory_space<vmem>> -> memref<128xi32, #tpu.memory_space<vmem>>
    %dma_wait3A_2852 = arith.constant 0 : i32
    %dma_wait3A_2853 = arith.constant 0 : i32
    %dma_wait3A_2854 = tpu.memref_slice %arg3[%dma_wait3A_2852, %dma_wait3A_2853] : memref<24576x8xf32, #tpu.memory_space<hbm>> -> memref<24576x8xf32, #tpu.memory_space<hbm>>
    tpu.wait_indirect_dma semaphore(%arg8 : memref<!tpu.dma_semaphore, #tpu.memory_space<semaphore_mem>>) src(%dma_wait3A_2854 : memref<24576x8xf32, #tpu.memory_space<hbm>>) dst(%dma_wait3A_2848 : memref<128x8xf32, #tpu.memory_space<vmem>>)
    %dma_wait3A_2855 = arith.constant 6 : i32
    %dma_wait3A_2856 = arith.constant 6 : i32
    %dma_wait3A_2857 = arith.constant 0 : i32
    %dma_wait3A_2858 = arith.constant 0 : i32
    %dma_wait3A_2859 = tpu.memref_slice %arg7[%dma_wait3A_2856, %dma_wait3A_2857, %dma_wait3A_2858] : memref<24x128x8xf32, #tpu.memory_space<vmem>> -> memref<1x128x8xf32, #tpu.memory_space<vmem>>
    %dma_wait3A_2860 = tpu.memref_squeeze %dma_wait3A_2859 : memref<1x128x8xf32, #tpu.memory_space<vmem>> -> memref<128x8xf32, #tpu.memory_space<vmem>>
    %dma_wait3A_2861 = arith.constant 0 : i32
    %dma_wait3A_2862 = tpu.memref_slice %arg6[%dma_wait3A_2855, %dma_wait3A_2861] : memref<24x128xi32, #tpu.memory_space<vmem>> -> memref<1x128xi32, #tpu.memory_space<vmem>>
    %dma_wait3A_2863 = tpu.memref_squeeze %dma_wait3A_2862 : memref<1x128xi32, #tpu.memory_space<vmem>> -> memref<128xi32, #tpu.memory_space<vmem>>
    %dma_wait3A_2864 = arith.constant 0 : i32
    %dma_wait3A_2865 = arith.constant 0 : i32
    %dma_wait3A_2866 = tpu.memref_slice %arg3[%dma_wait3A_2864, %dma_wait3A_2865] : memref<24576x8xf32, #tpu.memory_space<hbm>> -> memref<24576x8xf32, #tpu.memory_space<hbm>>
    tpu.wait_indirect_dma semaphore(%arg8 : memref<!tpu.dma_semaphore, #tpu.memory_space<semaphore_mem>>) src(%dma_wait3A_2866 : memref<24576x8xf32, #tpu.memory_space<hbm>>) dst(%dma_wait3A_2860 : memref<128x8xf32, #tpu.memory_space<vmem>>)
    %dma_wait3A_2867 = arith.constant 7 : i32
    %dma_wait3A_2868 = arith.constant 7 : i32
    %dma_wait3A_2869 = arith.constant 0 : i32
    %dma_wait3A_2870 = arith.constant 0 : i32
    %dma_wait3A_2871 = tpu.memref_slice %arg7[%dma_wait3A_2868, %dma_wait3A_2869, %dma_wait3A_2870] : memref<24x128x8xf32, #tpu.memory_space<vmem>> -> memref<1x128x8xf32, #tpu.memory_space<vmem>>
    %dma_wait3A_2872 = tpu.memref_squeeze %dma_wait3A_2871 : memref<1x128x8xf32, #tpu.memory_space<vmem>> -> memref<128x8xf32, #tpu.memory_space<vmem>>
    %dma_wait3A_2873 = arith.constant 0 : i32
    %dma_wait3A_2874 = tpu.memref_slice %arg6[%dma_wait3A_2867, %dma_wait3A_2873] : memref<24x128xi32, #tpu.memory_space<vmem>> -> memref<1x128xi32, #tpu.memory_space<vmem>>
    %dma_wait3A_2875 = tpu.memref_squeeze %dma_wait3A_2874 : memref<1x128xi32, #tpu.memory_space<vmem>> -> memref<128xi32, #tpu.memory_space<vmem>>
    %dma_wait3A_2876 = arith.constant 0 : i32
    %dma_wait3A_2877 = arith.constant 0 : i32
    %dma_wait3A_2878 = tpu.memref_slice %arg3[%dma_wait3A_2876, %dma_wait3A_2877] : memref<24576x8xf32, #tpu.memory_space<hbm>> -> memref<24576x8xf32, #tpu.memory_space<hbm>>
    tpu.wait_indirect_dma semaphore(%arg8 : memref<!tpu.dma_semaphore, #tpu.memory_space<semaphore_mem>>) src(%dma_wait3A_2878 : memref<24576x8xf32, #tpu.memory_space<hbm>>) dst(%dma_wait3A_2872 : memref<128x8xf32, #tpu.memory_space<vmem>>)
    %dma_wait3A_2879 = arith.constant 8 : i32
    %dma_wait3A_2880 = arith.constant 8 : i32
    %dma_wait3A_2881 = arith.constant 0 : i32
    %dma_wait3A_2882 = arith.constant 0 : i32
    %dma_wait3A_2883 = tpu.memref_slice %arg7[%dma_wait3A_2880, %dma_wait3A_2881, %dma_wait3A_2882] : memref<24x128x8xf32, #tpu.memory_space<vmem>> -> memref<1x128x8xf32, #tpu.memory_space<vmem>>
    %dma_wait3A_2884 = tpu.memref_squeeze %dma_wait3A_2883 : memref<1x128x8xf32, #tpu.memory_space<vmem>> -> memref<128x8xf32, #tpu.memory_space<vmem>>
    %dma_wait3A_2885 = arith.constant 0 : i32
    %dma_wait3A_2886 = tpu.memref_slice %arg6[%dma_wait3A_2879, %dma_wait3A_2885] : memref<24x128xi32, #tpu.memory_space<vmem>> -> memref<1x128xi32, #tpu.memory_space<vmem>>
    %dma_wait3A_2887 = tpu.memref_squeeze %dma_wait3A_2886 : memref<1x128xi32, #tpu.memory_space<vmem>> -> memref<128xi32, #tpu.memory_space<vmem>>
    %dma_wait3A_2888 = arith.constant 0 : i32
    %dma_wait3A_2889 = arith.constant 0 : i32
    %dma_wait3A_2890 = tpu.memref_slice %arg3[%dma_wait3A_2888, %dma_wait3A_2889] : memref<24576x8xf32, #tpu.memory_space<hbm>> -> memref<24576x8xf32, #tpu.memory_space<hbm>>
    tpu.wait_indirect_dma semaphore(%arg8 : memref<!tpu.dma_semaphore, #tpu.memory_space<semaphore_mem>>) src(%dma_wait3A_2890 : memref<24576x8xf32, #tpu.memory_space<hbm>>) dst(%dma_wait3A_2884 : memref<128x8xf32, #tpu.memory_space<vmem>>)
    %dma_wait3A_2891 = arith.constant 9 : i32
    %dma_wait3A_2892 = arith.constant 9 : i32
    %dma_wait3A_2893 = arith.constant 0 : i32
    %dma_wait3A_2894 = arith.constant 0 : i32
    %dma_wait3A_2895 = tpu.memref_slice %arg7[%dma_wait3A_2892, %dma_wait3A_2893, %dma_wait3A_2894] : memref<24x128x8xf32, #tpu.memory_space<vmem>> -> memref<1x128x8xf32, #tpu.memory_space<vmem>>
    %dma_wait3A_2896 = tpu.memref_squeeze %dma_wait3A_2895 : memref<1x128x8xf32, #tpu.memory_space<vmem>> -> memref<128x8xf32, #tpu.memory_space<vmem>>
    %dma_wait3A_2897 = arith.constant 0 : i32
    %dma_wait3A_2898 = tpu.memref_slice %arg6[%dma_wait3A_2891, %dma_wait3A_2897] : memref<24x128xi32, #tpu.memory_space<vmem>> -> memref<1x128xi32, #tpu.memory_space<vmem>>
    %dma_wait3A_2899 = tpu.memref_squeeze %dma_wait3A_2898 : memref<1x128xi32, #tpu.memory_space<vmem>> -> memref<128xi32, #tpu.memory_space<vmem>>
    %dma_wait3A_2900 = arith.constant 0 : i32
    %dma_wait3A_2901 = arith.constant 0 : i32
    %dma_wait3A_2902 = tpu.memref_slice %arg3[%dma_wait3A_2900, %dma_wait3A_2901] : memref<24576x8xf32, #tpu.memory_space<hbm>> -> memref<24576x8xf32, #tpu.memory_space<hbm>>
    tpu.wait_indirect_dma semaphore(%arg8 : memref<!tpu.dma_semaphore, #tpu.memory_space<semaphore_mem>>) src(%dma_wait3A_2902 : memref<24576x8xf32, #tpu.memory_space<hbm>>) dst(%dma_wait3A_2896 : memref<128x8xf32, #tpu.memory_space<vmem>>)
    %dma_wait3A_2903 = arith.constant 10 : i32
    %dma_wait3A_2904 = arith.constant 10 : i32
    %dma_wait3A_2905 = arith.constant 0 : i32
    %dma_wait3A_2906 = arith.constant 0 : i32
    %dma_wait3A_2907 = tpu.memref_slice %arg7[%dma_wait3A_2904, %dma_wait3A_2905, %dma_wait3A_2906] : memref<24x128x8xf32, #tpu.memory_space<vmem>> -> memref<1x128x8xf32, #tpu.memory_space<vmem>>
    %dma_wait3A_2908 = tpu.memref_squeeze %dma_wait3A_2907 : memref<1x128x8xf32, #tpu.memory_space<vmem>> -> memref<128x8xf32, #tpu.memory_space<vmem>>
    %dma_wait3A_2909 = arith.constant 0 : i32
    %dma_wait3A_2910 = tpu.memref_slice %arg6[%dma_wait3A_2903, %dma_wait3A_2909] : memref<24x128xi32, #tpu.memory_space<vmem>> -> memref<1x128xi32, #tpu.memory_space<vmem>>
    %dma_wait3A_2911 = tpu.memref_squeeze %dma_wait3A_2910 : memref<1x128xi32, #tpu.memory_space<vmem>> -> memref<128xi32, #tpu.memory_space<vmem>>
    %dma_wait3A_2912 = arith.constant 0 : i32
    %dma_wait3A_2913 = arith.constant 0 : i32
    %dma_wait3A_2914 = tpu.memref_slice %arg3[%dma_wait3A_2912, %dma_wait3A_2913] : memref<24576x8xf32, #tpu.memory_space<hbm>> -> memref<24576x8xf32, #tpu.memory_space<hbm>>
    tpu.wait_indirect_dma semaphore(%arg8 : memref<!tpu.dma_semaphore, #tpu.memory_space<semaphore_mem>>) src(%dma_wait3A_2914 : memref<24576x8xf32, #tpu.memory_space<hbm>>) dst(%dma_wait3A_2908 : memref<128x8xf32, #tpu.memory_space<vmem>>)
    %dma_wait3A_2915 = arith.constant 11 : i32
    %dma_wait3A_2916 = arith.constant 11 : i32
    %dma_wait3A_2917 = arith.constant 0 : i32
    %dma_wait3A_2918 = arith.constant 0 : i32
    %dma_wait3A_2919 = tpu.memref_slice %arg7[%dma_wait3A_2916, %dma_wait3A_2917, %dma_wait3A_2918] : memref<24x128x8xf32, #tpu.memory_space<vmem>> -> memref<1x128x8xf32, #tpu.memory_space<vmem>>
    %dma_wait3A_2920 = tpu.memref_squeeze %dma_wait3A_2919 : memref<1x128x8xf32, #tpu.memory_space<vmem>> -> memref<128x8xf32, #tpu.memory_space<vmem>>
    %dma_wait3A_2921 = arith.constant 0 : i32
    %dma_wait3A_2922 = tpu.memref_slice %arg6[%dma_wait3A_2915, %dma_wait3A_2921] : memref<24x128xi32, #tpu.memory_space<vmem>> -> memref<1x128xi32, #tpu.memory_space<vmem>>
    %dma_wait3A_2923 = tpu.memref_squeeze %dma_wait3A_2922 : memref<1x128xi32, #tpu.memory_space<vmem>> -> memref<128xi32, #tpu.memory_space<vmem>>
    %dma_wait3A_2924 = arith.constant 0 : i32
    %dma_wait3A_2925 = arith.constant 0 : i32
    %dma_wait3A_2926 = tpu.memref_slice %arg3[%dma_wait3A_2924, %dma_wait3A_2925] : memref<24576x8xf32, #tpu.memory_space<hbm>> -> memref<24576x8xf32, #tpu.memory_space<hbm>>
    tpu.wait_indirect_dma semaphore(%arg8 : memref<!tpu.dma_semaphore, #tpu.memory_space<semaphore_mem>>) src(%dma_wait3A_2926 : memref<24576x8xf32, #tpu.memory_space<hbm>>) dst(%dma_wait3A_2920 : memref<128x8xf32, #tpu.memory_space<vmem>>)
    %dma_wait3A_2927 = arith.constant 12 : i32
    %dma_wait3A_2928 = arith.constant 12 : i32
    %dma_wait3A_2929 = arith.constant 0 : i32
    %dma_wait3A_2930 = arith.constant 0 : i32
    %dma_wait3A_2931 = tpu.memref_slice %arg7[%dma_wait3A_2928, %dma_wait3A_2929, %dma_wait3A_2930] : memref<24x128x8xf32, #tpu.memory_space<vmem>> -> memref<1x128x8xf32, #tpu.memory_space<vmem>>
    %dma_wait3A_2932 = tpu.memref_squeeze %dma_wait3A_2931 : memref<1x128x8xf32, #tpu.memory_space<vmem>> -> memref<128x8xf32, #tpu.memory_space<vmem>>
    %dma_wait3A_2933 = arith.constant 0 : i32
    %dma_wait3A_2934 = tpu.memref_slice %arg6[%dma_wait3A_2927, %dma_wait3A_2933] : memref<24x128xi32, #tpu.memory_space<vmem>> -> memref<1x128xi32, #tpu.memory_space<vmem>>
    %dma_wait3A_2935 = tpu.memref_squeeze %dma_wait3A_2934 : memref<1x128xi32, #tpu.memory_space<vmem>> -> memref<128xi32, #tpu.memory_space<vmem>>
    %dma_wait3A_2936 = arith.constant 0 : i32
    %dma_wait3A_2937 = arith.constant 0 : i32
    %dma_wait3A_2938 = tpu.memref_slice %arg3[%dma_wait3A_2936, %dma_wait3A_2937] : memref<24576x8xf32, #tpu.memory_space<hbm>> -> memref<24576x8xf32, #tpu.memory_space<hbm>>
    tpu.wait_indirect_dma semaphore(%arg8 : memref<!tpu.dma_semaphore, #tpu.memory_space<semaphore_mem>>) src(%dma_wait3A_2938 : memref<24576x8xf32, #tpu.memory_space<hbm>>) dst(%dma_wait3A_2932 : memref<128x8xf32, #tpu.memory_space<vmem>>)
    %dma_wait3A_2939 = arith.constant 13 : i32
    %dma_wait3A_2940 = arith.constant 13 : i32
    %dma_wait3A_2941 = arith.constant 0 : i32
    %dma_wait3A_2942 = arith.constant 0 : i32
    %dma_wait3A_2943 = tpu.memref_slice %arg7[%dma_wait3A_2940, %dma_wait3A_2941, %dma_wait3A_2942] : memref<24x128x8xf32, #tpu.memory_space<vmem>> -> memref<1x128x8xf32, #tpu.memory_space<vmem>>
    %dma_wait3A_2944 = tpu.memref_squeeze %dma_wait3A_2943 : memref<1x128x8xf32, #tpu.memory_space<vmem>> -> memref<128x8xf32, #tpu.memory_space<vmem>>
    %dma_wait3A_2945 = arith.constant 0 : i32
    %dma_wait3A_2946 = tpu.memref_slice %arg6[%dma_wait3A_2939, %dma_wait3A_2945] : memref<24x128xi32, #tpu.memory_space<vmem>> -> memref<1x128xi32, #tpu.memory_space<vmem>>
    %dma_wait3A_2947 = tpu.memref_squeeze %dma_wait3A_2946 : memref<1x128xi32, #tpu.memory_space<vmem>> -> memref<128xi32, #tpu.memory_space<vmem>>
    %dma_wait3A_2948 = arith.constant 0 : i32
    %dma_wait3A_2949 = arith.constant 0 : i32
    %dma_wait3A_2950 = tpu.memref_slice %arg3[%dma_wait3A_2948, %dma_wait3A_2949] : memref<24576x8xf32, #tpu.memory_space<hbm>> -> memref<24576x8xf32, #tpu.memory_space<hbm>>
    tpu.wait_indirect_dma semaphore(%arg8 : memref<!tpu.dma_semaphore, #tpu.memory_space<semaphore_mem>>) src(%dma_wait3A_2950 : memref<24576x8xf32, #tpu.memory_space<hbm>>) dst(%dma_wait3A_2944 : memref<128x8xf32, #tpu.memory_space<vmem>>)
    %dma_wait3A_2951 = arith.constant 14 : i32
    %dma_wait3A_2952 = arith.constant 14 : i32
    %dma_wait3A_2953 = arith.constant 0 : i32
    %dma_wait3A_2954 = arith.constant 0 : i32
    %dma_wait3A_2955 = tpu.memref_slice %arg7[%dma_wait3A_2952, %dma_wait3A_2953, %dma_wait3A_2954] : memref<24x128x8xf32, #tpu.memory_space<vmem>> -> memref<1x128x8xf32, #tpu.memory_space<vmem>>
    %dma_wait3A_2956 = tpu.memref_squeeze %dma_wait3A_2955 : memref<1x128x8xf32, #tpu.memory_space<vmem>> -> memref<128x8xf32, #tpu.memory_space<vmem>>
    %dma_wait3A_2957 = arith.constant 0 : i32
    %dma_wait3A_2958 = tpu.memref_slice %arg6[%dma_wait3A_2951, %dma_wait3A_2957] : memref<24x128xi32, #tpu.memory_space<vmem>> -> memref<1x128xi32, #tpu.memory_space<vmem>>
    %dma_wait3A_2959 = tpu.memref_squeeze %dma_wait3A_2958 : memref<1x128xi32, #tpu.memory_space<vmem>> -> memref<128xi32, #tpu.memory_space<vmem>>
    %dma_wait3A_2960 = arith.constant 0 : i32
    %dma_wait3A_2961 = arith.constant 0 : i32
    %dma_wait3A_2962 = tpu.memref_slice %arg3[%dma_wait3A_2960, %dma_wait3A_2961] : memref<24576x8xf32, #tpu.memory_space<hbm>> -> memref<24576x8xf32, #tpu.memory_space<hbm>>
    tpu.wait_indirect_dma semaphore(%arg8 : memref<!tpu.dma_semaphore, #tpu.memory_space<semaphore_mem>>) src(%dma_wait3A_2962 : memref<24576x8xf32, #tpu.memory_space<hbm>>) dst(%dma_wait3A_2956 : memref<128x8xf32, #tpu.memory_space<vmem>>)
    %dma_wait3A_2963 = arith.constant 15 : i32
    %dma_wait3A_2964 = arith.constant 15 : i32
    %dma_wait3A_2965 = arith.constant 0 : i32
    %dma_wait3A_2966 = arith.constant 0 : i32
    %dma_wait3A_2967 = tpu.memref_slice %arg7[%dma_wait3A_2964, %dma_wait3A_2965, %dma_wait3A_2966] : memref<24x128x8xf32, #tpu.memory_space<vmem>> -> memref<1x128x8xf32, #tpu.memory_space<vmem>>
    %dma_wait3A_2968 = tpu.memref_squeeze %dma_wait3A_2967 : memref<1x128x8xf32, #tpu.memory_space<vmem>> -> memref<128x8xf32, #tpu.memory_space<vmem>>
    %dma_wait3A_2969 = arith.constant 0 : i32
    %dma_wait3A_2970 = tpu.memref_slice %arg6[%dma_wait3A_2963, %dma_wait3A_2969] : memref<24x128xi32, #tpu.memory_space<vmem>> -> memref<1x128xi32, #tpu.memory_space<vmem>>
    %dma_wait3A_2971 = tpu.memref_squeeze %dma_wait3A_2970 : memref<1x128xi32, #tpu.memory_space<vmem>> -> memref<128xi32, #tpu.memory_space<vmem>>
    %dma_wait3A_2972 = arith.constant 0 : i32
    %dma_wait3A_2973 = arith.constant 0 : i32
    %dma_wait3A_2974 = tpu.memref_slice %arg3[%dma_wait3A_2972, %dma_wait3A_2973] : memref<24576x8xf32, #tpu.memory_space<hbm>> -> memref<24576x8xf32, #tpu.memory_space<hbm>>
    tpu.wait_indirect_dma semaphore(%arg8 : memref<!tpu.dma_semaphore, #tpu.memory_space<semaphore_mem>>) src(%dma_wait3A_2974 : memref<24576x8xf32, #tpu.memory_space<hbm>>) dst(%dma_wait3A_2968 : memref<128x8xf32, #tpu.memory_space<vmem>>)
    %dma_wait3A_2975 = arith.constant 16 : i32
    %dma_wait3A_2976 = arith.constant 16 : i32
    %dma_wait3A_2977 = arith.constant 0 : i32
    %dma_wait3A_2978 = arith.constant 0 : i32
    %dma_wait3A_2979 = tpu.memref_slice %arg7[%dma_wait3A_2976, %dma_wait3A_2977, %dma_wait3A_2978] : memref<24x128x8xf32, #tpu.memory_space<vmem>> -> memref<1x128x8xf32, #tpu.memory_space<vmem>>
    %dma_wait3A_2980 = tpu.memref_squeeze %dma_wait3A_2979 : memref<1x128x8xf32, #tpu.memory_space<vmem>> -> memref<128x8xf32, #tpu.memory_space<vmem>>
    %dma_wait3A_2981 = arith.constant 0 : i32
    %dma_wait3A_2982 = tpu.memref_slice %arg6[%dma_wait3A_2975, %dma_wait3A_2981] : memref<24x128xi32, #tpu.memory_space<vmem>> -> memref<1x128xi32, #tpu.memory_space<vmem>>
    %dma_wait3A_2983 = tpu.memref_squeeze %dma_wait3A_2982 : memref<1x128xi32, #tpu.memory_space<vmem>> -> memref<128xi32, #tpu.memory_space<vmem>>
    %dma_wait3A_2984 = arith.constant 0 : i32
    %dma_wait3A_2985 = arith.constant 0 : i32
    %dma_wait3A_2986 = tpu.memref_slice %arg3[%dma_wait3A_2984, %dma_wait3A_2985] : memref<24576x8xf32, #tpu.memory_space<hbm>> -> memref<24576x8xf32, #tpu.memory_space<hbm>>
    tpu.wait_indirect_dma semaphore(%arg8 : memref<!tpu.dma_semaphore, #tpu.memory_space<semaphore_mem>>) src(%dma_wait3A_2986 : memref<24576x8xf32, #tpu.memory_space<hbm>>) dst(%dma_wait3A_2980 : memref<128x8xf32, #tpu.memory_space<vmem>>)
    %dma_wait3A_2987 = arith.constant 17 : i32
    %dma_wait3A_2988 = arith.constant 17 : i32
    %dma_wait3A_2989 = arith.constant 0 : i32
    %dma_wait3A_2990 = arith.constant 0 : i32
    %dma_wait3A_2991 = tpu.memref_slice %arg7[%dma_wait3A_2988, %dma_wait3A_2989, %dma_wait3A_2990] : memref<24x128x8xf32, #tpu.memory_space<vmem>> -> memref<1x128x8xf32, #tpu.memory_space<vmem>>
    %dma_wait3A_2992 = tpu.memref_squeeze %dma_wait3A_2991 : memref<1x128x8xf32, #tpu.memory_space<vmem>> -> memref<128x8xf32, #tpu.memory_space<vmem>>
    %dma_wait3A_2993 = arith.constant 0 : i32
    %dma_wait3A_2994 = tpu.memref_slice %arg6[%dma_wait3A_2987, %dma_wait3A_2993] : memref<24x128xi32, #tpu.memory_space<vmem>> -> memref<1x128xi32, #tpu.memory_space<vmem>>
    %dma_wait3A_2995 = tpu.memref_squeeze %dma_wait3A_2994 : memref<1x128xi32, #tpu.memory_space<vmem>> -> memref<128xi32, #tpu.memory_space<vmem>>
    %dma_wait3A_2996 = arith.constant 0 : i32
    %dma_wait3A_2997 = arith.constant 0 : i32
    %dma_wait3A_2998 = tpu.memref_slice %arg3[%dma_wait3A_2996, %dma_wait3A_2997] : memref<24576x8xf32, #tpu.memory_space<hbm>> -> memref<24576x8xf32, #tpu.memory_space<hbm>>
    tpu.wait_indirect_dma semaphore(%arg8 : memref<!tpu.dma_semaphore, #tpu.memory_space<semaphore_mem>>) src(%dma_wait3A_2998 : memref<24576x8xf32, #tpu.memory_space<hbm>>) dst(%dma_wait3A_2992 : memref<128x8xf32, #tpu.memory_space<vmem>>)
    %dma_wait3A_2999 = arith.constant 18 : i32
    %dma_wait3A_3000 = arith.constant 18 : i32
    %dma_wait3A_3001 = arith.constant 0 : i32
    %dma_wait3A_3002 = arith.constant 0 : i32
    %dma_wait3A_3003 = tpu.memref_slice %arg7[%dma_wait3A_3000, %dma_wait3A_3001, %dma_wait3A_3002] : memref<24x128x8xf32, #tpu.memory_space<vmem>> -> memref<1x128x8xf32, #tpu.memory_space<vmem>>
    %dma_wait3A_3004 = tpu.memref_squeeze %dma_wait3A_3003 : memref<1x128x8xf32, #tpu.memory_space<vmem>> -> memref<128x8xf32, #tpu.memory_space<vmem>>
    %dma_wait3A_3005 = arith.constant 0 : i32
    %dma_wait3A_3006 = tpu.memref_slice %arg6[%dma_wait3A_2999, %dma_wait3A_3005] : memref<24x128xi32, #tpu.memory_space<vmem>> -> memref<1x128xi32, #tpu.memory_space<vmem>>
    %dma_wait3A_3007 = tpu.memref_squeeze %dma_wait3A_3006 : memref<1x128xi32, #tpu.memory_space<vmem>> -> memref<128xi32, #tpu.memory_space<vmem>>
    %dma_wait3A_3008 = arith.constant 0 : i32
    %dma_wait3A_3009 = arith.constant 0 : i32
    %dma_wait3A_3010 = tpu.memref_slice %arg3[%dma_wait3A_3008, %dma_wait3A_3009] : memref<24576x8xf32, #tpu.memory_space<hbm>> -> memref<24576x8xf32, #tpu.memory_space<hbm>>
    tpu.wait_indirect_dma semaphore(%arg8 : memref<!tpu.dma_semaphore, #tpu.memory_space<semaphore_mem>>) src(%dma_wait3A_3010 : memref<24576x8xf32, #tpu.memory_space<hbm>>) dst(%dma_wait3A_3004 : memref<128x8xf32, #tpu.memory_space<vmem>>)
    %dma_wait3A_3011 = arith.constant 19 : i32
    %dma_wait3A_3012 = arith.constant 19 : i32
    %dma_wait3A_3013 = arith.constant 0 : i32
    %dma_wait3A_3014 = arith.constant 0 : i32
    %dma_wait3A_3015 = tpu.memref_slice %arg7[%dma_wait3A_3012, %dma_wait3A_3013, %dma_wait3A_3014] : memref<24x128x8xf32, #tpu.memory_space<vmem>> -> memref<1x128x8xf32, #tpu.memory_space<vmem>>
    %dma_wait3A_3016 = tpu.memref_squeeze %dma_wait3A_3015 : memref<1x128x8xf32, #tpu.memory_space<vmem>> -> memref<128x8xf32, #tpu.memory_space<vmem>>
    %dma_wait3A_3017 = arith.constant 0 : i32
    %dma_wait3A_3018 = tpu.memref_slice %arg6[%dma_wait3A_3011, %dma_wait3A_3017] : memref<24x128xi32, #tpu.memory_space<vmem>> -> memref<1x128xi32, #tpu.memory_space<vmem>>
    %dma_wait3A_3019 = tpu.memref_squeeze %dma_wait3A_3018 : memref<1x128xi32, #tpu.memory_space<vmem>> -> memref<128xi32, #tpu.memory_space<vmem>>
    %dma_wait3A_3020 = arith.constant 0 : i32
    %dma_wait3A_3021 = arith.constant 0 : i32
    %dma_wait3A_3022 = tpu.memref_slice %arg3[%dma_wait3A_3020, %dma_wait3A_3021] : memref<24576x8xf32, #tpu.memory_space<hbm>> -> memref<24576x8xf32, #tpu.memory_space<hbm>>
    tpu.wait_indirect_dma semaphore(%arg8 : memref<!tpu.dma_semaphore, #tpu.memory_space<semaphore_mem>>) src(%dma_wait3A_3022 : memref<24576x8xf32, #tpu.memory_space<hbm>>) dst(%dma_wait3A_3016 : memref<128x8xf32, #tpu.memory_space<vmem>>)
    %dma_wait3A_3023 = arith.constant 20 : i32
    %dma_wait3A_3024 = arith.constant 20 : i32
    %dma_wait3A_3025 = arith.constant 0 : i32
    %dma_wait3A_3026 = arith.constant 0 : i32
    %dma_wait3A_3027 = tpu.memref_slice %arg7[%dma_wait3A_3024, %dma_wait3A_3025, %dma_wait3A_3026] : memref<24x128x8xf32, #tpu.memory_space<vmem>> -> memref<1x128x8xf32, #tpu.memory_space<vmem>>
    %dma_wait3A_3028 = tpu.memref_squeeze %dma_wait3A_3027 : memref<1x128x8xf32, #tpu.memory_space<vmem>> -> memref<128x8xf32, #tpu.memory_space<vmem>>
    %dma_wait3A_3029 = arith.constant 0 : i32
    %dma_wait3A_3030 = tpu.memref_slice %arg6[%dma_wait3A_3023, %dma_wait3A_3029] : memref<24x128xi32, #tpu.memory_space<vmem>> -> memref<1x128xi32, #tpu.memory_space<vmem>>
    %dma_wait3A_3031 = tpu.memref_squeeze %dma_wait3A_3030 : memref<1x128xi32, #tpu.memory_space<vmem>> -> memref<128xi32, #tpu.memory_space<vmem>>
    %dma_wait3A_3032 = arith.constant 0 : i32
    %dma_wait3A_3033 = arith.constant 0 : i32
    %dma_wait3A_3034 = tpu.memref_slice %arg3[%dma_wait3A_3032, %dma_wait3A_3033] : memref<24576x8xf32, #tpu.memory_space<hbm>> -> memref<24576x8xf32, #tpu.memory_space<hbm>>
    tpu.wait_indirect_dma semaphore(%arg8 : memref<!tpu.dma_semaphore, #tpu.memory_space<semaphore_mem>>) src(%dma_wait3A_3034 : memref<24576x8xf32, #tpu.memory_space<hbm>>) dst(%dma_wait3A_3028 : memref<128x8xf32, #tpu.memory_space<vmem>>)
    %dma_wait3A_3035 = arith.constant 21 : i32
    %dma_wait3A_3036 = arith.constant 21 : i32
    %dma_wait3A_3037 = arith.constant 0 : i32
    %dma_wait3A_3038 = arith.constant 0 : i32
    %dma_wait3A_3039 = tpu.memref_slice %arg7[%dma_wait3A_3036, %dma_wait3A_3037, %dma_wait3A_3038] : memref<24x128x8xf32, #tpu.memory_space<vmem>> -> memref<1x128x8xf32, #tpu.memory_space<vmem>>
    %dma_wait3A_3040 = tpu.memref_squeeze %dma_wait3A_3039 : memref<1x128x8xf32, #tpu.memory_space<vmem>> -> memref<128x8xf32, #tpu.memory_space<vmem>>
    %dma_wait3A_3041 = arith.constant 0 : i32
    %dma_wait3A_3042 = tpu.memref_slice %arg6[%dma_wait3A_3035, %dma_wait3A_3041] : memref<24x128xi32, #tpu.memory_space<vmem>> -> memref<1x128xi32, #tpu.memory_space<vmem>>
    %dma_wait3A_3043 = tpu.memref_squeeze %dma_wait3A_3042 : memref<1x128xi32, #tpu.memory_space<vmem>> -> memref<128xi32, #tpu.memory_space<vmem>>
    %dma_wait3A_3044 = arith.constant 0 : i32
    %dma_wait3A_3045 = arith.constant 0 : i32
    %dma_wait3A_3046 = tpu.memref_slice %arg3[%dma_wait3A_3044, %dma_wait3A_3045] : memref<24576x8xf32, #tpu.memory_space<hbm>> -> memref<24576x8xf32, #tpu.memory_space<hbm>>
    tpu.wait_indirect_dma semaphore(%arg8 : memref<!tpu.dma_semaphore, #tpu.memory_space<semaphore_mem>>) src(%dma_wait3A_3046 : memref<24576x8xf32, #tpu.memory_space<hbm>>) dst(%dma_wait3A_3040 : memref<128x8xf32, #tpu.memory_space<vmem>>)
    %dma_wait3A_3047 = arith.constant 22 : i32
    %dma_wait3A_3048 = arith.constant 22 : i32
    %dma_wait3A_3049 = arith.constant 0 : i32
    %dma_wait3A_3050 = arith.constant 0 : i32
    %dma_wait3A_3051 = tpu.memref_slice %arg7[%dma_wait3A_3048, %dma_wait3A_3049, %dma_wait3A_3050] : memref<24x128x8xf32, #tpu.memory_space<vmem>> -> memref<1x128x8xf32, #tpu.memory_space<vmem>>
    %dma_wait3A_3052 = tpu.memref_squeeze %dma_wait3A_3051 : memref<1x128x8xf32, #tpu.memory_space<vmem>> -> memref<128x8xf32, #tpu.memory_space<vmem>>
    %dma_wait3A_3053 = arith.constant 0 : i32
    %dma_wait3A_3054 = tpu.memref_slice %arg6[%dma_wait3A_3047, %dma_wait3A_3053] : memref<24x128xi32, #tpu.memory_space<vmem>> -> memref<1x128xi32, #tpu.memory_space<vmem>>
    %dma_wait3A_3055 = tpu.memref_squeeze %dma_wait3A_3054 : memref<1x128xi32, #tpu.memory_space<vmem>> -> memref<128xi32, #tpu.memory_space<vmem>>
    %dma_wait3A_3056 = arith.constant 0 : i32
    %dma_wait3A_3057 = arith.constant 0 : i32
    %dma_wait3A_3058 = tpu.memref_slice %arg3[%dma_wait3A_3056, %dma_wait3A_3057] : memref<24576x8xf32, #tpu.memory_space<hbm>> -> memref<24576x8xf32, #tpu.memory_space<hbm>>
    tpu.wait_indirect_dma semaphore(%arg8 : memref<!tpu.dma_semaphore, #tpu.memory_space<semaphore_mem>>) src(%dma_wait3A_3058 : memref<24576x8xf32, #tpu.memory_space<hbm>>) dst(%dma_wait3A_3052 : memref<128x8xf32, #tpu.memory_space<vmem>>)
    %dma_wait3A_3059 = arith.constant 23 : i32
    %dma_wait3A_3060 = arith.constant 23 : i32
    %dma_wait3A_3061 = arith.constant 0 : i32
    %dma_wait3A_3062 = arith.constant 0 : i32
    %dma_wait3A_3063 = tpu.memref_slice %arg7[%dma_wait3A_3060, %dma_wait3A_3061, %dma_wait3A_3062] : memref<24x128x8xf32, #tpu.memory_space<vmem>> -> memref<1x128x8xf32, #tpu.memory_space<vmem>>
    %dma_wait3A_3064 = tpu.memref_squeeze %dma_wait3A_3063 : memref<1x128x8xf32, #tpu.memory_space<vmem>> -> memref<128x8xf32, #tpu.memory_space<vmem>>
    %dma_wait3A_3065 = arith.constant 0 : i32
    %dma_wait3A_3066 = tpu.memref_slice %arg6[%dma_wait3A_3059, %dma_wait3A_3065] : memref<24x128xi32, #tpu.memory_space<vmem>> -> memref<1x128xi32, #tpu.memory_space<vmem>>
    %dma_wait3A_3067 = tpu.memref_squeeze %dma_wait3A_3066 : memref<1x128xi32, #tpu.memory_space<vmem>> -> memref<128xi32, #tpu.memory_space<vmem>>
    %dma_wait3A_3068 = arith.constant 0 : i32
    %dma_wait3A_3069 = arith.constant 0 : i32
    %dma_wait3A_3070 = tpu.memref_slice %arg3[%dma_wait3A_3068, %dma_wait3A_3069] : memref<24576x8xf32, #tpu.memory_space<hbm>> -> memref<24576x8xf32, #tpu.memory_space<hbm>>
    tpu.wait_indirect_dma semaphore(%arg8 : memref<!tpu.dma_semaphore, #tpu.memory_space<semaphore_mem>>) src(%dma_wait3A_3070 : memref<24576x8xf32, #tpu.memory_space<hbm>>) dst(%dma_wait3A_3064 : memref<128x8xf32, #tpu.memory_space<vmem>>)
    %mul3A_3071 = arith.constant 24 : i32
    %mul3A_3072 = arith.muli %add3A, %mul3A_3071 : i32
    "tpu.region"() ({
      %run_scoped3A = tpu.sem_alloc : memref<!tpu.dma_semaphore, #tpu.memory_space<semaphore_mem>>
      %dma_start3A_3073 = arith.constant 0 : i32
      %dma_start3A_3074 = arith.constant 0 : i32
      %dma_start3A_3075 = tpu.memref_slice %arg4[%mul3A_3072, %dma_start3A_3073, %dma_start3A_3074] : memref<768x128x8xf32, #tpu.memory_space<hbm>> -> memref<24x128x8xf32, #tpu.memory_space<hbm>>
      %dma_start3A_3076 = arith.constant 0 : i32
      %dma_start3A_3077 = arith.constant 0 : i32
      %dma_start3A_3078 = tpu.memref_slice %arg4[%mul3A_3072, %dma_start3A_3076, %dma_start3A_3077] : memref<768x128x8xf32, #tpu.memory_space<hbm>> -> memref<24x128x8xf32, #tpu.memory_space<hbm>>
      tpu.enqueue_dma source(%arg7 : memref<24x128x8xf32, #tpu.memory_space<vmem>>) target(%dma_start3A_3078 : memref<24x128x8xf32, #tpu.memory_space<hbm>>) target_semaphore(%run_scoped3A : memref<!tpu.dma_semaphore, #tpu.memory_space<semaphore_mem>>)
      %dma_wait3A_3079 = arith.constant 0 : i32
      %dma_wait3A_3080 = arith.constant 0 : i32
      %dma_wait3A_3081 = tpu.memref_slice %arg4[%mul3A_3072, %dma_wait3A_3079, %dma_wait3A_3080] : memref<768x128x8xf32, #tpu.memory_space<hbm>> -> memref<24x128x8xf32, #tpu.memory_space<hbm>>
      %dma_wait3A_3082 = arith.constant 0 : i32
      %dma_wait3A_3083 = arith.constant 0 : i32
      %dma_wait3A_3084 = tpu.memref_slice %arg4[%mul3A_3072, %dma_wait3A_3082, %dma_wait3A_3083] : memref<768x128x8xf32, #tpu.memory_space<hbm>> -> memref<24x128x8xf32, #tpu.memory_space<hbm>>
      tpu.wait_dma2 semaphore(%run_scoped3A : memref<!tpu.dma_semaphore, #tpu.memory_space<semaphore_mem>>) src(%arg7 : memref<24x128x8xf32, #tpu.memory_space<vmem>>) dst(%dma_wait3A_3084 : memref<24x128x8xf32, #tpu.memory_space<hbm>>)
      tpu.yield
    }) : () -> ()
    return
  }
}

module attributes {stable_mosaic.version = 14 : i64} {
  func.func @_idx_body(%arg0: i32, %arg1: memref<1024x128xf32, #tpu.memory_space<vmem>>, %arg2: memref<16x256x8xf32, #tpu.memory_space<vmem>>, %arg3: memref<1x1024x16xi32, #tpu.memory_space<vmem>>, %arg4: memref<4096x128xf32, #tpu.memory_space<vmem>>) attributes {dimension_semantics = [#tpu.dimension_semantics<arbitrary>], iteration_bounds = array<i64: 6>, scalar_prefetch = 0 : i64, scratch_operands = 1 : i64, tpu.core_type = #tpu.core_type<tc>, window_params = [{transform_indices = @transform_0, window_bounds = array<i64: 1024, 128>}, {transform_indices = @transform_1, window_bounds = array<i64: 16, 256, 8>}, {transform_indices = @transform_2, window_bounds = array<i64: 1, 1024, 16>}]} {
    %eq3A = arith.constant 0 : i32
    %eq3A_0 = arith.cmpi eq, %arg0, %eq3A : i32
    %convert_element_type3A = arith.extui %eq3A_0 : i1 to i32
    %cond3A = arith.constant 0 : i32
    %cond3A_1 = arith.cmpi ne, %convert_element_type3A, %cond3A : i32
    scf.if %cond3A_1 {
      %broadcast_in_dim3A_615 = arith.constant 0.000000e+00 : f32
      %broadcast_in_dim3A_616 = vector.broadcast %broadcast_in_dim3A_615 : f32 to vector<4096x128xf32>
      %swap3A_617 = arith.constant 0 : index
      %swap3A_618 = arith.constant 0 : index
      %swap3A_619 = vector.load %arg4[%swap3A_617, %swap3A_618] : memref<4096x128xf32, #tpu.memory_space<vmem>>, vector<4096x128xf32>
      tpu.vector_store %arg4[%swap3A_617, %swap3A_618], %broadcast_in_dim3A_616 {strides = array<i32>} : memref<4096x128xf32, #tpu.memory_space<vmem>>, vector<4096x128xf32>,
    } else {
    }
    %get3A = arith.constant 0 : index
    %get3A_2 = arith.constant 0 : index
    %get3A_3 = arith.constant 0 : index
    %get3A_4 = vector.load %arg2[%get3A, %get3A_2, %get3A_3] : memref<16x256x8xf32, #tpu.memory_space<vmem>>, vector<1x256x8xf32>
    %get3A_5 = vector.shape_cast %get3A_4 : vector<1x256x8xf32> to vector<256x8xf32>
    %swap3A = arith.constant 0 : index
    %swap3A_6 = arith.constant 0 : index
    %swap3A_7 = vector.load %arg4[%swap3A, %swap3A_6] : memref<4096x128xf32, #tpu.memory_space<vmem>>, vector<256x8xf32>
    tpu.vector_store %arg4[%swap3A, %swap3A_6], %get3A_5 {strides = array<i32>} : memref<4096x128xf32, #tpu.memory_space<vmem>>, vector<256x8xf32>,
    %get3A_8 = arith.constant 1 : index
    %get3A_9 = arith.constant 0 : index
    %get3A_10 = arith.constant 0 : index
    %get3A_11 = vector.load %arg2[%get3A_8, %get3A_9, %get3A_10] : memref<16x256x8xf32, #tpu.memory_space<vmem>>, vector<1x256x8xf32>
    %get3A_12 = vector.shape_cast %get3A_11 : vector<1x256x8xf32> to vector<256x8xf32>
    %swap3A_13 = arith.constant 256 : index
    %swap3A_14 = arith.constant 8 : index
    %swap3A_15 = vector.load %arg4[%swap3A_13, %swap3A_14] : memref<4096x128xf32, #tpu.memory_space<vmem>>, vector<256x8xf32>
    tpu.vector_store %arg4[%swap3A_13, %swap3A_14], %get3A_12 {strides = array<i32>} : memref<4096x128xf32, #tpu.memory_space<vmem>>, vector<256x8xf32>,
    %get3A_16 = arith.constant 2 : index
    %get3A_17 = arith.constant 0 : index
    %get3A_18 = arith.constant 0 : index
    %get3A_19 = vector.load %arg2[%get3A_16, %get3A_17, %get3A_18] : memref<16x256x8xf32, #tpu.memory_space<vmem>>, vector<1x256x8xf32>
    %get3A_20 = vector.shape_cast %get3A_19 : vector<1x256x8xf32> to vector<256x8xf32>
    %swap3A_21 = arith.constant 512 : index
    %swap3A_22 = arith.constant 16 : index
    %swap3A_23 = vector.load %arg4[%swap3A_21, %swap3A_22] : memref<4096x128xf32, #tpu.memory_space<vmem>>, vector<256x8xf32>
    tpu.vector_store %arg4[%swap3A_21, %swap3A_22], %get3A_20 {strides = array<i32>} : memref<4096x128xf32, #tpu.memory_space<vmem>>, vector<256x8xf32>,
    %get3A_24 = arith.constant 3 : index
    %get3A_25 = arith.constant 0 : index
    %get3A_26 = arith.constant 0 : index
    %get3A_27 = vector.load %arg2[%get3A_24, %get3A_25, %get3A_26] : memref<16x256x8xf32, #tpu.memory_space<vmem>>, vector<1x256x8xf32>
    %get3A_28 = vector.shape_cast %get3A_27 : vector<1x256x8xf32> to vector<256x8xf32>
    %swap3A_29 = arith.constant 768 : index
    %swap3A_30 = arith.constant 24 : index
    %swap3A_31 = vector.load %arg4[%swap3A_29, %swap3A_30] : memref<4096x128xf32, #tpu.memory_space<vmem>>, vector<256x8xf32>
    tpu.vector_store %arg4[%swap3A_29, %swap3A_30], %get3A_28 {strides = array<i32>} : memref<4096x128xf32, #tpu.memory_space<vmem>>, vector<256x8xf32>,
    %get3A_32 = arith.constant 4 : index
    %get3A_33 = arith.constant 0 : index
    %get3A_34 = arith.constant 0 : index
    %get3A_35 = vector.load %arg2[%get3A_32, %get3A_33, %get3A_34] : memref<16x256x8xf32, #tpu.memory_space<vmem>>, vector<1x256x8xf32>
    %get3A_36 = vector.shape_cast %get3A_35 : vector<1x256x8xf32> to vector<256x8xf32>
    %swap3A_37 = arith.constant 1024 : index
    %swap3A_38 = arith.constant 32 : index
    %swap3A_39 = vector.load %arg4[%swap3A_37, %swap3A_38] : memref<4096x128xf32, #tpu.memory_space<vmem>>, vector<256x8xf32>
    tpu.vector_store %arg4[%swap3A_37, %swap3A_38], %get3A_36 {strides = array<i32>} : memref<4096x128xf32, #tpu.memory_space<vmem>>, vector<256x8xf32>,
    %get3A_40 = arith.constant 5 : index
    %get3A_41 = arith.constant 0 : index
    %get3A_42 = arith.constant 0 : index
    %get3A_43 = vector.load %arg2[%get3A_40, %get3A_41, %get3A_42] : memref<16x256x8xf32, #tpu.memory_space<vmem>>, vector<1x256x8xf32>
    %get3A_44 = vector.shape_cast %get3A_43 : vector<1x256x8xf32> to vector<256x8xf32>
    %swap3A_45 = arith.constant 1280 : index
    %swap3A_46 = arith.constant 40 : index
    %swap3A_47 = vector.load %arg4[%swap3A_45, %swap3A_46] : memref<4096x128xf32, #tpu.memory_space<vmem>>, vector<256x8xf32>
    tpu.vector_store %arg4[%swap3A_45, %swap3A_46], %get3A_44 {strides = array<i32>} : memref<4096x128xf32, #tpu.memory_space<vmem>>, vector<256x8xf32>,
    %get3A_48 = arith.constant 6 : index
    %get3A_49 = arith.constant 0 : index
    %get3A_50 = arith.constant 0 : index
    %get3A_51 = vector.load %arg2[%get3A_48, %get3A_49, %get3A_50] : memref<16x256x8xf32, #tpu.memory_space<vmem>>, vector<1x256x8xf32>
    %get3A_52 = vector.shape_cast %get3A_51 : vector<1x256x8xf32> to vector<256x8xf32>
    %swap3A_53 = arith.constant 1536 : index
    %swap3A_54 = arith.constant 48 : index
    %swap3A_55 = vector.load %arg4[%swap3A_53, %swap3A_54] : memref<4096x128xf32, #tpu.memory_space<vmem>>, vector<256x8xf32>
    tpu.vector_store %arg4[%swap3A_53, %swap3A_54], %get3A_52 {strides = array<i32>} : memref<4096x128xf32, #tpu.memory_space<vmem>>, vector<256x8xf32>,
    %get3A_56 = arith.constant 7 : index
    %get3A_57 = arith.constant 0 : index
    %get3A_58 = arith.constant 0 : index
    %get3A_59 = vector.load %arg2[%get3A_56, %get3A_57, %get3A_58] : memref<16x256x8xf32, #tpu.memory_space<vmem>>, vector<1x256x8xf32>
    %get3A_60 = vector.shape_cast %get3A_59 : vector<1x256x8xf32> to vector<256x8xf32>
    %swap3A_61 = arith.constant 1792 : index
    %swap3A_62 = arith.constant 56 : index
    %swap3A_63 = vector.load %arg4[%swap3A_61, %swap3A_62] : memref<4096x128xf32, #tpu.memory_space<vmem>>, vector<256x8xf32>
    tpu.vector_store %arg4[%swap3A_61, %swap3A_62], %get3A_60 {strides = array<i32>} : memref<4096x128xf32, #tpu.memory_space<vmem>>, vector<256x8xf32>,
    %get3A_64 = arith.constant 8 : index
    %get3A_65 = arith.constant 0 : index
    %get3A_66 = arith.constant 0 : index
    %get3A_67 = vector.load %arg2[%get3A_64, %get3A_65, %get3A_66] : memref<16x256x8xf32, #tpu.memory_space<vmem>>, vector<1x256x8xf32>
    %get3A_68 = vector.shape_cast %get3A_67 : vector<1x256x8xf32> to vector<256x8xf32>
    %swap3A_69 = arith.constant 2048 : index
    %swap3A_70 = arith.constant 64 : index
    %swap3A_71 = vector.load %arg4[%swap3A_69, %swap3A_70] : memref<4096x128xf32, #tpu.memory_space<vmem>>, vector<256x8xf32>
    tpu.vector_store %arg4[%swap3A_69, %swap3A_70], %get3A_68 {strides = array<i32>} : memref<4096x128xf32, #tpu.memory_space<vmem>>, vector<256x8xf32>,
    %get3A_72 = arith.constant 9 : index
    %get3A_73 = arith.constant 0 : index
    %get3A_74 = arith.constant 0 : index
    %get3A_75 = vector.load %arg2[%get3A_72, %get3A_73, %get3A_74] : memref<16x256x8xf32, #tpu.memory_space<vmem>>, vector<1x256x8xf32>
    %get3A_76 = vector.shape_cast %get3A_75 : vector<1x256x8xf32> to vector<256x8xf32>
    %swap3A_77 = arith.constant 2304 : index
    %swap3A_78 = arith.constant 72 : index
    %swap3A_79 = vector.load %arg4[%swap3A_77, %swap3A_78] : memref<4096x128xf32, #tpu.memory_space<vmem>>, vector<256x8xf32>
    tpu.vector_store %arg4[%swap3A_77, %swap3A_78], %get3A_76 {strides = array<i32>} : memref<4096x128xf32, #tpu.memory_space<vmem>>, vector<256x8xf32>,
    %get3A_80 = arith.constant 10 : index
    %get3A_81 = arith.constant 0 : index
    %get3A_82 = arith.constant 0 : index
    %get3A_83 = vector.load %arg2[%get3A_80, %get3A_81, %get3A_82] : memref<16x256x8xf32, #tpu.memory_space<vmem>>, vector<1x256x8xf32>
    %get3A_84 = vector.shape_cast %get3A_83 : vector<1x256x8xf32> to vector<256x8xf32>
    %swap3A_85 = arith.constant 2560 : index
    %swap3A_86 = arith.constant 80 : index
    %swap3A_87 = vector.load %arg4[%swap3A_85, %swap3A_86] : memref<4096x128xf32, #tpu.memory_space<vmem>>, vector<256x8xf32>
    tpu.vector_store %arg4[%swap3A_85, %swap3A_86], %get3A_84 {strides = array<i32>} : memref<4096x128xf32, #tpu.memory_space<vmem>>, vector<256x8xf32>,
    %get3A_88 = arith.constant 11 : index
    %get3A_89 = arith.constant 0 : index
    %get3A_90 = arith.constant 0 : index
    %get3A_91 = vector.load %arg2[%get3A_88, %get3A_89, %get3A_90] : memref<16x256x8xf32, #tpu.memory_space<vmem>>, vector<1x256x8xf32>
    %get3A_92 = vector.shape_cast %get3A_91 : vector<1x256x8xf32> to vector<256x8xf32>
    %swap3A_93 = arith.constant 2816 : index
    %swap3A_94 = arith.constant 88 : index
    %swap3A_95 = vector.load %arg4[%swap3A_93, %swap3A_94] : memref<4096x128xf32, #tpu.memory_space<vmem>>, vector<256x8xf32>
    tpu.vector_store %arg4[%swap3A_93, %swap3A_94], %get3A_92 {strides = array<i32>} : memref<4096x128xf32, #tpu.memory_space<vmem>>, vector<256x8xf32>,
    %get3A_96 = arith.constant 12 : index
    %get3A_97 = arith.constant 0 : index
    %get3A_98 = arith.constant 0 : index
    %get3A_99 = vector.load %arg2[%get3A_96, %get3A_97, %get3A_98] : memref<16x256x8xf32, #tpu.memory_space<vmem>>, vector<1x256x8xf32>
    %get3A_100 = vector.shape_cast %get3A_99 : vector<1x256x8xf32> to vector<256x8xf32>
    %swap3A_101 = arith.constant 3072 : index
    %swap3A_102 = arith.constant 96 : index
    %swap3A_103 = vector.load %arg4[%swap3A_101, %swap3A_102] : memref<4096x128xf32, #tpu.memory_space<vmem>>, vector<256x8xf32>
    tpu.vector_store %arg4[%swap3A_101, %swap3A_102], %get3A_100 {strides = array<i32>} : memref<4096x128xf32, #tpu.memory_space<vmem>>, vector<256x8xf32>,
    %get3A_104 = arith.constant 13 : index
    %get3A_105 = arith.constant 0 : index
    %get3A_106 = arith.constant 0 : index
    %get3A_107 = vector.load %arg2[%get3A_104, %get3A_105, %get3A_106] : memref<16x256x8xf32, #tpu.memory_space<vmem>>, vector<1x256x8xf32>
    %get3A_108 = vector.shape_cast %get3A_107 : vector<1x256x8xf32> to vector<256x8xf32>
    %swap3A_109 = arith.constant 3328 : index
    %swap3A_110 = arith.constant 104 : index
    %swap3A_111 = vector.load %arg4[%swap3A_109, %swap3A_110] : memref<4096x128xf32, #tpu.memory_space<vmem>>, vector<256x8xf32>
    tpu.vector_store %arg4[%swap3A_109, %swap3A_110], %get3A_108 {strides = array<i32>} : memref<4096x128xf32, #tpu.memory_space<vmem>>, vector<256x8xf32>,
    %get3A_112 = arith.constant 14 : index
    %get3A_113 = arith.constant 0 : index
    %get3A_114 = arith.constant 0 : index
    %get3A_115 = vector.load %arg2[%get3A_112, %get3A_113, %get3A_114] : memref<16x256x8xf32, #tpu.memory_space<vmem>>, vector<1x256x8xf32>
    %get3A_116 = vector.shape_cast %get3A_115 : vector<1x256x8xf32> to vector<256x8xf32>
    %swap3A_117 = arith.constant 3584 : index
    %swap3A_118 = arith.constant 112 : index
    %swap3A_119 = vector.load %arg4[%swap3A_117, %swap3A_118] : memref<4096x128xf32, #tpu.memory_space<vmem>>, vector<256x8xf32>
    tpu.vector_store %arg4[%swap3A_117, %swap3A_118], %get3A_116 {strides = array<i32>} : memref<4096x128xf32, #tpu.memory_space<vmem>>, vector<256x8xf32>,
    %get3A_120 = arith.constant 15 : index
    %get3A_121 = arith.constant 0 : index
    %get3A_122 = arith.constant 0 : index
    %get3A_123 = vector.load %arg2[%get3A_120, %get3A_121, %get3A_122] : memref<16x256x8xf32, #tpu.memory_space<vmem>>, vector<1x256x8xf32>
    %get3A_124 = vector.shape_cast %get3A_123 : vector<1x256x8xf32> to vector<256x8xf32>
    %swap3A_125 = arith.constant 3840 : index
    %swap3A_126 = arith.constant 120 : index
    %swap3A_127 = vector.load %arg4[%swap3A_125, %swap3A_126] : memref<4096x128xf32, #tpu.memory_space<vmem>>, vector<256x8xf32>
    tpu.vector_store %arg4[%swap3A_125, %swap3A_126], %get3A_124 {strides = array<i32>} : memref<4096x128xf32, #tpu.memory_space<vmem>>, vector<256x8xf32>,
    %get3A_128 = arith.constant 0 : index
    %get3A_129 = arith.constant 0 : index
    %get3A_130 = vector.load %arg1[%get3A_128, %get3A_129] : memref<1024x128xf32, #tpu.memory_space<vmem>>, vector<1024x128xf32>
    %get3A_131 = arith.constant 0 : index
    %get3A_132 = arith.constant 0 : index
    %get3A_133 = vector.load %arg4[%get3A_131, %get3A_132] : memref<4096x128xf32, #tpu.memory_space<vmem>>, vector<4096x128xf32>
    %dot_general3A = arith.constant dense<0.000000e+00> : vector<1024x4096xf32>
    %dot_general3A_134 = tpu.matmul %get3A_130, %get3A_133, %dot_general3A {dimension_numbers = #tpu.dot_dimension_numbers<[1], [1], [0], [0], [0, 0, 1, 0], [], []>, precision = #tpu.contract_precision<fp32>, transpose_lhs_hint = false} : vector<1024x128xf32>, vector<4096x128xf32>, vector<1024x4096xf32> -> vector<1024x4096xf32>
    %iota3A = tpu.iota {dimensions = array<i32: 1>} : vector<1024x256xi32>
    %mul3A = arith.constant 16 : i32
    %mul3A_135 = arith.muli %arg0, %mul3A : i32
    %mul3A_136 = arith.constant 256 : i32
    %mul3A_137 = arith.muli %mul3A_135, %mul3A_136 : i32
    %get3A_138 = arith.constant 0 : index
    %get3A_139 = arith.constant 0 : index
    %get3A_140 = arith.constant 0 : index
    %get3A_141 = vector.load %arg2[%get3A_138, %get3A_139, %get3A_140] : memref<16x256x8xf32, #tpu.memory_space<vmem>>, vector<1x256x8xf32>
    %get3A_142 = vector.shape_cast %get3A_141 : vector<1x256x8xf32> to vector<256x8xf32>
    %mul3A_143 = arith.mulf %get3A_142, %get3A_142 : vector<256x8xf32>
    %reduce_sum3A = arith.constant dense<0.000000e+00> : vector<256xf32>
    %reduce_sum3A_144 = vector.multi_reduction <add>, %mul3A_143, %reduce_sum3A [1] : vector<256x8xf32> to vector<256xf32>
    %mul3A_145 = arith.constant 5.000000e-01 : f32
    %mul3A_146 = vector.broadcast %mul3A_145 : f32 to vector<256xf32>
    %mul3A_147 = arith.mulf %mul3A_146, %reduce_sum3A_144 : vector<256xf32>
    %slice3A = vector.extract_strided_slice %dot_general3A_134 {offsets = [0, 0], sizes = [1024, 256], strides = [1, 1]} : vector<1024x4096xf32> to vector<1024x256xf32>
    %broadcast_in_dim3A = vector.shape_cast %mul3A_147 : vector<256xf32> to vector<1x256xf32>
    %sub3A = vector.broadcast %broadcast_in_dim3A : vector<1x256xf32> to vector<1024x256xf32>
    %sub3A_148 = arith.subf %slice3A, %sub3A : vector<1024x256xf32>
    %reduce_max3A = arith.constant dense<0xFF800000> : vector<1024xf32>
    %reduce_max3A_149 = vector.multi_reduction <maximumf>, %sub3A_148, %reduce_max3A [1] : vector<1024x256xf32> to vector<1024xf32>
    %broadcast_in_dim3A_150 = vector.shape_cast %reduce_max3A_149 : vector<1024xf32> to vector<1024x1xf32>
    %eq3A_151 = vector.broadcast %broadcast_in_dim3A_150 : vector<1024x1xf32> to vector<1024x256xf32>
    %eq3A_152 = arith.cmpf oeq, %sub3A_148, %eq3A_151 : vector<1024x256xf32>
    %jit3A = arith.constant 256 : i32
    %broadcast_in_dim3A_153 = vector.broadcast %jit3A : i32 to vector<1024x256xi32>
    %select_n3A = arith.select %eq3A_152, %iota3A, %broadcast_in_dim3A_153 : vector<1024x256xi1>, vector<1024x256xi32>
    %reduce_min3A = arith.constant dense<2147483647> : vector<1024xi32>
    %reduce_min3A_154 = vector.multi_reduction <minsi>, %select_n3A, %reduce_min3A [1] : vector<1024x256xi32> to vector<1024xi32>
    %broadcast_in_dim3A_155 = vector.shape_cast %reduce_min3A_154 : vector<1024xi32> to vector<1024x1xi32>
    %add3A = arith.constant 0 : i32
    %add3A_156 = arith.addi %mul3A_137, %add3A : i32
    %add3A_157 = vector.broadcast %add3A_156 : i32 to vector<1024x1xi32>
    %add3A_158 = arith.addi %broadcast_in_dim3A_155, %add3A_157 : vector<1024x1xi32>
    %get3A_159 = arith.constant 1 : index
    %get3A_160 = arith.constant 0 : index
    %get3A_161 = arith.constant 0 : index
    %get3A_162 = vector.load %arg2[%get3A_159, %get3A_160, %get3A_161] : memref<16x256x8xf32, #tpu.memory_space<vmem>>, vector<1x256x8xf32>
    %get3A_163 = vector.shape_cast %get3A_162 : vector<1x256x8xf32> to vector<256x8xf32>
    %mul3A_164 = arith.mulf %get3A_163, %get3A_163 : vector<256x8xf32>
    %reduce_sum3A_165 = arith.constant dense<0.000000e+00> : vector<256xf32>
    %reduce_sum3A_166 = vector.multi_reduction <add>, %mul3A_164, %reduce_sum3A_165 [1] : vector<256x8xf32> to vector<256xf32>
    %mul3A_167 = arith.constant 5.000000e-01 : f32
    %mul3A_168 = vector.broadcast %mul3A_167 : f32 to vector<256xf32>
    %mul3A_169 = arith.mulf %mul3A_168, %reduce_sum3A_166 : vector<256xf32>
    %slice3A_170 = vector.extract_strided_slice %dot_general3A_134 {offsets = [0, 256], sizes = [1024, 256], strides = [1, 1]} : vector<1024x4096xf32> to vector<1024x256xf32>
    %broadcast_in_dim3A_171 = vector.shape_cast %mul3A_169 : vector<256xf32> to vector<1x256xf32>
    %sub3A_172 = vector.broadcast %broadcast_in_dim3A_171 : vector<1x256xf32> to vector<1024x256xf32>
    %sub3A_173 = arith.subf %slice3A_170, %sub3A_172 : vector<1024x256xf32>
    %reduce_max3A_174 = arith.constant dense<0xFF800000> : vector<1024xf32>
    %reduce_max3A_175 = vector.multi_reduction <maximumf>, %sub3A_173, %reduce_max3A_174 [1] : vector<1024x256xf32> to vector<1024xf32>
    %broadcast_in_dim3A_176 = vector.shape_cast %reduce_max3A_175 : vector<1024xf32> to vector<1024x1xf32>
    %eq3A_177 = vector.broadcast %broadcast_in_dim3A_176 : vector<1024x1xf32> to vector<1024x256xf32>
    %eq3A_178 = arith.cmpf oeq, %sub3A_173, %eq3A_177 : vector<1024x256xf32>
    %jit3A_179 = arith.constant 256 : i32
    %broadcast_in_dim3A_180 = vector.broadcast %jit3A_179 : i32 to vector<1024x256xi32>
    %select_n3A_181 = arith.select %eq3A_178, %iota3A, %broadcast_in_dim3A_180 : vector<1024x256xi1>, vector<1024x256xi32>
    %reduce_min3A_182 = arith.constant dense<2147483647> : vector<1024xi32>
    %reduce_min3A_183 = vector.multi_reduction <minsi>, %select_n3A_181, %reduce_min3A_182 [1] : vector<1024x256xi32> to vector<1024xi32>
    %broadcast_in_dim3A_184 = vector.shape_cast %reduce_min3A_183 : vector<1024xi32> to vector<1024x1xi32>
    %add3A_185 = arith.constant 256 : i32
    %add3A_186 = arith.addi %mul3A_137, %add3A_185 : i32
    %add3A_187 = vector.broadcast %add3A_186 : i32 to vector<1024x1xi32>
    %add3A_188 = arith.addi %broadcast_in_dim3A_184, %add3A_187 : vector<1024x1xi32>
    %get3A_189 = arith.constant 2 : index
    %get3A_190 = arith.constant 0 : index
    %get3A_191 = arith.constant 0 : index
    %get3A_192 = vector.load %arg2[%get3A_189, %get3A_190, %get3A_191] : memref<16x256x8xf32, #tpu.memory_space<vmem>>, vector<1x256x8xf32>
    %get3A_193 = vector.shape_cast %get3A_192 : vector<1x256x8xf32> to vector<256x8xf32>
    %mul3A_194 = arith.mulf %get3A_193, %get3A_193 : vector<256x8xf32>
    %reduce_sum3A_195 = arith.constant dense<0.000000e+00> : vector<256xf32>
    %reduce_sum3A_196 = vector.multi_reduction <add>, %mul3A_194, %reduce_sum3A_195 [1] : vector<256x8xf32> to vector<256xf32>
    %mul3A_197 = arith.constant 5.000000e-01 : f32
    %mul3A_198 = vector.broadcast %mul3A_197 : f32 to vector<256xf32>
    %mul3A_199 = arith.mulf %mul3A_198, %reduce_sum3A_196 : vector<256xf32>
    %slice3A_200 = vector.extract_strided_slice %dot_general3A_134 {offsets = [0, 512], sizes = [1024, 256], strides = [1, 1]} : vector<1024x4096xf32> to vector<1024x256xf32>
    %broadcast_in_dim3A_201 = vector.shape_cast %mul3A_199 : vector<256xf32> to vector<1x256xf32>
    %sub3A_202 = vector.broadcast %broadcast_in_dim3A_201 : vector<1x256xf32> to vector<1024x256xf32>
    %sub3A_203 = arith.subf %slice3A_200, %sub3A_202 : vector<1024x256xf32>
    %reduce_max3A_204 = arith.constant dense<0xFF800000> : vector<1024xf32>
    %reduce_max3A_205 = vector.multi_reduction <maximumf>, %sub3A_203, %reduce_max3A_204 [1] : vector<1024x256xf32> to vector<1024xf32>
    %broadcast_in_dim3A_206 = vector.shape_cast %reduce_max3A_205 : vector<1024xf32> to vector<1024x1xf32>
    %eq3A_207 = vector.broadcast %broadcast_in_dim3A_206 : vector<1024x1xf32> to vector<1024x256xf32>
    %eq3A_208 = arith.cmpf oeq, %sub3A_203, %eq3A_207 : vector<1024x256xf32>
    %jit3A_209 = arith.constant 256 : i32
    %broadcast_in_dim3A_210 = vector.broadcast %jit3A_209 : i32 to vector<1024x256xi32>
    %select_n3A_211 = arith.select %eq3A_208, %iota3A, %broadcast_in_dim3A_210 : vector<1024x256xi1>, vector<1024x256xi32>
    %reduce_min3A_212 = arith.constant dense<2147483647> : vector<1024xi32>
    %reduce_min3A_213 = vector.multi_reduction <minsi>, %select_n3A_211, %reduce_min3A_212 [1] : vector<1024x256xi32> to vector<1024xi32>
    %broadcast_in_dim3A_214 = vector.shape_cast %reduce_min3A_213 : vector<1024xi32> to vector<1024x1xi32>
    %add3A_215 = arith.constant 512 : i32
    %add3A_216 = arith.addi %mul3A_137, %add3A_215 : i32
    %add3A_217 = vector.broadcast %add3A_216 : i32 to vector<1024x1xi32>
    %add3A_218 = arith.addi %broadcast_in_dim3A_214, %add3A_217 : vector<1024x1xi32>
    %get3A_219 = arith.constant 3 : index
    %get3A_220 = arith.constant 0 : index
    %get3A_221 = arith.constant 0 : index
    %get3A_222 = vector.load %arg2[%get3A_219, %get3A_220, %get3A_221] : memref<16x256x8xf32, #tpu.memory_space<vmem>>, vector<1x256x8xf32>
    %get3A_223 = vector.shape_cast %get3A_222 : vector<1x256x8xf32> to vector<256x8xf32>
    %mul3A_224 = arith.mulf %get3A_223, %get3A_223 : vector<256x8xf32>
    %reduce_sum3A_225 = arith.constant dense<0.000000e+00> : vector<256xf32>
    %reduce_sum3A_226 = vector.multi_reduction <add>, %mul3A_224, %reduce_sum3A_225 [1] : vector<256x8xf32> to vector<256xf32>
    %mul3A_227 = arith.constant 5.000000e-01 : f32
    %mul3A_228 = vector.broadcast %mul3A_227 : f32 to vector<256xf32>
    %mul3A_229 = arith.mulf %mul3A_228, %reduce_sum3A_226 : vector<256xf32>
    %slice3A_230 = vector.extract_strided_slice %dot_general3A_134 {offsets = [0, 768], sizes = [1024, 256], strides = [1, 1]} : vector<1024x4096xf32> to vector<1024x256xf32>
    %broadcast_in_dim3A_231 = vector.shape_cast %mul3A_229 : vector<256xf32> to vector<1x256xf32>
    %sub3A_232 = vector.broadcast %broadcast_in_dim3A_231 : vector<1x256xf32> to vector<1024x256xf32>
    %sub3A_233 = arith.subf %slice3A_230, %sub3A_232 : vector<1024x256xf32>
    %reduce_max3A_234 = arith.constant dense<0xFF800000> : vector<1024xf32>
    %reduce_max3A_235 = vector.multi_reduction <maximumf>, %sub3A_233, %reduce_max3A_234 [1] : vector<1024x256xf32> to vector<1024xf32>
    %broadcast_in_dim3A_236 = vector.shape_cast %reduce_max3A_235 : vector<1024xf32> to vector<1024x1xf32>
    %eq3A_237 = vector.broadcast %broadcast_in_dim3A_236 : vector<1024x1xf32> to vector<1024x256xf32>
    %eq3A_238 = arith.cmpf oeq, %sub3A_233, %eq3A_237 : vector<1024x256xf32>
    %jit3A_239 = arith.constant 256 : i32
    %broadcast_in_dim3A_240 = vector.broadcast %jit3A_239 : i32 to vector<1024x256xi32>
    %select_n3A_241 = arith.select %eq3A_238, %iota3A, %broadcast_in_dim3A_240 : vector<1024x256xi1>, vector<1024x256xi32>
    %reduce_min3A_242 = arith.constant dense<2147483647> : vector<1024xi32>
    %reduce_min3A_243 = vector.multi_reduction <minsi>, %select_n3A_241, %reduce_min3A_242 [1] : vector<1024x256xi32> to vector<1024xi32>
    %broadcast_in_dim3A_244 = vector.shape_cast %reduce_min3A_243 : vector<1024xi32> to vector<1024x1xi32>
    %add3A_245 = arith.constant 768 : i32
    %add3A_246 = arith.addi %mul3A_137, %add3A_245 : i32
    %add3A_247 = vector.broadcast %add3A_246 : i32 to vector<1024x1xi32>
    %add3A_248 = arith.addi %broadcast_in_dim3A_244, %add3A_247 : vector<1024x1xi32>
    %get3A_249 = arith.constant 4 : index
    %get3A_250 = arith.constant 0 : index
    %get3A_251 = arith.constant 0 : index
    %get3A_252 = vector.load %arg2[%get3A_249, %get3A_250, %get3A_251] : memref<16x256x8xf32, #tpu.memory_space<vmem>>, vector<1x256x8xf32>
    %get3A_253 = vector.shape_cast %get3A_252 : vector<1x256x8xf32> to vector<256x8xf32>
    %mul3A_254 = arith.mulf %get3A_253, %get3A_253 : vector<256x8xf32>
    %reduce_sum3A_255 = arith.constant dense<0.000000e+00> : vector<256xf32>
    %reduce_sum3A_256 = vector.multi_reduction <add>, %mul3A_254, %reduce_sum3A_255 [1] : vector<256x8xf32> to vector<256xf32>
    %mul3A_257 = arith.constant 5.000000e-01 : f32
    %mul3A_258 = vector.broadcast %mul3A_257 : f32 to vector<256xf32>
    %mul3A_259 = arith.mulf %mul3A_258, %reduce_sum3A_256 : vector<256xf32>
    %slice3A_260 = vector.extract_strided_slice %dot_general3A_134 {offsets = [0, 1024], sizes = [1024, 256], strides = [1, 1]} : vector<1024x4096xf32> to vector<1024x256xf32>
    %broadcast_in_dim3A_261 = vector.shape_cast %mul3A_259 : vector<256xf32> to vector<1x256xf32>
    %sub3A_262 = vector.broadcast %broadcast_in_dim3A_261 : vector<1x256xf32> to vector<1024x256xf32>
    %sub3A_263 = arith.subf %slice3A_260, %sub3A_262 : vector<1024x256xf32>
    %reduce_max3A_264 = arith.constant dense<0xFF800000> : vector<1024xf32>
    %reduce_max3A_265 = vector.multi_reduction <maximumf>, %sub3A_263, %reduce_max3A_264 [1] : vector<1024x256xf32> to vector<1024xf32>
    %broadcast_in_dim3A_266 = vector.shape_cast %reduce_max3A_265 : vector<1024xf32> to vector<1024x1xf32>
    %eq3A_267 = vector.broadcast %broadcast_in_dim3A_266 : vector<1024x1xf32> to vector<1024x256xf32>
    %eq3A_268 = arith.cmpf oeq, %sub3A_263, %eq3A_267 : vector<1024x256xf32>
    %jit3A_269 = arith.constant 256 : i32
    %broadcast_in_dim3A_270 = vector.broadcast %jit3A_269 : i32 to vector<1024x256xi32>
    %select_n3A_271 = arith.select %eq3A_268, %iota3A, %broadcast_in_dim3A_270 : vector<1024x256xi1>, vector<1024x256xi32>
    %reduce_min3A_272 = arith.constant dense<2147483647> : vector<1024xi32>
    %reduce_min3A_273 = vector.multi_reduction <minsi>, %select_n3A_271, %reduce_min3A_272 [1] : vector<1024x256xi32> to vector<1024xi32>
    %broadcast_in_dim3A_274 = vector.shape_cast %reduce_min3A_273 : vector<1024xi32> to vector<1024x1xi32>
    %add3A_275 = arith.constant 1024 : i32
    %add3A_276 = arith.addi %mul3A_137, %add3A_275 : i32
    %add3A_277 = vector.broadcast %add3A_276 : i32 to vector<1024x1xi32>
    %add3A_278 = arith.addi %broadcast_in_dim3A_274, %add3A_277 : vector<1024x1xi32>
    %get3A_279 = arith.constant 5 : index
    %get3A_280 = arith.constant 0 : index
    %get3A_281 = arith.constant 0 : index
    %get3A_282 = vector.load %arg2[%get3A_279, %get3A_280, %get3A_281] : memref<16x256x8xf32, #tpu.memory_space<vmem>>, vector<1x256x8xf32>
    %get3A_283 = vector.shape_cast %get3A_282 : vector<1x256x8xf32> to vector<256x8xf32>
    %mul3A_284 = arith.mulf %get3A_283, %get3A_283 : vector<256x8xf32>
    %reduce_sum3A_285 = arith.constant dense<0.000000e+00> : vector<256xf32>
    %reduce_sum3A_286 = vector.multi_reduction <add>, %mul3A_284, %reduce_sum3A_285 [1] : vector<256x8xf32> to vector<256xf32>
    %mul3A_287 = arith.constant 5.000000e-01 : f32
    %mul3A_288 = vector.broadcast %mul3A_287 : f32 to vector<256xf32>
    %mul3A_289 = arith.mulf %mul3A_288, %reduce_sum3A_286 : vector<256xf32>
    %slice3A_290 = vector.extract_strided_slice %dot_general3A_134 {offsets = [0, 1280], sizes = [1024, 256], strides = [1, 1]} : vector<1024x4096xf32> to vector<1024x256xf32>
    %broadcast_in_dim3A_291 = vector.shape_cast %mul3A_289 : vector<256xf32> to vector<1x256xf32>
    %sub3A_292 = vector.broadcast %broadcast_in_dim3A_291 : vector<1x256xf32> to vector<1024x256xf32>
    %sub3A_293 = arith.subf %slice3A_290, %sub3A_292 : vector<1024x256xf32>
    %reduce_max3A_294 = arith.constant dense<0xFF800000> : vector<1024xf32>
    %reduce_max3A_295 = vector.multi_reduction <maximumf>, %sub3A_293, %reduce_max3A_294 [1] : vector<1024x256xf32> to vector<1024xf32>
    %broadcast_in_dim3A_296 = vector.shape_cast %reduce_max3A_295 : vector<1024xf32> to vector<1024x1xf32>
    %eq3A_297 = vector.broadcast %broadcast_in_dim3A_296 : vector<1024x1xf32> to vector<1024x256xf32>
    %eq3A_298 = arith.cmpf oeq, %sub3A_293, %eq3A_297 : vector<1024x256xf32>
    %jit3A_299 = arith.constant 256 : i32
    %broadcast_in_dim3A_300 = vector.broadcast %jit3A_299 : i32 to vector<1024x256xi32>
    %select_n3A_301 = arith.select %eq3A_298, %iota3A, %broadcast_in_dim3A_300 : vector<1024x256xi1>, vector<1024x256xi32>
    %reduce_min3A_302 = arith.constant dense<2147483647> : vector<1024xi32>
    %reduce_min3A_303 = vector.multi_reduction <minsi>, %select_n3A_301, %reduce_min3A_302 [1] : vector<1024x256xi32> to vector<1024xi32>
    %broadcast_in_dim3A_304 = vector.shape_cast %reduce_min3A_303 : vector<1024xi32> to vector<1024x1xi32>
    %add3A_305 = arith.constant 1280 : i32
    %add3A_306 = arith.addi %mul3A_137, %add3A_305 : i32
    %add3A_307 = vector.broadcast %add3A_306 : i32 to vector<1024x1xi32>
    %add3A_308 = arith.addi %broadcast_in_dim3A_304, %add3A_307 : vector<1024x1xi32>
    %get3A_309 = arith.constant 6 : index
    %get3A_310 = arith.constant 0 : index
    %get3A_311 = arith.constant 0 : index
    %get3A_312 = vector.load %arg2[%get3A_309, %get3A_310, %get3A_311] : memref<16x256x8xf32, #tpu.memory_space<vmem>>, vector<1x256x8xf32>
    %get3A_313 = vector.shape_cast %get3A_312 : vector<1x256x8xf32> to vector<256x8xf32>
    %mul3A_314 = arith.mulf %get3A_313, %get3A_313 : vector<256x8xf32>
    %reduce_sum3A_315 = arith.constant dense<0.000000e+00> : vector<256xf32>
    %reduce_sum3A_316 = vector.multi_reduction <add>, %mul3A_314, %reduce_sum3A_315 [1] : vector<256x8xf32> to vector<256xf32>
    %mul3A_317 = arith.constant 5.000000e-01 : f32
    %mul3A_318 = vector.broadcast %mul3A_317 : f32 to vector<256xf32>
    %mul3A_319 = arith.mulf %mul3A_318, %reduce_sum3A_316 : vector<256xf32>
    %slice3A_320 = vector.extract_strided_slice %dot_general3A_134 {offsets = [0, 1536], sizes = [1024, 256], strides = [1, 1]} : vector<1024x4096xf32> to vector<1024x256xf32>
    %broadcast_in_dim3A_321 = vector.shape_cast %mul3A_319 : vector<256xf32> to vector<1x256xf32>
    %sub3A_322 = vector.broadcast %broadcast_in_dim3A_321 : vector<1x256xf32> to vector<1024x256xf32>
    %sub3A_323 = arith.subf %slice3A_320, %sub3A_322 : vector<1024x256xf32>
    %reduce_max3A_324 = arith.constant dense<0xFF800000> : vector<1024xf32>
    %reduce_max3A_325 = vector.multi_reduction <maximumf>, %sub3A_323, %reduce_max3A_324 [1] : vector<1024x256xf32> to vector<1024xf32>
    %broadcast_in_dim3A_326 = vector.shape_cast %reduce_max3A_325 : vector<1024xf32> to vector<1024x1xf32>
    %eq3A_327 = vector.broadcast %broadcast_in_dim3A_326 : vector<1024x1xf32> to vector<1024x256xf32>
    %eq3A_328 = arith.cmpf oeq, %sub3A_323, %eq3A_327 : vector<1024x256xf32>
    %jit3A_329 = arith.constant 256 : i32
    %broadcast_in_dim3A_330 = vector.broadcast %jit3A_329 : i32 to vector<1024x256xi32>
    %select_n3A_331 = arith.select %eq3A_328, %iota3A, %broadcast_in_dim3A_330 : vector<1024x256xi1>, vector<1024x256xi32>
    %reduce_min3A_332 = arith.constant dense<2147483647> : vector<1024xi32>
    %reduce_min3A_333 = vector.multi_reduction <minsi>, %select_n3A_331, %reduce_min3A_332 [1] : vector<1024x256xi32> to vector<1024xi32>
    %broadcast_in_dim3A_334 = vector.shape_cast %reduce_min3A_333 : vector<1024xi32> to vector<1024x1xi32>
    %add3A_335 = arith.constant 1536 : i32
    %add3A_336 = arith.addi %mul3A_137, %add3A_335 : i32
    %add3A_337 = vector.broadcast %add3A_336 : i32 to vector<1024x1xi32>
    %add3A_338 = arith.addi %broadcast_in_dim3A_334, %add3A_337 : vector<1024x1xi32>
    %get3A_339 = arith.constant 7 : index
    %get3A_340 = arith.constant 0 : index
    %get3A_341 = arith.constant 0 : index
    %get3A_342 = vector.load %arg2[%get3A_339, %get3A_340, %get3A_341] : memref<16x256x8xf32, #tpu.memory_space<vmem>>, vector<1x256x8xf32>
    %get3A_343 = vector.shape_cast %get3A_342 : vector<1x256x8xf32> to vector<256x8xf32>
    %mul3A_344 = arith.mulf %get3A_343, %get3A_343 : vector<256x8xf32>
    %reduce_sum3A_345 = arith.constant dense<0.000000e+00> : vector<256xf32>
    %reduce_sum3A_346 = vector.multi_reduction <add>, %mul3A_344, %reduce_sum3A_345 [1] : vector<256x8xf32> to vector<256xf32>
    %mul3A_347 = arith.constant 5.000000e-01 : f32
    %mul3A_348 = vector.broadcast %mul3A_347 : f32 to vector<256xf32>
    %mul3A_349 = arith.mulf %mul3A_348, %reduce_sum3A_346 : vector<256xf32>
    %slice3A_350 = vector.extract_strided_slice %dot_general3A_134 {offsets = [0, 1792], sizes = [1024, 256], strides = [1, 1]} : vector<1024x4096xf32> to vector<1024x256xf32>
    %broadcast_in_dim3A_351 = vector.shape_cast %mul3A_349 : vector<256xf32> to vector<1x256xf32>
    %sub3A_352 = vector.broadcast %broadcast_in_dim3A_351 : vector<1x256xf32> to vector<1024x256xf32>
    %sub3A_353 = arith.subf %slice3A_350, %sub3A_352 : vector<1024x256xf32>
    %reduce_max3A_354 = arith.constant dense<0xFF800000> : vector<1024xf32>
    %reduce_max3A_355 = vector.multi_reduction <maximumf>, %sub3A_353, %reduce_max3A_354 [1] : vector<1024x256xf32> to vector<1024xf32>
    %broadcast_in_dim3A_356 = vector.shape_cast %reduce_max3A_355 : vector<1024xf32> to vector<1024x1xf32>
    %eq3A_357 = vector.broadcast %broadcast_in_dim3A_356 : vector<1024x1xf32> to vector<1024x256xf32>
    %eq3A_358 = arith.cmpf oeq, %sub3A_353, %eq3A_357 : vector<1024x256xf32>
    %jit3A_359 = arith.constant 256 : i32
    %broadcast_in_dim3A_360 = vector.broadcast %jit3A_359 : i32 to vector<1024x256xi32>
    %select_n3A_361 = arith.select %eq3A_358, %iota3A, %broadcast_in_dim3A_360 : vector<1024x256xi1>, vector<1024x256xi32>
    %reduce_min3A_362 = arith.constant dense<2147483647> : vector<1024xi32>
    %reduce_min3A_363 = vector.multi_reduction <minsi>, %select_n3A_361, %reduce_min3A_362 [1] : vector<1024x256xi32> to vector<1024xi32>
    %broadcast_in_dim3A_364 = vector.shape_cast %reduce_min3A_363 : vector<1024xi32> to vector<1024x1xi32>
    %add3A_365 = arith.constant 1792 : i32
    %add3A_366 = arith.addi %mul3A_137, %add3A_365 : i32
    %add3A_367 = vector.broadcast %add3A_366 : i32 to vector<1024x1xi32>
    %add3A_368 = arith.addi %broadcast_in_dim3A_364, %add3A_367 : vector<1024x1xi32>
    %get3A_369 = arith.constant 8 : index
    %get3A_370 = arith.constant 0 : index
    %get3A_371 = arith.constant 0 : index
    %get3A_372 = vector.load %arg2[%get3A_369, %get3A_370, %get3A_371] : memref<16x256x8xf32, #tpu.memory_space<vmem>>, vector<1x256x8xf32>
    %get3A_373 = vector.shape_cast %get3A_372 : vector<1x256x8xf32> to vector<256x8xf32>
    %mul3A_374 = arith.mulf %get3A_373, %get3A_373 : vector<256x8xf32>
    %reduce_sum3A_375 = arith.constant dense<0.000000e+00> : vector<256xf32>
    %reduce_sum3A_376 = vector.multi_reduction <add>, %mul3A_374, %reduce_sum3A_375 [1] : vector<256x8xf32> to vector<256xf32>
    %mul3A_377 = arith.constant 5.000000e-01 : f32
    %mul3A_378 = vector.broadcast %mul3A_377 : f32 to vector<256xf32>
    %mul3A_379 = arith.mulf %mul3A_378, %reduce_sum3A_376 : vector<256xf32>
    %slice3A_380 = vector.extract_strided_slice %dot_general3A_134 {offsets = [0, 2048], sizes = [1024, 256], strides = [1, 1]} : vector<1024x4096xf32> to vector<1024x256xf32>
    %broadcast_in_dim3A_381 = vector.shape_cast %mul3A_379 : vector<256xf32> to vector<1x256xf32>
    %sub3A_382 = vector.broadcast %broadcast_in_dim3A_381 : vector<1x256xf32> to vector<1024x256xf32>
    %sub3A_383 = arith.subf %slice3A_380, %sub3A_382 : vector<1024x256xf32>
    %reduce_max3A_384 = arith.constant dense<0xFF800000> : vector<1024xf32>
    %reduce_max3A_385 = vector.multi_reduction <maximumf>, %sub3A_383, %reduce_max3A_384 [1] : vector<1024x256xf32> to vector<1024xf32>
    %broadcast_in_dim3A_386 = vector.shape_cast %reduce_max3A_385 : vector<1024xf32> to vector<1024x1xf32>
    %eq3A_387 = vector.broadcast %broadcast_in_dim3A_386 : vector<1024x1xf32> to vector<1024x256xf32>
    %eq3A_388 = arith.cmpf oeq, %sub3A_383, %eq3A_387 : vector<1024x256xf32>
    %jit3A_389 = arith.constant 256 : i32
    %broadcast_in_dim3A_390 = vector.broadcast %jit3A_389 : i32 to vector<1024x256xi32>
    %select_n3A_391 = arith.select %eq3A_388, %iota3A, %broadcast_in_dim3A_390 : vector<1024x256xi1>, vector<1024x256xi32>
    %reduce_min3A_392 = arith.constant dense<2147483647> : vector<1024xi32>
    %reduce_min3A_393 = vector.multi_reduction <minsi>, %select_n3A_391, %reduce_min3A_392 [1] : vector<1024x256xi32> to vector<1024xi32>
    %broadcast_in_dim3A_394 = vector.shape_cast %reduce_min3A_393 : vector<1024xi32> to vector<1024x1xi32>
    %add3A_395 = arith.constant 2048 : i32
    %add3A_396 = arith.addi %mul3A_137, %add3A_395 : i32
    %add3A_397 = vector.broadcast %add3A_396 : i32 to vector<1024x1xi32>
    %add3A_398 = arith.addi %broadcast_in_dim3A_394, %add3A_397 : vector<1024x1xi32>
    %get3A_399 = arith.constant 9 : index
    %get3A_400 = arith.constant 0 : index
    %get3A_401 = arith.constant 0 : index
    %get3A_402 = vector.load %arg2[%get3A_399, %get3A_400, %get3A_401] : memref<16x256x8xf32, #tpu.memory_space<vmem>>, vector<1x256x8xf32>
    %get3A_403 = vector.shape_cast %get3A_402 : vector<1x256x8xf32> to vector<256x8xf32>
    %mul3A_404 = arith.mulf %get3A_403, %get3A_403 : vector<256x8xf32>
    %reduce_sum3A_405 = arith.constant dense<0.000000e+00> : vector<256xf32>
    %reduce_sum3A_406 = vector.multi_reduction <add>, %mul3A_404, %reduce_sum3A_405 [1] : vector<256x8xf32> to vector<256xf32>
    %mul3A_407 = arith.constant 5.000000e-01 : f32
    %mul3A_408 = vector.broadcast %mul3A_407 : f32 to vector<256xf32>
    %mul3A_409 = arith.mulf %mul3A_408, %reduce_sum3A_406 : vector<256xf32>
    %slice3A_410 = vector.extract_strided_slice %dot_general3A_134 {offsets = [0, 2304], sizes = [1024, 256], strides = [1, 1]} : vector<1024x4096xf32> to vector<1024x256xf32>
    %broadcast_in_dim3A_411 = vector.shape_cast %mul3A_409 : vector<256xf32> to vector<1x256xf32>
    %sub3A_412 = vector.broadcast %broadcast_in_dim3A_411 : vector<1x256xf32> to vector<1024x256xf32>
    %sub3A_413 = arith.subf %slice3A_410, %sub3A_412 : vector<1024x256xf32>
    %reduce_max3A_414 = arith.constant dense<0xFF800000> : vector<1024xf32>
    %reduce_max3A_415 = vector.multi_reduction <maximumf>, %sub3A_413, %reduce_max3A_414 [1] : vector<1024x256xf32> to vector<1024xf32>
    %broadcast_in_dim3A_416 = vector.shape_cast %reduce_max3A_415 : vector<1024xf32> to vector<1024x1xf32>
    %eq3A_417 = vector.broadcast %broadcast_in_dim3A_416 : vector<1024x1xf32> to vector<1024x256xf32>
    %eq3A_418 = arith.cmpf oeq, %sub3A_413, %eq3A_417 : vector<1024x256xf32>
    %jit3A_419 = arith.constant 256 : i32
    %broadcast_in_dim3A_420 = vector.broadcast %jit3A_419 : i32 to vector<1024x256xi32>
    %select_n3A_421 = arith.select %eq3A_418, %iota3A, %broadcast_in_dim3A_420 : vector<1024x256xi1>, vector<1024x256xi32>
    %reduce_min3A_422 = arith.constant dense<2147483647> : vector<1024xi32>
    %reduce_min3A_423 = vector.multi_reduction <minsi>, %select_n3A_421, %reduce_min3A_422 [1] : vector<1024x256xi32> to vector<1024xi32>
    %broadcast_in_dim3A_424 = vector.shape_cast %reduce_min3A_423 : vector<1024xi32> to vector<1024x1xi32>
    %add3A_425 = arith.constant 2304 : i32
    %add3A_426 = arith.addi %mul3A_137, %add3A_425 : i32
    %add3A_427 = vector.broadcast %add3A_426 : i32 to vector<1024x1xi32>
    %add3A_428 = arith.addi %broadcast_in_dim3A_424, %add3A_427 : vector<1024x1xi32>
    %get3A_429 = arith.constant 10 : index
    %get3A_430 = arith.constant 0 : index
    %get3A_431 = arith.constant 0 : index
    %get3A_432 = vector.load %arg2[%get3A_429, %get3A_430, %get3A_431] : memref<16x256x8xf32, #tpu.memory_space<vmem>>, vector<1x256x8xf32>
    %get3A_433 = vector.shape_cast %get3A_432 : vector<1x256x8xf32> to vector<256x8xf32>
    %mul3A_434 = arith.mulf %get3A_433, %get3A_433 : vector<256x8xf32>
    %reduce_sum3A_435 = arith.constant dense<0.000000e+00> : vector<256xf32>
    %reduce_sum3A_436 = vector.multi_reduction <add>, %mul3A_434, %reduce_sum3A_435 [1] : vector<256x8xf32> to vector<256xf32>
    %mul3A_437 = arith.constant 5.000000e-01 : f32
    %mul3A_438 = vector.broadcast %mul3A_437 : f32 to vector<256xf32>
    %mul3A_439 = arith.mulf %mul3A_438, %reduce_sum3A_436 : vector<256xf32>
    %slice3A_440 = vector.extract_strided_slice %dot_general3A_134 {offsets = [0, 2560], sizes = [1024, 256], strides = [1, 1]} : vector<1024x4096xf32> to vector<1024x256xf32>
    %broadcast_in_dim3A_441 = vector.shape_cast %mul3A_439 : vector<256xf32> to vector<1x256xf32>
    %sub3A_442 = vector.broadcast %broadcast_in_dim3A_441 : vector<1x256xf32> to vector<1024x256xf32>
    %sub3A_443 = arith.subf %slice3A_440, %sub3A_442 : vector<1024x256xf32>
    %reduce_max3A_444 = arith.constant dense<0xFF800000> : vector<1024xf32>
    %reduce_max3A_445 = vector.multi_reduction <maximumf>, %sub3A_443, %reduce_max3A_444 [1] : vector<1024x256xf32> to vector<1024xf32>
    %broadcast_in_dim3A_446 = vector.shape_cast %reduce_max3A_445 : vector<1024xf32> to vector<1024x1xf32>
    %eq3A_447 = vector.broadcast %broadcast_in_dim3A_446 : vector<1024x1xf32> to vector<1024x256xf32>
    %eq3A_448 = arith.cmpf oeq, %sub3A_443, %eq3A_447 : vector<1024x256xf32>
    %jit3A_449 = arith.constant 256 : i32
    %broadcast_in_dim3A_450 = vector.broadcast %jit3A_449 : i32 to vector<1024x256xi32>
    %select_n3A_451 = arith.select %eq3A_448, %iota3A, %broadcast_in_dim3A_450 : vector<1024x256xi1>, vector<1024x256xi32>
    %reduce_min3A_452 = arith.constant dense<2147483647> : vector<1024xi32>
    %reduce_min3A_453 = vector.multi_reduction <minsi>, %select_n3A_451, %reduce_min3A_452 [1] : vector<1024x256xi32> to vector<1024xi32>
    %broadcast_in_dim3A_454 = vector.shape_cast %reduce_min3A_453 : vector<1024xi32> to vector<1024x1xi32>
    %add3A_455 = arith.constant 2560 : i32
    %add3A_456 = arith.addi %mul3A_137, %add3A_455 : i32
    %add3A_457 = vector.broadcast %add3A_456 : i32 to vector<1024x1xi32>
    %add3A_458 = arith.addi %broadcast_in_dim3A_454, %add3A_457 : vector<1024x1xi32>
    %get3A_459 = arith.constant 11 : index
    %get3A_460 = arith.constant 0 : index
    %get3A_461 = arith.constant 0 : index
    %get3A_462 = vector.load %arg2[%get3A_459, %get3A_460, %get3A_461] : memref<16x256x8xf32, #tpu.memory_space<vmem>>, vector<1x256x8xf32>
    %get3A_463 = vector.shape_cast %get3A_462 : vector<1x256x8xf32> to vector<256x8xf32>
    %mul3A_464 = arith.mulf %get3A_463, %get3A_463 : vector<256x8xf32>
    %reduce_sum3A_465 = arith.constant dense<0.000000e+00> : vector<256xf32>
    %reduce_sum3A_466 = vector.multi_reduction <add>, %mul3A_464, %reduce_sum3A_465 [1] : vector<256x8xf32> to vector<256xf32>
    %mul3A_467 = arith.constant 5.000000e-01 : f32
    %mul3A_468 = vector.broadcast %mul3A_467 : f32 to vector<256xf32>
    %mul3A_469 = arith.mulf %mul3A_468, %reduce_sum3A_466 : vector<256xf32>
    %slice3A_470 = vector.extract_strided_slice %dot_general3A_134 {offsets = [0, 2816], sizes = [1024, 256], strides = [1, 1]} : vector<1024x4096xf32> to vector<1024x256xf32>
    %broadcast_in_dim3A_471 = vector.shape_cast %mul3A_469 : vector<256xf32> to vector<1x256xf32>
    %sub3A_472 = vector.broadcast %broadcast_in_dim3A_471 : vector<1x256xf32> to vector<1024x256xf32>
    %sub3A_473 = arith.subf %slice3A_470, %sub3A_472 : vector<1024x256xf32>
    %reduce_max3A_474 = arith.constant dense<0xFF800000> : vector<1024xf32>
    %reduce_max3A_475 = vector.multi_reduction <maximumf>, %sub3A_473, %reduce_max3A_474 [1] : vector<1024x256xf32> to vector<1024xf32>
    %broadcast_in_dim3A_476 = vector.shape_cast %reduce_max3A_475 : vector<1024xf32> to vector<1024x1xf32>
    %eq3A_477 = vector.broadcast %broadcast_in_dim3A_476 : vector<1024x1xf32> to vector<1024x256xf32>
    %eq3A_478 = arith.cmpf oeq, %sub3A_473, %eq3A_477 : vector<1024x256xf32>
    %jit3A_479 = arith.constant 256 : i32
    %broadcast_in_dim3A_480 = vector.broadcast %jit3A_479 : i32 to vector<1024x256xi32>
    %select_n3A_481 = arith.select %eq3A_478, %iota3A, %broadcast_in_dim3A_480 : vector<1024x256xi1>, vector<1024x256xi32>
    %reduce_min3A_482 = arith.constant dense<2147483647> : vector<1024xi32>
    %reduce_min3A_483 = vector.multi_reduction <minsi>, %select_n3A_481, %reduce_min3A_482 [1] : vector<1024x256xi32> to vector<1024xi32>
    %broadcast_in_dim3A_484 = vector.shape_cast %reduce_min3A_483 : vector<1024xi32> to vector<1024x1xi32>
    %add3A_485 = arith.constant 2816 : i32
    %add3A_486 = arith.addi %mul3A_137, %add3A_485 : i32
    %add3A_487 = vector.broadcast %add3A_486 : i32 to vector<1024x1xi32>
    %add3A_488 = arith.addi %broadcast_in_dim3A_484, %add3A_487 : vector<1024x1xi32>
    %get3A_489 = arith.constant 12 : index
    %get3A_490 = arith.constant 0 : index
    %get3A_491 = arith.constant 0 : index
    %get3A_492 = vector.load %arg2[%get3A_489, %get3A_490, %get3A_491] : memref<16x256x8xf32, #tpu.memory_space<vmem>>, vector<1x256x8xf32>
    %get3A_493 = vector.shape_cast %get3A_492 : vector<1x256x8xf32> to vector<256x8xf32>
    %mul3A_494 = arith.mulf %get3A_493, %get3A_493 : vector<256x8xf32>
    %reduce_sum3A_495 = arith.constant dense<0.000000e+00> : vector<256xf32>
    %reduce_sum3A_496 = vector.multi_reduction <add>, %mul3A_494, %reduce_sum3A_495 [1] : vector<256x8xf32> to vector<256xf32>
    %mul3A_497 = arith.constant 5.000000e-01 : f32
    %mul3A_498 = vector.broadcast %mul3A_497 : f32 to vector<256xf32>
    %mul3A_499 = arith.mulf %mul3A_498, %reduce_sum3A_496 : vector<256xf32>
    %slice3A_500 = vector.extract_strided_slice %dot_general3A_134 {offsets = [0, 3072], sizes = [1024, 256], strides = [1, 1]} : vector<1024x4096xf32> to vector<1024x256xf32>
    %broadcast_in_dim3A_501 = vector.shape_cast %mul3A_499 : vector<256xf32> to vector<1x256xf32>
    %sub3A_502 = vector.broadcast %broadcast_in_dim3A_501 : vector<1x256xf32> to vector<1024x256xf32>
    %sub3A_503 = arith.subf %slice3A_500, %sub3A_502 : vector<1024x256xf32>
    %reduce_max3A_504 = arith.constant dense<0xFF800000> : vector<1024xf32>
    %reduce_max3A_505 = vector.multi_reduction <maximumf>, %sub3A_503, %reduce_max3A_504 [1] : vector<1024x256xf32> to vector<1024xf32>
    %broadcast_in_dim3A_506 = vector.shape_cast %reduce_max3A_505 : vector<1024xf32> to vector<1024x1xf32>
    %eq3A_507 = vector.broadcast %broadcast_in_dim3A_506 : vector<1024x1xf32> to vector<1024x256xf32>
    %eq3A_508 = arith.cmpf oeq, %sub3A_503, %eq3A_507 : vector<1024x256xf32>
    %jit3A_509 = arith.constant 256 : i32
    %broadcast_in_dim3A_510 = vector.broadcast %jit3A_509 : i32 to vector<1024x256xi32>
    %select_n3A_511 = arith.select %eq3A_508, %iota3A, %broadcast_in_dim3A_510 : vector<1024x256xi1>, vector<1024x256xi32>
    %reduce_min3A_512 = arith.constant dense<2147483647> : vector<1024xi32>
    %reduce_min3A_513 = vector.multi_reduction <minsi>, %select_n3A_511, %reduce_min3A_512 [1] : vector<1024x256xi32> to vector<1024xi32>
    %broadcast_in_dim3A_514 = vector.shape_cast %reduce_min3A_513 : vector<1024xi32> to vector<1024x1xi32>
    %add3A_515 = arith.constant 3072 : i32
    %add3A_516 = arith.addi %mul3A_137, %add3A_515 : i32
    %add3A_517 = vector.broadcast %add3A_516 : i32 to vector<1024x1xi32>
    %add3A_518 = arith.addi %broadcast_in_dim3A_514, %add3A_517 : vector<1024x1xi32>
    %get3A_519 = arith.constant 13 : index
    %get3A_520 = arith.constant 0 : index
    %get3A_521 = arith.constant 0 : index
    %get3A_522 = vector.load %arg2[%get3A_519, %get3A_520, %get3A_521] : memref<16x256x8xf32, #tpu.memory_space<vmem>>, vector<1x256x8xf32>
    %get3A_523 = vector.shape_cast %get3A_522 : vector<1x256x8xf32> to vector<256x8xf32>
    %mul3A_524 = arith.mulf %get3A_523, %get3A_523 : vector<256x8xf32>
    %reduce_sum3A_525 = arith.constant dense<0.000000e+00> : vector<256xf32>
    %reduce_sum3A_526 = vector.multi_reduction <add>, %mul3A_524, %reduce_sum3A_525 [1] : vector<256x8xf32> to vector<256xf32>
    %mul3A_527 = arith.constant 5.000000e-01 : f32
    %mul3A_528 = vector.broadcast %mul3A_527 : f32 to vector<256xf32>
    %mul3A_529 = arith.mulf %mul3A_528, %reduce_sum3A_526 : vector<256xf32>
    %slice3A_530 = vector.extract_strided_slice %dot_general3A_134 {offsets = [0, 3328], sizes = [1024, 256], strides = [1, 1]} : vector<1024x4096xf32> to vector<1024x256xf32>
    %broadcast_in_dim3A_531 = vector.shape_cast %mul3A_529 : vector<256xf32> to vector<1x256xf32>
    %sub3A_532 = vector.broadcast %broadcast_in_dim3A_531 : vector<1x256xf32> to vector<1024x256xf32>
    %sub3A_533 = arith.subf %slice3A_530, %sub3A_532 : vector<1024x256xf32>
    %reduce_max3A_534 = arith.constant dense<0xFF800000> : vector<1024xf32>
    %reduce_max3A_535 = vector.multi_reduction <maximumf>, %sub3A_533, %reduce_max3A_534 [1] : vector<1024x256xf32> to vector<1024xf32>
    %broadcast_in_dim3A_536 = vector.shape_cast %reduce_max3A_535 : vector<1024xf32> to vector<1024x1xf32>
    %eq3A_537 = vector.broadcast %broadcast_in_dim3A_536 : vector<1024x1xf32> to vector<1024x256xf32>
    %eq3A_538 = arith.cmpf oeq, %sub3A_533, %eq3A_537 : vector<1024x256xf32>
    %jit3A_539 = arith.constant 256 : i32
    %broadcast_in_dim3A_540 = vector.broadcast %jit3A_539 : i32 to vector<1024x256xi32>
    %select_n3A_541 = arith.select %eq3A_538, %iota3A, %broadcast_in_dim3A_540 : vector<1024x256xi1>, vector<1024x256xi32>
    %reduce_min3A_542 = arith.constant dense<2147483647> : vector<1024xi32>
    %reduce_min3A_543 = vector.multi_reduction <minsi>, %select_n3A_541, %reduce_min3A_542 [1] : vector<1024x256xi32> to vector<1024xi32>
    %broadcast_in_dim3A_544 = vector.shape_cast %reduce_min3A_543 : vector<1024xi32> to vector<1024x1xi32>
    %add3A_545 = arith.constant 3328 : i32
    %add3A_546 = arith.addi %mul3A_137, %add3A_545 : i32
    %add3A_547 = vector.broadcast %add3A_546 : i32 to vector<1024x1xi32>
    %add3A_548 = arith.addi %broadcast_in_dim3A_544, %add3A_547 : vector<1024x1xi32>
    %get3A_549 = arith.constant 14 : index
    %get3A_550 = arith.constant 0 : index
    %get3A_551 = arith.constant 0 : index
    %get3A_552 = vector.load %arg2[%get3A_549, %get3A_550, %get3A_551] : memref<16x256x8xf32, #tpu.memory_space<vmem>>, vector<1x256x8xf32>
    %get3A_553 = vector.shape_cast %get3A_552 : vector<1x256x8xf32> to vector<256x8xf32>
    %mul3A_554 = arith.mulf %get3A_553, %get3A_553 : vector<256x8xf32>
    %reduce_sum3A_555 = arith.constant dense<0.000000e+00> : vector<256xf32>
    %reduce_sum3A_556 = vector.multi_reduction <add>, %mul3A_554, %reduce_sum3A_555 [1] : vector<256x8xf32> to vector<256xf32>
    %mul3A_557 = arith.constant 5.000000e-01 : f32
    %mul3A_558 = vector.broadcast %mul3A_557 : f32 to vector<256xf32>
    %mul3A_559 = arith.mulf %mul3A_558, %reduce_sum3A_556 : vector<256xf32>
    %slice3A_560 = vector.extract_strided_slice %dot_general3A_134 {offsets = [0, 3584], sizes = [1024, 256], strides = [1, 1]} : vector<1024x4096xf32> to vector<1024x256xf32>
    %broadcast_in_dim3A_561 = vector.shape_cast %mul3A_559 : vector<256xf32> to vector<1x256xf32>
    %sub3A_562 = vector.broadcast %broadcast_in_dim3A_561 : vector<1x256xf32> to vector<1024x256xf32>
    %sub3A_563 = arith.subf %slice3A_560, %sub3A_562 : vector<1024x256xf32>
    %reduce_max3A_564 = arith.constant dense<0xFF800000> : vector<1024xf32>
    %reduce_max3A_565 = vector.multi_reduction <maximumf>, %sub3A_563, %reduce_max3A_564 [1] : vector<1024x256xf32> to vector<1024xf32>
    %broadcast_in_dim3A_566 = vector.shape_cast %reduce_max3A_565 : vector<1024xf32> to vector<1024x1xf32>
    %eq3A_567 = vector.broadcast %broadcast_in_dim3A_566 : vector<1024x1xf32> to vector<1024x256xf32>
    %eq3A_568 = arith.cmpf oeq, %sub3A_563, %eq3A_567 : vector<1024x256xf32>
    %jit3A_569 = arith.constant 256 : i32
    %broadcast_in_dim3A_570 = vector.broadcast %jit3A_569 : i32 to vector<1024x256xi32>
    %select_n3A_571 = arith.select %eq3A_568, %iota3A, %broadcast_in_dim3A_570 : vector<1024x256xi1>, vector<1024x256xi32>
    %reduce_min3A_572 = arith.constant dense<2147483647> : vector<1024xi32>
    %reduce_min3A_573 = vector.multi_reduction <minsi>, %select_n3A_571, %reduce_min3A_572 [1] : vector<1024x256xi32> to vector<1024xi32>
    %broadcast_in_dim3A_574 = vector.shape_cast %reduce_min3A_573 : vector<1024xi32> to vector<1024x1xi32>
    %add3A_575 = arith.constant 3584 : i32
    %add3A_576 = arith.addi %mul3A_137, %add3A_575 : i32
    %add3A_577 = vector.broadcast %add3A_576 : i32 to vector<1024x1xi32>
    %add3A_578 = arith.addi %broadcast_in_dim3A_574, %add3A_577 : vector<1024x1xi32>
    %get3A_579 = arith.constant 15 : index
    %get3A_580 = arith.constant 0 : index
    %get3A_581 = arith.constant 0 : index
    %get3A_582 = vector.load %arg2[%get3A_579, %get3A_580, %get3A_581] : memref<16x256x8xf32, #tpu.memory_space<vmem>>, vector<1x256x8xf32>
    %get3A_583 = vector.shape_cast %get3A_582 : vector<1x256x8xf32> to vector<256x8xf32>
    %mul3A_584 = arith.mulf %get3A_583, %get3A_583 : vector<256x8xf32>
    %reduce_sum3A_585 = arith.constant dense<0.000000e+00> : vector<256xf32>
    %reduce_sum3A_586 = vector.multi_reduction <add>, %mul3A_584, %reduce_sum3A_585 [1] : vector<256x8xf32> to vector<256xf32>
    %mul3A_587 = arith.constant 5.000000e-01 : f32
    %mul3A_588 = vector.broadcast %mul3A_587 : f32 to vector<256xf32>
    %mul3A_589 = arith.mulf %mul3A_588, %reduce_sum3A_586 : vector<256xf32>
    %slice3A_590 = vector.extract_strided_slice %dot_general3A_134 {offsets = [0, 3840], sizes = [1024, 256], strides = [1, 1]} : vector<1024x4096xf32> to vector<1024x256xf32>
    %broadcast_in_dim3A_591 = vector.shape_cast %mul3A_589 : vector<256xf32> to vector<1x256xf32>
    %sub3A_592 = vector.broadcast %broadcast_in_dim3A_591 : vector<1x256xf32> to vector<1024x256xf32>
    %sub3A_593 = arith.subf %slice3A_590, %sub3A_592 : vector<1024x256xf32>
    %reduce_max3A_594 = arith.constant dense<0xFF800000> : vector<1024xf32>
    %reduce_max3A_595 = vector.multi_reduction <maximumf>, %sub3A_593, %reduce_max3A_594 [1] : vector<1024x256xf32> to vector<1024xf32>
    %broadcast_in_dim3A_596 = vector.shape_cast %reduce_max3A_595 : vector<1024xf32> to vector<1024x1xf32>
    %eq3A_597 = vector.broadcast %broadcast_in_dim3A_596 : vector<1024x1xf32> to vector<1024x256xf32>
    %eq3A_598 = arith.cmpf oeq, %sub3A_593, %eq3A_597 : vector<1024x256xf32>
    %jit3A_599 = arith.constant 256 : i32
    %broadcast_in_dim3A_600 = vector.broadcast %jit3A_599 : i32 to vector<1024x256xi32>
    %select_n3A_601 = arith.select %eq3A_598, %iota3A, %broadcast_in_dim3A_600 : vector<1024x256xi1>, vector<1024x256xi32>
    %reduce_min3A_602 = arith.constant dense<2147483647> : vector<1024xi32>
    %reduce_min3A_603 = vector.multi_reduction <minsi>, %select_n3A_601, %reduce_min3A_602 [1] : vector<1024x256xi32> to vector<1024xi32>
    %broadcast_in_dim3A_604 = vector.shape_cast %reduce_min3A_603 : vector<1024xi32> to vector<1024x1xi32>
    %add3A_605 = arith.constant 3840 : i32
    %add3A_606 = arith.addi %mul3A_137, %add3A_605 : i32
    %add3A_607 = vector.broadcast %add3A_606 : i32 to vector<1024x1xi32>
    %add3A_608 = arith.addi %broadcast_in_dim3A_604, %add3A_607 : vector<1024x1xi32>
    %concatenate3A = tpu.concatenate %add3A_158, %add3A_188, %add3A_218, %add3A_248, %add3A_278, %add3A_308, %add3A_338, %add3A_368, %add3A_398, %add3A_428, %add3A_458, %add3A_488, %add3A_518, %add3A_548, %add3A_578, %add3A_608 in 1 : vector<1024x1xi32>, vector<1024x1xi32>, vector<1024x1xi32>, vector<1024x1xi32>, vector<1024x1xi32>, vector<1024x1xi32>, vector<1024x1xi32>, vector<1024x1xi32>, vector<1024x1xi32>, vector<1024x1xi32>, vector<1024x1xi32>, vector<1024x1xi32>, vector<1024x1xi32>, vector<1024x1xi32>, vector<1024x1xi32>, vector<1024x1xi32> -> vector<1024x16xi32>
    %swap3A_609 = arith.constant 0 : index
    %swap3A_610 = arith.constant 0 : index
    %swap3A_611 = arith.constant 0 : index
    %swap3A_612 = vector.load %arg3[%swap3A_609, %swap3A_610, %swap3A_611] : memref<1x1024x16xi32, #tpu.memory_space<vmem>>, vector<1x1024x16xi32>
    %swap3A_613 = vector.shape_cast %swap3A_612 : vector<1x1024x16xi32> to vector<1024x16xi32>
    %swap3A_614 = vector.shape_cast %concatenate3A : vector<1024x16xi32> to vector<1x1024x16xi32>
    tpu.vector_store %arg3[%swap3A_609, %swap3A_610, %swap3A_611], %swap3A_614 {strides = array<i32>} : memref<1x1024x16xi32, #tpu.memory_space<vmem>>, vector<1x1024x16xi32>,
    return
  }
  func.func @transform_0(%arg0: i32) -> (i32, i32) {
    %c0_i32 = arith.constant 0 : i32
    %c0_i32_0 = arith.constant 0 : i32
    return %c0_i32, %arg0 : i32, i32
  }
  func.func @transform_1(%arg0: i32) -> (i32, i32, i32) {
    %c0_i32 = arith.constant 0 : i32
    %c0_i32_0 = arith.constant 0 : i32
    %c0_i32_1 = arith.constant 0 : i32
    return %arg0, %c0_i32, %c0_i32_0 : i32, i32, i32
  }
  func.func @transform_2(%arg0: i32) -> (i32, i32, i32) {
    %c0_i32 = arith.constant 0 : i32
    %c0_i32_0 = arith.constant 0 : i32
    %c0_i32_1 = arith.constant 0 : i32
    return %arg0, %c0_i32, %c0_i32_0 : i32, i32, i32
  }
}

</mosaic_0001>

<sc_bundles>
// kernel: kernel.4.cloned.1.call-start
scs
__scs_entry_jumppad:
0x0: {  	(pc) =	sbr.rel $0x88, $3  }
0x1: {  	(tag) =	ssettag $0x0;
	lr =	simm.s32 $0x1  }
0x2: {  	[smem:$0x3F9F] =	sst lr;
	_ =	strace $0xD0000000  }
0x3: {  	_ = 	snop  }
0x4: {  	_ = 	snop  }
0x5: {  	_ = 	snop  }
0x6: {  	_ = 	snop  }
0x7: {  	_ = 	snop  }
__scs_overlays_trampoline_lowered:
0x8: {  	[smem:$0x3FAE] =	sst s0  }
0x9: {  	[smem:$0x3FAF] =	sst s1  }
0xa: {  	[smem:$0x3FB0] =	sst s2  }
0xb: {  	[smem:$0x3FB1] =	sst s3  }
0xc: {  	[smem:$0x3FB2] =	sst s4  }
0xd: {  	[smem:$0x3FB3] =	sst s5  }
0xe: {  	[smem:$0x3FB4] =	sst s6  }
0xf: {  	[smem:$0x3FB5] =	sst s7  }
0x10: {  	[smem:$0x3FB6] =	sst s8  }
0x11: {  	[smem:$0x3FB7] =	sst s9;
	s0 =	simm.s32 @!p0 $0x0  }
0x12: {  	s1 =	sld [smem:$0x3F9D];
	s0 =	simm.s32 @p0 $0x1  }
0x13: {  	[smem:$0x3FB8] =	sst s0;
	s0 =	simm.s32 @!p1 $0x0  }
0x14: {  	s2 =	sld [smem:$0x3F9C];
	s0 =	simm.s32 @p1 $0x1  }
0x15: {  	[smem:$0x3FB9] =	sst s0;
	s0 =	simm.s32 @!p2 $0x0  }
0x16: {  	s3 =	sld [smem:$0x3FDB];
	s0 =	simm.s32 @p2 $0x1  }
0x17: {  	s4 =	simm.s32 $0x1BF5;
	[smem:$0x3FBB] =	sst s0  }
0x18: {  	s0 =	sld [smem:$0x3F9E];
	_ =	swait.ge [sflag:s4], $0x0  }
0x19: {  	s7 =	sld [smem:$0x3F9F]  }
0x1a: {  	s8 =	sadd.s32 $0xFFFFE003, lr  }
0x1b: {  	s9 =	sadd.s32 $0xFFFFFEF7, lr;
	s5 =	simm.s32 $0xFFFFFFFF;
	p2 =	slt.u32 s8, $0xFFFFF086  }
0x1c: {  	p1 =	slt.u32 s9, $0xF7A;
	s5 =	simm.s32 @!p2 $0x0  }
0x1d: {  	s5 =	simm.s32 @p1 $0x1;
	p0 =	seq.s32 s7, s2  }
0x1e: {  	s7 =	smul.u32 @!p0 $0xF7A, s2;
	p2 =	seq.s32 @!p0 s5, $0x0  }
0x1f: {  	s9 =	smul.u32 $0xF7A, s1;
	s8 =	simm.s32 @!p0 $0x1BF5;
	p2 =	por !p2, p0  }
0x20: {  	[sflag:s8] =	ssyncset.s32 @!p0 $0xFFFFF086;
	s6 =	sadd.s32 @!p0 s3, s7;
	s7 =	simm.s32 @!p0 $0x108  }
0x21: {  	s3 =	sadd.s32 s3, s9;
	s6 =	sadd.s32 @!p0 $0x88, s6;
	s7 =	simm.s32 @p2 $0x1082  }
0x22: {  	[simem:s7], [sflag:s8] =	dma.local @!p0 [hbm:s6], $0xF7A  }
0x23: {  	s9 =	sor.u32 $0xD0000000, s2;
	s6 =	simm.s32 $0x108;
	_ =	swait.ge @!p0 [sflag:s8], $0x0  }
0x24: {  	s3 =	sadd.s32 $0x88, s3;
	s6 =	simm.s32 @!p1 $0x1082;
	[sflag:s4] =	ssyncset.s32 $0xFFFFF086  }
0x25: {  	[simem:s6], [sflag:s4] =	dma.local [hbm:s3], $0xF7A  }
0x26: {  	[smem:$0x3F9F] =	sst s1;
	(tag) =	ssettag s2;
	_ =	strace s9  }
0x27: {  	s1 =	sld [smem:$0x3FAF]  }
0x28: {  	s2 =	sld [smem:$0x3FB0]  }
0x29: {  	s4 =	sld [smem:$0x3FB2]  }
0x2a: {  	p0 =	seq.s32 s5, $0x0;
	s5 =	sld [smem:$0x3FB3]  }
0x2b: {  	s6 =	sld [smem:$0x3FB4]  }
0x2c: {  	s7 =	sld [smem:$0x3FB5]  }
0x2d: {  	s3 =	simm.s32 $0x108;
	s8 =	sld [smem:$0x3FB6]  }
0x2e: {  	s3 =	simm.s32 @!p0 $0x1082;
	s9 =	sld [smem:$0x3FB7]  }
0x2f: {  	lr =	sadd.s32 s0, s3;
	s0 =	sld [smem:$0x3FAE]  }
0x30: {  	s3 =	sld [smem:$0x3FB1]  }
0x31: {  	[smem:$0x3FBA] =	sst s10  }
0x32: {  	s10 =	sld [smem:$0x3FB8];
	_ =	sdelay $0x3  }
0x33: {  	p0 =	seq.s32 s10, $0x1;
	s10 =	sld [smem:$0x3FBA];
	_ =	sdelay $0x3  }
0x34: {  	[smem:$0x3FBA] =	sst s10  }
0x35: {  	s10 =	sld [smem:$0x3FB9];
	_ =	sdelay $0x3  }
0x36: {  	p1 =	seq.s32 s10, $0x1;
	s10 =	sld [smem:$0x3FBA];
	_ =	sdelay $0x3  }
0x37: {  	[smem:$0x3FBA] =	sst s10  }
0x38: {  	s10 =	sld [smem:$0x3FBB]  }
0x39: {  	_ = 	snop;
	(pc) =	sbr.ind lr, $3  }
0x3a: {  	_ = 	snop  }
0x3b: {  	_ = 	snop  }
0x3c: {  	p2 =	seq.s32 s10, $0x1;
	s10 =	sld [smem:$0x3FBA]  }
0x3d: {  	_ =	shalt  }
0x3e: {  	_ =	shalt  }
0x3f: {  	_ =	shalt  }
0x40: {  	_ =	shalt  }
0x41: {  	_ =	shalt  }
0x42: {  	_ =	shalt  }
0x43: {  	_ =	shalt  }
0x44: {  	_ =	shalt  }
0x45: {  	_ =	shalt  }
0x46: {  	_ =	shalt  }
0x47: {  	_ =	shalt  }
0x48: {  	_ =	shalt  }
0x49: {  	_ =	shalt  }
0x4a: {  	_ =	shalt  }
0x4b: {  	_ =	shalt  }
0x4c: {  	_ =	shalt  }
0x4d: {  	_ =	shalt  }
0x4e: {  	_ =	shalt  }
0x4f: {  	_ =	shalt  }
0x50: {  	_ =	shalt  }
0x51: {  	_ =	shalt  }
0x52: {  	_ =	shalt  }
0x53: {  	_ =	shalt  }
0x54: {  	_ =	shalt  }
0x55: {  	_ =	shalt  }
0x56: {  	_ =	shalt  }
0x57: {  	_ =	shalt  }
0x58: {  	_ =	shalt  }
0x59: {  	_ =	shalt  }
0x5a: {  	_ =	shalt  }
0x5b: {  	_ =	shalt  }
0x5c: {  	_ =	shalt  }
0x5d: {  	_ =	shalt  }
0x5e: {  	_ =	shalt  }
0x5f: {  	_ =	shalt  }
0x60: {  	_ =	shalt  }
0x61: {  	_ =	shalt  }
0x62: {  	_ =	shalt  }
0x63: {  	_ =	shalt  }
0x64: {  	_ =	shalt  }
0x65: {  	_ =	shalt  }
0x66: {  	_ =	shalt  }
0x67: {  	_ =	shalt  }
0x68: {  	_ =	shalt  }
0x69: {  	_ =	shalt  }
0x6a: {  	_ =	shalt  }
0x6b: {  	_ =	shalt  }
0x6c: {  	_ =	shalt  }
0x6d: {  	_ =	shalt  }
0x6e: {  	_ =	shalt  }
0x6f: {  	_ =	shalt  }
0x70: {  	_ =	shalt  }
0x71: {  	_ =	shalt  }
0x72: {  	_ =	shalt  }
0x73: {  	_ =	shalt  }
0x74: {  	_ =	shalt  }
0x75: {  	_ =	shalt  }
0x76: {  	_ =	shalt  }
0x77: {  	_ =	shalt  }
0x78: {  	_ =	shalt  }
0x79: {  	_ =	shalt  }
0x7a: {  	_ =	shalt  }
0x7b: {  	_ =	shalt  }
0x7c: {  	_ =	shalt  }
0x7d: {  	_ =	shalt  }
0x7e: {  	_ =	shalt  }
0x7f: {  	_ =	shalt  }
0x80: {  	_ =	shalt  }
0x81: {  	_ =	shalt  }
0x82: {  	_ =	shalt  }
0x83: {  	_ =	shalt  }
0x84: {  	_ =	shalt  }
0x85: {  	_ =	shalt  }
0x86: {  	_ =	shalt  }
0x87: {  	_ =	shalt  }
.Lfunc_end0:
.L_simem_size_0:
called_computation_lowered:
.L_overlay_start_0:
0x88: {  	s2 =	sld [smem:$0x3FD9]  }
0x89: {  	s3 =	sld [smem:$0x3FFE];
	_ =	sdelay $0x1  }
0x8a: {  	s1 =	srdreg.scid  }
0x8b: {  	s0 =	sand.u32 $0x1, s1  }
0x8c: {  	s17 =	sshll.u32 s0, $0xA;
	s2 =	sadd.s32 s3, s2  }
0x8d: {  	s2 =	sadd.s32 s2, s17  }
0x8e: {  	[smem:$0x3FC6] =	sst s2  }
0x8f: {  	_ = 	snop  }
0x90: {  	s2 =	sld [smem:$0x3FD0];
	(tm) =	ssettm $0x1  }
0x91: {  	s18 =	sld [smem:$0x3FFB];
	_ =	sdelay $0x3  }
0x92: {  	_ =	strace s18  }
0x93: {  	s3 =	sld [smem:$0x3FFC];
	_ =	sdelay $0x3  }
0x94: {  	_ =	strace s3  }
0x95: {  	s3 =	sld [smem:$0x3FFD];
	_ =	sdelay $0x3  }
0x96: {  	_ =	strace s3  }
0x97: {  	_ =	strace $0x8FFFFFFF  }
0x98: {  	s19 =	sld [smem:$0x3FDB];
	_ =	sdelay $0x1  }
0x99: {  	s4 =	simm.s32 $_scs_section_size  }
0x9a: {  	s5 =	simm.s32 $_size__tile_overlayer_lowered;
	s6 =	simm.s32 $_tile_overlayer_lowered  }
0x9b: {  	s22 =	simm.s32 $0x1BFF;
	s21 =	sshll.u32 s6, $0x1;
	s3 =	sadd.s32 s4, s19  }
0x9c: {  	s7 =	simm.s32 $0x0;
	s20 =	sshll.u32 s5, $0x1;
	s5 =	sadd.s32 s21, s3  }
0x9d: {  	[timem:s7], [sflag:s22] =	dma.local [hbm:s5], s20  }
0x9e: {  	_ =	swait.ge [sflag:s22], s20  }
0x9f: {  	s4 =	ssub.s32 $0x0, s20;
	[sflag:s22] =	ssyncset.done $0x0  }
0xa0: {  	[sflag:s22] =	ssyncadd.s32 s4;
	_ =	sdelay $0x1  }
0xa1: {  	s23 =	simm.s32 $0x1B8B  }
0xa2: {  	_ =	swait.ge [sflag:s23], $0x1  }
0xa3: {  	[sflag:s23] =	ssyncset.done $0x0  }
0xa4: {  	s25 =	simm.s32 $0x1B8E;
	s24 =	sld [smem:$0x3FFE];
	[sflag:s23] =	ssyncadd.s32 $0xFFFFFFFF  }
0xa5: {  	s26 =	simm.s32 $execute0_lowered;
	[smem:$0x3FD2] =	sst s25  }
0xa6: {  	s5 =	sshll.u32 s26, $0x1;
	_ =	strace $0x80000046;
	[dreg:$0x1] =	wrdreg $0xFFFFFFFF  }
0xa7: {  	s28 =	simm.s32 $_size_execute0_lowered;
	s3 =	sadd.s32 s3, s5;
	[dreg:$0x0] =	wrdreg $0x0  }
0xa8: {  	s5 =	sshll.u32 s28, $0x1;
	[dreg:$0x2] =	wrdreg s3  }
0xa9: {  	[dreg:$0x3] =	wrdreg s5  }
0xaa: {  	[dreg:$0x4] =	wrdreg $0xC0  }
0xab: {  	_ =	task [dreg:s7], $0x5FFFF  }
0xac: {  	[dreg:$0x1] =	wrdreg $0xFFFFFFFF  }
0xad: {  	[dreg:$0x0] =	wrdreg $0x60  }
0xae: {  	[dreg:$0x2] =	wrdreg s24  }
0xaf: {  	[dreg:$0x3] =	wrdreg s2  }
0xb0: {  	[dreg:$0x4] =	wrdreg $0x9  }
0xb1: {  	_ =	task.clear_ibuf [dreg:s7], $0x5FFFF;
	_ =	strace $0x90000046  }
0xb2: {  	s29 =	simm.s32 $0x9;
	_ =	strace $0x80000048  }
0xb3: {  	_ =	swait.ge [sflag:s29], $0x1  }
0xb4: {  	[sflag:s29] =	ssyncadd.s32 $0xFFFFFFFF  }
0xb5: {  	_ =	strace $0x90000048  }
0xb6: {  	_ =	sfence  }
0xb7: {  	s30 =	sld [smem:$0x0];
	_ =	sdelay $0x2  }
0xb8: {  	s31 =	sshll.u32 s1, $0xD;
	s1 =	sshrl.u32 s1, $0x2  }
0xb9: {  	s3 =	sand.u32 $0x4000, s31;
	s1 =	sadd.s32 s1, s30  }
0xba: {  	s0 =	sor.u32 s3, s0;
	s1 =	sshll.u32 s1, $0x11  }
0xbb: {  	s0 =	sor.u32 s1, s0  }
0xbc: {  	s0 =	sadd.s32 $0x8F2B, s0  }
0xbd: {  	[sflag:s0] =	ssyncadd.remote.s32 $0x1  }
0xbe: {  	_ =	sfence.sel $0xFFFF  }
0xbf: {  	[dreg:$0x0] =	wrdreg $0xFFFFFFFF;
	(pc) =	sbr.abs _section_cstart, $3  }
0xc0: {  	[dreg:$0x1] =	wrdreg $0xFFFFFFFF  }
0xc1: {  	_ =	task.clear_ibuf [dreg:s7], $0x2FFFF;
	_ =	strace $0x9FFFFFFF  }
0xc2: {  	(tm) =	ssettm $0x7FFFFFFF  }
0xc3: {  	_ =	shalt  }
tec
execute0_lowered:
.L_overlay_start_1:
0x0: {  	(tag) =	ssettag $0x1  }
0x1: {  	s1 =	rddreg [dreg:$0x0];
	s3 =	srdreg.scid  }
0x2: {  	s2 =	rddreg [dreg:$0x1];
	s4 =	sand.u32 $0x1, s3;
	s3 =	simm.s32 $0x0  }
0x3: {  	s24 =	simm.s32 $0x200;
	[smem:$0x7FF] =	sst s3  }
0x4: {  	s25 =	simm.s32 $0xC00;
	_ =	strace $0x80000047;
	[dreg:$0x5] =	wrdreg s24  }
0x5: {  	s0 =	stileid.u32;
	s26 =	simm.s32 $0xC80;
	[dreg:$0x6] =	wrdreg s25  }
0x6: {  	s22 =	sshll.u32 s0, $0x1;
	s0 =	simm.s32 $0x1C00;
	[dreg:$0x7] =	wrdreg s26  }
0x7: {  	s7 =	simm.s32 $0xD80;
	[dreg:$0x8] =	wrdreg s0  }
0x8: {  	s8 =	simm.s32 $0x2400;
	[dreg:$0xb] =	wrdreg s7  }
0x9: {  	s9 =	simm.s32 $0xE00;
	[dreg:$0xc] =	wrdreg s8  }
0xa: {  	s10 =	simm.s32 $0x2800;
	[dreg:$0xd] =	wrdreg s9  }
0xb: {  	s11 =	simm.s32 $0xE80;
	[dreg:$0xe] =	wrdreg s10  }
0xc: {  	s12 =	simm.s32 $0x2C00;
	[dreg:$0xf] =	wrdreg s11  }
0xd: {  	s13 =	simm.s32 $0xF00;
	[dreg:$0x10] =	wrdreg s12  }
0xe: {  	s14 =	simm.s32 $0x3000;
	s15 =	simm.s32 $0xF80;
	[dreg:$0x11] =	wrdreg s13  }
0xf: {  	s16 =	simm.s32 $0x3400;
	s17 =	simm.s32 $0x1000;
	[dreg:$0x12] =	wrdreg s14  }
0x10: {  	s18 =	simm.s32 $0x3800;
	s20 =	simm.s32 $0x1080;
	[dreg:$0x13] =	wrdreg s15  }
0x11: {  	s21 =	simm.s32 $0x3C00;
	s28 =	simm.s32 $0x1700;
	[dreg:$0x14] =	wrdreg s16  }
0x12: {  	s29 =	simm.s32 $0x7000;
	s30 =	simm.s32 $0x1780;
	[dreg:$0x15] =	wrdreg s17  }
0x13: {  	s31 =	simm.s32 $0x7400;
	s5 =	sor.u32 s4, s22;
	[dreg:$0x16] =	wrdreg s18  }
0x14: {  	s4 =	ssub.s32 $0x2, s4;
	s22 =	simm.s32 $0x1100;
	[dreg:$0x17] =	wrdreg s20  }
0x15: {  	s6 =	sshll.u32 s5, $0x6;
	s5 =	smul.u32 $0xC00, s5;
	[dreg:$0x18] =	wrdreg s21  }
0x16: {  	s19 =	sshrl.u32 s4, $0x1;
	[dreg:$0x19] =	wrdreg s22;
	s24 =	simm.s32 $0x4400  }
0x17: {  	s7 =	simm.s32 $0x80;
	s25 =	simm.s32 $0x1200;
	s8 =	simm.s32 $0x1800  }
0x18: {  	s26 =	simm.s32 $0x4800;
	s12 =	simm.s32 $0x5000;
	s13 =	simm.s32 $0x1380  }
0x19: {  	s14 =	simm.s32 $0x5400;
	s15 =	simm.s32 $0x1400;
	s16 =	simm.s32 $0x5800  }
0x1a: {  	s17 =	simm.s32 $0x1480;
	s18 =	simm.s32 $0x5C00;
	s20 =	simm.s32 $0x6000  }
0x1b: {  	s21 =	simm.s32 $0x1580;
	s22 =	simm.s32 $0x6400;
	[dreg:$0x1b] =	wrdreg s24  }
0x1c: {  	s6 =	sadd.s32 s6, s1;
	s4 =	ssub.s32 s4, s19;
	[dreg:$0x1c] =	wrdreg s25  }
0x1d: {  	[dreg:$0x1d] =	wrdreg s26;
	s19 =	simm.s32 $0x1500;
	s24 =	simm.s32 $0x6800  }
0x1e: {  	s25 =	simm.s32 $0x1680;
	s26 =	simm.s32 $0x6C00;
	s23 =	sadd.s32 $0x600, s6  }
0x1f: {  	s1 =	sadd.s32 s5, s1;
	s5 =	simm.s32 $0xD00;
	[dreg:$0x3] =	wrdreg s23  }
0x20: {  	s6 =	simm.s32 $0x2000;
	s4 =	smax.u32 s4, $0x1;
	[dreg:$0x9] =	wrdreg s5  }
0x21: {  	s1 =	sadd.s32 $0x3600, s1;
	[dreg:$0xa] =	wrdreg s6;
	s5 =	simm.s32 $0x4000  }
0x22: {  	s23 =	simm.s32 $0x1180;
	s6 =	simm.s32 $0x2;
	[dreg:$0x4] =	wrdreg s1  }
0x23: {  	[dreg:$0x1a] =	wrdreg s23;
	s23 =	simm.s32 $0x1600;
	s1 =	simm.s32 $0x1  }
.LBB2_1:
0x24: {  	s0 =	rddreg [dreg:$0x3]  }
0x25: {  	s9 =	rddreg [dreg:$0x5]  }
0x26: {  	[tilespmem:s3], [sflag:$0x2] =	stream.strided.gather [hbm4b:s0+s9], $0xC00, s5, s9, $0x38;
	[tilespmem:$0x7800] =	vst v63  }
0x27: {  	_ =	swait.ge [sflag:s6], $0xC00  }
0x28: {  	[sflag:s6] =	ssyncset.done $0x0  }
0x29: {  	[sflag:s6] =	ssyncadd.s32 $0xFFFFF400  }
0x2a: {  	v0 =	vld [tilespmem:$0x0]  }
0x2b: {  	v1 =	vld [tilespmem:$0x200]  }
0x2c: {  	v2 =	vld [tilespmem:$0x400]  }
0x2d: {  	v3 =	vld [tilespmem:$0x600]  }
0x2e: {  	v4 =	vld [tilespmem:$0x800]  }
0x2f: {  	v45 =	vld [tilespmem:$0xA00];
	[tilespmem:$0xC00] =	vst v0  }
0x30: {  	v46 =	vld [tilespmem:$0x10];
	[tilespmem:$0xC10] =	vst v1  }
0x31: {  	v47 =	vld [tilespmem:$0x210];
	[tilespmem:$0xC20] =	vst v2  }
0x32: {  	v48 =	vld [tilespmem:$0x410];
	[tilespmem:$0xC30] =	vst v3  }
0x33: {  	v49 =	vld [tilespmem:$0x610];
	[tilespmem:$0xC40] =	vst v4  }
0x34: {  	v50 =	vld [tilespmem:$0x810];
	[tilespmem:$0xC50] =	vst v45  }
0x35: {  	v51 =	vld [tilespmem:$0xA10];
	[tilespmem:$0xC60] =	vst v46  }
0x36: {  	v52 =	vld [tilespmem:$0x20];
	[tilespmem:$0xC70] =	vst v47  }
0x37: {  	v53 =	vld [tilespmem:$0x220];
	[tilespmem:$0xC80] =	vst v48  }
0x38: {  	v54 =	vld [tilespmem:$0x420];
	[tilespmem:$0xC90] =	vst v49  }
0x39: {  	v55 =	vld [tilespmem:$0x620];
	[tilespmem:$0xCA0] =	vst v50  }
0x3a: {  	v56 =	vld [tilespmem:$0x820];
	[tilespmem:$0xCB0] =	vst v51  }
0x3b: {  	v57 =	vld [tilespmem:$0xA20];
	[tilespmem:$0xCC0] =	vst v52  }
0x3c: {  	v58 =	vld [tilespmem:$0x30];
	[tilespmem:$0xCD0] =	vst v53  }
0x3d: {  	v59 =	vld [tilespmem:$0x230];
	[tilespmem:$0xCE0] =	vst v54  }
0x3e: {  	v60 =	vld [tilespmem:$0x430];
	[tilespmem:$0xCF0] =	vst v55  }
0x3f: {  	v61 =	vld [tilespmem:$0x630];
	[tilespmem:$0xD00] =	vst v56  }
0x40: {  	v62 =	vld [tilespmem:$0x830];
	[tilespmem:$0xD10] =	vst v57  }
0x41: {  	v63 =	vld [tilespmem:$0xA30];
	[tilespmem:$0xD20] =	vst v58  }
0x42: {  	v8 =	vld [tilespmem:$0x40];
	[tilespmem:$0xD30] =	vst v59  }
0x43: {  	v9 =	vld [tilespmem:$0x240];
	[tilespmem:$0xD40] =	vst v60  }
0x44: {  	v10 =	vld [tilespmem:$0x440];
	[tilespmem:$0xD50] =	vst v61  }
0x45: {  	v11 =	vld [tilespmem:$0x640];
	[tilespmem:$0xD60] =	vst v62  }
0x46: {  	v12 =	vld [tilespmem:$0x840];
	[tilespmem:$0xD70] =	vst v63  }
0x47: {  	v13 =	vld [tilespmem:$0xA40];
	[tilespmem:$0xD80] =	vst v8  }
0x48: {  	v14 =	vld [tilespmem:$0x50];
	[tilespmem:$0xD90] =	vst v9  }
0x49: {  	v15 =	vld [tilespmem:$0x250];
	[tilespmem:$0xDA0] =	vst v10  }
0x4a: {  	v16 =	vld [tilespmem:$0x450];
	[tilespmem:$0xDB0] =	vst v11  }
0x4b: {  	v17 =	vld [tilespmem:$0x650];
	[tilespmem:$0xDC0] =	vst v12  }
0x4c: {  	v18 =	vld [tilespmem:$0x850];
	[tilespmem:$0xDD0] =	vst v13  }
0x4d: {  	v19 =	vld [tilespmem:$0xA50];
	[tilespmem:$0xDE0] =	vst v14  }
0x4e: {  	v20 =	vld [tilespmem:$0x60];
	[tilespmem:$0xDF0] =	vst v15  }
0x4f: {  	v21 =	vld [tilespmem:$0x260];
	[tilespmem:$0xE00] =	vst v16  }
0x50: {  	v22 =	vld [tilespmem:$0x460];
	[tilespmem:$0xE10] =	vst v17  }
0x51: {  	v23 =	vld [tilespmem:$0x660];
	[tilespmem:$0xE20] =	vst v18  }
0x52: {  	v24 =	vld [tilespmem:$0x860];
	[tilespmem:$0xE30] =	vst v19  }
0x53: {  	v25 =	vld [tilespmem:$0xA60];
	[tilespmem:$0xE40] =	vst v20  }
0x54: {  	v26 =	vld [tilespmem:$0x70];
	[tilespmem:$0xE50] =	vst v21  }
0x55: {  	v27 =	vld [tilespmem:$0x270];
	[tilespmem:$0xE60] =	vst v22  }
0x56: {  	v28 =	vld [tilespmem:$0x470];
	[tilespmem:$0xE70] =	vst v23  }
0x57: {  	v29 =	vld [tilespmem:$0x670];
	[tilespmem:$0xE80] =	vst v24  }
0x58: {  	v30 =	vld [tilespmem:$0x870];
	[tilespmem:$0xE90] =	vst v25  }
0x59: {  	v31 =	vld [tilespmem:$0xA70];
	[tilespmem:$0xEA0] =	vst v26  }
0x5a: {  	v32 =	vld [tilespmem:$0x80];
	[tilespmem:$0xEB0] =	vst v27  }
0x5b: {  	v33 =	vld [tilespmem:$0x280];
	[tilespmem:$0xEC0] =	vst v28  }
0x5c: {  	v34 =	vld [tilespmem:$0x480];
	[tilespmem:$0xED0] =	vst v29  }
0x5d: {  	v35 =	vld [tilespmem:$0x680];
	[tilespmem:$0xEE0] =	vst v30  }
0x5e: {  	v36 =	vld [tilespmem:$0x880];
	[tilespmem:$0xEF0] =	vst v31  }
0x5f: {  	v37 =	vld [tilespmem:$0xA80];
	[tilespmem:$0xF00] =	vst v32  }
0x60: {  	v38 =	vld [tilespmem:$0x90];
	[tilespmem:$0xF10] =	vst v33  }
0x61: {  	v39 =	vld [tilespmem:$0x290];
	[tilespmem:$0xF20] =	vst v34  }
0x62: {  	v40 =	vld [tilespmem:$0x490];
	[tilespmem:$0xF30] =	vst v35  }
0x63: {  	v41 =	vld [tilespmem:$0x690];
	[tilespmem:$0xF40] =	vst v36  }
0x64: {  	v42 =	vld [tilespmem:$0x890];
	[tilespmem:$0xF50] =	vst v37  }
0x65: {  	v43 =	vld [tilespmem:$0xA90];
	[tilespmem:$0xF60] =	vst v38  }
0x66: {  	v44 =	vld [tilespmem:$0xA0];
	[tilespmem:$0xF70] =	vst v39  }
0x67: {  	[tilespmem:$0xF80] =	vst v40;
	v45 =	vld [tilespmem:$0x2A0]  }
0x68: {  	[tilespmem:$0xF90] =	vst v41;
	v46 =	vld [tilespmem:$0x4A0]  }
0x69: {  	[tilespmem:$0xFA0] =	vst v42;
	v47 =	vld [tilespmem:$0x6A0]  }
0x6a: {  	[tilespmem:$0xFB0] =	vst v43;
	v48 =	vld [tilespmem:$0x8A0]  }
0x6b: {  	[tilespmem:$0xFC0] =	vst v44;
	v49 =	vld [tilespmem:$0xAA0]  }
0x6c: {  	v50 =	vld [tilespmem:$0xB0];
	[tilespmem:$0xFD0] =	vst v45  }
0x6d: {  	v51 =	vld [tilespmem:$0x2B0];
	[tilespmem:$0xFE0] =	vst v46  }
0x6e: {  	v52 =	vld [tilespmem:$0x4B0];
	[tilespmem:$0xFF0] =	vst v47  }
0x6f: {  	v53 =	vld [tilespmem:$0x6B0];
	[tilespmem:$0x1000] =	vst v48  }
0x70: {  	v54 =	vld [tilespmem:$0x8B0];
	[tilespmem:$0x1010] =	vst v49  }
0x71: {  	v55 =	vld [tilespmem:$0xAB0];
	[tilespmem:$0x1020] =	vst v50  }
0x72: {  	v56 =	vld [tilespmem:$0xC0];
	[tilespmem:$0x1030] =	vst v51  }
0x73: {  	v57 =	vld [tilespmem:$0x2C0];
	[tilespmem:$0x1040] =	vst v52  }
0x74: {  	v58 =	vld [tilespmem:$0x4C0];
	[tilespmem:$0x1050] =	vst v53  }
0x75: {  	v59 =	vld [tilespmem:$0x6C0];
	[tilespmem:$0x1060] =	vst v54  }
0x76: {  	v60 =	vld [tilespmem:$0x8C0];
	[tilespmem:$0x1070] =	vst v55  }
0x77: {  	v61 =	vld [tilespmem:$0xAC0];
	[tilespmem:$0x1080] =	vst v56  }
0x78: {  	v62 =	vld [tilespmem:$0xD0];
	[tilespmem:$0x1090] =	vst v57  }
0x79: {  	v63 =	vld [tilespmem:$0x2D0];
	[tilespmem:$0x10A0] =	vst v58  }
0x7a: {  	v8 =	vld [tilespmem:$0x4D0];
	[tilespmem:$0x10B0] =	vst v59  }
0x7b: {  	v9 =	vld [tilespmem:$0x6D0];
	[tilespmem:$0x10C0] =	vst v60  }
0x7c: {  	v10 =	vld [tilespmem:$0x8D0];
	[tilespmem:$0x10D0] =	vst v61  }
0x7d: {  	v11 =	vld [tilespmem:$0xAD0];
	[tilespmem:$0x10E0] =	vst v62  }
0x7e: {  	v12 =	vld [tilespmem:$0xE0];
	[tilespmem:$0x10F0] =	vst v63  }
0x7f: {  	v13 =	vld [tilespmem:$0x2E0];
	[tilespmem:$0x1100] =	vst v8  }
0x80: {  	v14 =	vld [tilespmem:$0x4E0];
	[tilespmem:$0x1110] =	vst v9  }
0x81: {  	v15 =	vld [tilespmem:$0x6E0];
	[tilespmem:$0x1120] =	vst v10  }
0x82: {  	v16 =	vld [tilespmem:$0x8E0];
	[tilespmem:$0x1130] =	vst v11  }
0x83: {  	v17 =	vld [tilespmem:$0xAE0];
	[tilespmem:$0x1140] =	vst v12  }
0x84: {  	v18 =	vld [tilespmem:$0xF0];
	[tilespmem:$0x1150] =	vst v13  }
0x85: {  	v19 =	vld [tilespmem:$0x2F0];
	[tilespmem:$0x1160] =	vst v14  }
0x86: {  	v20 =	vld [tilespmem:$0x4F0];
	[tilespmem:$0x1170] =	vst v15  }
0x87: {  	v21 =	vld [tilespmem:$0x6F0];
	[tilespmem:$0x1180] =	vst v16  }
0x88: {  	v22 =	vld [tilespmem:$0x8F0];
	[tilespmem:$0x1190] =	vst v17  }
0x89: {  	v23 =	vld [tilespmem:$0xAF0];
	[tilespmem:$0x11A0] =	vst v18  }
0x8a: {  	v24 =	vld [tilespmem:$0x100];
	[tilespmem:$0x11B0] =	vst v19  }
0x8b: {  	v25 =	vld [tilespmem:$0x300];
	[tilespmem:$0x11C0] =	vst v20  }
0x8c: {  	v26 =	vld [tilespmem:$0x500];
	[tilespmem:$0x11D0] =	vst v21  }
0x8d: {  	v27 =	vld [tilespmem:$0x700];
	[tilespmem:$0x11E0] =	vst v22  }
0x8e: {  	v28 =	vld [tilespmem:$0x900];
	[tilespmem:$0x11F0] =	vst v23  }
0x8f: {  	v29 =	vld [tilespmem:$0xB00];
	[tilespmem:$0x1200] =	vst v24  }
0x90: {  	v30 =	vld [tilespmem:$0x110];
	[tilespmem:$0x1210] =	vst v25  }
0x91: {  	v31 =	vld [tilespmem:$0x310];
	[tilespmem:$0x1220] =	vst v26  }
0x92: {  	v32 =	vld [tilespmem:$0x510];
	[tilespmem:$0x1230] =	vst v27  }
0x93: {  	v33 =	vld [tilespmem:$0x710];
	[tilespmem:$0x1240] =	vst v28  }
0x94: {  	v34 =	vld [tilespmem:$0x910];
	[tilespmem:$0x1250] =	vst v29  }
0x95: {  	v35 =	vld [tilespmem:$0xB10];
	[tilespmem:$0x1260] =	vst v30  }
0x96: {  	v36 =	vld [tilespmem:$0x120];
	[tilespmem:$0x1270] =	vst v31  }
0x97: {  	v37 =	vld [tilespmem:$0x320];
	[tilespmem:$0x1280] =	vst v32  }
0x98: {  	v38 =	vld [tilespmem:$0x520];
	[tilespmem:$0x1290] =	vst v33  }
0x99: {  	v39 =	vld [tilespmem:$0x720];
	[tilespmem:$0x12A0] =	vst v34  }
0x9a: {  	v40 =	vld [tilespmem:$0x920];
	[tilespmem:$0x12B0] =	vst v35  }
0x9b: {  	v41 =	vld [tilespmem:$0xB20];
	[tilespmem:$0x12C0] =	vst v36  }
0x9c: {  	v42 =	vld [tilespmem:$0x130];
	[tilespmem:$0x12D0] =	vst v37  }
0x9d: {  	v43 =	vld [tilespmem:$0x330];
	[tilespmem:$0x12E0] =	vst v38  }
0x9e: {  	v44 =	vld [tilespmem:$0x530];
	[tilespmem:$0x12F0] =	vst v39  }
0x9f: {  	[tilespmem:$0x1300] =	vst v40;
	v45 =	vld [tilespmem:$0x730]  }
0xa0: {  	[tilespmem:$0x1310] =	vst v41;
	v46 =	vld [tilespmem:$0x930]  }
0xa1: {  	[tilespmem:$0x1320] =	vst v42;
	v47 =	vld [tilespmem:$0xB30]  }
0xa2: {  	[tilespmem:$0x1330] =	vst v43;
	v48 =	vld [tilespmem:$0x140]  }
0xa3: {  	[tilespmem:$0x1340] =	vst v44;
	v49 =	vld [tilespmem:$0x340]  }
0xa4: {  	v50 =	vld [tilespmem:$0x540];
	[tilespmem:$0x1350] =	vst v45  }
0xa5: {  	v51 =	vld [tilespmem:$0x740];
	[tilespmem:$0x1360] =	vst v46  }
0xa6: {  	v52 =	vld [tilespmem:$0x940];
	[tilespmem:$0x1370] =	vst v47  }
0xa7: {  	v53 =	vld [tilespmem:$0xB40];
	[tilespmem:$0x1380] =	vst v48  }
0xa8: {  	v54 =	vld [tilespmem:$0x150];
	[tilespmem:$0x1390] =	vst v49  }
0xa9: {  	v55 =	vld [tilespmem:$0x350];
	[tilespmem:$0x13A0] =	vst v50  }
0xaa: {  	v56 =	vld [tilespmem:$0x550];
	[tilespmem:$0x13B0] =	vst v51  }
0xab: {  	v57 =	vld [tilespmem:$0x750];
	[tilespmem:$0x13C0] =	vst v52  }
0xac: {  	v58 =	vld [tilespmem:$0x950];
	[tilespmem:$0x13D0] =	vst v53  }
0xad: {  	v59 =	vld [tilespmem:$0xB50];
	[tilespmem:$0x13E0] =	vst v54  }
0xae: {  	v60 =	vld [tilespmem:$0x160];
	[tilespmem:$0x13F0] =	vst v55  }
0xaf: {  	v61 =	vld [tilespmem:$0x360];
	[tilespmem:$0x1400] =	vst v56  }
0xb0: {  	v62 =	vld [tilespmem:$0x560];
	[tilespmem:$0x1410] =	vst v57  }
0xb1: {  	v63 =	vld [tilespmem:$0x760];
	[tilespmem:$0x1420] =	vst v58  }
0xb2: {  	v8 =	vld [tilespmem:$0x960];
	[tilespmem:$0x1430] =	vst v59  }
0xb3: {  	v9 =	vld [tilespmem:$0xB60];
	[tilespmem:$0x1440] =	vst v60  }
0xb4: {  	v10 =	vld [tilespmem:$0x170];
	[tilespmem:$0x1450] =	vst v61  }
0xb5: {  	v11 =	vld [tilespmem:$0x370];
	[tilespmem:$0x1460] =	vst v62  }
0xb6: {  	v12 =	vld [tilespmem:$0x570];
	[tilespmem:$0x1470] =	vst v63  }
0xb7: {  	v13 =	vld [tilespmem:$0x770];
	[tilespmem:$0x1480] =	vst v8  }
0xb8: {  	v14 =	vld [tilespmem:$0x970];
	[tilespmem:$0x1490] =	vst v9  }
0xb9: {  	v15 =	vld [tilespmem:$0xB70];
	[tilespmem:$0x14A0] =	vst v10  }
0xba: {  	v16 =	vld [tilespmem:$0x180];
	[tilespmem:$0x14B0] =	vst v11  }
0xbb: {  	v17 =	vld [tilespmem:$0x380];
	[tilespmem:$0x14C0] =	vst v12  }
0xbc: {  	v18 =	vld [tilespmem:$0x580];
	[tilespmem:$0x14D0] =	vst v13  }
0xbd: {  	v19 =	vld [tilespmem:$0x780];
	[tilespmem:$0x14E0] =	vst v14  }
0xbe: {  	v20 =	vld [tilespmem:$0x980];
	[tilespmem:$0x14F0] =	vst v15  }
0xbf: {  	v21 =	vld [tilespmem:$0xB80];
	[tilespmem:$0x1500] =	vst v16  }
0xc0: {  	v22 =	vld [tilespmem:$0x190];
	[tilespmem:$0x1510] =	vst v17  }
0xc1: {  	v23 =	vld [tilespmem:$0x390];
	[tilespmem:$0x1520] =	vst v18  }
0xc2: {  	v24 =	vld [tilespmem:$0x590];
	[tilespmem:$0x1530] =	vst v19  }
0xc3: {  	v25 =	vld [tilespmem:$0x790];
	[tilespmem:$0x1540] =	vst v20  }
0xc4: {  	v26 =	vld [tilespmem:$0x990];
	[tilespmem:$0x1550] =	vst v21  }
0xc5: {  	v27 =	vld [tilespmem:$0xB90];
	[tilespmem:$0x1560] =	vst v22  }
0xc6: {  	v28 =	vld [tilespmem:$0x1A0];
	[tilespmem:$0x1570] =	vst v23  }
0xc7: {  	v29 =	vld [tilespmem:$0x3A0];
	[tilespmem:$0x1580] =	vst v24  }
0xc8: {  	v30 =	vld [tilespmem:$0x5A0];
	[tilespmem:$0x1590] =	vst v25  }
0xc9: {  	v31 =	vld [tilespmem:$0x7A0];
	[tilespmem:$0x15A0] =	vst v26  }
0xca: {  	v32 =	vld [tilespmem:$0x9A0];
	[tilespmem:$0x15B0] =	vst v27  }
0xcb: {  	v33 =	vld [tilespmem:$0xBA0];
	[tilespmem:$0x15C0] =	vst v28  }
0xcc: {  	v34 =	vld [tilespmem:$0x1B0];
	[tilespmem:$0x15D0] =	vst v29  }
0xcd: {  	v35 =	vld [tilespmem:$0x3B0];
	[tilespmem:$0x15E0] =	vst v30  }
0xce: {  	v36 =	vld [tilespmem:$0x5B0];
	[tilespmem:$0x15F0] =	vst v31  }
0xcf: {  	v37 =	vld [tilespmem:$0x7B0];
	[tilespmem:$0x1600] =	vst v32  }
0xd0: {  	v38 =	vld [tilespmem:$0x9B0];
	[tilespmem:$0x1610] =	vst v33  }
0xd1: {  	v39 =	vld [tilespmem:$0xBB0];
	[tilespmem:$0x1620] =	vst v34  }
0xd2: {  	v40 =	vld [tilespmem:$0x1C0];
	[tilespmem:$0x1630] =	vst v35  }
0xd3: {  	v41 =	vld [tilespmem:$0x3C0];
	[tilespmem:$0x1640] =	vst v36  }
0xd4: {  	v42 =	vld [tilespmem:$0x5C0];
	[tilespmem:$0x1650] =	vst v37  }
0xd5: {  	v43 =	vld [tilespmem:$0x7C0];
	[tilespmem:$0x1660] =	vst v38  }
0xd6: {  	v44 =	vld [tilespmem:$0x9C0];
	[tilespmem:$0x1670] =	vst v39  }
0xd7: {  	[tilespmem:$0x1680] =	vst v40;
	v45 =	vld [tilespmem:$0xBC0]  }
0xd8: {  	[tilespmem:$0x1690] =	vst v41;
	v46 =	vld [tilespmem:$0x1D0]  }
0xd9: {  	[tilespmem:$0x16A0] =	vst v42;
	v47 =	vld [tilespmem:$0x3D0]  }
0xda: {  	[tilespmem:$0x16B0] =	vst v43;
	v48 =	vld [tilespmem:$0x5D0]  }
0xdb: {  	[tilespmem:$0x16C0] =	vst v44;
	v49 =	vld [tilespmem:$0x7D0]  }
0xdc: {  	v50 =	vld [tilespmem:$0x9D0];
	[tilespmem:$0x16D0] =	vst v45  }
0xdd: {  	v51 =	vld [tilespmem:$0xBD0];
	[tilespmem:$0x16E0] =	vst v46  }
0xde: {  	v52 =	vld [tilespmem:$0x1E0];
	[tilespmem:$0x16F0] =	vst v47  }
0xdf: {  	v53 =	vld [tilespmem:$0x3E0];
	[tilespmem:$0x1700] =	vst v48  }
0xe0: {  	v54 =	vld [tilespmem:$0x5E0];
	[tilespmem:$0x1710] =	vst v49  }
0xe1: {  	v55 =	vld [tilespmem:$0x7E0];
	[tilespmem:$0x1720] =	vst v50  }
0xe2: {  	v56 =	vld [tilespmem:$0x9E0];
	[tilespmem:$0x1730] =	vst v51  }
0xe3: {  	v57 =	vld [tilespmem:$0xBE0];
	[tilespmem:$0x1740] =	vst v52  }
0xe4: {  	v58 =	vld [tilespmem:$0x1F0];
	[tilespmem:$0x1750] =	vst v53  }
0xe5: {  	v59 =	vld [tilespmem:$0x3F0];
	[tilespmem:$0x1760] =	vst v54  }
0xe6: {  	v60 =	vld [tilespmem:$0x5F0];
	[tilespmem:$0x1770] =	vst v55  }
0xe7: {  	v61 =	vld [tilespmem:$0x7F0];
	[tilespmem:$0x1780] =	vst v56  }
0xe8: {  	v62 =	vld [tilespmem:$0x9F0];
	[tilespmem:$0x1790] =	vst v57  }
0xe9: {  	v63 =	vld [tilespmem:$0xBF0];
	[tilespmem:$0x17A0] =	vst v58  }
0xea: {  	[tilespmem:$0x17B0] =	vst v59  }
0xeb: {  	s9 =	rddreg [dreg:$0x6];
	[tilespmem:$0x17C0] =	vst v60  }
0xec: {  	s11 =	rddreg [dreg:$0x7];
	[tilespmem:$0x17D0] =	vst v61  }
0xed: {  	s10 =	rddreg [dreg:$0x8];
	[tilespmem:$0x17E0] =	vst v62  }
0xee: {  	s0 =	rddreg [dreg:$0x9];
	[tilespmem:$0x17F0] =	vst v63  }
0xef: {  	[tilespmem:s8], [sflag:$0x1] =	stream.indirect.gather [hbm4b:s2+s7], $0x8, s9, s7, $0xb8;
	[tilespmem:$0x7800] =	vst v63  }
0xf0: {  	s9 =	rddreg [dreg:$0xa]  }
0xf1: {  	[tilespmem:s10], [sflag:$0x1] =	stream.indirect.gather [hbm4b:s2+s7], $0x8, s11, s7, $0xb8;
	[tilespmem:$0x7800] =	vst v63  }
0xf2: {  	s10 =	rddreg [dreg:$0xb]  }
0xf3: {  	s11 =	rddreg [dreg:$0xc]  }
0xf4: {  	[tilespmem:s9], [sflag:$0x1] =	stream.indirect.gather [hbm4b:s2+s7], $0x8, s0, s7, $0xb8;
	[tilespmem:$0x7800] =	vst v63  }
0xf5: {  	s0 =	rddreg [dreg:$0xd]  }
0xf6: {  	s9 =	rddreg [dreg:$0xe]  }
0xf7: {  	[tilespmem:s11], [sflag:$0x1] =	stream.indirect.gather [hbm4b:s2+s7], $0x8, s10, s7, $0xb8;
	[tilespmem:$0x7800] =	vst v63  }
0xf8: {  	s10 =	rddreg [dreg:$0xf]  }
0xf9: {  	s11 =	rddreg [dreg:$0x10]  }
0xfa: {  	[tilespmem:s9], [sflag:$0x1] =	stream.indirect.gather [hbm4b:s2+s7], $0x8, s0, s7, $0xb8;
	[tilespmem:$0x7800] =	vst v63  }
0xfb: {  	s0 =	rddreg [dreg:$0x11]  }
0xfc: {  	s9 =	rddreg [dreg:$0x12]  }
0xfd: {  	[tilespmem:s11], [sflag:$0x1] =	stream.indirect.gather [hbm4b:s2+s7], $0x8, s10, s7, $0xb8;
	[tilespmem:$0x7800] =	vst v63  }
0xfe: {  	s10 =	rddreg [dreg:$0x13]  }
0xff: {  	s11 =	rddreg [dreg:$0x14]  }
0x100: {  	[tilespmem:s9], [sflag:$0x1] =	stream.indirect.gather [hbm4b:s2+s7], $0x8, s0, s7, $0xb8;
	[tilespmem:$0x7800] =	vst v63  }
0x101: {  	s0 =	rddreg [dreg:$0x15]  }
0x102: {  	s9 =	rddreg [dreg:$0x16]  }
0x103: {  	[tilespmem:s11], [sflag:$0x1] =	stream.indirect.gather [hbm4b:s2+s7], $0x8, s10, s7, $0xb8;
	[tilespmem:$0x7800] =	vst v63  }
0x104: {  	s10 =	rddreg [dreg:$0x17]  }
0x105: {  	s11 =	rddreg [dreg:$0x18]  }
0x106: {  	[tilespmem:s9], [sflag:$0x1] =	stream.indirect.gather [hbm4b:s2+s7], $0x8, s0, s7, $0xb8;
	[tilespmem:$0x7800] =	vst v63  }
0x107: {  	s9 =	rddreg [dreg:$0x19]  }
0x108: {  	s0 =	rddreg [dreg:$0x1a]  }
0x109: {  	[tilespmem:s11], [sflag:$0x1] =	stream.indirect.gather [hbm4b:s2+s7], $0x8, s10, s7, $0xb8;
	[tilespmem:$0x7800] =	vst v63  }
0x10a: {  	s10 =	rddreg [dreg:$0x1c]  }
0x10b: {  	[tilespmem:s5], [sflag:$0x1] =	stream.indirect.gather [hbm4b:s2+s7], $0x8, s9, s7, $0xb8;
	[tilespmem:$0x7800] =	vst v63  }
0x10c: {  	s9 =	rddreg [dreg:$0x1b]  }
0x10d: {  	[tilespmem:s9], [sflag:$0x1] =	stream.indirect.gather [hbm4b:s2+s7], $0x8, s0, s7, $0xb8;
	[tilespmem:$0x7800] =	vst v63  }
0x10e: {  	s11 =	rddreg [dreg:$0x1d]  }
0x10f: {  	[tilespmem:s11], [sflag:$0x1] =	stream.indirect.gather [hbm4b:s2+s7], $0x8, s10, s7, $0xb8;
	[tilespmem:$0x7800] =	vst v63  }
0x110: {  	s10 =	simm.s32 $0x1280;
	s11 =	simm.s32 $0x4C00  }
0x111: {  	[tilespmem:s11], [sflag:$0x1] =	stream.indirect.gather [hbm4b:s2+s7], $0x8, s10, s7, $0xb8;
	[tilespmem:$0x7800] =	vst v63  }
0x112: {  	s10 =	simm.s32 $0x1300  }
0x113: {  	[tilespmem:s12], [sflag:$0x1] =	stream.indirect.gather [hbm4b:s2+s7], $0x8, s10, s7, $0xb8;
	[tilespmem:$0x7800] =	vst v63  }
0x114: {  	_ = 	snop  }
0x115: {  	[tilespmem:s14], [sflag:$0x1] =	stream.indirect.gather [hbm4b:s2+s7], $0x8, s13, s7, $0xb8;
	[tilespmem:$0x7800] =	vst v63  }
0x116: {  	_ = 	snop  }
0x117: {  	[tilespmem:s16], [sflag:$0x1] =	stream.indirect.gather [hbm4b:s2+s7], $0x8, s15, s7, $0xb8;
	[tilespmem:$0x7800] =	vst v63  }
0x118: {  	_ = 	snop  }
0x119: {  	[tilespmem:s18], [sflag:$0x1] =	stream.indirect.gather [hbm4b:s2+s7], $0x8, s17, s7, $0xb8;
	[tilespmem:$0x7800] =	vst v63  }
0x11a: {  	_ = 	snop  }
0x11b: {  	[tilespmem:s20], [sflag:$0x1] =	stream.indirect.gather [hbm4b:s2+s7], $0x8, s19, s7, $0xb8;
	[tilespmem:$0x7800] =	vst v63  }
0x11c: {  	_ = 	snop  }
0x11d: {  	[tilespmem:s22], [sflag:$0x1] =	stream.indirect.gather [hbm4b:s2+s7], $0x8, s21, s7, $0xb8;
	[tilespmem:$0x7800] =	vst v63  }
0x11e: {  	_ = 	snop  }
0x11f: {  	[tilespmem:s24], [sflag:$0x1] =	stream.indirect.gather [hbm4b:s2+s7], $0x8, s23, s7, $0xb8;
	[tilespmem:$0x7800] =	vst v63  }
0x120: {  	_ = 	snop  }
0x121: {  	[tilespmem:s26], [sflag:$0x1] =	stream.indirect.gather [hbm4b:s2+s7], $0x8, s25, s7, $0xb8;
	[tilespmem:$0x7800] =	vst v63  }
0x122: {  	_ = 	snop  }
0x123: {  	[tilespmem:s29], [sflag:$0x1] =	stream.indirect.gather [hbm4b:s2+s7], $0x8, s28, s7, $0xb8;
	[tilespmem:$0x7800] =	vst v63  }
0x124: {  	_ = 	snop  }
0x125: {  	[tilespmem:s31], [sflag:$0x1] =	stream.indirect.gather [hbm4b:s2+s7], $0x8, s30, s7, $0xb8;
	[tilespmem:$0x7800] =	vst v63  }
0x126: {  	_ =	swait.ge [sflag:s1], $0x400  }
0x127: {  	[sflag:s1] =	ssyncset.done $0x0  }
0x128: {  	[sflag:s1] =	ssyncadd.s32 $0xFFFFFC00  }
0x129: {  	_ =	swait.ge [sflag:s1], $0x400  }
0x12a: {  	[sflag:s1] =	ssyncset.done $0x0  }
0x12b: {  	[sflag:s1] =	ssyncadd.s32 $0xFFFFFC00  }
0x12c: {  	_ =	swait.ge [sflag:s1], $0x400  }
0x12d: {  	[sflag:s1] =	ssyncset.done $0x0  }
0x12e: {  	[sflag:s1] =	ssyncadd.s32 $0xFFFFFC00  }
0x12f: {  	_ =	swait.ge [sflag:s1], $0x400  }
0x130: {  	[sflag:s1] =	ssyncset.done $0x0  }
0x131: {  	[sflag:s1] =	ssyncadd.s32 $0xFFFFFC00  }
0x132: {  	_ =	swait.ge [sflag:s1], $0x400  }
0x133: {  	[sflag:s1] =	ssyncset.done $0x0  }
0x134: {  	[sflag:s1] =	ssyncadd.s32 $0xFFFFFC00  }
0x135: {  	_ =	swait.ge [sflag:s1], $0x400  }
0x136: {  	[sflag:s1] =	ssyncset.done $0x0  }
0x137: {  	[sflag:s1] =	ssyncadd.s32 $0xFFFFFC00  }
0x138: {  	_ =	swait.ge [sflag:s1], $0x400  }
0x139: {  	[sflag:s1] =	ssyncset.done $0x0  }
0x13a: {  	[sflag:s1] =	ssyncadd.s32 $0xFFFFFC00  }
0x13b: {  	_ =	swait.ge [sflag:s1], $0x400  }
0x13c: {  	[sflag:s1] =	ssyncset.done $0x0  }
0x13d: {  	[sflag:s1] =	ssyncadd.s32 $0xFFFFFC00  }
0x13e: {  	_ =	swait.ge [sflag:s1], $0x400  }
0x13f: {  	[sflag:s1] =	ssyncset.done $0x0  }
0x140: {  	[sflag:s1] =	ssyncadd.s32 $0xFFFFFC00  }
0x141: {  	_ =	swait.ge [sflag:s1], $0x400  }
0x142: {  	[sflag:s1] =	ssyncset.done $0x0  }
0x143: {  	[sflag:s1] =	ssyncadd.s32 $0xFFFFFC00  }
0x144: {  	_ =	swait.ge [sflag:s1], $0x400  }
0x145: {  	[sflag:s1] =	ssyncset.done $0x0  }
0x146: {  	[sflag:s1] =	ssyncadd.s32 $0xFFFFFC00  }
0x147: {  	_ =	swait.ge [sflag:s1], $0x400  }
0x148: {  	[sflag:s1] =	ssyncset.done $0x0  }
0x149: {  	[sflag:s1] =	ssyncadd.s32 $0xFFFFFC00  }
0x14a: {  	_ =	swait.ge [sflag:s1], $0x400  }
0x14b: {  	[sflag:s1] =	ssyncset.done $0x0  }
0x14c: {  	[sflag:s1] =	ssyncadd.s32 $0xFFFFFC00  }
0x14d: {  	_ =	swait.ge [sflag:s1], $0x400  }
0x14e: {  	[sflag:s1] =	ssyncset.done $0x0  }
0x14f: {  	[sflag:s1] =	ssyncadd.s32 $0xFFFFFC00  }
0x150: {  	_ =	swait.ge [sflag:s1], $0x400  }
0x151: {  	[sflag:s1] =	ssyncset.done $0x0  }
0x152: {  	[sflag:s1] =	ssyncadd.s32 $0xFFFFFC00  }
0x153: {  	_ =	swait.ge [sflag:s1], $0x400  }
0x154: {  	[sflag:s1] =	ssyncset.done $0x0  }
0x155: {  	[sflag:s1] =	ssyncadd.s32 $0xFFFFFC00  }
0x156: {  	_ =	swait.ge [sflag:s1], $0x400  }
0x157: {  	[sflag:s1] =	ssyncset.done $0x0  }
0x158: {  	[sflag:s1] =	ssyncadd.s32 $0xFFFFFC00  }
0x159: {  	_ =	swait.ge [sflag:s1], $0x400  }
0x15a: {  	[sflag:s1] =	ssyncset.done $0x0  }
0x15b: {  	[sflag:s1] =	ssyncadd.s32 $0xFFFFFC00  }
0x15c: {  	_ =	swait.ge [sflag:s1], $0x400  }
0x15d: {  	[sflag:s1] =	ssyncset.done $0x0  }
0x15e: {  	[sflag:s1] =	ssyncadd.s32 $0xFFFFFC00  }
0x15f: {  	_ =	swait.ge [sflag:s1], $0x400  }
0x160: {  	[sflag:s1] =	ssyncset.done $0x0  }
0x161: {  	[sflag:s1] =	ssyncadd.s32 $0xFFFFFC00  }
0x162: {  	_ =	swait.ge [sflag:s1], $0x400  }
0x163: {  	[sflag:s1] =	ssyncset.done $0x0  }
0x164: {  	[sflag:s1] =	ssyncadd.s32 $0xFFFFFC00  }
0x165: {  	_ =	swait.ge [sflag:s1], $0x400  }
0x166: {  	[sflag:s1] =	ssyncset.done $0x0  }
0x167: {  	[sflag:s1] =	ssyncadd.s32 $0xFFFFFC00  }
0x168: {  	_ =	swait.ge [sflag:s1], $0x400  }
0x169: {  	[sflag:s1] =	ssyncset.done $0x0  }
0x16a: {  	[sflag:s1] =	ssyncadd.s32 $0xFFFFFC00  }
0x16b: {  	_ =	swait.ge [sflag:s1], $0x400  }
0x16c: {  	p0 =	sne.s32 s4, $0x1;
	[sflag:s1] =	ssyncset.done $0x0  }
.Ltmp0:
0x16d: {  	s11 =	rddreg [dreg:$0x4];
	[sflag:s1] =	ssyncadd.s32 $0xFFFFFC00;
	(pc) =	sbr.rel @p0 .LBB2_1-.Ltmp0, $4  }
0x16e: {  	[hbm4b:s11+s3] =	stream.linear.scatter [tilespmem:s8], [sflag:$0x2], $0x6000, $0x38;
	[tilespmem:$0x7800] =	vst v63  }
0x16f: {  	_ =	swait.ge [sflag:s6], $0x6000  }
0x170: {  	[sflag:s6] =	ssyncset.done $0x0  }
0x171: {  	s4 =	sadd.s32 $0xFFFFFFFF, s4;
	[sflag:s6] =	ssyncadd.s32 $0xFFFFA000  }
0x172: {  	_ =	sfence.sel $0x180000  }
0x173: {  	[bflag:$0x0] =	sbarrier.arrive $0xFFFF  }
0x174: {  	_ =	strace $0x90000047  }
0x175: {  	s0 =	stileid.u32;
	[bflag:$0x2] =	sbarrier.arrive $0xFFFF  }
0x176: {  	p0 =	sne.s32 s0, $0x0;
	s0 =	rddreg [dreg:$0x2]  }
0x177: {  	s0 =	sadd.s32 @!p0 $0x100000, s0  }
0x178: {  	[sflag:s0] =	ssyncadd.tile.s32 @!p0 $0x1;
	_ =	shalt  }
.Lfunc_end2:
_tile_overlayer_lowered:
.L_overlay_start_2:
0x179: {  	(tag) =	ssettag $0x2  }
0x17a: {  	s0 =	rddreg [dreg:$0x0];
	s2 =	stileid.u32  }
0x17b: {  	s1 =	rddreg [dreg:$0x1];
	p0 =	sne.s32 s2, $0x0  }
0x17c: {  	s3 =	rddreg [dreg:$0x2];
	[bflag:$0x3] =	sbarrier.arrive $0xFFFF;
	s2 =	simm.s32 @!p0 $0x1C02  }
0x17d: {  	[timem:s3], [sflag:s2] =	dma.local @!p0 [hbm:s0], s1  }
0x17e: {  	s0 =	simm.s32 @!p0 $0x2  }
0x17f: {  	_ =	swait.ge @!p0 [sflag:s0], s1  }
0x180: {  	s1 =	ssub.s32 @!p0 $0x0, s1;
	[sflag:s0] =	ssyncset.done @!p0 $0x0  }
0x181: {  	[sflag:s0] =	ssyncadd.s32 @!p0 s1  }
0x182: {  	[bflag:$0x3] =	sbarrier.arrive $0xFFFF  }
0x183: {  	_ =	shalt  }

</sc_bundles>
